<compile_context>
chip_gen: v7x
topology: tpu7x:2x2x1
jax: 0.10.2.dev20260603
libtpu: 0.0.44.dev20260713+nightly
codegen_flags: <defaults>
</compile_context>

<pallas_src>
import functools

import jax
import jax.numpy as jnp
from jax import lax
from jax.experimental import pallas as pl
from jax.experimental.pallas import tpu as pltpu
from jax.experimental.pallas import tpu_sc as plsc

F32 = jnp.float32
_NC, _NS = 2, 16
_NW = _NC * _NS
_TR = 800


def _dot(a, b):
    return jnp.dot(a.astype(jnp.bfloat16), b.astype(jnp.bfloat16),
                   preferred_element_type=F32)


def _pack_bf16(even_f32, odd_f32):
    ae = lax.bitcast_convert_type(
        even_f32.astype(jnp.bfloat16).astype(F32), jnp.int32)
    ao = lax.bitcast_convert_type(
        odd_f32.astype(jnp.bfloat16).astype(F32), jnp.int32)
    return lax.shift_right_logical(ae, 16) | ao


def _unpack_bf16(xi):
    lo = lax.bitcast_convert_type(lax.shift_left(xi, 16), F32)
    hi = lax.bitcast_convert_type(xi & jnp.int32(-65536), F32)
    return lo, hi



def _mlp3_body(x_ref, w1, b1, w2, b2, w3, b3, o_ref):
    h = jnp.maximum(_dot(x_ref[...], w1[...]) + b1[...], 0.0)
    h = jnp.maximum(_dot(h, w2[...]) + b2[...], 0.0)
    o_ref[...] = _dot(h, w3[...]) + b3[...]


def _tc_mlp3(x, p, bn):
    n, din = x.shape
    dout = p[4].shape[1]
    args = [x, p[0], p[1].reshape(1, -1), p[2], p[3].reshape(1, -1),
            p[4], p[5].reshape(1, -1)]
    in_specs = [pl.BlockSpec((bn, din), lambda i: (i, 0))]
    for a in args[1:]:
        in_specs.append(pl.BlockSpec(a.shape, lambda i: (0, 0)))
    return pl.pallas_call(
        _mlp3_body, grid=(n // bn,), in_specs=in_specs,
        out_specs=pl.BlockSpec((bn, dout), lambda i: (i, 0)),
        out_shape=jax.ShapeDtypeStruct((n, dout), F32),
    )(*args)


def _edge_embed_body(le_ref, mk_ref, w1, b1, w2, b2, w3, b3,
                     wc1e, wc1o, bc1e, bc1o, wc0e, wc0o, bc0e, bc0o, c_ref):
    h = jnp.maximum(le_ref[...] * w1[...] + b1[...], 0.0)
    h = jnp.maximum(_dot(h, w2[...]) + b2[...], 0.0)
    h = _dot(h, w3[...]) + b3[...]
    mk = mk_ref[...].astype(F32)
    c1e = _dot(h, wc1e[...]) + bc1e[...]
    c0e = _dot(h, wc0e[...]) + bc0e[...]
    c1o = _dot(h, wc1o[...]) + bc1o[...]
    c0o = _dot(h, wc0o[...]) + bc0o[...]
    ce = c0e + mk * (c1e - c0e)
    co = c0o + mk * (c1o - c0o)
    c_ref[...] = _pack_bf16(ce, co)


def _tc_edge_embed(l_e, mask_f, mlp_e, mlp_edge1, mlp_edge0, eb):
    e = l_e.shape[0]
    emb = mlp_e[4].shape[1]
    wc1 = mlp_edge1[0][2 * emb:]
    wc0 = mlp_edge0[0][2 * emb:]
    args = [l_e, mask_f,
            mlp_e[0], mlp_e[1].reshape(1, -1),
            mlp_e[2], mlp_e[3].reshape(1, -1),
            mlp_e[4], mlp_e[5].reshape(1, -1),
            wc1[:, 0::2], wc1[:, 1::2],
            mlp_edge1[1][0::2].reshape(1, -1), mlp_edge1[1][1::2].reshape(1, -1),
            wc0[:, 0::2], wc0[:, 1::2],
            mlp_edge0[1][0::2].reshape(1, -1), mlp_edge0[1][1::2].reshape(1, -1)]
    h1 = mlp_edge1[0].shape[1]
    in_specs = [pl.BlockSpec((eb, 1), lambda i: (i, 0)),
                pl.BlockSpec((eb, 1), lambda i: (i, 0))]
    for a in args[2:]:
        in_specs.append(pl.BlockSpec(a.shape, lambda i: (0, 0)))
    return pl.pallas_call(
        _edge_embed_body, grid=(e // eb,), in_specs=in_specs,
        out_specs=pl.BlockSpec((eb, h1 // 2), lambda i: (i, 0)),
        out_shape=jax.ShapeDtypeStruct((e, h1 // 2), jnp.int32),
    )(*args)


def _tables_body(h_ref, wae, wao, wbe, wbo, a_ref, b_ref):
    hh = h_ref[...]
    a_ref[...] = _pack_bf16(_dot(hh, wae[0]), _dot(hh, wao[0]))
    b_ref[...] = _pack_bf16(_dot(hh, wbe[0]), _dot(hh, wbo[0]))


def _tc_tables(h, w4, bn):
    n, k = h.shape
    m = w4[0].shape[2]
    nb = n // bn
    in_specs = [pl.BlockSpec((bn, k), lambda b, i: (i, 0))]
    for _ in range(4):
        in_specs.append(pl.BlockSpec((1, k, m), lambda b, i: (b, 0, 0)))
    return pl.pallas_call(
        _tables_body, grid=(2, nb), in_specs=in_specs,
        out_specs=[pl.BlockSpec((bn, m), lambda b, i: (b * nb + i, 0)),
                   pl.BlockSpec((bn, m), lambda b, i: (b * nb + i, 0))],
        out_shape=[jax.ShapeDtypeStruct((2 * n, m), jnp.int32)] * 2,
    )(h, *w4)


def _edge_mlp_body(ga_ref, gb_ref, c_ref, mk_ref,
                   w21e, w21o, b21, w31, b31,
                   w20e, w20o, b20, w30, b30, m_ref):
    gae, gao = _unpack_bf16(ga_ref[...])
    gbe, gbo = _unpack_bf16(gb_ref[...])
    ce, co = _unpack_bf16(c_ref[...])
    ze = jnp.maximum(gae + gbe + ce, 0.0)
    zo = jnp.maximum(gao + gbo + co, 0.0)
    u1 = jnp.maximum(_dot(ze, w21e[...]) + _dot(zo, w21o[...]) + b21[...], 0.0)
    m1 = _dot(u1, w31[...]) + b31[...]
    u0 = jnp.maximum(_dot(ze, w20e[...]) + _dot(zo, w20o[...]) + b20[...], 0.0)
    m0 = _dot(u0, w30[...]) + b30[...]
    m_ref[...] = m0 + mk_ref[...].astype(F32) * (m1 - m0)


def _tc_edge_mlp(ga, gb, c_sel, mask_f, mlp_edge1, mlp_edge0, eb):
    e, hp = ga.shape
    emb = mlp_edge1[4].shape[1]
    args = [ga, gb, c_sel, mask_f,
            mlp_edge1[2][0::2], mlp_edge1[2][1::2],
            mlp_edge1[3].reshape(1, -1),
            mlp_edge1[4], mlp_edge1[5].reshape(1, -1),
            mlp_edge0[2][0::2], mlp_edge0[2][1::2],
            mlp_edge0[3].reshape(1, -1),
            mlp_edge0[4], mlp_edge0[5].reshape(1, -1)]
    in_specs = [pl.BlockSpec((eb, hp), lambda i: (i, 0)),
                pl.BlockSpec((eb, hp), lambda i: (i, 0)),
                pl.BlockSpec((eb, hp), lambda i: (i, 0)),
                pl.BlockSpec((eb, 1), lambda i: (i, 0))]
    for a in args[4:]:
        in_specs.append(pl.BlockSpec(a.shape, lambda i: (0, 0)))
    return pl.pallas_call(
        _edge_mlp_body, grid=(e // eb,), in_specs=in_specs,
        out_specs=pl.BlockSpec((eb, emb), lambda i: (i, 0)),
        out_shape=jax.ShapeDtypeStruct((e, emb), F32),
    )(*args)


def _aggr_body(h_ref, s1_ref, s0_ref, c1_ref, c0_ref,
               wh, w1, w0, b1, w2, b2, w3, b3, o_ref):
    hh = h_ref[...]
    sc1 = 1.0 / jnp.maximum(c1_ref[0][:, :1], 1.0)
    sc0 = 1.0 / jnp.maximum(c0_ref[0][:, :1], 1.0)
    u = _dot(hh, wh[...]) + b1[...]
    u += _dot(s1_ref[0] * sc1, w1[...])
    u += _dot(s0_ref[0] * sc0, w0[...])
    u = jnp.maximum(u, 0.0)
    u = jnp.maximum(_dot(u, w2[...]) + b2[...], 0.0)
    o_ref[...] = _dot(u, w3[...]) + b3[...] + hh


def _tc_aggr(h, s_mail, counts, mlp_aggr, bn):
    n, emb = h.shape
    nb = n // bn
    w = mlp_aggr[0]
    args = [h, s_mail, s_mail, counts, counts,
            w[:emb], w[emb:2 * emb], w[2 * emb:],
            mlp_aggr[1].reshape(1, -1),
            mlp_aggr[2], mlp_aggr[3].reshape(1, -1),
            mlp_aggr[4], mlp_aggr[5].reshape(1, -1)]
    in_specs = [pl.BlockSpec((bn, emb), lambda i: (i, 0)),
                pl.BlockSpec((1, bn, emb), lambda i: (0, i, 0)),
                pl.BlockSpec((1, bn, emb), lambda i: (1, i, 0)),
                pl.BlockSpec((1, bn, emb), lambda i: (0, i, 0)),
                pl.BlockSpec((1, bn, emb), lambda i: (1, i, 0))]
    for a in args[5:]:
        in_specs.append(pl.BlockSpec(a.shape, lambda i: (0, 0)))
    return pl.pallas_call(
        _aggr_body, grid=(nb,), in_specs=in_specs,
        out_specs=pl.BlockSpec((bn, emb), lambda i: (i, 0)),
        out_shape=jax.ShapeDtypeStruct((n, emb), F32),
    )(*args)


def _support_body(h_ref, w_ref, o_ref):
    o_ref[...] = _dot(h_ref[...], w_ref[0])


def _tc_support(h, gc_w, bn):
    n, emb = h.shape
    go = gc_w.shape[1]
    d = go // 2
    nb = n // bn
    w_s = jnp.stack([gc_w[:, :d], gc_w[:, d:]])
    return pl.pallas_call(
        _support_body, grid=(2, nb),
        in_specs=[pl.BlockSpec((bn, emb), lambda b, i: (i, 0)),
                  pl.BlockSpec((1, emb, d), lambda b, i: (b, 0, 0))],
        out_specs=pl.BlockSpec((bn, d), lambda b, i: (b * nb + i, 0)),
        out_shape=jax.ShapeDtypeStruct((2 * n, d), F32),
    )(h, w_s)


def _colmax_body(olo_ref, ohi_ref, blo, bhi, mlo_ref, mhi_ref):
    i = pl.program_id(0)

    @pl.when(i == 0)
    def _():
        mlo_ref[...] = jnp.full_like(mlo_ref[...], -jnp.inf)
        mhi_ref[...] = jnp.full_like(mhi_ref[...], -jnp.inf)

    mlo_ref[...] = jnp.maximum(
        mlo_ref[...], jnp.max(olo_ref[0] + blo[...], axis=0, keepdims=True))
    mhi_ref[...] = jnp.maximum(
        mhi_ref[...], jnp.max(ohi_ref[0] + bhi[...], axis=0, keepdims=True))


def _tc_colmax(o_acc, gc_b, bn):
    n = o_acc.shape[1]
    d = o_acc.shape[2]
    return pl.pallas_call(
        _colmax_body, grid=(n // bn,),
        in_specs=[pl.BlockSpec((1, bn, d), lambda i: (0, i, 0)),
                  pl.BlockSpec((1, bn, d), lambda i: (1, i, 0)),
                  pl.BlockSpec((1, d), lambda i: (0, 0)),
                  pl.BlockSpec((1, d), lambda i: (0, 0))],
        out_specs=[pl.BlockSpec((1, d), lambda i: (0, 0)),
                   pl.BlockSpec((1, d), lambda i: (0, 0))],
        out_shape=[jax.ShapeDtypeStruct((1, d), F32)] * 2,
    )(o_acc, o_acc, gc_b[:d].reshape(1, -1), gc_b[d:].reshape(1, -1))



_MESH = dict(core_axis_name="c", subcore_axis_name="s")


def _fill_const(buf, rows, cols, vec16):
    per_row = cols // 16

    def st(i, carry):
        buf[i // per_row, pl.ds((i % per_row) * 16, 16)] = vec16
        return carry

    lax.fori_loop(0, rows * per_row, st, 0)


def _sc_gather2(a_cat, b_cat, idx_a, idx_b):
    e = idx_a.shape[0]
    d = a_cat.shape[1]
    per_w = e // _NW
    ck = 200
    steps = -(-per_w // ck)
    pairs = (steps + 1) // 2
    last = per_w - ck

    @functools.partial(
        pl.kernel, mesh=plsc.VectorSubcoreMesh(**_MESH),
        out_type=[jax.ShapeDtypeStruct((e, d), jnp.int32)] * 2,
        scratch_types=[pltpu.VMEM((per_w,), jnp.int32),
                       pltpu.VMEM((per_w,), jnp.int32),
                       pltpu.VMEM((ck, d), jnp.int32),
                       pltpu.VMEM((ck, d), jnp.int32),
                       pltpu.VMEM((ck, d), jnp.int32),
                       pltpu.VMEM((ck, d), jnp.int32)]
                      + [pltpu.SemaphoreType.DMA] * 8,
    )
    def k(a_hbm, b_hbm, ia_hbm, ib_hbm, ga_hbm, gb_hbm,
          ia_all, ib_all, bufa0, bufb0, bufa1, bufb1,
          sa0, sb0, sa1, sb1, swa0, swb0, swa1, swb1):
        wid = lax.axis_index("s") * _NC + lax.axis_index("c")
        w0 = wid * per_w
        pltpu.sync_copy(ia_hbm.at[pl.ds(w0, per_w)], ia_all)
        pltpu.sync_copy(ib_hbm.at[pl.ds(w0, per_w)], ib_all)

        def body(j2, carry):
            o0 = jnp.minimum((2 * j2) * ck, last)
            o1 = jnp.minimum((2 * j2 + 1) * ck, last)
            ga0 = pltpu.async_copy(a_hbm.at[ia_all.at[pl.ds(o0, ck)]],
                                   bufa0, sa0)
            gb0 = pltpu.async_copy(b_hbm.at[ib_all.at[pl.ds(o0, ck)]],
                                   bufb0, sb0)
            ga1 = pltpu.async_copy(a_hbm.at[ia_all.at[pl.ds(o1, ck)]],
                                   bufa1, sa1)
            gb1 = pltpu.async_copy(b_hbm.at[ib_all.at[pl.ds(o1, ck)]],
                                   bufb1, sb1)
            ga0.wait()
            gb0.wait()
            wa0 = pltpu.async_copy(bufa0, ga_hbm.at[pl.ds(w0 + o0, ck)], swa0)
            wb0 = pltpu.async_copy(bufb0, gb_hbm.at[pl.ds(w0 + o0, ck)], swb0)
            ga1.wait()
            gb1.wait()
            wa1 = pltpu.async_copy(bufa1, ga_hbm.at[pl.ds(w0 + o1, ck)], swa1)
            wb1 = pltpu.async_copy(bufb1, gb_hbm.at[pl.ds(w0 + o1, ck)], swb1)
            wa0.wait()
            wb0.wait()
            wa1.wait()
            wb1.wait()
            return carry

        lax.fori_loop(0, pairs, body, 0)

    return k(a_cat, b_cat, idx_a, idx_b)


def _sc_scatter_rowsplit(data, idx_cat, n):
    e, d = data.shape
    per_t = e // _NS
    ck = 200
    steps = per_t // ck
    zr = ck
    racc = n + _TR
    n_z = racc // zr
    zsteps = -(-n_z // _NS)
    n_ch = n // zr
    wsteps = -(-n_ch // _NS)
    @functools.partial(
        pl.kernel, mesh=plsc.VectorSubcoreMesh(**_MESH),
        out_type=jax.ShapeDtypeStruct((2, n, d), F32),
        scratch_types=[pltpu.VMEM((ck,), jnp.int32),
                       pltpu.VMEM((ck, d), F32),
                       pltpu.VMEM_SHARED((racc, d), F32)],
    )
    def k(m_hbm, idx_hbm, out_hbm, idx_v, dbuf, acc):
        c = lax.axis_index("c")
        s = lax.axis_index("s")
        _fill_const(dbuf, zr, d, jnp.zeros((16,), F32))

        def zc(i, carry):
            cid = s + i * _NS

            @pl.when(cid < n_z)
            def _():
                pltpu.sync_copy(dbuf, acc.at[pl.ds(cid * zr, zr)])

            return carry

        lax.fori_loop(0, zsteps, zc, 0)
        plsc.subcore_barrier()

        def body(j, carry):
            base = s * per_t + j * ck
            pltpu.sync_copy(idx_hbm.at[pl.ds(c * e + base, ck)], idx_v)
            pltpu.sync_copy(m_hbm.at[pl.ds(base, ck)], dbuf)
            pltpu.sync_copy(dbuf, acc.at[idx_v], add=True)
            return carry

        lax.fori_loop(0, steps, body, 0)
        plsc.subcore_barrier()

        def wb(i, carry):
            cid = s + i * _NS

            @pl.when(cid < n_ch)
            def _():
                r0 = cid * zr
                pltpu.sync_copy(acc.at[pl.ds(r0, zr)], dbuf)

                @pl.when(c == 0)
                def _():
                    pltpu.sync_copy(dbuf, out_hbm.at[0, pl.ds(r0, zr)])

                @pl.when(c == 1)
                def _():
                    pltpu.sync_copy(dbuf, out_hbm.at[1, pl.ds(r0, zr)])

            return carry

        lax.fori_loop(0, wsteps, wb, 0)

    return k(data, idx_cat)


def _sc_counts(idx_cat, e, n):
    d = 128
    per_t = e // _NS
    ck = 200
    steps = per_t // ck
    zr = ck
    racc = n + _TR
    n_z = racc // zr
    zsteps = -(-n_z // _NS)
    n_ch = n // zr
    wsteps = -(-n_ch // _NS)
    @functools.partial(
        pl.kernel, mesh=plsc.VectorSubcoreMesh(**_MESH),
        out_type=jax.ShapeDtypeStruct((2, n, d), F32),
        scratch_types=[pltpu.VMEM((ck,), jnp.int32),
                       pltpu.VMEM((ck, d), F32),
                       pltpu.VMEM_SHARED((racc, d), F32)],
    )
    def k(idx_hbm, out_hbm, idx_v, ones_v, acc):
        c = lax.axis_index("c")
        s = lax.axis_index("s")
        _fill_const(ones_v, zr, d, jnp.zeros((16,), F32))

        def zc(i, carry):
            cid = s + i * _NS

            @pl.when(cid < n_z)
            def _():
                pltpu.sync_copy(ones_v, acc.at[pl.ds(cid * zr, zr)])

            return carry

        lax.fori_loop(0, zsteps, zc, 0)
        plsc.subcore_barrier()
        _fill_const(ones_v, ck, d, jnp.ones((16,), F32))

        def body(j, carry):
            base = c * e + s * per_t + j * ck
            pltpu.sync_copy(idx_hbm.at[pl.ds(base, ck)], idx_v)
            pltpu.sync_copy(ones_v, acc.at[idx_v], add=True)
            return carry

        lax.fori_loop(0, steps, body, 0)
        plsc.subcore_barrier()

        def wb(i, carry):
            cid = s + i * _NS

            @pl.when(cid < n_ch)
            def _():
                r0 = cid * zr
                pltpu.sync_copy(acc.at[pl.ds(r0, zr)], ones_v)

                @pl.when(c == 0)
                def _():
                    pltpu.sync_copy(ones_v, out_hbm.at[0, pl.ds(r0, zr)])

                @pl.when(c == 1)
                def _():
                    pltpu.sync_copy(ones_v, out_hbm.at[1, pl.ds(r0, zr)])

            return carry

        lax.fori_loop(0, wsteps, wb, 0)

    return k(idx_cat)


def _sc_spmm(sup_cat, src2, dst, n):
    e = dst.shape[0]
    d = sup_cat.shape[1]
    per_t = e // _NS
    ck = 200
    steps = per_t // ck
    zr = ck
    n_ch = n // zr
    wsteps = -(-n_ch // _NS)
    @functools.partial(
        pl.kernel, mesh=plsc.VectorSubcoreMesh(**_MESH),
        out_type=jax.ShapeDtypeStruct((2, n, d), F32),
        scratch_types=[pltpu.VMEM((ck,), jnp.int32),
                       pltpu.VMEM((ck,), jnp.int32),
                       pltpu.VMEM((ck, d), F32),
                       pltpu.VMEM_SHARED((n, d), F32),
                       pltpu.SemaphoreType.DMA],
    )
    def k(sup_hbm, src_hbm, dst_hbm, out_hbm, is_v, id_v, gbuf, acc, sem):
        c = lax.axis_index("c")
        s = lax.axis_index("s")
        _fill_const(gbuf, zr, d, jnp.zeros((16,), F32))

        def zc(i, carry):
            cid = s + i * _NS

            @pl.when(cid < n_ch)
            def _():
                pltpu.sync_copy(gbuf, acc.at[pl.ds(cid * zr, zr)])

            return carry

        lax.fori_loop(0, wsteps, zc, 0)
        plsc.subcore_barrier()

        def body(j, carry):
            base = s * per_t + j * ck
            pltpu.sync_copy(src_hbm.at[pl.ds(c * e + base, ck)], is_v)
            pltpu.sync_copy(dst_hbm.at[pl.ds(base, ck)], id_v)
            pltpu.async_copy(sup_hbm.at[is_v], gbuf, sem).wait()
            pltpu.sync_copy(gbuf, acc.at[id_v], add=True)
            return carry

        lax.fori_loop(0, steps, body, 0)
        plsc.subcore_barrier()

        def wb(i, carry):
            cid = s + i * _NS

            @pl.when(cid < n_ch)
            def _():
                r0 = cid * zr
                pltpu.sync_copy(acc.at[pl.ds(r0, zr)], gbuf)

                @pl.when(c == 0)
                def _():
                    pltpu.sync_copy(gbuf, out_hbm.at[0, pl.ds(r0, zr)])

                @pl.when(c == 1)
                def _():
                    pltpu.sync_copy(gbuf, out_hbm.at[1, pl.ds(r0, zr)])

            return carry

        lax.fori_loop(0, wsteps, wb, 0)

    return k(sup_cat, src2, dst)



def kernel(x, l_e, edge_index, edge_label, mlp_v, mlp_e, mlp_edge1,
           mlp_edge0, mlp_aggr, gc_w, gc_b):
    n, emb = x.shape
    e = l_e.shape[0]
    bn = 2000
    eb = 2000
    src = edge_index[0].astype(jnp.int32)
    dst = edge_index[1].astype(jnp.int32)
    mask_f = (edge_label == 1).astype(jnp.bfloat16)[:, None]
    off = jnp.where(edge_label == 1, 0, n).astype(jnp.int32)
    src_adj = src + off
    dst_adj = dst + off
    trash = (n + dst % _TR).astype(jnp.int32)
    idx_mail = jnp.concatenate([
        jnp.where(edge_label == 1, dst, trash),
        jnp.where(edge_label == 0, dst, trash)]).astype(jnp.int32)
    src2 = jnp.concatenate([src, src + n]).astype(jnp.int32)

    h = _tc_mlp3(x, mlp_v, bn)
    c_sel = _tc_edge_embed(l_e, mask_f, mlp_e, mlp_edge1, mlp_edge0, eb)
    counts = _sc_counts(idx_mail, e, n)

    wa1 = mlp_edge1[0][:emb]
    wa0 = mlp_edge0[0][:emb]
    wb1 = mlp_edge1[0][emb:2 * emb]
    wb0 = mlp_edge0[0][emb:2 * emb]
    w4 = [jnp.stack([wa1[:, 0::2], wa0[:, 0::2]]),
          jnp.stack([wa1[:, 1::2], wa0[:, 1::2]]),
          jnp.stack([wb1[:, 0::2], wb0[:, 0::2]]),
          jnp.stack([wb1[:, 1::2], wb0[:, 1::2]])]

    for _ in range(2):
        a_cat, b_cat = _tc_tables(h, w4, bn)
        ga, gb = _sc_gather2(a_cat, b_cat, src_adj, dst_adj)
        m = _tc_edge_mlp(ga, gb, c_sel, mask_f, mlp_edge1, mlp_edge0, eb)
        s_mail = _sc_scatter_rowsplit(m, idx_mail, n)
        h = _tc_aggr(h, s_mail, counts, mlp_aggr, bn)

    sup_cat = _tc_support(h, gc_w, bn)
    o_acc = _sc_spmm(sup_cat, src2, dst, n)
    mlo, mhi = _tc_colmax(o_acc, gc_b, bn)
    return jnp.concatenate([mlo[0], mhi[0]], axis=0)

# --- scband reference (transcript-rebuilt; emitter-appended) ---
"""Pipeline reference for scband-gnn-47940424958091 (READ-ONLY COPY).

The authoritative reference and input builder live on the scoring server;
editing this copy changes nothing except your own understanding.
"""

import jax, jax.numpy as jnp
import numpy as np

EMB = 128
H1 = 256
H2 = 128
GC_OUT = 256
T = 2
N = 10000
E = 160000


def _mlp_params(key, din, dout):
    k1, k2, k3 = jax.random.split(key, 3)
    return [
        jax.random.normal(k1, (din, H1), jnp.float32) * 0.05,
        jnp.zeros((H1,), jnp.float32),
        jax.random.normal(k2, (H1, H2), jnp.float32) * 0.05,
        jnp.zeros((H2,), jnp.float32),
        jax.random.normal(k3, (H2, dout), jnp.float32) * 0.05,
        jnp.zeros((dout,), jnp.float32),
    ]


def _mlp(x, p):
    # dropout omitted (eval mode)
    x = jax.nn.relu(x @ p[0] + p[1])
    x = jax.nn.relu(x @ p[2] + p[3])
    return x @ p[4] + p[5]


def setup_inputs(seed: int = 0):
    key = jax.random.key(seed)
    ks = jax.random.split(key, 12)
    x = jax.random.normal(ks[0], (N, EMB), jnp.float32)
    l_e = jax.random.uniform(ks[1], (E, 1), jnp.float32)
    edge_index = jax.random.randint(ks[2], (2, E), 0, N, jnp.int32)
    edge_label = jax.random.randint(ks[3], (E,), 0, 2, jnp.int32)
    mlp_v = _mlp_params(ks[4], EMB, EMB)
    mlp_e = _mlp_params(ks[5], 1, EMB)
    # ModuleList([MLP]*T) shares a single MLP instance across all T hops
    mlp_edge1 = _mlp_params(ks[6], EMB * 3, EMB)
    mlp_edge0 = _mlp_params(ks[7], EMB * 3, EMB)
    mlp_aggr = _mlp_params(ks[8], EMB * 3, EMB)
    gc_w = jax.random.uniform(ks[9], (EMB, GC_OUT), jnp.float32)
    gc_b = jax.random.uniform(ks[10], (GC_OUT,), jnp.float32)
    return {
        "x": x,
        "l_e": l_e,
        "edge_index": edge_index,
        "edge_label": edge_label,
        "mlp_v": mlp_v,
        "mlp_e": mlp_e,
        "mlp_edge1": mlp_edge1,
        "mlp_edge0": mlp_edge0,
        "mlp_aggr": mlp_aggr,
        "gc_w": gc_w,
        "gc_b": gc_b,
    }


def reference(x, l_e, edge_index, edge_label, mlp_v, mlp_e, mlp_edge1, mlp_edge0, mlp_aggr, gc_w, gc_b):
    n = x.shape[0]
    src = edge_index[0]
    dst = edge_index[1]
    # node / edge embeddings
    h = _mlp(x, mlp_v)
    h_e = _mlp(l_e, mlp_e)
    mask1 = (edge_label == 1).astype(jnp.float32)[:, None]
    mask0 = 1.0 - mask1
    for t in range(T):
        ein = jnp.concatenate([h[src], h[dst], h_e], axis=1)  # [E, 3*EMB]
        m1 = _mlp(ein, mlp_edge1)
        m0 = _mlp(ein, mlp_edge0)
        # mailbox mean per destination node, restricted to matching edge label
        s1 = jax.ops.segment_sum(m1 * mask1, dst, num_segments=n)
        c1 = jax.ops.segment_sum(mask1, dst, num_segments=n)
        avg1 = s1 / jnp.maximum(c1, 1.0)
        s0 = jax.ops.segment_sum(m0 * mask0, dst, num_segments=n)
        c0 = jax.ops.segment_sum(mask0, dst, num_segments=n)
        avg0 = s0 / jnp.maximum(c0, 1.0)
        h = _mlp(jnp.concatenate([h, avg1, avg0], axis=1), mlp_aggr) + h
    # GraphConvolution: spmm(adj, h @ W) + b, adj[dst, src] = 1
    support = h @ gc_w
    out = jax.ops.segment_sum(support[src], dst, num_segments=n) + gc_b
    graph_emb = jnp.max(out, axis=0)
    return graph_emb

if __name__ == "__main__":
    import jax
    _d = setup_inputs()
    print(jax.jit(kernel)(*tuple(_d.values())))

</pallas_src>

<mosaic_0001>
#map = affine_map<(d0, d1) -> (0, 0)>
#map1 = affine_map<(d0, d1) -> (0)>
module attributes {stable_mosaic.version = 14 : i64} {
  func.func @k(%arg0: i32, %arg1: i32, %arg2: memref<20000x128xi32, #tpu.memory_space<hbm>>, %arg3: memref<20000x128xi32, #tpu.memory_space<hbm>>, %arg4: memref<160000xi32, #tpu.memory_space<hbm>>, %arg5: memref<160000xi32, #tpu.memory_space<hbm>>, %arg6: memref<160000x128xi32, #tpu.memory_space<hbm>>, %arg7: memref<160000x128xi32, #tpu.memory_space<hbm>>, %arg8: memref<5000xi32, #tpu.memory_space<vmem>>, %arg9: memref<5000xi32, #tpu.memory_space<vmem>>, %arg10: memref<200x128xi32, #tpu.memory_space<vmem>>, %arg11: memref<200x128xi32, #tpu.memory_space<vmem>>, %arg12: memref<200x128xi32, #tpu.memory_space<vmem>>, %arg13: memref<200x128xi32, #tpu.memory_space<vmem>>, %arg14: memref<!tpu.dma_semaphore, #tpu.memory_space<semaphore_mem>>, %arg15: memref<!tpu.dma_semaphore, #tpu.memory_space<semaphore_mem>>, %arg16: memref<!tpu.dma_semaphore, #tpu.memory_space<semaphore_mem>>, %arg17: memref<!tpu.dma_semaphore, #tpu.memory_space<semaphore_mem>>, %arg18: memref<!tpu.dma_semaphore, #tpu.memory_space<semaphore_mem>>, %arg19: memref<!tpu.dma_semaphore, #tpu.memory_space<semaphore_mem>>, %arg20: memref<!tpu.dma_semaphore, #tpu.memory_space<semaphore_mem>>, %arg21: memref<!tpu.dma_semaphore, #tpu.memory_space<semaphore_mem>>) attributes {dimension_semantics = [#tpu.dimension_semantics<core_parallel>, #tpu.dimension_semantics<subcore_parallel>], iteration_bounds = array<i64: 2, 16>, scalar_prefetch = 0 : i64, scratch_operands = 14 : i64, tpu.core_type = #tpu.core_type<sc_vector_subcore>, window_params = [{transform_indices = #map}, {transform_indices = #map}, {transform_indices = #map1}, {transform_indices = #map1}, {transform_indices = #map}, {transform_indices = #map}]} {
    %mul3A = arith.constant 2 : i32
    %mul3A_0 = arith.muli %arg1, %mul3A : i32
    %add3A = arith.addi %mul3A_0, %arg0 : i32
    %mul3A_1 = arith.constant 5000 : i32
    %mul3A_2 = arith.muli %add3A, %mul3A_1 : i32
    "tpu.region"() ({
      %run_scoped3A = tpu.sem_alloc : memref<!tpu.dma_semaphore, #tpu.memory_space<semaphore_mem>>
      %dma_start3A = tpu.memref_slice %arg4[%mul3A_2] : memref<160000xi32, #tpu.memory_space<hbm>> -> memref<5000xi32, #tpu.memory_space<hbm>>
      %dma_start3A_8 = tpu.memref_slice %arg4[%mul3A_2] : memref<160000xi32, #tpu.memory_space<hbm>> -> memref<5000xi32, #tpu.memory_space<hbm>>
      tpu.enqueue_dma source(%dma_start3A_8 : memref<5000xi32, #tpu.memory_space<hbm>>) target(%arg8 : memref<5000xi32, #tpu.memory_space<vmem>>) target_semaphore(%run_scoped3A : memref<!tpu.dma_semaphore, #tpu.memory_space<semaphore_mem>>)
      %dma_wait3A = tpu.memref_slice %arg4[%mul3A_2] : memref<160000xi32, #tpu.memory_space<hbm>> -> memref<5000xi32, #tpu.memory_space<hbm>>
      %dma_wait3A_9 = tpu.memref_slice %arg4[%mul3A_2] : memref<160000xi32, #tpu.memory_space<hbm>> -> memref<5000xi32, #tpu.memory_space<hbm>>
      tpu.wait_dma2 semaphore(%run_scoped3A : memref<!tpu.dma_semaphore, #tpu.memory_space<semaphore_mem>>) src(%dma_wait3A_9 : memref<5000xi32, #tpu.memory_space<hbm>>) dst(%arg8 : memref<5000xi32, #tpu.memory_space<vmem>>)
      tpu.yield
    }) : () -> ()
    "tpu.region"() ({
      %run_scoped3A = tpu.sem_alloc : memref<!tpu.dma_semaphore, #tpu.memory_space<semaphore_mem>>
      %dma_start3A = tpu.memref_slice %arg5[%mul3A_2] : memref<160000xi32, #tpu.memory_space<hbm>> -> memref<5000xi32, #tpu.memory_space<hbm>>
      %dma_start3A_8 = tpu.memref_slice %arg5[%mul3A_2] : memref<160000xi32, #tpu.memory_space<hbm>> -> memref<5000xi32, #tpu.memory_space<hbm>>
      tpu.enqueue_dma source(%dma_start3A_8 : memref<5000xi32, #tpu.memory_space<hbm>>) target(%arg9 : memref<5000xi32, #tpu.memory_space<vmem>>) target_semaphore(%run_scoped3A : memref<!tpu.dma_semaphore, #tpu.memory_space<semaphore_mem>>)
      %dma_wait3A = tpu.memref_slice %arg5[%mul3A_2] : memref<160000xi32, #tpu.memory_space<hbm>> -> memref<5000xi32, #tpu.memory_space<hbm>>
      %dma_wait3A_9 = tpu.memref_slice %arg5[%mul3A_2] : memref<160000xi32, #tpu.memory_space<hbm>> -> memref<5000xi32, #tpu.memory_space<hbm>>
      tpu.wait_dma2 semaphore(%run_scoped3A : memref<!tpu.dma_semaphore, #tpu.memory_space<semaphore_mem>>) src(%dma_wait3A_9 : memref<5000xi32, #tpu.memory_space<hbm>>) dst(%arg9 : memref<5000xi32, #tpu.memory_space<vmem>>)
      tpu.yield
    }) : () -> ()
    %scan3A = arith.constant 0 : i32
    %scan3A_3 = arith.constant 0 : i32
    %scan3A_4 = arith.constant 13 : i32
    %scan3A_5 = arith.addi %scan3A_3, %scan3A_4 : i32
    %scan3A_6 = arith.constant 1 : i32
    scf.for %scan3A_8 = %scan3A_3 to %scan3A_5 step %scan3A_6  : i32 {
      %mul3A_9 = arith.constant 2 : i32
      %mul3A_10 = arith.muli %mul3A_9, %scan3A_8 : i32
      %mul3A_11 = arith.constant 200 : i32
      %mul3A_12 = arith.muli %mul3A_10, %mul3A_11 : i32
      %min3A = arith.constant 4800 : i32
      %min3A_13 = arith.minsi %mul3A_12, %min3A : i32
      %mul3A_14 = arith.constant 2 : i32
      %mul3A_15 = arith.muli %mul3A_14, %scan3A_8 : i32
      %add3A_16 = arith.constant 1 : i32
      %add3A_17 = arith.addi %mul3A_15, %add3A_16 : i32
      %mul3A_18 = arith.constant 200 : i32
      %mul3A_19 = arith.muli %add3A_17, %mul3A_18 : i32
      %min3A_20 = arith.constant 4800 : i32
      %min3A_21 = arith.minsi %mul3A_19, %min3A_20 : i32
      %dma_start3A = tpu.memref_slice %arg8[%min3A_13] : memref<5000xi32, #tpu.memory_space<vmem>> -> memref<200xi32, #tpu.memory_space<vmem>>
      %dma_start3A_22 = arith.constant 0 : i32
      %dma_start3A_23 = arith.constant 0 : i32
      %dma_start3A_24 = tpu.memref_slice %arg2[%dma_start3A_22, %dma_start3A_23] : memref<20000x128xi32, #tpu.memory_space<hbm>> -> memref<20000x128xi32, #tpu.memory_space<hbm>>
      tpu.enqueue_indirect_dma source(%dma_start3A_24 : memref<20000x128xi32, #tpu.memory_space<hbm>>) target(%arg10 : memref<200x128xi32, #tpu.memory_space<vmem>>) offsets(%dma_start3A : memref<200xi32, #tpu.memory_space<vmem>>) semaphore(%arg14 : memref<!tpu.dma_semaphore, #tpu.memory_space<semaphore_mem>>)
      %dma_start3A_25 = tpu.memref_slice %arg9[%min3A_13] : memref<5000xi32, #tpu.memory_space<vmem>> -> memref<200xi32, #tpu.memory_space<vmem>>
      %dma_start3A_26 = arith.constant 0 : i32
      %dma_start3A_27 = arith.constant 0 : i32
      %dma_start3A_28 = tpu.memref_slice %arg3[%dma_start3A_26, %dma_start3A_27] : memref<20000x128xi32, #tpu.memory_space<hbm>> -> memref<20000x128xi32, #tpu.memory_space<hbm>>
      tpu.enqueue_indirect_dma source(%dma_start3A_28 : memref<20000x128xi32, #tpu.memory_space<hbm>>) target(%arg11 : memref<200x128xi32, #tpu.memory_space<vmem>>) offsets(%dma_start3A_25 : memref<200xi32, #tpu.memory_space<vmem>>) semaphore(%arg15 : memref<!tpu.dma_semaphore, #tpu.memory_space<semaphore_mem>>)
      %dma_start3A_29 = tpu.memref_slice %arg8[%min3A_21] : memref<5000xi32, #tpu.memory_space<vmem>> -> memref<200xi32, #tpu.memory_space<vmem>>
      %dma_start3A_30 = arith.constant 0 : i32
      %dma_start3A_31 = arith.constant 0 : i32
      %dma_start3A_32 = tpu.memref_slice %arg2[%dma_start3A_30, %dma_start3A_31] : memref<20000x128xi32, #tpu.memory_space<hbm>> -> memref<20000x128xi32, #tpu.memory_space<hbm>>
      tpu.enqueue_indirect_dma source(%dma_start3A_32 : memref<20000x128xi32, #tpu.memory_space<hbm>>) target(%arg12 : memref<200x128xi32, #tpu.memory_space<vmem>>) offsets(%dma_start3A_29 : memref<200xi32, #tpu.memory_space<vmem>>) semaphore(%arg16 : memref<!tpu.dma_semaphore, #tpu.memory_space<semaphore_mem>>)
      %dma_start3A_33 = tpu.memref_slice %arg9[%min3A_21] : memref<5000xi32, #tpu.memory_space<vmem>> -> memref<200xi32, #tpu.memory_space<vmem>>
      %dma_start3A_34 = arith.constant 0 : i32
      %dma_start3A_35 = arith.constant 0 : i32
      %dma_start3A_36 = tpu.memref_slice %arg3[%dma_start3A_34, %dma_start3A_35] : memref<20000x128xi32, #tpu.memory_space<hbm>> -> memref<20000x128xi32, #tpu.memory_space<hbm>>
      tpu.enqueue_indirect_dma source(%dma_start3A_36 : memref<20000x128xi32, #tpu.memory_space<hbm>>) target(%arg13 : memref<200x128xi32, #tpu.memory_space<vmem>>) offsets(%dma_start3A_33 : memref<200xi32, #tpu.memory_space<vmem>>) semaphore(%arg17 : memref<!tpu.dma_semaphore, #tpu.memory_space<semaphore_mem>>)
      %dma_wait3A = tpu.memref_slice %arg8[%min3A_13] : memref<5000xi32, #tpu.memory_space<vmem>> -> memref<200xi32, #tpu.memory_space<vmem>>
      %dma_wait3A_37 = arith.constant 0 : i32
      %dma_wait3A_38 = arith.constant 0 : i32
      %dma_wait3A_39 = tpu.memref_slice %arg2[%dma_wait3A_37, %dma_wait3A_38] : memref<20000x128xi32, #tpu.memory_space<hbm>> -> memref<20000x128xi32, #tpu.memory_space<hbm>>
      tpu.wait_indirect_dma semaphore(%arg14 : memref<!tpu.dma_semaphore, #tpu.memory_space<semaphore_mem>>) src(%dma_wait3A_39 : memref<20000x128xi32, #tpu.memory_space<hbm>>) dst(%arg10 : memref<200x128xi32, #tpu.memory_space<vmem>>)
      %dma_wait3A_40 = tpu.memref_slice %arg9[%min3A_13] : memref<5000xi32, #tpu.memory_space<vmem>> -> memref<200xi32, #tpu.memory_space<vmem>>
      %dma_wait3A_41 = arith.constant 0 : i32
      %dma_wait3A_42 = arith.constant 0 : i32
      %dma_wait3A_43 = tpu.memref_slice %arg3[%dma_wait3A_41, %dma_wait3A_42] : memref<20000x128xi32, #tpu.memory_space<hbm>> -> memref<20000x128xi32, #tpu.memory_space<hbm>>
      tpu.wait_indirect_dma semaphore(%arg15 : memref<!tpu.dma_semaphore, #tpu.memory_space<semaphore_mem>>) src(%dma_wait3A_43 : memref<20000x128xi32, #tpu.memory_space<hbm>>) dst(%arg11 : memref<200x128xi32, #tpu.memory_space<vmem>>)
      %add3A_44 = arith.addi %mul3A_2, %min3A_13 : i32
      %dma_start3A_45 = arith.constant 0 : i32
      %dma_start3A_46 = tpu.memref_slice %arg6[%add3A_44, %dma_start3A_45] : memref<160000x128xi32, #tpu.memory_space<hbm>> -> memref<200x128xi32, #tpu.memory_space<hbm>>
      %dma_start3A_47 = arith.constant 0 : i32
      %dma_start3A_48 = tpu.memref_slice %arg6[%add3A_44, %dma_start3A_47] : memref<160000x128xi32, #tpu.memory_space<hbm>> -> memref<200x128xi32, #tpu.memory_space<hbm>>
      tpu.enqueue_dma source(%arg10 : memref<200x128xi32, #tpu.memory_space<vmem>>) target(%dma_start3A_48 : memref<200x128xi32, #tpu.memory_space<hbm>>) target_semaphore(%arg18 : memref<!tpu.dma_semaphore, #tpu.memory_space<semaphore_mem>>)
      %add3A_49 = arith.addi %mul3A_2, %min3A_13 : i32
      %dma_start3A_50 = arith.constant 0 : i32
      %dma_start3A_51 = tpu.memref_slice %arg7[%add3A_49, %dma_start3A_50] : memref<160000x128xi32, #tpu.memory_space<hbm>> -> memref<200x128xi32, #tpu.memory_space<hbm>>
      %dma_start3A_52 = arith.constant 0 : i32
      %dma_start3A_53 = tpu.memref_slice %arg7[%add3A_49, %dma_start3A_52] : memref<160000x128xi32, #tpu.memory_space<hbm>> -> memref<200x128xi32, #tpu.memory_space<hbm>>
      tpu.enqueue_dma source(%arg11 : memref<200x128xi32, #tpu.memory_space<vmem>>) target(%dma_start3A_53 : memref<200x128xi32, #tpu.memory_space<hbm>>) target_semaphore(%arg19 : memref<!tpu.dma_semaphore, #tpu.memory_space<semaphore_mem>>)
      %dma_wait3A_54 = tpu.memref_slice %arg8[%min3A_21] : memref<5000xi32, #tpu.memory_space<vmem>> -> memref<200xi32, #tpu.memory_space<vmem>>
      %dma_wait3A_55 = arith.constant 0 : i32
      %dma_wait3A_56 = arith.constant 0 : i32
      %dma_wait3A_57 = tpu.memref_slice %arg2[%dma_wait3A_55, %dma_wait3A_56] : memref<20000x128xi32, #tpu.memory_space<hbm>> -> memref<20000x128xi32, #tpu.memory_space<hbm>>
      tpu.wait_indirect_dma semaphore(%arg16 : memref<!tpu.dma_semaphore, #tpu.memory_space<semaphore_mem>>) src(%dma_wait3A_57 : memref<20000x128xi32, #tpu.memory_space<hbm>>) dst(%arg12 : memref<200x128xi32, #tpu.memory_space<vmem>>)
      %dma_wait3A_58 = tpu.memref_slice %arg9[%min3A_21] : memref<5000xi32, #tpu.memory_space<vmem>> -> memref<200xi32, #tpu.memory_space<vmem>>
      %dma_wait3A_59 = arith.constant 0 : i32
      %dma_wait3A_60 = arith.constant 0 : i32
      %dma_wait3A_61 = tpu.memref_slice %arg3[%dma_wait3A_59, %dma_wait3A_60] : memref<20000x128xi32, #tpu.memory_space<hbm>> -> memref<20000x128xi32, #tpu.memory_space<hbm>>
      tpu.wait_indirect_dma semaphore(%arg17 : memref<!tpu.dma_semaphore, #tpu.memory_space<semaphore_mem>>) src(%dma_wait3A_61 : memref<20000x128xi32, #tpu.memory_space<hbm>>) dst(%arg13 : memref<200x128xi32, #tpu.memory_space<vmem>>)
      %add3A_62 = arith.addi %mul3A_2, %min3A_21 : i32
      %dma_start3A_63 = arith.constant 0 : i32
      %dma_start3A_64 = tpu.memref_slice %arg6[%add3A_62, %dma_start3A_63] : memref<160000x128xi32, #tpu.memory_space<hbm>> -> memref<200x128xi32, #tpu.memory_space<hbm>>
      %dma_start3A_65 = arith.constant 0 : i32
      %dma_start3A_66 = tpu.memref_slice %arg6[%add3A_62, %dma_start3A_65] : memref<160000x128xi32, #tpu.memory_space<hbm>> -> memref<200x128xi32, #tpu.memory_space<hbm>>
      tpu.enqueue_dma source(%arg12 : memref<200x128xi32, #tpu.memory_space<vmem>>) target(%dma_start3A_66 : memref<200x128xi32, #tpu.memory_space<hbm>>) target_semaphore(%arg20 : memref<!tpu.dma_semaphore, #tpu.memory_space<semaphore_mem>>)
      %add3A_67 = arith.addi %mul3A_2, %min3A_21 : i32
      %dma_start3A_68 = arith.constant 0 : i32
      %dma_start3A_69 = tpu.memref_slice %arg7[%add3A_67, %dma_start3A_68] : memref<160000x128xi32, #tpu.memory_space<hbm>> -> memref<200x128xi32, #tpu.memory_space<hbm>>
      %dma_start3A_70 = arith.constant 0 : i32
      %dma_start3A_71 = tpu.memref_slice %arg7[%add3A_67, %dma_start3A_70] : memref<160000x128xi32, #tpu.memory_space<hbm>> -> memref<200x128xi32, #tpu.memory_space<hbm>>
      tpu.enqueue_dma source(%arg13 : memref<200x128xi32, #tpu.memory_space<vmem>>) target(%dma_start3A_71 : memref<200x128xi32, #tpu.memory_space<hbm>>) target_semaphore(%arg21 : memref<!tpu.dma_semaphore, #tpu.memory_space<semaphore_mem>>)
      %dma_wait3A_72 = arith.constant 0 : i32
      %dma_wait3A_73 = tpu.memref_slice %arg6[%add3A_44, %dma_wait3A_72] : memref<160000x128xi32, #tpu.memory_space<hbm>> -> memref<200x128xi32, #tpu.memory_space<hbm>>
      %dma_wait3A_74 = arith.constant 0 : i32
      %dma_wait3A_75 = tpu.memref_slice %arg6[%add3A_44, %dma_wait3A_74] : memref<160000x128xi32, #tpu.memory_space<hbm>> -> memref<200x128xi32, #tpu.memory_space<hbm>>
      tpu.wait_dma2 semaphore(%arg18 : memref<!tpu.dma_semaphore, #tpu.memory_space<semaphore_mem>>) src(%arg10 : memref<200x128xi32, #tpu.memory_space<vmem>>) dst(%dma_wait3A_75 : memref<200x128xi32, #tpu.memory_space<hbm>>)
      %dma_wait3A_76 = arith.constant 0 : i32
      %dma_wait3A_77 = tpu.memref_slice %arg7[%add3A_49, %dma_wait3A_76] : memref<160000x128xi32, #tpu.memory_space<hbm>> -> memref<200x128xi32, #tpu.memory_space<hbm>>
      %dma_wait3A_78 = arith.constant 0 : i32
      %dma_wait3A_79 = tpu.memref_slice %arg7[%add3A_49, %dma_wait3A_78] : memref<160000x128xi32, #tpu.memory_space<hbm>> -> memref<200x128xi32, #tpu.memory_space<hbm>>
      tpu.wait_dma2 semaphore(%arg19 : memref<!tpu.dma_semaphore, #tpu.memory_space<semaphore_mem>>) src(%arg11 : memref<200x128xi32, #tpu.memory_space<vmem>>) dst(%dma_wait3A_79 : memref<200x128xi32, #tpu.memory_space<hbm>>)
      %dma_wait3A_80 = arith.constant 0 : i32
      %dma_wait3A_81 = tpu.memref_slice %arg6[%add3A_62, %dma_wait3A_80] : memref<160000x128xi32, #tpu.memory_space<hbm>> -> memref<200x128xi32, #tpu.memory_space<hbm>>
      %dma_wait3A_82 = arith.constant 0 : i32
      %dma_wait3A_83 = tpu.memref_slice %arg6[%add3A_62, %dma_wait3A_82] : memref<160000x128xi32, #tpu.memory_space<hbm>> -> memref<200x128xi32, #tpu.memory_space<hbm>>
      tpu.wait_dma2 semaphore(%arg20 : memref<!tpu.dma_semaphore, #tpu.memory_space<semaphore_mem>>) src(%arg12 : memref<200x128xi32, #tpu.memory_space<vmem>>) dst(%dma_wait3A_83 : memref<200x128xi32, #tpu.memory_space<hbm>>)
      %dma_wait3A_84 = arith.constant 0 : i32
      %dma_wait3A_85 = tpu.memref_slice %arg7[%add3A_67, %dma_wait3A_84] : memref<160000x128xi32, #tpu.memory_space<hbm>> -> memref<200x128xi32, #tpu.memory_space<hbm>>
      %dma_wait3A_86 = arith.constant 0 : i32
      %dma_wait3A_87 = tpu.memref_slice %arg7[%add3A_67, %dma_wait3A_86] : memref<160000x128xi32, #tpu.memory_space<hbm>> -> memref<200x128xi32, #tpu.memory_space<hbm>>
      tpu.wait_dma2 semaphore(%arg21 : memref<!tpu.dma_semaphore, #tpu.memory_space<semaphore_mem>>) src(%arg13 : memref<200x128xi32, #tpu.memory_space<vmem>>) dst(%dma_wait3A_87 : memref<200x128xi32, #tpu.memory_space<hbm>>)
    }
    %scan3A_7 = arith.constant 13 : i32
    return
  }
}

#map = affine_map<(d0, d1) -> (0)>
#map1 = affine_map<(d0, d1) -> (0, 0, 0)>
module attributes {stable_mosaic.version = 14 : i64} {
  func.func @k(%arg0: i32, %arg1: i32, %arg2: memref<320000xi32, #tpu.memory_space<hbm>>, %arg3: memref<2x10000x128xf32, #tpu.memory_space<hbm>>, %arg4: memref<200xi32, #tpu.memory_space<vmem>>, %arg5: memref<200x128xf32, #tpu.memory_space<vmem>>, %arg6: memref<10800x128xf32, #tpu.memory_space<vmem_shared>>) attributes {dimension_semantics = [#tpu.dimension_semantics<core_parallel>, #tpu.dimension_semantics<subcore_parallel>], iteration_bounds = array<i64: 2, 16>, scalar_prefetch = 0 : i64, scratch_operands = 3 : i64, tpu.core_type = #tpu.core_type<sc_vector_subcore>, window_params = [{transform_indices = #map}, {transform_indices = #map1}]} {
    %broadcast_in_dim3A = arith.constant 0.000000e+00 : f32
    %broadcast_in_dim3A_0 = vector.broadcast %broadcast_in_dim3A : f32 to vector<16xf32>
    %scan3A = arith.constant 0 : i32
    %scan3A_1 = arith.constant 0 : i32
    %scan3A_2 = arith.constant 1600 : i32
    %scan3A_3 = arith.addi %scan3A_1, %scan3A_2 : i32
    %scan3A_4 = arith.constant 1 : i32
    scf.for %scan3A_33 = %scan3A_1 to %scan3A_3 step %scan3A_4  : i32 {
      %jit3A = arith.constant 8 : i32
      %div3A = arith.divsi %scan3A_33, %jit3A : i32
      %sign3A = arith.constant 0 : i32
      %sign3A_34 = arith.cmpi sgt, %scan3A_33, %sign3A : i32
      %sign3A_35 = arith.extui %sign3A_34 : i1 to i32
      %sign3A_36 = arith.constant 0 : i32
      %sign3A_37 = arith.cmpi slt, %scan3A_33, %sign3A_36 : i32
      %sign3A_38 = arith.extui %sign3A_37 : i1 to i32
      %sign3A_39 = arith.subi %sign3A_35, %sign3A_38 : i32
      %sign3A_40 = arith.constant 0 : i32
      %sign3A_41 = arith.cmpi sgt, %jit3A, %sign3A_40 : i32
      %sign3A_42 = arith.extui %sign3A_41 : i1 to i32
      %sign3A_43 = arith.constant 0 : i32
      %sign3A_44 = arith.cmpi slt, %jit3A, %sign3A_43 : i32
      %sign3A_45 = arith.extui %sign3A_44 : i1 to i32
      %sign3A_46 = arith.subi %sign3A_42, %sign3A_45 : i32
      %ne3A = arith.cmpi ne, %sign3A_39, %sign3A_46 : i32
      %rem3A = arith.remsi %scan3A_33, %jit3A : i32
      %ne3A_47 = arith.constant 0 : i32
      %ne3A_48 = arith.cmpi ne, %rem3A, %ne3A_47 : i32
      %and3A = arith.andi %ne3A, %ne3A_48 : i1
      %sub3A = arith.constant 1 : i32
      %sub3A_49 = arith.subi %div3A, %sub3A : i32
      %select_n3A = arith.select %and3A, %sub3A_49, %div3A : i32
      %jit3A_50 = arith.constant 8 : i32
      %eq3A = arith.constant 0 : i32
      %eq3A_51 = arith.cmpi eq, %jit3A_50, %eq3A : i32
      %jit3A_52 = arith.constant 1 : i32
      %select_n3A_53 = arith.select %eq3A_51, %jit3A_52, %jit3A_50 : i32
      %rem3A_54 = arith.remsi %scan3A_33, %select_n3A_53 : i32
      %ne3A_55 = arith.constant 0 : i32
      %ne3A_56 = arith.cmpi ne, %rem3A_54, %ne3A_55 : i32
      %lt3A = arith.constant 0 : i32
      %lt3A_57 = arith.cmpi slt, %rem3A_54, %lt3A : i32
      %lt3A_58 = arith.constant 0 : i32
      %lt3A_59 = arith.cmpi slt, %select_n3A_53, %lt3A_58 : i32
      %ne3A_60 = arith.xori %lt3A_57, %lt3A_59 : i1
      %and3A_61 = arith.andi %ne3A_60, %ne3A_56 : i1
      %add3A = arith.addi %rem3A_54, %select_n3A_53 : i32
      %select_n3A_62 = arith.select %and3A_61, %add3A, %rem3A_54 : i32
      %mul3A = arith.constant 16 : i32
      %mul3A_63 = arith.muli %select_n3A_62, %mul3A : i32
      %swap3A = arith.index_cast %select_n3A : i32 to index
      %swap3A_64 = arith.index_cast %mul3A_63 : i32 to index
      %swap3A_65 = tpu.vector_load %arg5[%swap3A, %swap3A_64] {strides = array<i32>} : memref<200x128xf32, #tpu.memory_space<vmem>>, vector<1x16xf32>,
      %swap3A_66 = vector.shape_cast %swap3A_65 : vector<1x16xf32> to vector<16xf32>
      %swap3A_67 = vector.shape_cast %broadcast_in_dim3A_0 : vector<16xf32> to vector<1x16xf32>
      tpu.vector_store %arg5[%swap3A, %swap3A_64], %swap3A_67 {strides = array<i32>} : memref<200x128xf32, #tpu.memory_space<vmem>>, vector<1x16xf32>,
    }
    %scan3A_5 = arith.constant 1600 : i32
    %scan3A_6 = arith.constant 0 : i32
    %scan3A_7 = arith.constant 0 : i32
    %scan3A_8 = arith.constant 4 : i32
    %scan3A_9 = arith.addi %scan3A_7, %scan3A_8 : i32
    %scan3A_10 = arith.constant 1 : i32
    scf.for %scan3A_33 = %scan3A_7 to %scan3A_9 step %scan3A_10  : i32 {
      %mul3A = arith.constant 16 : i32
      %mul3A_34 = arith.muli %scan3A_33, %mul3A : i32
      %add3A = arith.addi %arg1, %mul3A_34 : i32
      %lt3A = arith.constant 54 : i32
      %lt3A_35 = arith.cmpi slt, %add3A, %lt3A : i32
      %convert_element_type3A = arith.extui %lt3A_35 : i1 to i32
      %cond3A = arith.constant 0 : i32
      %cond3A_36 = arith.cmpi ne, %convert_element_type3A, %cond3A : i32
      scf.if %cond3A_36 {
        %mul3A_37 = arith.constant 200 : i32
        %mul3A_38 = arith.muli %add3A, %mul3A_37 : i32
        "tpu.region"() ({
          %run_scoped3A = tpu.sem_alloc : memref<!tpu.dma_semaphore, #tpu.memory_space<semaphore_mem>>
          %dma_start3A = arith.constant 0 : i32
          %dma_start3A_39 = tpu.memref_slice %arg6[%mul3A_38, %dma_start3A] : memref<10800x128xf32, #tpu.memory_space<vmem_shared>> -> memref<200x128xf32, #tpu.memory_space<vmem_shared>>
          %dma_start3A_40 = arith.constant 0 : i32
          %dma_start3A_41 = tpu.memref_slice %arg6[%mul3A_38, %dma_start3A_40] : memref<10800x128xf32, #tpu.memory_space<vmem_shared>> -> memref<200x128xf32, #tpu.memory_space<vmem_shared>>
          tpu.enqueue_dma source(%arg5 : memref<200x128xf32, #tpu.memory_space<vmem>>) target(%dma_start3A_41 : memref<200x128xf32, #tpu.memory_space<vmem_shared>>) target_semaphore(%run_scoped3A : memref<!tpu.dma_semaphore, #tpu.memory_space<semaphore_mem>>)
          %dma_wait3A = arith.constant 0 : i32
          %dma_wait3A_42 = tpu.memref_slice %arg6[%mul3A_38, %dma_wait3A] : memref<10800x128xf32, #tpu.memory_space<vmem_shared>> -> memref<200x128xf32, #tpu.memory_space<vmem_shared>>
          %dma_wait3A_43 = arith.constant 0 : i32
          %dma_wait3A_44 = tpu.memref_slice %arg6[%mul3A_38, %dma_wait3A_43] : memref<10800x128xf32, #tpu.memory_space<vmem_shared>> -> memref<200x128xf32, #tpu.memory_space<vmem_shared>>
          tpu.wait_dma2 semaphore(%run_scoped3A : memref<!tpu.dma_semaphore, #tpu.memory_space<semaphore_mem>>) src(%arg5 : memref<200x128xf32, #tpu.memory_space<vmem>>) dst(%dma_wait3A_44 : memref<200x128xf32, #tpu.memory_space<vmem_shared>>)
          tpu.yield
        }) : () -> ()
      } else {
      }
    }
    %scan3A_11 = arith.constant 4 : i32
    %barrier3A = arith.constant 0 : index
    tpu.barrier barrier_id(%barrier3A)
    %broadcast_in_dim3A_12 = arith.constant 1.000000e+00 : f32
    %broadcast_in_dim3A_13 = vector.broadcast %broadcast_in_dim3A_12 : f32 to vector<16xf32>
    %scan3A_14 = arith.constant 0 : i32
    %scan3A_15 = arith.constant 0 : i32
    %scan3A_16 = arith.constant 1600 : i32
    %scan3A_17 = arith.addi %scan3A_15, %scan3A_16 : i32
    %scan3A_18 = arith.constant 1 : i32
    scf.for %scan3A_33 = %scan3A_15 to %scan3A_17 step %scan3A_18  : i32 {
      %jit3A = arith.constant 8 : i32
      %div3A = arith.divsi %scan3A_33, %jit3A : i32
      %sign3A = arith.constant 0 : i32
      %sign3A_34 = arith.cmpi sgt, %scan3A_33, %sign3A : i32
      %sign3A_35 = arith.extui %sign3A_34 : i1 to i32
      %sign3A_36 = arith.constant 0 : i32
      %sign3A_37 = arith.cmpi slt, %scan3A_33, %sign3A_36 : i32
      %sign3A_38 = arith.extui %sign3A_37 : i1 to i32
      %sign3A_39 = arith.subi %sign3A_35, %sign3A_38 : i32
      %sign3A_40 = arith.constant 0 : i32
      %sign3A_41 = arith.cmpi sgt, %jit3A, %sign3A_40 : i32
      %sign3A_42 = arith.extui %sign3A_41 : i1 to i32
      %sign3A_43 = arith.constant 0 : i32
      %sign3A_44 = arith.cmpi slt, %jit3A, %sign3A_43 : i32
      %sign3A_45 = arith.extui %sign3A_44 : i1 to i32
      %sign3A_46 = arith.subi %sign3A_42, %sign3A_45 : i32
      %ne3A = arith.cmpi ne, %sign3A_39, %sign3A_46 : i32
      %rem3A = arith.remsi %scan3A_33, %jit3A : i32
      %ne3A_47 = arith.constant 0 : i32
      %ne3A_48 = arith.cmpi ne, %rem3A, %ne3A_47 : i32
      %and3A = arith.andi %ne3A, %ne3A_48 : i1
      %sub3A = arith.constant 1 : i32
      %sub3A_49 = arith.subi %div3A, %sub3A : i32
      %select_n3A = arith.select %and3A, %sub3A_49, %div3A : i32
      %jit3A_50 = arith.constant 8 : i32
      %eq3A = arith.constant 0 : i32
      %eq3A_51 = arith.cmpi eq, %jit3A_50, %eq3A : i32
      %jit3A_52 = arith.constant 1 : i32
      %select_n3A_53 = arith.select %eq3A_51, %jit3A_52, %jit3A_50 : i32
      %rem3A_54 = arith.remsi %scan3A_33, %select_n3A_53 : i32
      %ne3A_55 = arith.constant 0 : i32
      %ne3A_56 = arith.cmpi ne, %rem3A_54, %ne3A_55 : i32
      %lt3A = arith.constant 0 : i32
      %lt3A_57 = arith.cmpi slt, %rem3A_54, %lt3A : i32
      %lt3A_58 = arith.constant 0 : i32
      %lt3A_59 = arith.cmpi slt, %select_n3A_53, %lt3A_58 : i32
      %ne3A_60 = arith.xori %lt3A_57, %lt3A_59 : i1
      %and3A_61 = arith.andi %ne3A_60, %ne3A_56 : i1
      %add3A = arith.addi %rem3A_54, %select_n3A_53 : i32
      %select_n3A_62 = arith.select %and3A_61, %add3A, %rem3A_54 : i32
      %mul3A = arith.constant 16 : i32
      %mul3A_63 = arith.muli %select_n3A_62, %mul3A : i32
      %swap3A = arith.index_cast %select_n3A : i32 to index
      %swap3A_64 = arith.index_cast %mul3A_63 : i32 to index
      %swap3A_65 = tpu.vector_load %arg5[%swap3A, %swap3A_64] {strides = array<i32>} : memref<200x128xf32, #tpu.memory_space<vmem>>, vector<1x16xf32>,
      %swap3A_66 = vector.shape_cast %swap3A_65 : vector<1x16xf32> to vector<16xf32>
      %swap3A_67 = vector.shape_cast %broadcast_in_dim3A_13 : vector<16xf32> to vector<1x16xf32>
      tpu.vector_store %arg5[%swap3A, %swap3A_64], %swap3A_67 {strides = array<i32>} : memref<200x128xf32, #tpu.memory_space<vmem>>, vector<1x16xf32>,
    }
    %scan3A_19 = arith.constant 1600 : i32
    %scan3A_20 = arith.constant 0 : i32
    %scan3A_21 = arith.constant 0 : i32
    %scan3A_22 = arith.constant 50 : i32
    %scan3A_23 = arith.addi %scan3A_21, %scan3A_22 : i32
    %scan3A_24 = arith.constant 1 : i32
    scf.for %scan3A_33 = %scan3A_21 to %scan3A_23 step %scan3A_24  : i32 {
      %mul3A = arith.constant 160000 : i32
      %mul3A_34 = arith.muli %arg0, %mul3A : i32
      %mul3A_35 = arith.constant 10000 : i32
      %mul3A_36 = arith.muli %arg1, %mul3A_35 : i32
      %add3A = arith.addi %mul3A_34, %mul3A_36 : i32
      %mul3A_37 = arith.constant 200 : i32
      %mul3A_38 = arith.muli %scan3A_33, %mul3A_37 : i32
      %add3A_39 = arith.addi %add3A, %mul3A_38 : i32
      "tpu.region"() ({
        %run_scoped3A = tpu.sem_alloc : memref<!tpu.dma_semaphore, #tpu.memory_space<semaphore_mem>>
        %dma_start3A = tpu.memref_slice %arg2[%add3A_39] : memref<320000xi32, #tpu.memory_space<hbm>> -> memref<200xi32, #tpu.memory_space<hbm>>
        %dma_start3A_40 = tpu.memref_slice %arg2[%add3A_39] : memref<320000xi32, #tpu.memory_space<hbm>> -> memref<200xi32, #tpu.memory_space<hbm>>
        tpu.enqueue_dma source(%dma_start3A_40 : memref<200xi32, #tpu.memory_space<hbm>>) target(%arg4 : memref<200xi32, #tpu.memory_space<vmem>>) target_semaphore(%run_scoped3A : memref<!tpu.dma_semaphore, #tpu.memory_space<semaphore_mem>>)
        %dma_wait3A = tpu.memref_slice %arg2[%add3A_39] : memref<320000xi32, #tpu.memory_space<hbm>> -> memref<200xi32, #tpu.memory_space<hbm>>
        %dma_wait3A_41 = tpu.memref_slice %arg2[%add3A_39] : memref<320000xi32, #tpu.memory_space<hbm>> -> memref<200xi32, #tpu.memory_space<hbm>>
        tpu.wait_dma2 semaphore(%run_scoped3A : memref<!tpu.dma_semaphore, #tpu.memory_space<semaphore_mem>>) src(%dma_wait3A_41 : memref<200xi32, #tpu.memory_space<hbm>>) dst(%arg4 : memref<200xi32, #tpu.memory_space<vmem>>)
        tpu.yield
      }) : () -> ()
      "tpu.region"() ({
        %run_scoped3A = tpu.sem_alloc : memref<!tpu.dma_semaphore, #tpu.memory_space<semaphore_mem>>
        %dma_start3A = arith.constant 0 : i32
        %dma_start3A_40 = arith.constant 0 : i32
        %dma_start3A_41 = tpu.memref_slice %arg6[%dma_start3A, %dma_start3A_40] : memref<10800x128xf32, #tpu.memory_space<vmem_shared>> -> memref<10800x128xf32, #tpu.memory_space<vmem_shared>>
        tpu.enqueue_indirect_dma source(%arg5 : memref<200x128xf32, #tpu.memory_space<vmem>>) target(%dma_start3A_41 : memref<10800x128xf32, #tpu.memory_space<vmem_shared>>) offsets(%arg4 : memref<200xi32, #tpu.memory_space<vmem>>) semaphore(%run_scoped3A : memref<!tpu.dma_semaphore, #tpu.memory_space<semaphore_mem>>) {add = true}
        %dma_wait3A = arith.constant 0 : i32
        %dma_wait3A_42 = arith.constant 0 : i32
        %dma_wait3A_43 = tpu.memref_slice %arg6[%dma_wait3A, %dma_wait3A_42] : memref<10800x128xf32, #tpu.memory_space<vmem_shared>> -> memref<10800x128xf32, #tpu.memory_space<vmem_shared>>
        tpu.wait_indirect_dma semaphore(%run_scoped3A : memref<!tpu.dma_semaphore, #tpu.memory_space<semaphore_mem>>) src(%arg5 : memref<200x128xf32, #tpu.memory_space<vmem>>) dst(%dma_wait3A_43 : memref<10800x128xf32, #tpu.memory_space<vmem_shared>>)
        tpu.yield
      }) : () -> ()
    }
    %scan3A_25 = arith.constant 50 : i32
    %barrier3A_26 = arith.constant 0 : index
    tpu.barrier barrier_id(%barrier3A_26)
    %scan3A_27 = arith.constant 0 : i32
    %scan3A_28 = arith.constant 0 : i32
    %scan3A_29 = arith.constant 4 : i32
    %scan3A_30 = arith.addi %scan3A_28, %scan3A_29 : i32
    %scan3A_31 = arith.constant 1 : i32
    scf.for %scan3A_33 = %scan3A_28 to %scan3A_30 step %scan3A_31  : i32 {
      %mul3A = arith.constant 16 : i32
      %mul3A_34 = arith.muli %scan3A_33, %mul3A : i32
      %add3A = arith.addi %arg1, %mul3A_34 : i32
      %lt3A = arith.constant 50 : i32
      %lt3A_35 = arith.cmpi slt, %add3A, %lt3A : i32
      %convert_element_type3A = arith.extui %lt3A_35 : i1 to i32
      %cond3A = arith.constant 0 : i32
      %cond3A_36 = arith.cmpi ne, %convert_element_type3A, %cond3A : i32
      scf.if %cond3A_36 {
        %mul3A_37 = arith.constant 200 : i32
        %mul3A_38 = arith.muli %add3A, %mul3A_37 : i32
        "tpu.region"() ({
          %run_scoped3A = tpu.sem_alloc : memref<!tpu.dma_semaphore, #tpu.memory_space<semaphore_mem>>
          %dma_start3A = arith.constant 0 : i32
          %dma_start3A_48 = tpu.memref_slice %arg6[%mul3A_38, %dma_start3A] : memref<10800x128xf32, #tpu.memory_space<vmem_shared>> -> memref<200x128xf32, #tpu.memory_space<vmem_shared>>
          %dma_start3A_49 = arith.constant 0 : i32
          %dma_start3A_50 = tpu.memref_slice %arg6[%mul3A_38, %dma_start3A_49] : memref<10800x128xf32, #tpu.memory_space<vmem_shared>> -> memref<200x128xf32, #tpu.memory_space<vmem_shared>>
          tpu.enqueue_dma source(%dma_start3A_50 : memref<200x128xf32, #tpu.memory_space<vmem_shared>>) target(%arg5 : memref<200x128xf32, #tpu.memory_space<vmem>>) target_semaphore(%run_scoped3A : memref<!tpu.dma_semaphore, #tpu.memory_space<semaphore_mem>>)
          %dma_wait3A = arith.constant 0 : i32
          %dma_wait3A_51 = tpu.memref_slice %arg6[%mul3A_38, %dma_wait3A] : memref<10800x128xf32, #tpu.memory_space<vmem_shared>> -> memref<200x128xf32, #tpu.memory_space<vmem_shared>>
          %dma_wait3A_52 = arith.constant 0 : i32
          %dma_wait3A_53 = tpu.memref_slice %arg6[%mul3A_38, %dma_wait3A_52] : memref<10800x128xf32, #tpu.memory_space<vmem_shared>> -> memref<200x128xf32, #tpu.memory_space<vmem_shared>>
          tpu.wait_dma2 semaphore(%run_scoped3A : memref<!tpu.dma_semaphore, #tpu.memory_space<semaphore_mem>>) src(%dma_wait3A_53 : memref<200x128xf32, #tpu.memory_space<vmem_shared>>) dst(%arg5 : memref<200x128xf32, #tpu.memory_space<vmem>>)
          tpu.yield
        }) : () -> ()
        %eq3A = arith.constant 0 : i32
        %eq3A_39 = arith.cmpi eq, %arg0, %eq3A : i32
        %convert_element_type3A_40 = arith.extui %eq3A_39 : i1 to i32
        %cond3A_41 = arith.constant 0 : i32
        %cond3A_42 = arith.cmpi ne, %convert_element_type3A_40, %cond3A_41 : i32
        scf.if %cond3A_42 {
          %run_scoped3A = arith.constant 0 : i32
          "tpu.region"() ({
            %run_scoped3A_48 = tpu.sem_alloc : memref<!tpu.dma_semaphore, #tpu.memory_space<semaphore_mem>>
            %dma_start3A = arith.constant 0 : i32
            %dma_start3A_49 = tpu.memref_slice %arg3[%run_scoped3A, %mul3A_38, %dma_start3A] : memref<2x10000x128xf32, #tpu.memory_space<hbm>> -> memref<1x200x128xf32, #tpu.memory_space<hbm>>
            %dma_start3A_50 = tpu.memref_squeeze %dma_start3A_49 : memref<1x200x128xf32, #tpu.memory_space<hbm>> -> memref<200x128xf32, #tpu.memory_space<hbm>>
            %dma_start3A_51 = arith.constant 0 : i32
            %dma_start3A_52 = tpu.memref_slice %arg3[%run_scoped3A, %mul3A_38, %dma_start3A_51] : memref<2x10000x128xf32, #tpu.memory_space<hbm>> -> memref<1x200x128xf32, #tpu.memory_space<hbm>>
            %dma_start3A_53 = tpu.memref_squeeze %dma_start3A_52 : memref<1x200x128xf32, #tpu.memory_space<hbm>> -> memref<200x128xf32, #tpu.memory_space<hbm>>
            tpu.enqueue_dma source(%arg5 : memref<200x128xf32, #tpu.memory_space<vmem>>) target(%dma_start3A_53 : memref<200x128xf32, #tpu.memory_space<hbm>>) target_semaphore(%run_scoped3A_48 : memref<!tpu.dma_semaphore, #tpu.memory_space<semaphore_mem>>)
            %dma_wait3A = arith.constant 0 : i32
            %dma_wait3A_54 = tpu.memref_slice %arg3[%run_scoped3A, %mul3A_38, %dma_wait3A] : memref<2x10000x128xf32, #tpu.memory_space<hbm>> -> memref<1x200x128xf32, #tpu.memory_space<hbm>>
            %dma_wait3A_55 = tpu.memref_squeeze %dma_wait3A_54 : memref<1x200x128xf32, #tpu.memory_space<hbm>> -> memref<200x128xf32, #tpu.memory_space<hbm>>
            %dma_wait3A_56 = arith.constant 0 : i32
            %dma_wait3A_57 = tpu.memref_slice %arg3[%run_scoped3A, %mul3A_38, %dma_wait3A_56] : memref<2x10000x128xf32, #tpu.memory_space<hbm>> -> memref<1x200x128xf32, #tpu.memory_space<hbm>>
            %dma_wait3A_58 = tpu.memref_squeeze %dma_wait3A_57 : memref<1x200x128xf32, #tpu.memory_space<hbm>> -> memref<200x128xf32, #tpu.memory_space<hbm>>
            tpu.wait_dma2 semaphore(%run_scoped3A_48 : memref<!tpu.dma_semaphore, #tpu.memory_space<semaphore_mem>>) src(%arg5 : memref<200x128xf32, #tpu.memory_space<vmem>>) dst(%dma_wait3A_58 : memref<200x128xf32, #tpu.memory_space<hbm>>)
            tpu.yield
          }) : () -> ()
        } else {
        }
        %eq3A_43 = arith.constant 1 : i32
        %eq3A_44 = arith.cmpi eq, %arg0, %eq3A_43 : i32
        %convert_element_type3A_45 = arith.extui %eq3A_44 : i1 to i32
        %cond3A_46 = arith.constant 0 : i32
        %cond3A_47 = arith.cmpi ne, %convert_element_type3A_45, %cond3A_46 : i32
        scf.if %cond3A_47 {
          %run_scoped3A = arith.constant 1 : i32
          "tpu.region"() ({
            %run_scoped3A_48 = tpu.sem_alloc : memref<!tpu.dma_semaphore, #tpu.memory_space<semaphore_mem>>
            %dma_start3A = arith.constant 0 : i32
            %dma_start3A_49 = tpu.memref_slice %arg3[%run_scoped3A, %mul3A_38, %dma_start3A] : memref<2x10000x128xf32, #tpu.memory_space<hbm>> -> memref<1x200x128xf32, #tpu.memory_space<hbm>>
            %dma_start3A_50 = tpu.memref_squeeze %dma_start3A_49 : memref<1x200x128xf32, #tpu.memory_space<hbm>> -> memref<200x128xf32, #tpu.memory_space<hbm>>
            %dma_start3A_51 = arith.constant 0 : i32
            %dma_start3A_52 = tpu.memref_slice %arg3[%run_scoped3A, %mul3A_38, %dma_start3A_51] : memref<2x10000x128xf32, #tpu.memory_space<hbm>> -> memref<1x200x128xf32, #tpu.memory_space<hbm>>
            %dma_start3A_53 = tpu.memref_squeeze %dma_start3A_52 : memref<1x200x128xf32, #tpu.memory_space<hbm>> -> memref<200x128xf32, #tpu.memory_space<hbm>>
            tpu.enqueue_dma source(%arg5 : memref<200x128xf32, #tpu.memory_space<vmem>>) target(%dma_start3A_53 : memref<200x128xf32, #tpu.memory_space<hbm>>) target_semaphore(%run_scoped3A_48 : memref<!tpu.dma_semaphore, #tpu.memory_space<semaphore_mem>>)
            %dma_wait3A = arith.constant 0 : i32
            %dma_wait3A_54 = tpu.memref_slice %arg3[%run_scoped3A, %mul3A_38, %dma_wait3A] : memref<2x10000x128xf32, #tpu.memory_space<hbm>> -> memref<1x200x128xf32, #tpu.memory_space<hbm>>
            %dma_wait3A_55 = tpu.memref_squeeze %dma_wait3A_54 : memref<1x200x128xf32, #tpu.memory_space<hbm>> -> memref<200x128xf32, #tpu.memory_space<hbm>>
            %dma_wait3A_56 = arith.constant 0 : i32
            %dma_wait3A_57 = tpu.memref_slice %arg3[%run_scoped3A, %mul3A_38, %dma_wait3A_56] : memref<2x10000x128xf32, #tpu.memory_space<hbm>> -> memref<1x200x128xf32, #tpu.memory_space<hbm>>
            %dma_wait3A_58 = tpu.memref_squeeze %dma_wait3A_57 : memref<1x200x128xf32, #tpu.memory_space<hbm>> -> memref<200x128xf32, #tpu.memory_space<hbm>>
            tpu.wait_dma2 semaphore(%run_scoped3A_48 : memref<!tpu.dma_semaphore, #tpu.memory_space<semaphore_mem>>) src(%arg5 : memref<200x128xf32, #tpu.memory_space<vmem>>) dst(%dma_wait3A_58 : memref<200x128xf32, #tpu.memory_space<hbm>>)
            tpu.yield
          }) : () -> ()
        } else {
        }
      } else {
      }
    }
    %scan3A_32 = arith.constant 4 : i32
    return
  }
}

#map = affine_map<(d0, d1) -> (0, 0)>
#map1 = affine_map<(d0, d1) -> (0)>
#map2 = affine_map<(d0, d1) -> (0, 0, 0)>
module attributes {stable_mosaic.version = 14 : i64} {
  func.func @k(%arg0: i32, %arg1: i32, %arg2: memref<160000x128xf32, #tpu.memory_space<hbm>>, %arg3: memref<320000xi32, #tpu.memory_space<hbm>>, %arg4: memref<2x10000x128xf32, #tpu.memory_space<hbm>>, %arg5: memref<200xi32, #tpu.memory_space<vmem>>, %arg6: memref<200x128xf32, #tpu.memory_space<vmem>>, %arg7: memref<10800x128xf32, #tpu.memory_space<vmem_shared>>) attributes {dimension_semantics = [#tpu.dimension_semantics<core_parallel>, #tpu.dimension_semantics<subcore_parallel>], iteration_bounds = array<i64: 2, 16>, scalar_prefetch = 0 : i64, scratch_operands = 3 : i64, tpu.core_type = #tpu.core_type<sc_vector_subcore>, window_params = [{transform_indices = #map}, {transform_indices = #map1}, {transform_indices = #map2}]} {
    %broadcast_in_dim3A = arith.constant 0.000000e+00 : f32
    %broadcast_in_dim3A_0 = vector.broadcast %broadcast_in_dim3A : f32 to vector<16xf32>
    %scan3A = arith.constant 0 : i32
    %scan3A_1 = arith.constant 0 : i32
    %scan3A_2 = arith.constant 1600 : i32
    %scan3A_3 = arith.addi %scan3A_1, %scan3A_2 : i32
    %scan3A_4 = arith.constant 1 : i32
    scf.for %scan3A_25 = %scan3A_1 to %scan3A_3 step %scan3A_4  : i32 {
      %jit3A = arith.constant 8 : i32
      %div3A = arith.divsi %scan3A_25, %jit3A : i32
      %sign3A = arith.constant 0 : i32
      %sign3A_26 = arith.cmpi sgt, %scan3A_25, %sign3A : i32
      %sign3A_27 = arith.extui %sign3A_26 : i1 to i32
      %sign3A_28 = arith.constant 0 : i32
      %sign3A_29 = arith.cmpi slt, %scan3A_25, %sign3A_28 : i32
      %sign3A_30 = arith.extui %sign3A_29 : i1 to i32
      %sign3A_31 = arith.subi %sign3A_27, %sign3A_30 : i32
      %sign3A_32 = arith.constant 0 : i32
      %sign3A_33 = arith.cmpi sgt, %jit3A, %sign3A_32 : i32
      %sign3A_34 = arith.extui %sign3A_33 : i1 to i32
      %sign3A_35 = arith.constant 0 : i32
      %sign3A_36 = arith.cmpi slt, %jit3A, %sign3A_35 : i32
      %sign3A_37 = arith.extui %sign3A_36 : i1 to i32
      %sign3A_38 = arith.subi %sign3A_34, %sign3A_37 : i32
      %ne3A = arith.cmpi ne, %sign3A_31, %sign3A_38 : i32
      %rem3A = arith.remsi %scan3A_25, %jit3A : i32
      %ne3A_39 = arith.constant 0 : i32
      %ne3A_40 = arith.cmpi ne, %rem3A, %ne3A_39 : i32
      %and3A = arith.andi %ne3A, %ne3A_40 : i1
      %sub3A = arith.constant 1 : i32
      %sub3A_41 = arith.subi %div3A, %sub3A : i32
      %select_n3A = arith.select %and3A, %sub3A_41, %div3A : i32
      %jit3A_42 = arith.constant 8 : i32
      %eq3A = arith.constant 0 : i32
      %eq3A_43 = arith.cmpi eq, %jit3A_42, %eq3A : i32
      %jit3A_44 = arith.constant 1 : i32
      %select_n3A_45 = arith.select %eq3A_43, %jit3A_44, %jit3A_42 : i32
      %rem3A_46 = arith.remsi %scan3A_25, %select_n3A_45 : i32
      %ne3A_47 = arith.constant 0 : i32
      %ne3A_48 = arith.cmpi ne, %rem3A_46, %ne3A_47 : i32
      %lt3A = arith.constant 0 : i32
      %lt3A_49 = arith.cmpi slt, %rem3A_46, %lt3A : i32
      %lt3A_50 = arith.constant 0 : i32
      %lt3A_51 = arith.cmpi slt, %select_n3A_45, %lt3A_50 : i32
      %ne3A_52 = arith.xori %lt3A_49, %lt3A_51 : i1
      %and3A_53 = arith.andi %ne3A_52, %ne3A_48 : i1
      %add3A = arith.addi %rem3A_46, %select_n3A_45 : i32
      %select_n3A_54 = arith.select %and3A_53, %add3A, %rem3A_46 : i32
      %mul3A = arith.constant 16 : i32
      %mul3A_55 = arith.muli %select_n3A_54, %mul3A : i32
      %swap3A = arith.index_cast %select_n3A : i32 to index
      %swap3A_56 = arith.index_cast %mul3A_55 : i32 to index
      %swap3A_57 = tpu.vector_load %arg6[%swap3A, %swap3A_56] {strides = array<i32>} : memref<200x128xf32, #tpu.memory_space<vmem>>, vector<1x16xf32>,
      %swap3A_58 = vector.shape_cast %swap3A_57 : vector<1x16xf32> to vector<16xf32>
      %swap3A_59 = vector.shape_cast %broadcast_in_dim3A_0 : vector<16xf32> to vector<1x16xf32>
      tpu.vector_store %arg6[%swap3A, %swap3A_56], %swap3A_59 {strides = array<i32>} : memref<200x128xf32, #tpu.memory_space<vmem>>, vector<1x16xf32>,
    }
    %scan3A_5 = arith.constant 1600 : i32
    %scan3A_6 = arith.constant 0 : i32
    %scan3A_7 = arith.constant 0 : i32
    %scan3A_8 = arith.constant 4 : i32
    %scan3A_9 = arith.addi %scan3A_7, %scan3A_8 : i32
    %scan3A_10 = arith.constant 1 : i32
    scf.for %scan3A_25 = %scan3A_7 to %scan3A_9 step %scan3A_10  : i32 {
      %mul3A = arith.constant 16 : i32
      %mul3A_26 = arith.muli %scan3A_25, %mul3A : i32
      %add3A = arith.addi %arg1, %mul3A_26 : i32
      %lt3A = arith.constant 54 : i32
      %lt3A_27 = arith.cmpi slt, %add3A, %lt3A : i32
      %convert_element_type3A = arith.extui %lt3A_27 : i1 to i32
      %cond3A = arith.constant 0 : i32
      %cond3A_28 = arith.cmpi ne, %convert_element_type3A, %cond3A : i32
      scf.if %cond3A_28 {
        %mul3A_29 = arith.constant 200 : i32
        %mul3A_30 = arith.muli %add3A, %mul3A_29 : i32
        "tpu.region"() ({
          %run_scoped3A = tpu.sem_alloc : memref<!tpu.dma_semaphore, #tpu.memory_space<semaphore_mem>>
          %dma_start3A = arith.constant 0 : i32
          %dma_start3A_31 = tpu.memref_slice %arg7[%mul3A_30, %dma_start3A] : memref<10800x128xf32, #tpu.memory_space<vmem_shared>> -> memref<200x128xf32, #tpu.memory_space<vmem_shared>>
          %dma_start3A_32 = arith.constant 0 : i32
          %dma_start3A_33 = tpu.memref_slice %arg7[%mul3A_30, %dma_start3A_32] : memref<10800x128xf32, #tpu.memory_space<vmem_shared>> -> memref<200x128xf32, #tpu.memory_space<vmem_shared>>
          tpu.enqueue_dma source(%arg6 : memref<200x128xf32, #tpu.memory_space<vmem>>) target(%dma_start3A_33 : memref<200x128xf32, #tpu.memory_space<vmem_shared>>) target_semaphore(%run_scoped3A : memref<!tpu.dma_semaphore, #tpu.memory_space<semaphore_mem>>)
          %dma_wait3A = arith.constant 0 : i32
          %dma_wait3A_34 = tpu.memref_slice %arg7[%mul3A_30, %dma_wait3A] : memref<10800x128xf32, #tpu.memory_space<vmem_shared>> -> memref<200x128xf32, #tpu.memory_space<vmem_shared>>
          %dma_wait3A_35 = arith.constant 0 : i32
          %dma_wait3A_36 = tpu.memref_slice %arg7[%mul3A_30, %dma_wait3A_35] : memref<10800x128xf32, #tpu.memory_space<vmem_shared>> -> memref<200x128xf32, #tpu.memory_space<vmem_shared>>
          tpu.wait_dma2 semaphore(%run_scoped3A : memref<!tpu.dma_semaphore, #tpu.memory_space<semaphore_mem>>) src(%arg6 : memref<200x128xf32, #tpu.memory_space<vmem>>) dst(%dma_wait3A_36 : memref<200x128xf32, #tpu.memory_space<vmem_shared>>)
          tpu.yield
        }) : () -> ()
      } else {
      }
    }
    %scan3A_11 = arith.constant 4 : i32
    %barrier3A = arith.constant 0 : index
    tpu.barrier barrier_id(%barrier3A)
    %scan3A_12 = arith.constant 0 : i32
    %scan3A_13 = arith.constant 0 : i32
    %scan3A_14 = arith.constant 50 : i32
    %scan3A_15 = arith.addi %scan3A_13, %scan3A_14 : i32
    %scan3A_16 = arith.constant 1 : i32
    scf.for %scan3A_25 = %scan3A_13 to %scan3A_15 step %scan3A_16  : i32 {
      %mul3A = arith.constant 10000 : i32
      %mul3A_26 = arith.muli %arg1, %mul3A : i32
      %mul3A_27 = arith.constant 200 : i32
      %mul3A_28 = arith.muli %scan3A_25, %mul3A_27 : i32
      %add3A = arith.addi %mul3A_26, %mul3A_28 : i32
      %mul3A_29 = arith.constant 160000 : i32
      %mul3A_30 = arith.muli %arg0, %mul3A_29 : i32
      %add3A_31 = arith.addi %mul3A_30, %add3A : i32
      "tpu.region"() ({
        %run_scoped3A = tpu.sem_alloc : memref<!tpu.dma_semaphore, #tpu.memory_space<semaphore_mem>>
        %dma_start3A = tpu.memref_slice %arg3[%add3A_31] : memref<320000xi32, #tpu.memory_space<hbm>> -> memref<200xi32, #tpu.memory_space<hbm>>
        %dma_start3A_32 = tpu.memref_slice %arg3[%add3A_31] : memref<320000xi32, #tpu.memory_space<hbm>> -> memref<200xi32, #tpu.memory_space<hbm>>
        tpu.enqueue_dma source(%dma_start3A_32 : memref<200xi32, #tpu.memory_space<hbm>>) target(%arg5 : memref<200xi32, #tpu.memory_space<vmem>>) target_semaphore(%run_scoped3A : memref<!tpu.dma_semaphore, #tpu.memory_space<semaphore_mem>>)
        %dma_wait3A = tpu.memref_slice %arg3[%add3A_31] : memref<320000xi32, #tpu.memory_space<hbm>> -> memref<200xi32, #tpu.memory_space<hbm>>
        %dma_wait3A_33 = tpu.memref_slice %arg3[%add3A_31] : memref<320000xi32, #tpu.memory_space<hbm>> -> memref<200xi32, #tpu.memory_space<hbm>>
        tpu.wait_dma2 semaphore(%run_scoped3A : memref<!tpu.dma_semaphore, #tpu.memory_space<semaphore_mem>>) src(%dma_wait3A_33 : memref<200xi32, #tpu.memory_space<hbm>>) dst(%arg5 : memref<200xi32, #tpu.memory_space<vmem>>)
        tpu.yield
      }) : () -> ()
      "tpu.region"() ({
        %run_scoped3A = tpu.sem_alloc : memref<!tpu.dma_semaphore, #tpu.memory_space<semaphore_mem>>
        %dma_start3A = arith.constant 0 : i32
        %dma_start3A_32 = tpu.memref_slice %arg2[%add3A, %dma_start3A] : memref<160000x128xf32, #tpu.memory_space<hbm>> -> memref<200x128xf32, #tpu.memory_space<hbm>>
        %dma_start3A_33 = arith.constant 0 : i32
        %dma_start3A_34 = tpu.memref_slice %arg2[%add3A, %dma_start3A_33] : memref<160000x128xf32, #tpu.memory_space<hbm>> -> memref<200x128xf32, #tpu.memory_space<hbm>>
        tpu.enqueue_dma source(%dma_start3A_34 : memref<200x128xf32, #tpu.memory_space<hbm>>) target(%arg6 : memref<200x128xf32, #tpu.memory_space<vmem>>) target_semaphore(%run_scoped3A : memref<!tpu.dma_semaphore, #tpu.memory_space<semaphore_mem>>)
        %dma_wait3A = arith.constant 0 : i32
        %dma_wait3A_35 = tpu.memref_slice %arg2[%add3A, %dma_wait3A] : memref<160000x128xf32, #tpu.memory_space<hbm>> -> memref<200x128xf32, #tpu.memory_space<hbm>>
        %dma_wait3A_36 = arith.constant 0 : i32
        %dma_wait3A_37 = tpu.memref_slice %arg2[%add3A, %dma_wait3A_36] : memref<160000x128xf32, #tpu.memory_space<hbm>> -> memref<200x128xf32, #tpu.memory_space<hbm>>
        tpu.wait_dma2 semaphore(%run_scoped3A : memref<!tpu.dma_semaphore, #tpu.memory_space<semaphore_mem>>) src(%dma_wait3A_37 : memref<200x128xf32, #tpu.memory_space<hbm>>) dst(%arg6 : memref<200x128xf32, #tpu.memory_space<vmem>>)
        tpu.yield
      }) : () -> ()
      "tpu.region"() ({
        %run_scoped3A = tpu.sem_alloc : memref<!tpu.dma_semaphore, #tpu.memory_space<semaphore_mem>>
        %dma_start3A = arith.constant 0 : i32
        %dma_start3A_32 = arith.constant 0 : i32
        %dma_start3A_33 = tpu.memref_slice %arg7[%dma_start3A, %dma_start3A_32] : memref<10800x128xf32, #tpu.memory_space<vmem_shared>> -> memref<10800x128xf32, #tpu.memory_space<vmem_shared>>
        tpu.enqueue_indirect_dma source(%arg6 : memref<200x128xf32, #tpu.memory_space<vmem>>) target(%dma_start3A_33 : memref<10800x128xf32, #tpu.memory_space<vmem_shared>>) offsets(%arg5 : memref<200xi32, #tpu.memory_space<vmem>>) semaphore(%run_scoped3A : memref<!tpu.dma_semaphore, #tpu.memory_space<semaphore_mem>>) {add = true}
        %dma_wait3A = arith.constant 0 : i32
        %dma_wait3A_34 = arith.constant 0 : i32
        %dma_wait3A_35 = tpu.memref_slice %arg7[%dma_wait3A, %dma_wait3A_34] : memref<10800x128xf32, #tpu.memory_space<vmem_shared>> -> memref<10800x128xf32, #tpu.memory_space<vmem_shared>>
        tpu.wait_indirect_dma semaphore(%run_scoped3A : memref<!tpu.dma_semaphore, #tpu.memory_space<semaphore_mem>>) src(%arg6 : memref<200x128xf32, #tpu.memory_space<vmem>>) dst(%dma_wait3A_35 : memref<10800x128xf32, #tpu.memory_space<vmem_shared>>)
        tpu.yield
      }) : () -> ()
    }
    %scan3A_17 = arith.constant 50 : i32
    %barrier3A_18 = arith.constant 0 : index
    tpu.barrier barrier_id(%barrier3A_18)
    %scan3A_19 = arith.constant 0 : i32
    %scan3A_20 = arith.constant 0 : i32
    %scan3A_21 = arith.constant 4 : i32
    %scan3A_22 = arith.addi %scan3A_20, %scan3A_21 : i32
    %scan3A_23 = arith.constant 1 : i32
    scf.for %scan3A_25 = %scan3A_20 to %scan3A_22 step %scan3A_23  : i32 {
      %mul3A = arith.constant 16 : i32
      %mul3A_26 = arith.muli %scan3A_25, %mul3A : i32
      %add3A = arith.addi %arg1, %mul3A_26 : i32
      %lt3A = arith.constant 50 : i32
      %lt3A_27 = arith.cmpi slt, %add3A, %lt3A : i32
      %convert_element_type3A = arith.extui %lt3A_27 : i1 to i32
      %cond3A = arith.constant 0 : i32
      %cond3A_28 = arith.cmpi ne, %convert_element_type3A, %cond3A : i32
      scf.if %cond3A_28 {
        %mul3A_29 = arith.constant 200 : i32
        %mul3A_30 = arith.muli %add3A, %mul3A_29 : i32
        "tpu.region"() ({
          %run_scoped3A = tpu.sem_alloc : memref<!tpu.dma_semaphore, #tpu.memory_space<semaphore_mem>>
          %dma_start3A = arith.constant 0 : i32
          %dma_start3A_40 = tpu.memref_slice %arg7[%mul3A_30, %dma_start3A] : memref<10800x128xf32, #tpu.memory_space<vmem_shared>> -> memref<200x128xf32, #tpu.memory_space<vmem_shared>>
          %dma_start3A_41 = arith.constant 0 : i32
          %dma_start3A_42 = tpu.memref_slice %arg7[%mul3A_30, %dma_start3A_41] : memref<10800x128xf32, #tpu.memory_space<vmem_shared>> -> memref<200x128xf32, #tpu.memory_space<vmem_shared>>
          tpu.enqueue_dma source(%dma_start3A_42 : memref<200x128xf32, #tpu.memory_space<vmem_shared>>) target(%arg6 : memref<200x128xf32, #tpu.memory_space<vmem>>) target_semaphore(%run_scoped3A : memref<!tpu.dma_semaphore, #tpu.memory_space<semaphore_mem>>)
          %dma_wait3A = arith.constant 0 : i32
          %dma_wait3A_43 = tpu.memref_slice %arg7[%mul3A_30, %dma_wait3A] : memref<10800x128xf32, #tpu.memory_space<vmem_shared>> -> memref<200x128xf32, #tpu.memory_space<vmem_shared>>
          %dma_wait3A_44 = arith.constant 0 : i32
          %dma_wait3A_45 = tpu.memref_slice %arg7[%mul3A_30, %dma_wait3A_44] : memref<10800x128xf32, #tpu.memory_space<vmem_shared>> -> memref<200x128xf32, #tpu.memory_space<vmem_shared>>
          tpu.wait_dma2 semaphore(%run_scoped3A : memref<!tpu.dma_semaphore, #tpu.memory_space<semaphore_mem>>) src(%dma_wait3A_45 : memref<200x128xf32, #tpu.memory_space<vmem_shared>>) dst(%arg6 : memref<200x128xf32, #tpu.memory_space<vmem>>)
          tpu.yield
        }) : () -> ()
        %eq3A = arith.constant 0 : i32
        %eq3A_31 = arith.cmpi eq, %arg0, %eq3A : i32
        %convert_element_type3A_32 = arith.extui %eq3A_31 : i1 to i32
        %cond3A_33 = arith.constant 0 : i32
        %cond3A_34 = arith.cmpi ne, %convert_element_type3A_32, %cond3A_33 : i32
        scf.if %cond3A_34 {
          %run_scoped3A = arith.constant 0 : i32
          "tpu.region"() ({
            %run_scoped3A_40 = tpu.sem_alloc : memref<!tpu.dma_semaphore, #tpu.memory_space<semaphore_mem>>
            %dma_start3A = arith.constant 0 : i32
            %dma_start3A_41 = tpu.memref_slice %arg4[%run_scoped3A, %mul3A_30, %dma_start3A] : memref<2x10000x128xf32, #tpu.memory_space<hbm>> -> memref<1x200x128xf32, #tpu.memory_space<hbm>>
            %dma_start3A_42 = tpu.memref_squeeze %dma_start3A_41 : memref<1x200x128xf32, #tpu.memory_space<hbm>> -> memref<200x128xf32, #tpu.memory_space<hbm>>
            %dma_start3A_43 = arith.constant 0 : i32
            %dma_start3A_44 = tpu.memref_slice %arg4[%run_scoped3A, %mul3A_30, %dma_start3A_43] : memref<2x10000x128xf32, #tpu.memory_space<hbm>> -> memref<1x200x128xf32, #tpu.memory_space<hbm>>
            %dma_start3A_45 = tpu.memref_squeeze %dma_start3A_44 : memref<1x200x128xf32, #tpu.memory_space<hbm>> -> memref<200x128xf32, #tpu.memory_space<hbm>>
            tpu.enqueue_dma source(%arg6 : memref<200x128xf32, #tpu.memory_space<vmem>>) target(%dma_start3A_45 : memref<200x128xf32, #tpu.memory_space<hbm>>) target_semaphore(%run_scoped3A_40 : memref<!tpu.dma_semaphore, #tpu.memory_space<semaphore_mem>>)
            %dma_wait3A = arith.constant 0 : i32
            %dma_wait3A_46 = tpu.memref_slice %arg4[%run_scoped3A, %mul3A_30, %dma_wait3A] : memref<2x10000x128xf32, #tpu.memory_space<hbm>> -> memref<1x200x128xf32, #tpu.memory_space<hbm>>
            %dma_wait3A_47 = tpu.memref_squeeze %dma_wait3A_46 : memref<1x200x128xf32, #tpu.memory_space<hbm>> -> memref<200x128xf32, #tpu.memory_space<hbm>>
            %dma_wait3A_48 = arith.constant 0 : i32
            %dma_wait3A_49 = tpu.memref_slice %arg4[%run_scoped3A, %mul3A_30, %dma_wait3A_48] : memref<2x10000x128xf32, #tpu.memory_space<hbm>> -> memref<1x200x128xf32, #tpu.memory_space<hbm>>
            %dma_wait3A_50 = tpu.memref_squeeze %dma_wait3A_49 : memref<1x200x128xf32, #tpu.memory_space<hbm>> -> memref<200x128xf32, #tpu.memory_space<hbm>>
            tpu.wait_dma2 semaphore(%run_scoped3A_40 : memref<!tpu.dma_semaphore, #tpu.memory_space<semaphore_mem>>) src(%arg6 : memref<200x128xf32, #tpu.memory_space<vmem>>) dst(%dma_wait3A_50 : memref<200x128xf32, #tpu.memory_space<hbm>>)
            tpu.yield
          }) : () -> ()
        } else {
        }
        %eq3A_35 = arith.constant 1 : i32
        %eq3A_36 = arith.cmpi eq, %arg0, %eq3A_35 : i32
        %convert_element_type3A_37 = arith.extui %eq3A_36 : i1 to i32
        %cond3A_38 = arith.constant 0 : i32
        %cond3A_39 = arith.cmpi ne, %convert_element_type3A_37, %cond3A_38 : i32
        scf.if %cond3A_39 {
          %run_scoped3A = arith.constant 1 : i32
          "tpu.region"() ({
            %run_scoped3A_40 = tpu.sem_alloc : memref<!tpu.dma_semaphore, #tpu.memory_space<semaphore_mem>>
            %dma_start3A = arith.constant 0 : i32
            %dma_start3A_41 = tpu.memref_slice %arg4[%run_scoped3A, %mul3A_30, %dma_start3A] : memref<2x10000x128xf32, #tpu.memory_space<hbm>> -> memref<1x200x128xf32, #tpu.memory_space<hbm>>
            %dma_start3A_42 = tpu.memref_squeeze %dma_start3A_41 : memref<1x200x128xf32, #tpu.memory_space<hbm>> -> memref<200x128xf32, #tpu.memory_space<hbm>>
            %dma_start3A_43 = arith.constant 0 : i32
            %dma_start3A_44 = tpu.memref_slice %arg4[%run_scoped3A, %mul3A_30, %dma_start3A_43] : memref<2x10000x128xf32, #tpu.memory_space<hbm>> -> memref<1x200x128xf32, #tpu.memory_space<hbm>>
            %dma_start3A_45 = tpu.memref_squeeze %dma_start3A_44 : memref<1x200x128xf32, #tpu.memory_space<hbm>> -> memref<200x128xf32, #tpu.memory_space<hbm>>
            tpu.enqueue_dma source(%arg6 : memref<200x128xf32, #tpu.memory_space<vmem>>) target(%dma_start3A_45 : memref<200x128xf32, #tpu.memory_space<hbm>>) target_semaphore(%run_scoped3A_40 : memref<!tpu.dma_semaphore, #tpu.memory_space<semaphore_mem>>)
            %dma_wait3A = arith.constant 0 : i32
            %dma_wait3A_46 = tpu.memref_slice %arg4[%run_scoped3A, %mul3A_30, %dma_wait3A] : memref<2x10000x128xf32, #tpu.memory_space<hbm>> -> memref<1x200x128xf32, #tpu.memory_space<hbm>>
            %dma_wait3A_47 = tpu.memref_squeeze %dma_wait3A_46 : memref<1x200x128xf32, #tpu.memory_space<hbm>> -> memref<200x128xf32, #tpu.memory_space<hbm>>
            %dma_wait3A_48 = arith.constant 0 : i32
            %dma_wait3A_49 = tpu.memref_slice %arg4[%run_scoped3A, %mul3A_30, %dma_wait3A_48] : memref<2x10000x128xf32, #tpu.memory_space<hbm>> -> memref<1x200x128xf32, #tpu.memory_space<hbm>>
            %dma_wait3A_50 = tpu.memref_squeeze %dma_wait3A_49 : memref<1x200x128xf32, #tpu.memory_space<hbm>> -> memref<200x128xf32, #tpu.memory_space<hbm>>
            tpu.wait_dma2 semaphore(%run_scoped3A_40 : memref<!tpu.dma_semaphore, #tpu.memory_space<semaphore_mem>>) src(%arg6 : memref<200x128xf32, #tpu.memory_space<vmem>>) dst(%dma_wait3A_50 : memref<200x128xf32, #tpu.memory_space<hbm>>)
            tpu.yield
          }) : () -> ()
        } else {
        }
      } else {
      }
    }
    %scan3A_24 = arith.constant 4 : i32
    return
  }
}

#map = affine_map<(d0, d1) -> (0, 0)>
#map1 = affine_map<(d0, d1) -> (0)>
module attributes {stable_mosaic.version = 14 : i64} {
  func.func @k(%arg0: i32, %arg1: i32, %arg2: memref<20000x128xi32, #tpu.memory_space<hbm>>, %arg3: memref<20000x128xi32, #tpu.memory_space<hbm>>, %arg4: memref<160000xi32, #tpu.memory_space<hbm>>, %arg5: memref<160000xi32, #tpu.memory_space<hbm>>, %arg6: memref<160000x128xi32, #tpu.memory_space<hbm>>, %arg7: memref<160000x128xi32, #tpu.memory_space<hbm>>, %arg8: memref<5000xi32, #tpu.memory_space<vmem>>, %arg9: memref<5000xi32, #tpu.memory_space<vmem>>, %arg10: memref<200x128xi32, #tpu.memory_space<vmem>>, %arg11: memref<200x128xi32, #tpu.memory_space<vmem>>, %arg12: memref<200x128xi32, #tpu.memory_space<vmem>>, %arg13: memref<200x128xi32, #tpu.memory_space<vmem>>, %arg14: memref<!tpu.dma_semaphore, #tpu.memory_space<semaphore_mem>>, %arg15: memref<!tpu.dma_semaphore, #tpu.memory_space<semaphore_mem>>, %arg16: memref<!tpu.dma_semaphore, #tpu.memory_space<semaphore_mem>>, %arg17: memref<!tpu.dma_semaphore, #tpu.memory_space<semaphore_mem>>, %arg18: memref<!tpu.dma_semaphore, #tpu.memory_space<semaphore_mem>>, %arg19: memref<!tpu.dma_semaphore, #tpu.memory_space<semaphore_mem>>, %arg20: memref<!tpu.dma_semaphore, #tpu.memory_space<semaphore_mem>>, %arg21: memref<!tpu.dma_semaphore, #tpu.memory_space<semaphore_mem>>) attributes {dimension_semantics = [#tpu.dimension_semantics<core_parallel>, #tpu.dimension_semantics<subcore_parallel>], iteration_bounds = array<i64: 2, 16>, scalar_prefetch = 0 : i64, scratch_operands = 14 : i64, tpu.core_type = #tpu.core_type<sc_vector_subcore>, window_params = [{transform_indices = #map}, {transform_indices = #map}, {transform_indices = #map1}, {transform_indices = #map1}, {transform_indices = #map}, {transform_indices = #map}]} {
    %mul3A = arith.constant 2 : i32
    %mul3A_0 = arith.muli %arg1, %mul3A : i32
    %add3A = arith.addi %mul3A_0, %arg0 : i32
    %mul3A_1 = arith.constant 5000 : i32
    %mul3A_2 = arith.muli %add3A, %mul3A_1 : i32
    "tpu.region"() ({
      %run_scoped3A = tpu.sem_alloc : memref<!tpu.dma_semaphore, #tpu.memory_space<semaphore_mem>>
      %dma_start3A = tpu.memref_slice %arg4[%mul3A_2] : memref<160000xi32, #tpu.memory_space<hbm>> -> memref<5000xi32, #tpu.memory_space<hbm>>
      %dma_start3A_8 = tpu.memref_slice %arg4[%mul3A_2] : memref<160000xi32, #tpu.memory_space<hbm>> -> memref<5000xi32, #tpu.memory_space<hbm>>
      tpu.enqueue_dma source(%dma_start3A_8 : memref<5000xi32, #tpu.memory_space<hbm>>) target(%arg8 : memref<5000xi32, #tpu.memory_space<vmem>>) target_semaphore(%run_scoped3A : memref<!tpu.dma_semaphore, #tpu.memory_space<semaphore_mem>>)
      %dma_wait3A = tpu.memref_slice %arg4[%mul3A_2] : memref<160000xi32, #tpu.memory_space<hbm>> -> memref<5000xi32, #tpu.memory_space<hbm>>
      %dma_wait3A_9 = tpu.memref_slice %arg4[%mul3A_2] : memref<160000xi32, #tpu.memory_space<hbm>> -> memref<5000xi32, #tpu.memory_space<hbm>>
      tpu.wait_dma2 semaphore(%run_scoped3A : memref<!tpu.dma_semaphore, #tpu.memory_space<semaphore_mem>>) src(%dma_wait3A_9 : memref<5000xi32, #tpu.memory_space<hbm>>) dst(%arg8 : memref<5000xi32, #tpu.memory_space<vmem>>)
      tpu.yield
    }) : () -> ()
    "tpu.region"() ({
      %run_scoped3A = tpu.sem_alloc : memref<!tpu.dma_semaphore, #tpu.memory_space<semaphore_mem>>
      %dma_start3A = tpu.memref_slice %arg5[%mul3A_2] : memref<160000xi32, #tpu.memory_space<hbm>> -> memref<5000xi32, #tpu.memory_space<hbm>>
      %dma_start3A_8 = tpu.memref_slice %arg5[%mul3A_2] : memref<160000xi32, #tpu.memory_space<hbm>> -> memref<5000xi32, #tpu.memory_space<hbm>>
      tpu.enqueue_dma source(%dma_start3A_8 : memref<5000xi32, #tpu.memory_space<hbm>>) target(%arg9 : memref<5000xi32, #tpu.memory_space<vmem>>) target_semaphore(%run_scoped3A : memref<!tpu.dma_semaphore, #tpu.memory_space<semaphore_mem>>)
      %dma_wait3A = tpu.memref_slice %arg5[%mul3A_2] : memref<160000xi32, #tpu.memory_space<hbm>> -> memref<5000xi32, #tpu.memory_space<hbm>>
      %dma_wait3A_9 = tpu.memref_slice %arg5[%mul3A_2] : memref<160000xi32, #tpu.memory_space<hbm>> -> memref<5000xi32, #tpu.memory_space<hbm>>
      tpu.wait_dma2 semaphore(%run_scoped3A : memref<!tpu.dma_semaphore, #tpu.memory_space<semaphore_mem>>) src(%dma_wait3A_9 : memref<5000xi32, #tpu.memory_space<hbm>>) dst(%arg9 : memref<5000xi32, #tpu.memory_space<vmem>>)
      tpu.yield
    }) : () -> ()
    %scan3A = arith.constant 0 : i32
    %scan3A_3 = arith.constant 0 : i32
    %scan3A_4 = arith.constant 13 : i32
    %scan3A_5 = arith.addi %scan3A_3, %scan3A_4 : i32
    %scan3A_6 = arith.constant 1 : i32
    scf.for %scan3A_8 = %scan3A_3 to %scan3A_5 step %scan3A_6  : i32 {
      %mul3A_9 = arith.constant 2 : i32
      %mul3A_10 = arith.muli %mul3A_9, %scan3A_8 : i32
      %mul3A_11 = arith.constant 200 : i32
      %mul3A_12 = arith.muli %mul3A_10, %mul3A_11 : i32
      %min3A = arith.constant 4800 : i32
      %min3A_13 = arith.minsi %mul3A_12, %min3A : i32
      %mul3A_14 = arith.constant 2 : i32
      %mul3A_15 = arith.muli %mul3A_14, %scan3A_8 : i32
      %add3A_16 = arith.constant 1 : i32
      %add3A_17 = arith.addi %mul3A_15, %add3A_16 : i32
      %mul3A_18 = arith.constant 200 : i32
      %mul3A_19 = arith.muli %add3A_17, %mul3A_18 : i32
      %min3A_20 = arith.constant 4800 : i32
      %min3A_21 = arith.minsi %mul3A_19, %min3A_20 : i32
      %dma_start3A = tpu.memref_slice %arg8[%min3A_13] : memref<5000xi32, #tpu.memory_space<vmem>> -> memref<200xi32, #tpu.memory_space<vmem>>
      %dma_start3A_22 = arith.constant 0 : i32
      %dma_start3A_23 = arith.constant 0 : i32
      %dma_start3A_24 = tpu.memref_slice %arg2[%dma_start3A_22, %dma_start3A_23] : memref<20000x128xi32, #tpu.memory_space<hbm>> -> memref<20000x128xi32, #tpu.memory_space<hbm>>
      tpu.enqueue_indirect_dma source(%dma_start3A_24 : memref<20000x128xi32, #tpu.memory_space<hbm>>) target(%arg10 : memref<200x128xi32, #tpu.memory_space<vmem>>) offsets(%dma_start3A : memref<200xi32, #tpu.memory_space<vmem>>) semaphore(%arg14 : memref<!tpu.dma_semaphore, #tpu.memory_space<semaphore_mem>>)
      %dma_start3A_25 = tpu.memref_slice %arg9[%min3A_13] : memref<5000xi32, #tpu.memory_space<vmem>> -> memref<200xi32, #tpu.memory_space<vmem>>
      %dma_start3A_26 = arith.constant 0 : i32
      %dma_start3A_27 = arith.constant 0 : i32
      %dma_start3A_28 = tpu.memref_slice %arg3[%dma_start3A_26, %dma_start3A_27] : memref<20000x128xi32, #tpu.memory_space<hbm>> -> memref<20000x128xi32, #tpu.memory_space<hbm>>
      tpu.enqueue_indirect_dma source(%dma_start3A_28 : memref<20000x128xi32, #tpu.memory_space<hbm>>) target(%arg11 : memref<200x128xi32, #tpu.memory_space<vmem>>) offsets(%dma_start3A_25 : memref<200xi32, #tpu.memory_space<vmem>>) semaphore(%arg15 : memref<!tpu.dma_semaphore, #tpu.memory_space<semaphore_mem>>)
      %dma_start3A_29 = tpu.memref_slice %arg8[%min3A_21] : memref<5000xi32, #tpu.memory_space<vmem>> -> memref<200xi32, #tpu.memory_space<vmem>>
      %dma_start3A_30 = arith.constant 0 : i32
      %dma_start3A_31 = arith.constant 0 : i32
      %dma_start3A_32 = tpu.memref_slice %arg2[%dma_start3A_30, %dma_start3A_31] : memref<20000x128xi32, #tpu.memory_space<hbm>> -> memref<20000x128xi32, #tpu.memory_space<hbm>>
      tpu.enqueue_indirect_dma source(%dma_start3A_32 : memref<20000x128xi32, #tpu.memory_space<hbm>>) target(%arg12 : memref<200x128xi32, #tpu.memory_space<vmem>>) offsets(%dma_start3A_29 : memref<200xi32, #tpu.memory_space<vmem>>) semaphore(%arg16 : memref<!tpu.dma_semaphore, #tpu.memory_space<semaphore_mem>>)
      %dma_start3A_33 = tpu.memref_slice %arg9[%min3A_21] : memref<5000xi32, #tpu.memory_space<vmem>> -> memref<200xi32, #tpu.memory_space<vmem>>
      %dma_start3A_34 = arith.constant 0 : i32
      %dma_start3A_35 = arith.constant 0 : i32
      %dma_start3A_36 = tpu.memref_slice %arg3[%dma_start3A_34, %dma_start3A_35] : memref<20000x128xi32, #tpu.memory_space<hbm>> -> memref<20000x128xi32, #tpu.memory_space<hbm>>
      tpu.enqueue_indirect_dma source(%dma_start3A_36 : memref<20000x128xi32, #tpu.memory_space<hbm>>) target(%arg13 : memref<200x128xi32, #tpu.memory_space<vmem>>) offsets(%dma_start3A_33 : memref<200xi32, #tpu.memory_space<vmem>>) semaphore(%arg17 : memref<!tpu.dma_semaphore, #tpu.memory_space<semaphore_mem>>)
      %dma_wait3A = tpu.memref_slice %arg8[%min3A_13] : memref<5000xi32, #tpu.memory_space<vmem>> -> memref<200xi32, #tpu.memory_space<vmem>>
      %dma_wait3A_37 = arith.constant 0 : i32
      %dma_wait3A_38 = arith.constant 0 : i32
      %dma_wait3A_39 = tpu.memref_slice %arg2[%dma_wait3A_37, %dma_wait3A_38] : memref<20000x128xi32, #tpu.memory_space<hbm>> -> memref<20000x128xi32, #tpu.memory_space<hbm>>
      tpu.wait_indirect_dma semaphore(%arg14 : memref<!tpu.dma_semaphore, #tpu.memory_space<semaphore_mem>>) src(%dma_wait3A_39 : memref<20000x128xi32, #tpu.memory_space<hbm>>) dst(%arg10 : memref<200x128xi32, #tpu.memory_space<vmem>>)
      %dma_wait3A_40 = tpu.memref_slice %arg9[%min3A_13] : memref<5000xi32, #tpu.memory_space<vmem>> -> memref<200xi32, #tpu.memory_space<vmem>>
      %dma_wait3A_41 = arith.constant 0 : i32
      %dma_wait3A_42 = arith.constant 0 : i32
      %dma_wait3A_43 = tpu.memref_slice %arg3[%dma_wait3A_41, %dma_wait3A_42] : memref<20000x128xi32, #tpu.memory_space<hbm>> -> memref<20000x128xi32, #tpu.memory_space<hbm>>
      tpu.wait_indirect_dma semaphore(%arg15 : memref<!tpu.dma_semaphore, #tpu.memory_space<semaphore_mem>>) src(%dma_wait3A_43 : memref<20000x128xi32, #tpu.memory_space<hbm>>) dst(%arg11 : memref<200x128xi32, #tpu.memory_space<vmem>>)
      %add3A_44 = arith.addi %mul3A_2, %min3A_13 : i32
      %dma_start3A_45 = arith.constant 0 : i32
      %dma_start3A_46 = tpu.memref_slice %arg6[%add3A_44, %dma_start3A_45] : memref<160000x128xi32, #tpu.memory_space<hbm>> -> memref<200x128xi32, #tpu.memory_space<hbm>>
      %dma_start3A_47 = arith.constant 0 : i32
      %dma_start3A_48 = tpu.memref_slice %arg6[%add3A_44, %dma_start3A_47] : memref<160000x128xi32, #tpu.memory_space<hbm>> -> memref<200x128xi32, #tpu.memory_space<hbm>>
      tpu.enqueue_dma source(%arg10 : memref<200x128xi32, #tpu.memory_space<vmem>>) target(%dma_start3A_48 : memref<200x128xi32, #tpu.memory_space<hbm>>) target_semaphore(%arg18 : memref<!tpu.dma_semaphore, #tpu.memory_space<semaphore_mem>>)
      %add3A_49 = arith.addi %mul3A_2, %min3A_13 : i32
      %dma_start3A_50 = arith.constant 0 : i32
      %dma_start3A_51 = tpu.memref_slice %arg7[%add3A_49, %dma_start3A_50] : memref<160000x128xi32, #tpu.memory_space<hbm>> -> memref<200x128xi32, #tpu.memory_space<hbm>>
      %dma_start3A_52 = arith.constant 0 : i32
      %dma_start3A_53 = tpu.memref_slice %arg7[%add3A_49, %dma_start3A_52] : memref<160000x128xi32, #tpu.memory_space<hbm>> -> memref<200x128xi32, #tpu.memory_space<hbm>>
      tpu.enqueue_dma source(%arg11 : memref<200x128xi32, #tpu.memory_space<vmem>>) target(%dma_start3A_53 : memref<200x128xi32, #tpu.memory_space<hbm>>) target_semaphore(%arg19 : memref<!tpu.dma_semaphore, #tpu.memory_space<semaphore_mem>>)
      %dma_wait3A_54 = tpu.memref_slice %arg8[%min3A_21] : memref<5000xi32, #tpu.memory_space<vmem>> -> memref<200xi32, #tpu.memory_space<vmem>>
      %dma_wait3A_55 = arith.constant 0 : i32
      %dma_wait3A_56 = arith.constant 0 : i32
      %dma_wait3A_57 = tpu.memref_slice %arg2[%dma_wait3A_55, %dma_wait3A_56] : memref<20000x128xi32, #tpu.memory_space<hbm>> -> memref<20000x128xi32, #tpu.memory_space<hbm>>
      tpu.wait_indirect_dma semaphore(%arg16 : memref<!tpu.dma_semaphore, #tpu.memory_space<semaphore_mem>>) src(%dma_wait3A_57 : memref<20000x128xi32, #tpu.memory_space<hbm>>) dst(%arg12 : memref<200x128xi32, #tpu.memory_space<vmem>>)
      %dma_wait3A_58 = tpu.memref_slice %arg9[%min3A_21] : memref<5000xi32, #tpu.memory_space<vmem>> -> memref<200xi32, #tpu.memory_space<vmem>>
      %dma_wait3A_59 = arith.constant 0 : i32
      %dma_wait3A_60 = arith.constant 0 : i32
      %dma_wait3A_61 = tpu.memref_slice %arg3[%dma_wait3A_59, %dma_wait3A_60] : memref<20000x128xi32, #tpu.memory_space<hbm>> -> memref<20000x128xi32, #tpu.memory_space<hbm>>
      tpu.wait_indirect_dma semaphore(%arg17 : memref<!tpu.dma_semaphore, #tpu.memory_space<semaphore_mem>>) src(%dma_wait3A_61 : memref<20000x128xi32, #tpu.memory_space<hbm>>) dst(%arg13 : memref<200x128xi32, #tpu.memory_space<vmem>>)
      %add3A_62 = arith.addi %mul3A_2, %min3A_21 : i32
      %dma_start3A_63 = arith.constant 0 : i32
      %dma_start3A_64 = tpu.memref_slice %arg6[%add3A_62, %dma_start3A_63] : memref<160000x128xi32, #tpu.memory_space<hbm>> -> memref<200x128xi32, #tpu.memory_space<hbm>>
      %dma_start3A_65 = arith.constant 0 : i32
      %dma_start3A_66 = tpu.memref_slice %arg6[%add3A_62, %dma_start3A_65] : memref<160000x128xi32, #tpu.memory_space<hbm>> -> memref<200x128xi32, #tpu.memory_space<hbm>>
      tpu.enqueue_dma source(%arg12 : memref<200x128xi32, #tpu.memory_space<vmem>>) target(%dma_start3A_66 : memref<200x128xi32, #tpu.memory_space<hbm>>) target_semaphore(%arg20 : memref<!tpu.dma_semaphore, #tpu.memory_space<semaphore_mem>>)
      %add3A_67 = arith.addi %mul3A_2, %min3A_21 : i32
      %dma_start3A_68 = arith.constant 0 : i32
      %dma_start3A_69 = tpu.memref_slice %arg7[%add3A_67, %dma_start3A_68] : memref<160000x128xi32, #tpu.memory_space<hbm>> -> memref<200x128xi32, #tpu.memory_space<hbm>>
      %dma_start3A_70 = arith.constant 0 : i32
      %dma_start3A_71 = tpu.memref_slice %arg7[%add3A_67, %dma_start3A_70] : memref<160000x128xi32, #tpu.memory_space<hbm>> -> memref<200x128xi32, #tpu.memory_space<hbm>>
      tpu.enqueue_dma source(%arg13 : memref<200x128xi32, #tpu.memory_space<vmem>>) target(%dma_start3A_71 : memref<200x128xi32, #tpu.memory_space<hbm>>) target_semaphore(%arg21 : memref<!tpu.dma_semaphore, #tpu.memory_space<semaphore_mem>>)
      %dma_wait3A_72 = arith.constant 0 : i32
      %dma_wait3A_73 = tpu.memref_slice %arg6[%add3A_44, %dma_wait3A_72] : memref<160000x128xi32, #tpu.memory_space<hbm>> -> memref<200x128xi32, #tpu.memory_space<hbm>>
      %dma_wait3A_74 = arith.constant 0 : i32
      %dma_wait3A_75 = tpu.memref_slice %arg6[%add3A_44, %dma_wait3A_74] : memref<160000x128xi32, #tpu.memory_space<hbm>> -> memref<200x128xi32, #tpu.memory_space<hbm>>
      tpu.wait_dma2 semaphore(%arg18 : memref<!tpu.dma_semaphore, #tpu.memory_space<semaphore_mem>>) src(%arg10 : memref<200x128xi32, #tpu.memory_space<vmem>>) dst(%dma_wait3A_75 : memref<200x128xi32, #tpu.memory_space<hbm>>)
      %dma_wait3A_76 = arith.constant 0 : i32
      %dma_wait3A_77 = tpu.memref_slice %arg7[%add3A_49, %dma_wait3A_76] : memref<160000x128xi32, #tpu.memory_space<hbm>> -> memref<200x128xi32, #tpu.memory_space<hbm>>
      %dma_wait3A_78 = arith.constant 0 : i32
      %dma_wait3A_79 = tpu.memref_slice %arg7[%add3A_49, %dma_wait3A_78] : memref<160000x128xi32, #tpu.memory_space<hbm>> -> memref<200x128xi32, #tpu.memory_space<hbm>>
      tpu.wait_dma2 semaphore(%arg19 : memref<!tpu.dma_semaphore, #tpu.memory_space<semaphore_mem>>) src(%arg11 : memref<200x128xi32, #tpu.memory_space<vmem>>) dst(%dma_wait3A_79 : memref<200x128xi32, #tpu.memory_space<hbm>>)
      %dma_wait3A_80 = arith.constant 0 : i32
      %dma_wait3A_81 = tpu.memref_slice %arg6[%add3A_62, %dma_wait3A_80] : memref<160000x128xi32, #tpu.memory_space<hbm>> -> memref<200x128xi32, #tpu.memory_space<hbm>>
      %dma_wait3A_82 = arith.constant 0 : i32
      %dma_wait3A_83 = tpu.memref_slice %arg6[%add3A_62, %dma_wait3A_82] : memref<160000x128xi32, #tpu.memory_space<hbm>> -> memref<200x128xi32, #tpu.memory_space<hbm>>
      tpu.wait_dma2 semaphore(%arg20 : memref<!tpu.dma_semaphore, #tpu.memory_space<semaphore_mem>>) src(%arg12 : memref<200x128xi32, #tpu.memory_space<vmem>>) dst(%dma_wait3A_83 : memref<200x128xi32, #tpu.memory_space<hbm>>)
      %dma_wait3A_84 = arith.constant 0 : i32
      %dma_wait3A_85 = tpu.memref_slice %arg7[%add3A_67, %dma_wait3A_84] : memref<160000x128xi32, #tpu.memory_space<hbm>> -> memref<200x128xi32, #tpu.memory_space<hbm>>
      %dma_wait3A_86 = arith.constant 0 : i32
      %dma_wait3A_87 = tpu.memref_slice %arg7[%add3A_67, %dma_wait3A_86] : memref<160000x128xi32, #tpu.memory_space<hbm>> -> memref<200x128xi32, #tpu.memory_space<hbm>>
      tpu.wait_dma2 semaphore(%arg21 : memref<!tpu.dma_semaphore, #tpu.memory_space<semaphore_mem>>) src(%arg13 : memref<200x128xi32, #tpu.memory_space<vmem>>) dst(%dma_wait3A_87 : memref<200x128xi32, #tpu.memory_space<hbm>>)
    }
    %scan3A_7 = arith.constant 13 : i32
    return
  }
}

#map = affine_map<(d0, d1) -> (0, 0)>
#map1 = affine_map<(d0, d1) -> (0)>
#map2 = affine_map<(d0, d1) -> (0, 0, 0)>
module attributes {stable_mosaic.version = 14 : i64} {
  func.func @k(%arg0: i32, %arg1: i32, %arg2: memref<160000x128xf32, #tpu.memory_space<hbm>>, %arg3: memref<320000xi32, #tpu.memory_space<hbm>>, %arg4: memref<2x10000x128xf32, #tpu.memory_space<hbm>>, %arg5: memref<200xi32, #tpu.memory_space<vmem>>, %arg6: memref<200x128xf32, #tpu.memory_space<vmem>>, %arg7: memref<10800x128xf32, #tpu.memory_space<vmem_shared>>) attributes {dimension_semantics = [#tpu.dimension_semantics<core_parallel>, #tpu.dimension_semantics<subcore_parallel>], iteration_bounds = array<i64: 2, 16>, scalar_prefetch = 0 : i64, scratch_operands = 3 : i64, tpu.core_type = #tpu.core_type<sc_vector_subcore>, window_params = [{transform_indices = #map}, {transform_indices = #map1}, {transform_indices = #map2}]} {
    %broadcast_in_dim3A = arith.constant 0.000000e+00 : f32
    %broadcast_in_dim3A_0 = vector.broadcast %broadcast_in_dim3A : f32 to vector<16xf32>
    %scan3A = arith.constant 0 : i32
    %scan3A_1 = arith.constant 0 : i32
    %scan3A_2 = arith.constant 1600 : i32
    %scan3A_3 = arith.addi %scan3A_1, %scan3A_2 : i32
    %scan3A_4 = arith.constant 1 : i32
    scf.for %scan3A_25 = %scan3A_1 to %scan3A_3 step %scan3A_4  : i32 {
      %jit3A = arith.constant 8 : i32
      %div3A = arith.divsi %scan3A_25, %jit3A : i32
      %sign3A = arith.constant 0 : i32
      %sign3A_26 = arith.cmpi sgt, %scan3A_25, %sign3A : i32
      %sign3A_27 = arith.extui %sign3A_26 : i1 to i32
      %sign3A_28 = arith.constant 0 : i32
      %sign3A_29 = arith.cmpi slt, %scan3A_25, %sign3A_28 : i32
      %sign3A_30 = arith.extui %sign3A_29 : i1 to i32
      %sign3A_31 = arith.subi %sign3A_27, %sign3A_30 : i32
      %sign3A_32 = arith.constant 0 : i32
      %sign3A_33 = arith.cmpi sgt, %jit3A, %sign3A_32 : i32
      %sign3A_34 = arith.extui %sign3A_33 : i1 to i32
      %sign3A_35 = arith.constant 0 : i32
      %sign3A_36 = arith.cmpi slt, %jit3A, %sign3A_35 : i32
      %sign3A_37 = arith.extui %sign3A_36 : i1 to i32
      %sign3A_38 = arith.subi %sign3A_34, %sign3A_37 : i32
      %ne3A = arith.cmpi ne, %sign3A_31, %sign3A_38 : i32
      %rem3A = arith.remsi %scan3A_25, %jit3A : i32
      %ne3A_39 = arith.constant 0 : i32
      %ne3A_40 = arith.cmpi ne, %rem3A, %ne3A_39 : i32
      %and3A = arith.andi %ne3A, %ne3A_40 : i1
      %sub3A = arith.constant 1 : i32
      %sub3A_41 = arith.subi %div3A, %sub3A : i32
      %select_n3A = arith.select %and3A, %sub3A_41, %div3A : i32
      %jit3A_42 = arith.constant 8 : i32
      %eq3A = arith.constant 0 : i32
      %eq3A_43 = arith.cmpi eq, %jit3A_42, %eq3A : i32
      %jit3A_44 = arith.constant 1 : i32
      %select_n3A_45 = arith.select %eq3A_43, %jit3A_44, %jit3A_42 : i32
      %rem3A_46 = arith.remsi %scan3A_25, %select_n3A_45 : i32
      %ne3A_47 = arith.constant 0 : i32
      %ne3A_48 = arith.cmpi ne, %rem3A_46, %ne3A_47 : i32
      %lt3A = arith.constant 0 : i32
      %lt3A_49 = arith.cmpi slt, %rem3A_46, %lt3A : i32
      %lt3A_50 = arith.constant 0 : i32
      %lt3A_51 = arith.cmpi slt, %select_n3A_45, %lt3A_50 : i32
      %ne3A_52 = arith.xori %lt3A_49, %lt3A_51 : i1
      %and3A_53 = arith.andi %ne3A_52, %ne3A_48 : i1
      %add3A = arith.addi %rem3A_46, %select_n3A_45 : i32
      %select_n3A_54 = arith.select %and3A_53, %add3A, %rem3A_46 : i32
      %mul3A = arith.constant 16 : i32
      %mul3A_55 = arith.muli %select_n3A_54, %mul3A : i32
      %swap3A = arith.index_cast %select_n3A : i32 to index
      %swap3A_56 = arith.index_cast %mul3A_55 : i32 to index
      %swap3A_57 = tpu.vector_load %arg6[%swap3A, %swap3A_56] {strides = array<i32>} : memref<200x128xf32, #tpu.memory_space<vmem>>, vector<1x16xf32>,
      %swap3A_58 = vector.shape_cast %swap3A_57 : vector<1x16xf32> to vector<16xf32>
      %swap3A_59 = vector.shape_cast %broadcast_in_dim3A_0 : vector<16xf32> to vector<1x16xf32>
      tpu.vector_store %arg6[%swap3A, %swap3A_56], %swap3A_59 {strides = array<i32>} : memref<200x128xf32, #tpu.memory_space<vmem>>, vector<1x16xf32>,
    }
    %scan3A_5 = arith.constant 1600 : i32
    %scan3A_6 = arith.constant 0 : i32
    %scan3A_7 = arith.constant 0 : i32
    %scan3A_8 = arith.constant 4 : i32
    %scan3A_9 = arith.addi %scan3A_7, %scan3A_8 : i32
    %scan3A_10 = arith.constant 1 : i32
    scf.for %scan3A_25 = %scan3A_7 to %scan3A_9 step %scan3A_10  : i32 {
      %mul3A = arith.constant 16 : i32
      %mul3A_26 = arith.muli %scan3A_25, %mul3A : i32
      %add3A = arith.addi %arg1, %mul3A_26 : i32
      %lt3A = arith.constant 54 : i32
      %lt3A_27 = arith.cmpi slt, %add3A, %lt3A : i32
      %convert_element_type3A = arith.extui %lt3A_27 : i1 to i32
      %cond3A = arith.constant 0 : i32
      %cond3A_28 = arith.cmpi ne, %convert_element_type3A, %cond3A : i32
      scf.if %cond3A_28 {
        %mul3A_29 = arith.constant 200 : i32
        %mul3A_30 = arith.muli %add3A, %mul3A_29 : i32
        "tpu.region"() ({
          %run_scoped3A = tpu.sem_alloc : memref<!tpu.dma_semaphore, #tpu.memory_space<semaphore_mem>>
          %dma_start3A = arith.constant 0 : i32
          %dma_start3A_31 = tpu.memref_slice %arg7[%mul3A_30, %dma_start3A] : memref<10800x128xf32, #tpu.memory_space<vmem_shared>> -> memref<200x128xf32, #tpu.memory_space<vmem_shared>>
          %dma_start3A_32 = arith.constant 0 : i32
          %dma_start3A_33 = tpu.memref_slice %arg7[%mul3A_30, %dma_start3A_32] : memref<10800x128xf32, #tpu.memory_space<vmem_shared>> -> memref<200x128xf32, #tpu.memory_space<vmem_shared>>
          tpu.enqueue_dma source(%arg6 : memref<200x128xf32, #tpu.memory_space<vmem>>) target(%dma_start3A_33 : memref<200x128xf32, #tpu.memory_space<vmem_shared>>) target_semaphore(%run_scoped3A : memref<!tpu.dma_semaphore, #tpu.memory_space<semaphore_mem>>)
          %dma_wait3A = arith.constant 0 : i32
          %dma_wait3A_34 = tpu.memref_slice %arg7[%mul3A_30, %dma_wait3A] : memref<10800x128xf32, #tpu.memory_space<vmem_shared>> -> memref<200x128xf32, #tpu.memory_space<vmem_shared>>
          %dma_wait3A_35 = arith.constant 0 : i32
          %dma_wait3A_36 = tpu.memref_slice %arg7[%mul3A_30, %dma_wait3A_35] : memref<10800x128xf32, #tpu.memory_space<vmem_shared>> -> memref<200x128xf32, #tpu.memory_space<vmem_shared>>
          tpu.wait_dma2 semaphore(%run_scoped3A : memref<!tpu.dma_semaphore, #tpu.memory_space<semaphore_mem>>) src(%arg6 : memref<200x128xf32, #tpu.memory_space<vmem>>) dst(%dma_wait3A_36 : memref<200x128xf32, #tpu.memory_space<vmem_shared>>)
          tpu.yield
        }) : () -> ()
      } else {
      }
    }
    %scan3A_11 = arith.constant 4 : i32
    %barrier3A = arith.constant 0 : index
    tpu.barrier barrier_id(%barrier3A)
    %scan3A_12 = arith.constant 0 : i32
    %scan3A_13 = arith.constant 0 : i32
    %scan3A_14 = arith.constant 50 : i32
    %scan3A_15 = arith.addi %scan3A_13, %scan3A_14 : i32
    %scan3A_16 = arith.constant 1 : i32
    scf.for %scan3A_25 = %scan3A_13 to %scan3A_15 step %scan3A_16  : i32 {
      %mul3A = arith.constant 10000 : i32
      %mul3A_26 = arith.muli %arg1, %mul3A : i32
      %mul3A_27 = arith.constant 200 : i32
      %mul3A_28 = arith.muli %scan3A_25, %mul3A_27 : i32
      %add3A = arith.addi %mul3A_26, %mul3A_28 : i32
      %mul3A_29 = arith.constant 160000 : i32
      %mul3A_30 = arith.muli %arg0, %mul3A_29 : i32
      %add3A_31 = arith.addi %mul3A_30, %add3A : i32
      "tpu.region"() ({
        %run_scoped3A = tpu.sem_alloc : memref<!tpu.dma_semaphore, #tpu.memory_space<semaphore_mem>>
        %dma_start3A = tpu.memref_slice %arg3[%add3A_31] : memref<320000xi32, #tpu.memory_space<hbm>> -> memref<200xi32, #tpu.memory_space<hbm>>
        %dma_start3A_32 = tpu.memref_slice %arg3[%add3A_31] : memref<320000xi32, #tpu.memory_space<hbm>> -> memref<200xi32, #tpu.memory_space<hbm>>
        tpu.enqueue_dma source(%dma_start3A_32 : memref<200xi32, #tpu.memory_space<hbm>>) target(%arg5 : memref<200xi32, #tpu.memory_space<vmem>>) target_semaphore(%run_scoped3A : memref<!tpu.dma_semaphore, #tpu.memory_space<semaphore_mem>>)
        %dma_wait3A = tpu.memref_slice %arg3[%add3A_31] : memref<320000xi32, #tpu.memory_space<hbm>> -> memref<200xi32, #tpu.memory_space<hbm>>
        %dma_wait3A_33 = tpu.memref_slice %arg3[%add3A_31] : memref<320000xi32, #tpu.memory_space<hbm>> -> memref<200xi32, #tpu.memory_space<hbm>>
        tpu.wait_dma2 semaphore(%run_scoped3A : memref<!tpu.dma_semaphore, #tpu.memory_space<semaphore_mem>>) src(%dma_wait3A_33 : memref<200xi32, #tpu.memory_space<hbm>>) dst(%arg5 : memref<200xi32, #tpu.memory_space<vmem>>)
        tpu.yield
      }) : () -> ()
      "tpu.region"() ({
        %run_scoped3A = tpu.sem_alloc : memref<!tpu.dma_semaphore, #tpu.memory_space<semaphore_mem>>
        %dma_start3A = arith.constant 0 : i32
        %dma_start3A_32 = tpu.memref_slice %arg2[%add3A, %dma_start3A] : memref<160000x128xf32, #tpu.memory_space<hbm>> -> memref<200x128xf32, #tpu.memory_space<hbm>>
        %dma_start3A_33 = arith.constant 0 : i32
        %dma_start3A_34 = tpu.memref_slice %arg2[%add3A, %dma_start3A_33] : memref<160000x128xf32, #tpu.memory_space<hbm>> -> memref<200x128xf32, #tpu.memory_space<hbm>>
        tpu.enqueue_dma source(%dma_start3A_34 : memref<200x128xf32, #tpu.memory_space<hbm>>) target(%arg6 : memref<200x128xf32, #tpu.memory_space<vmem>>) target_semaphore(%run_scoped3A : memref<!tpu.dma_semaphore, #tpu.memory_space<semaphore_mem>>)
        %dma_wait3A = arith.constant 0 : i32
        %dma_wait3A_35 = tpu.memref_slice %arg2[%add3A, %dma_wait3A] : memref<160000x128xf32, #tpu.memory_space<hbm>> -> memref<200x128xf32, #tpu.memory_space<hbm>>
        %dma_wait3A_36 = arith.constant 0 : i32
        %dma_wait3A_37 = tpu.memref_slice %arg2[%add3A, %dma_wait3A_36] : memref<160000x128xf32, #tpu.memory_space<hbm>> -> memref<200x128xf32, #tpu.memory_space<hbm>>
        tpu.wait_dma2 semaphore(%run_scoped3A : memref<!tpu.dma_semaphore, #tpu.memory_space<semaphore_mem>>) src(%dma_wait3A_37 : memref<200x128xf32, #tpu.memory_space<hbm>>) dst(%arg6 : memref<200x128xf32, #tpu.memory_space<vmem>>)
        tpu.yield
      }) : () -> ()
      "tpu.region"() ({
        %run_scoped3A = tpu.sem_alloc : memref<!tpu.dma_semaphore, #tpu.memory_space<semaphore_mem>>
        %dma_start3A = arith.constant 0 : i32
        %dma_start3A_32 = arith.constant 0 : i32
        %dma_start3A_33 = tpu.memref_slice %arg7[%dma_start3A, %dma_start3A_32] : memref<10800x128xf32, #tpu.memory_space<vmem_shared>> -> memref<10800x128xf32, #tpu.memory_space<vmem_shared>>
        tpu.enqueue_indirect_dma source(%arg6 : memref<200x128xf32, #tpu.memory_space<vmem>>) target(%dma_start3A_33 : memref<10800x128xf32, #tpu.memory_space<vmem_shared>>) offsets(%arg5 : memref<200xi32, #tpu.memory_space<vmem>>) semaphore(%run_scoped3A : memref<!tpu.dma_semaphore, #tpu.memory_space<semaphore_mem>>) {add = true}
        %dma_wait3A = arith.constant 0 : i32
        %dma_wait3A_34 = arith.constant 0 : i32
        %dma_wait3A_35 = tpu.memref_slice %arg7[%dma_wait3A, %dma_wait3A_34] : memref<10800x128xf32, #tpu.memory_space<vmem_shared>> -> memref<10800x128xf32, #tpu.memory_space<vmem_shared>>
        tpu.wait_indirect_dma semaphore(%run_scoped3A : memref<!tpu.dma_semaphore, #tpu.memory_space<semaphore_mem>>) src(%arg6 : memref<200x128xf32, #tpu.memory_space<vmem>>) dst(%dma_wait3A_35 : memref<10800x128xf32, #tpu.memory_space<vmem_shared>>)
        tpu.yield
      }) : () -> ()
    }
    %scan3A_17 = arith.constant 50 : i32
    %barrier3A_18 = arith.constant 0 : index
    tpu.barrier barrier_id(%barrier3A_18)
    %scan3A_19 = arith.constant 0 : i32
    %scan3A_20 = arith.constant 0 : i32
    %scan3A_21 = arith.constant 4 : i32
    %scan3A_22 = arith.addi %scan3A_20, %scan3A_21 : i32
    %scan3A_23 = arith.constant 1 : i32
    scf.for %scan3A_25 = %scan3A_20 to %scan3A_22 step %scan3A_23  : i32 {
      %mul3A = arith.constant 16 : i32
      %mul3A_26 = arith.muli %scan3A_25, %mul3A : i32
      %add3A = arith.addi %arg1, %mul3A_26 : i32
      %lt3A = arith.constant 50 : i32
      %lt3A_27 = arith.cmpi slt, %add3A, %lt3A : i32
      %convert_element_type3A = arith.extui %lt3A_27 : i1 to i32
      %cond3A = arith.constant 0 : i32
      %cond3A_28 = arith.cmpi ne, %convert_element_type3A, %cond3A : i32
      scf.if %cond3A_28 {
        %mul3A_29 = arith.constant 200 : i32
        %mul3A_30 = arith.muli %add3A, %mul3A_29 : i32
        "tpu.region"() ({
          %run_scoped3A = tpu.sem_alloc : memref<!tpu.dma_semaphore, #tpu.memory_space<semaphore_mem>>
          %dma_start3A = arith.constant 0 : i32
          %dma_start3A_40 = tpu.memref_slice %arg7[%mul3A_30, %dma_start3A] : memref<10800x128xf32, #tpu.memory_space<vmem_shared>> -> memref<200x128xf32, #tpu.memory_space<vmem_shared>>
          %dma_start3A_41 = arith.constant 0 : i32
          %dma_start3A_42 = tpu.memref_slice %arg7[%mul3A_30, %dma_start3A_41] : memref<10800x128xf32, #tpu.memory_space<vmem_shared>> -> memref<200x128xf32, #tpu.memory_space<vmem_shared>>
          tpu.enqueue_dma source(%dma_start3A_42 : memref<200x128xf32, #tpu.memory_space<vmem_shared>>) target(%arg6 : memref<200x128xf32, #tpu.memory_space<vmem>>) target_semaphore(%run_scoped3A : memref<!tpu.dma_semaphore, #tpu.memory_space<semaphore_mem>>)
          %dma_wait3A = arith.constant 0 : i32
          %dma_wait3A_43 = tpu.memref_slice %arg7[%mul3A_30, %dma_wait3A] : memref<10800x128xf32, #tpu.memory_space<vmem_shared>> -> memref<200x128xf32, #tpu.memory_space<vmem_shared>>
          %dma_wait3A_44 = arith.constant 0 : i32
          %dma_wait3A_45 = tpu.memref_slice %arg7[%mul3A_30, %dma_wait3A_44] : memref<10800x128xf32, #tpu.memory_space<vmem_shared>> -> memref<200x128xf32, #tpu.memory_space<vmem_shared>>
          tpu.wait_dma2 semaphore(%run_scoped3A : memref<!tpu.dma_semaphore, #tpu.memory_space<semaphore_mem>>) src(%dma_wait3A_45 : memref<200x128xf32, #tpu.memory_space<vmem_shared>>) dst(%arg6 : memref<200x128xf32, #tpu.memory_space<vmem>>)
          tpu.yield
        }) : () -> ()
        %eq3A = arith.constant 0 : i32
        %eq3A_31 = arith.cmpi eq, %arg0, %eq3A : i32
        %convert_element_type3A_32 = arith.extui %eq3A_31 : i1 to i32
        %cond3A_33 = arith.constant 0 : i32
        %cond3A_34 = arith.cmpi ne, %convert_element_type3A_32, %cond3A_33 : i32
        scf.if %cond3A_34 {
          %run_scoped3A = arith.constant 0 : i32
          "tpu.region"() ({
            %run_scoped3A_40 = tpu.sem_alloc : memref<!tpu.dma_semaphore, #tpu.memory_space<semaphore_mem>>
            %dma_start3A = arith.constant 0 : i32
            %dma_start3A_41 = tpu.memref_slice %arg4[%run_scoped3A, %mul3A_30, %dma_start3A] : memref<2x10000x128xf32, #tpu.memory_space<hbm>> -> memref<1x200x128xf32, #tpu.memory_space<hbm>>
            %dma_start3A_42 = tpu.memref_squeeze %dma_start3A_41 : memref<1x200x128xf32, #tpu.memory_space<hbm>> -> memref<200x128xf32, #tpu.memory_space<hbm>>
            %dma_start3A_43 = arith.constant 0 : i32
            %dma_start3A_44 = tpu.memref_slice %arg4[%run_scoped3A, %mul3A_30, %dma_start3A_43] : memref<2x10000x128xf32, #tpu.memory_space<hbm>> -> memref<1x200x128xf32, #tpu.memory_space<hbm>>
            %dma_start3A_45 = tpu.memref_squeeze %dma_start3A_44 : memref<1x200x128xf32, #tpu.memory_space<hbm>> -> memref<200x128xf32, #tpu.memory_space<hbm>>
            tpu.enqueue_dma source(%arg6 : memref<200x128xf32, #tpu.memory_space<vmem>>) target(%dma_start3A_45 : memref<200x128xf32, #tpu.memory_space<hbm>>) target_semaphore(%run_scoped3A_40 : memref<!tpu.dma_semaphore, #tpu.memory_space<semaphore_mem>>)
            %dma_wait3A = arith.constant 0 : i32
            %dma_wait3A_46 = tpu.memref_slice %arg4[%run_scoped3A, %mul3A_30, %dma_wait3A] : memref<2x10000x128xf32, #tpu.memory_space<hbm>> -> memref<1x200x128xf32, #tpu.memory_space<hbm>>
            %dma_wait3A_47 = tpu.memref_squeeze %dma_wait3A_46 : memref<1x200x128xf32, #tpu.memory_space<hbm>> -> memref<200x128xf32, #tpu.memory_space<hbm>>
            %dma_wait3A_48 = arith.constant 0 : i32
            %dma_wait3A_49 = tpu.memref_slice %arg4[%run_scoped3A, %mul3A_30, %dma_wait3A_48] : memref<2x10000x128xf32, #tpu.memory_space<hbm>> -> memref<1x200x128xf32, #tpu.memory_space<hbm>>
            %dma_wait3A_50 = tpu.memref_squeeze %dma_wait3A_49 : memref<1x200x128xf32, #tpu.memory_space<hbm>> -> memref<200x128xf32, #tpu.memory_space<hbm>>
            tpu.wait_dma2 semaphore(%run_scoped3A_40 : memref<!tpu.dma_semaphore, #tpu.memory_space<semaphore_mem>>) src(%arg6 : memref<200x128xf32, #tpu.memory_space<vmem>>) dst(%dma_wait3A_50 : memref<200x128xf32, #tpu.memory_space<hbm>>)
            tpu.yield
          }) : () -> ()
        } else {
        }
        %eq3A_35 = arith.constant 1 : i32
        %eq3A_36 = arith.cmpi eq, %arg0, %eq3A_35 : i32
        %convert_element_type3A_37 = arith.extui %eq3A_36 : i1 to i32
        %cond3A_38 = arith.constant 0 : i32
        %cond3A_39 = arith.cmpi ne, %convert_element_type3A_37, %cond3A_38 : i32
        scf.if %cond3A_39 {
          %run_scoped3A = arith.constant 1 : i32
          "tpu.region"() ({
            %run_scoped3A_40 = tpu.sem_alloc : memref<!tpu.dma_semaphore, #tpu.memory_space<semaphore_mem>>
            %dma_start3A = arith.constant 0 : i32
            %dma_start3A_41 = tpu.memref_slice %arg4[%run_scoped3A, %mul3A_30, %dma_start3A] : memref<2x10000x128xf32, #tpu.memory_space<hbm>> -> memref<1x200x128xf32, #tpu.memory_space<hbm>>
            %dma_start3A_42 = tpu.memref_squeeze %dma_start3A_41 : memref<1x200x128xf32, #tpu.memory_space<hbm>> -> memref<200x128xf32, #tpu.memory_space<hbm>>
            %dma_start3A_43 = arith.constant 0 : i32
            %dma_start3A_44 = tpu.memref_slice %arg4[%run_scoped3A, %mul3A_30, %dma_start3A_43] : memref<2x10000x128xf32, #tpu.memory_space<hbm>> -> memref<1x200x128xf32, #tpu.memory_space<hbm>>
            %dma_start3A_45 = tpu.memref_squeeze %dma_start3A_44 : memref<1x200x128xf32, #tpu.memory_space<hbm>> -> memref<200x128xf32, #tpu.memory_space<hbm>>
            tpu.enqueue_dma source(%arg6 : memref<200x128xf32, #tpu.memory_space<vmem>>) target(%dma_start3A_45 : memref<200x128xf32, #tpu.memory_space<hbm>>) target_semaphore(%run_scoped3A_40 : memref<!tpu.dma_semaphore, #tpu.memory_space<semaphore_mem>>)
            %dma_wait3A = arith.constant 0 : i32
            %dma_wait3A_46 = tpu.memref_slice %arg4[%run_scoped3A, %mul3A_30, %dma_wait3A] : memref<2x10000x128xf32, #tpu.memory_space<hbm>> -> memref<1x200x128xf32, #tpu.memory_space<hbm>>
            %dma_wait3A_47 = tpu.memref_squeeze %dma_wait3A_46 : memref<1x200x128xf32, #tpu.memory_space<hbm>> -> memref<200x128xf32, #tpu.memory_space<hbm>>
            %dma_wait3A_48 = arith.constant 0 : i32
            %dma_wait3A_49 = tpu.memref_slice %arg4[%run_scoped3A, %mul3A_30, %dma_wait3A_48] : memref<2x10000x128xf32, #tpu.memory_space<hbm>> -> memref<1x200x128xf32, #tpu.memory_space<hbm>>
            %dma_wait3A_50 = tpu.memref_squeeze %dma_wait3A_49 : memref<1x200x128xf32, #tpu.memory_space<hbm>> -> memref<200x128xf32, #tpu.memory_space<hbm>>
            tpu.wait_dma2 semaphore(%run_scoped3A_40 : memref<!tpu.dma_semaphore, #tpu.memory_space<semaphore_mem>>) src(%arg6 : memref<200x128xf32, #tpu.memory_space<vmem>>) dst(%dma_wait3A_50 : memref<200x128xf32, #tpu.memory_space<hbm>>)
            tpu.yield
          }) : () -> ()
        } else {
        }
      } else {
      }
    }
    %scan3A_24 = arith.constant 4 : i32
    return
  }
}

#map = affine_map<(d0, d1) -> (0, 0)>
#map1 = affine_map<(d0, d1) -> (0)>
#map2 = affine_map<(d0, d1) -> (0, 0, 0)>
module attributes {stable_mosaic.version = 14 : i64} {
  func.func @k(%arg0: i32, %arg1: i32, %arg2: memref<20000x128xf32, #tpu.memory_space<hbm>>, %arg3: memref<320000xi32, #tpu.memory_space<hbm>>, %arg4: memref<160000xi32, #tpu.memory_space<hbm>>, %arg5: memref<2x10000x128xf32, #tpu.memory_space<hbm>>, %arg6: memref<200xi32, #tpu.memory_space<vmem>>, %arg7: memref<200xi32, #tpu.memory_space<vmem>>, %arg8: memref<200x128xf32, #tpu.memory_space<vmem>>, %arg9: memref<10000x128xf32, #tpu.memory_space<vmem_shared>>, %arg10: memref<!tpu.dma_semaphore, #tpu.memory_space<semaphore_mem>>) attributes {dimension_semantics = [#tpu.dimension_semantics<core_parallel>, #tpu.dimension_semantics<subcore_parallel>], iteration_bounds = array<i64: 2, 16>, scalar_prefetch = 0 : i64, scratch_operands = 5 : i64, tpu.core_type = #tpu.core_type<sc_vector_subcore>, window_params = [{transform_indices = #map}, {transform_indices = #map1}, {transform_indices = #map1}, {transform_indices = #map2}]} {
    %broadcast_in_dim3A = arith.constant 0.000000e+00 : f32
    %broadcast_in_dim3A_0 = vector.broadcast %broadcast_in_dim3A : f32 to vector<16xf32>
    %scan3A = arith.constant 0 : i32
    %scan3A_1 = arith.constant 0 : i32
    %scan3A_2 = arith.constant 1600 : i32
    %scan3A_3 = arith.addi %scan3A_1, %scan3A_2 : i32
    %scan3A_4 = arith.constant 1 : i32
    scf.for %scan3A_25 = %scan3A_1 to %scan3A_3 step %scan3A_4  : i32 {
      %jit3A = arith.constant 8 : i32
      %div3A = arith.divsi %scan3A_25, %jit3A : i32
      %sign3A = arith.constant 0 : i32
      %sign3A_26 = arith.cmpi sgt, %scan3A_25, %sign3A : i32
      %sign3A_27 = arith.extui %sign3A_26 : i1 to i32
      %sign3A_28 = arith.constant 0 : i32
      %sign3A_29 = arith.cmpi slt, %scan3A_25, %sign3A_28 : i32
      %sign3A_30 = arith.extui %sign3A_29 : i1 to i32
      %sign3A_31 = arith.subi %sign3A_27, %sign3A_30 : i32
      %sign3A_32 = arith.constant 0 : i32
      %sign3A_33 = arith.cmpi sgt, %jit3A, %sign3A_32 : i32
      %sign3A_34 = arith.extui %sign3A_33 : i1 to i32
      %sign3A_35 = arith.constant 0 : i32
      %sign3A_36 = arith.cmpi slt, %jit3A, %sign3A_35 : i32
      %sign3A_37 = arith.extui %sign3A_36 : i1 to i32
      %sign3A_38 = arith.subi %sign3A_34, %sign3A_37 : i32
      %ne3A = arith.cmpi ne, %sign3A_31, %sign3A_38 : i32
      %rem3A = arith.remsi %scan3A_25, %jit3A : i32
      %ne3A_39 = arith.constant 0 : i32
      %ne3A_40 = arith.cmpi ne, %rem3A, %ne3A_39 : i32
      %and3A = arith.andi %ne3A, %ne3A_40 : i1
      %sub3A = arith.constant 1 : i32
      %sub3A_41 = arith.subi %div3A, %sub3A : i32
      %select_n3A = arith.select %and3A, %sub3A_41, %div3A : i32
      %jit3A_42 = arith.constant 8 : i32
      %eq3A = arith.constant 0 : i32
      %eq3A_43 = arith.cmpi eq, %jit3A_42, %eq3A : i32
      %jit3A_44 = arith.constant 1 : i32
      %select_n3A_45 = arith.select %eq3A_43, %jit3A_44, %jit3A_42 : i32
      %rem3A_46 = arith.remsi %scan3A_25, %select_n3A_45 : i32
      %ne3A_47 = arith.constant 0 : i32
      %ne3A_48 = arith.cmpi ne, %rem3A_46, %ne3A_47 : i32
      %lt3A = arith.constant 0 : i32
      %lt3A_49 = arith.cmpi slt, %rem3A_46, %lt3A : i32
      %lt3A_50 = arith.constant 0 : i32
      %lt3A_51 = arith.cmpi slt, %select_n3A_45, %lt3A_50 : i32
      %ne3A_52 = arith.xori %lt3A_49, %lt3A_51 : i1
      %and3A_53 = arith.andi %ne3A_52, %ne3A_48 : i1
      %add3A = arith.addi %rem3A_46, %select_n3A_45 : i32
      %select_n3A_54 = arith.select %and3A_53, %add3A, %rem3A_46 : i32
      %mul3A = arith.constant 16 : i32
      %mul3A_55 = arith.muli %select_n3A_54, %mul3A : i32
      %swap3A = arith.index_cast %select_n3A : i32 to index
      %swap3A_56 = arith.index_cast %mul3A_55 : i32 to index
      %swap3A_57 = tpu.vector_load %arg8[%swap3A, %swap3A_56] {strides = array<i32>} : memref<200x128xf32, #tpu.memory_space<vmem>>, vector<1x16xf32>,
      %swap3A_58 = vector.shape_cast %swap3A_57 : vector<1x16xf32> to vector<16xf32>
      %swap3A_59 = vector.shape_cast %broadcast_in_dim3A_0 : vector<16xf32> to vector<1x16xf32>
      tpu.vector_store %arg8[%swap3A, %swap3A_56], %swap3A_59 {strides = array<i32>} : memref<200x128xf32, #tpu.memory_space<vmem>>, vector<1x16xf32>,
    }
    %scan3A_5 = arith.constant 1600 : i32
    %scan3A_6 = arith.constant 0 : i32
    %scan3A_7 = arith.constant 0 : i32
    %scan3A_8 = arith.constant 4 : i32
    %scan3A_9 = arith.addi %scan3A_7, %scan3A_8 : i32
    %scan3A_10 = arith.constant 1 : i32
    scf.for %scan3A_25 = %scan3A_7 to %scan3A_9 step %scan3A_10  : i32 {
      %mul3A = arith.constant 16 : i32
      %mul3A_26 = arith.muli %scan3A_25, %mul3A : i32
      %add3A = arith.addi %arg1, %mul3A_26 : i32
      %lt3A = arith.constant 50 : i32
      %lt3A_27 = arith.cmpi slt, %add3A, %lt3A : i32
      %convert_element_type3A = arith.extui %lt3A_27 : i1 to i32
      %cond3A = arith.constant 0 : i32
      %cond3A_28 = arith.cmpi ne, %convert_element_type3A, %cond3A : i32
      scf.if %cond3A_28 {
        %mul3A_29 = arith.constant 200 : i32
        %mul3A_30 = arith.muli %add3A, %mul3A_29 : i32
        "tpu.region"() ({
          %run_scoped3A = tpu.sem_alloc : memref<!tpu.dma_semaphore, #tpu.memory_space<semaphore_mem>>
          %dma_start3A = arith.constant 0 : i32
          %dma_start3A_31 = tpu.memref_slice %arg9[%mul3A_30, %dma_start3A] : memref<10000x128xf32, #tpu.memory_space<vmem_shared>> -> memref<200x128xf32, #tpu.memory_space<vmem_shared>>
          %dma_start3A_32 = arith.constant 0 : i32
          %dma_start3A_33 = tpu.memref_slice %arg9[%mul3A_30, %dma_start3A_32] : memref<10000x128xf32, #tpu.memory_space<vmem_shared>> -> memref<200x128xf32, #tpu.memory_space<vmem_shared>>
          tpu.enqueue_dma source(%arg8 : memref<200x128xf32, #tpu.memory_space<vmem>>) target(%dma_start3A_33 : memref<200x128xf32, #tpu.memory_space<vmem_shared>>) target_semaphore(%run_scoped3A : memref<!tpu.dma_semaphore, #tpu.memory_space<semaphore_mem>>)
          %dma_wait3A = arith.constant 0 : i32
          %dma_wait3A_34 = tpu.memref_slice %arg9[%mul3A_30, %dma_wait3A] : memref<10000x128xf32, #tpu.memory_space<vmem_shared>> -> memref<200x128xf32, #tpu.memory_space<vmem_shared>>
          %dma_wait3A_35 = arith.constant 0 : i32
          %dma_wait3A_36 = tpu.memref_slice %arg9[%mul3A_30, %dma_wait3A_35] : memref<10000x128xf32, #tpu.memory_space<vmem_shared>> -> memref<200x128xf32, #tpu.memory_space<vmem_shared>>
          tpu.wait_dma2 semaphore(%run_scoped3A : memref<!tpu.dma_semaphore, #tpu.memory_space<semaphore_mem>>) src(%arg8 : memref<200x128xf32, #tpu.memory_space<vmem>>) dst(%dma_wait3A_36 : memref<200x128xf32, #tpu.memory_space<vmem_shared>>)
          tpu.yield
        }) : () -> ()
      } else {
      }
    }
    %scan3A_11 = arith.constant 4 : i32
    %barrier3A = arith.constant 0 : index
    tpu.barrier barrier_id(%barrier3A)
    %scan3A_12 = arith.constant 0 : i32
    %scan3A_13 = arith.constant 0 : i32
    %scan3A_14 = arith.constant 50 : i32
    %scan3A_15 = arith.addi %scan3A_13, %scan3A_14 : i32
    %scan3A_16 = arith.constant 1 : i32
    scf.for %scan3A_25 = %scan3A_13 to %scan3A_15 step %scan3A_16  : i32 {
      %mul3A = arith.constant 10000 : i32
      %mul3A_26 = arith.muli %arg1, %mul3A : i32
      %mul3A_27 = arith.constant 200 : i32
      %mul3A_28 = arith.muli %scan3A_25, %mul3A_27 : i32
      %add3A = arith.addi %mul3A_26, %mul3A_28 : i32
      %mul3A_29 = arith.constant 160000 : i32
      %mul3A_30 = arith.muli %arg0, %mul3A_29 : i32
      %add3A_31 = arith.addi %mul3A_30, %add3A : i32
      "tpu.region"() ({
        %run_scoped3A = tpu.sem_alloc : memref<!tpu.dma_semaphore, #tpu.memory_space<semaphore_mem>>
        %dma_start3A_36 = tpu.memref_slice %arg3[%add3A_31] : memref<320000xi32, #tpu.memory_space<hbm>> -> memref<200xi32, #tpu.memory_space<hbm>>
        %dma_start3A_37 = tpu.memref_slice %arg3[%add3A_31] : memref<320000xi32, #tpu.memory_space<hbm>> -> memref<200xi32, #tpu.memory_space<hbm>>
        tpu.enqueue_dma source(%dma_start3A_37 : memref<200xi32, #tpu.memory_space<hbm>>) target(%arg6 : memref<200xi32, #tpu.memory_space<vmem>>) target_semaphore(%run_scoped3A : memref<!tpu.dma_semaphore, #tpu.memory_space<semaphore_mem>>)
        %dma_wait3A_38 = tpu.memref_slice %arg3[%add3A_31] : memref<320000xi32, #tpu.memory_space<hbm>> -> memref<200xi32, #tpu.memory_space<hbm>>
        %dma_wait3A_39 = tpu.memref_slice %arg3[%add3A_31] : memref<320000xi32, #tpu.memory_space<hbm>> -> memref<200xi32, #tpu.memory_space<hbm>>
        tpu.wait_dma2 semaphore(%run_scoped3A : memref<!tpu.dma_semaphore, #tpu.memory_space<semaphore_mem>>) src(%dma_wait3A_39 : memref<200xi32, #tpu.memory_space<hbm>>) dst(%arg6 : memref<200xi32, #tpu.memory_space<vmem>>)
        tpu.yield
      }) : () -> ()
      "tpu.region"() ({
        %run_scoped3A = tpu.sem_alloc : memref<!tpu.dma_semaphore, #tpu.memory_space<semaphore_mem>>
        %dma_start3A_36 = tpu.memref_slice %arg4[%add3A] : memref<160000xi32, #tpu.memory_space<hbm>> -> memref<200xi32, #tpu.memory_space<hbm>>
        %dma_start3A_37 = tpu.memref_slice %arg4[%add3A] : memref<160000xi32, #tpu.memory_space<hbm>> -> memref<200xi32, #tpu.memory_space<hbm>>
        tpu.enqueue_dma source(%dma_start3A_37 : memref<200xi32, #tpu.memory_space<hbm>>) target(%arg7 : memref<200xi32, #tpu.memory_space<vmem>>) target_semaphore(%run_scoped3A : memref<!tpu.dma_semaphore, #tpu.memory_space<semaphore_mem>>)
        %dma_wait3A_38 = tpu.memref_slice %arg4[%add3A] : memref<160000xi32, #tpu.memory_space<hbm>> -> memref<200xi32, #tpu.memory_space<hbm>>
        %dma_wait3A_39 = tpu.memref_slice %arg4[%add3A] : memref<160000xi32, #tpu.memory_space<hbm>> -> memref<200xi32, #tpu.memory_space<hbm>>
        tpu.wait_dma2 semaphore(%run_scoped3A : memref<!tpu.dma_semaphore, #tpu.memory_space<semaphore_mem>>) src(%dma_wait3A_39 : memref<200xi32, #tpu.memory_space<hbm>>) dst(%arg7 : memref<200xi32, #tpu.memory_space<vmem>>)
        tpu.yield
      }) : () -> ()
      %dma_start3A = arith.constant 0 : i32
      %dma_start3A_32 = arith.constant 0 : i32
      %dma_start3A_33 = tpu.memref_slice %arg2[%dma_start3A, %dma_start3A_32] : memref<20000x128xf32, #tpu.memory_space<hbm>> -> memref<20000x128xf32, #tpu.memory_space<hbm>>
      tpu.enqueue_indirect_dma source(%dma_start3A_33 : memref<20000x128xf32, #tpu.memory_space<hbm>>) target(%arg8 : memref<200x128xf32, #tpu.memory_space<vmem>>) offsets(%arg6 : memref<200xi32, #tpu.memory_space<vmem>>) semaphore(%arg10 : memref<!tpu.dma_semaphore, #tpu.memory_space<semaphore_mem>>)
      %dma_wait3A = arith.constant 0 : i32
      %dma_wait3A_34 = arith.constant 0 : i32
      %dma_wait3A_35 = tpu.memref_slice %arg2[%dma_wait3A, %dma_wait3A_34] : memref<20000x128xf32, #tpu.memory_space<hbm>> -> memref<20000x128xf32, #tpu.memory_space<hbm>>
      tpu.wait_indirect_dma semaphore(%arg10 : memref<!tpu.dma_semaphore, #tpu.memory_space<semaphore_mem>>) src(%dma_wait3A_35 : memref<20000x128xf32, #tpu.memory_space<hbm>>) dst(%arg8 : memref<200x128xf32, #tpu.memory_space<vmem>>)
      "tpu.region"() ({
        %run_scoped3A = tpu.sem_alloc : memref<!tpu.dma_semaphore, #tpu.memory_space<semaphore_mem>>
        %dma_start3A_36 = arith.constant 0 : i32
        %dma_start3A_37 = arith.constant 0 : i32
        %dma_start3A_38 = tpu.memref_slice %arg9[%dma_start3A_36, %dma_start3A_37] : memref<10000x128xf32, #tpu.memory_space<vmem_shared>> -> memref<10000x128xf32, #tpu.memory_space<vmem_shared>>
        tpu.enqueue_indirect_dma source(%arg8 : memref<200x128xf32, #tpu.memory_space<vmem>>) target(%dma_start3A_38 : memref<10000x128xf32, #tpu.memory_space<vmem_shared>>) offsets(%arg7 : memref<200xi32, #tpu.memory_space<vmem>>) semaphore(%run_scoped3A : memref<!tpu.dma_semaphore, #tpu.memory_space<semaphore_mem>>) {add = true}
        %dma_wait3A_39 = arith.constant 0 : i32
        %dma_wait3A_40 = arith.constant 0 : i32
        %dma_wait3A_41 = tpu.memref_slice %arg9[%dma_wait3A_39, %dma_wait3A_40] : memref<10000x128xf32, #tpu.memory_space<vmem_shared>> -> memref<10000x128xf32, #tpu.memory_space<vmem_shared>>
        tpu.wait_indirect_dma semaphore(%run_scoped3A : memref<!tpu.dma_semaphore, #tpu.memory_space<semaphore_mem>>) src(%arg8 : memref<200x128xf32, #tpu.memory_space<vmem>>) dst(%dma_wait3A_41 : memref<10000x128xf32, #tpu.memory_space<vmem_shared>>)
        tpu.yield
      }) : () -> ()
    }
    %scan3A_17 = arith.constant 50 : i32
    %barrier3A_18 = arith.constant 0 : index
    tpu.barrier barrier_id(%barrier3A_18)
    %scan3A_19 = arith.constant 0 : i32
    %scan3A_20 = arith.constant 0 : i32
    %scan3A_21 = arith.constant 4 : i32
    %scan3A_22 = arith.addi %scan3A_20, %scan3A_21 : i32
    %scan3A_23 = arith.constant 1 : i32
    scf.for %scan3A_25 = %scan3A_20 to %scan3A_22 step %scan3A_23  : i32 {
      %mul3A = arith.constant 16 : i32
      %mul3A_26 = arith.muli %scan3A_25, %mul3A : i32
      %add3A = arith.addi %arg1, %mul3A_26 : i32
      %lt3A = arith.constant 50 : i32
      %lt3A_27 = arith.cmpi slt, %add3A, %lt3A : i32
      %convert_element_type3A = arith.extui %lt3A_27 : i1 to i32
      %cond3A = arith.constant 0 : i32
      %cond3A_28 = arith.cmpi ne, %convert_element_type3A, %cond3A : i32
      scf.if %cond3A_28 {
        %mul3A_29 = arith.constant 200 : i32
        %mul3A_30 = arith.muli %add3A, %mul3A_29 : i32
        "tpu.region"() ({
          %run_scoped3A = tpu.sem_alloc : memref<!tpu.dma_semaphore, #tpu.memory_space<semaphore_mem>>
          %dma_start3A = arith.constant 0 : i32
          %dma_start3A_40 = tpu.memref_slice %arg9[%mul3A_30, %dma_start3A] : memref<10000x128xf32, #tpu.memory_space<vmem_shared>> -> memref<200x128xf32, #tpu.memory_space<vmem_shared>>
          %dma_start3A_41 = arith.constant 0 : i32
          %dma_start3A_42 = tpu.memref_slice %arg9[%mul3A_30, %dma_start3A_41] : memref<10000x128xf32, #tpu.memory_space<vmem_shared>> -> memref<200x128xf32, #tpu.memory_space<vmem_shared>>
          tpu.enqueue_dma source(%dma_start3A_42 : memref<200x128xf32, #tpu.memory_space<vmem_shared>>) target(%arg8 : memref<200x128xf32, #tpu.memory_space<vmem>>) target_semaphore(%run_scoped3A : memref<!tpu.dma_semaphore, #tpu.memory_space<semaphore_mem>>)
          %dma_wait3A = arith.constant 0 : i32
          %dma_wait3A_43 = tpu.memref_slice %arg9[%mul3A_30, %dma_wait3A] : memref<10000x128xf32, #tpu.memory_space<vmem_shared>> -> memref<200x128xf32, #tpu.memory_space<vmem_shared>>
          %dma_wait3A_44 = arith.constant 0 : i32
          %dma_wait3A_45 = tpu.memref_slice %arg9[%mul3A_30, %dma_wait3A_44] : memref<10000x128xf32, #tpu.memory_space<vmem_shared>> -> memref<200x128xf32, #tpu.memory_space<vmem_shared>>
          tpu.wait_dma2 semaphore(%run_scoped3A : memref<!tpu.dma_semaphore, #tpu.memory_space<semaphore_mem>>) src(%dma_wait3A_45 : memref<200x128xf32, #tpu.memory_space<vmem_shared>>) dst(%arg8 : memref<200x128xf32, #tpu.memory_space<vmem>>)
          tpu.yield
        }) : () -> ()
        %eq3A = arith.constant 0 : i32
        %eq3A_31 = arith.cmpi eq, %arg0, %eq3A : i32
        %convert_element_type3A_32 = arith.extui %eq3A_31 : i1 to i32
        %cond3A_33 = arith.constant 0 : i32
        %cond3A_34 = arith.cmpi ne, %convert_element_type3A_32, %cond3A_33 : i32
        scf.if %cond3A_34 {
          %run_scoped3A = arith.constant 0 : i32
          "tpu.region"() ({
            %run_scoped3A_40 = tpu.sem_alloc : memref<!tpu.dma_semaphore, #tpu.memory_space<semaphore_mem>>
            %dma_start3A = arith.constant 0 : i32
            %dma_start3A_41 = tpu.memref_slice %arg5[%run_scoped3A, %mul3A_30, %dma_start3A] : memref<2x10000x128xf32, #tpu.memory_space<hbm>> -> memref<1x200x128xf32, #tpu.memory_space<hbm>>
            %dma_start3A_42 = tpu.memref_squeeze %dma_start3A_41 : memref<1x200x128xf32, #tpu.memory_space<hbm>> -> memref<200x128xf32, #tpu.memory_space<hbm>>
            %dma_start3A_43 = arith.constant 0 : i32
            %dma_start3A_44 = tpu.memref_slice %arg5[%run_scoped3A, %mul3A_30, %dma_start3A_43] : memref<2x10000x128xf32, #tpu.memory_space<hbm>> -> memref<1x200x128xf32, #tpu.memory_space<hbm>>
            %dma_start3A_45 = tpu.memref_squeeze %dma_start3A_44 : memref<1x200x128xf32, #tpu.memory_space<hbm>> -> memref<200x128xf32, #tpu.memory_space<hbm>>
            tpu.enqueue_dma source(%arg8 : memref<200x128xf32, #tpu.memory_space<vmem>>) target(%dma_start3A_45 : memref<200x128xf32, #tpu.memory_space<hbm>>) target_semaphore(%run_scoped3A_40 : memref<!tpu.dma_semaphore, #tpu.memory_space<semaphore_mem>>)
            %dma_wait3A = arith.constant 0 : i32
            %dma_wait3A_46 = tpu.memref_slice %arg5[%run_scoped3A, %mul3A_30, %dma_wait3A] : memref<2x10000x128xf32, #tpu.memory_space<hbm>> -> memref<1x200x128xf32, #tpu.memory_space<hbm>>
            %dma_wait3A_47 = tpu.memref_squeeze %dma_wait3A_46 : memref<1x200x128xf32, #tpu.memory_space<hbm>> -> memref<200x128xf32, #tpu.memory_space<hbm>>
            %dma_wait3A_48 = arith.constant 0 : i32
            %dma_wait3A_49 = tpu.memref_slice %arg5[%run_scoped3A, %mul3A_30, %dma_wait3A_48] : memref<2x10000x128xf32, #tpu.memory_space<hbm>> -> memref<1x200x128xf32, #tpu.memory_space<hbm>>
            %dma_wait3A_50 = tpu.memref_squeeze %dma_wait3A_49 : memref<1x200x128xf32, #tpu.memory_space<hbm>> -> memref<200x128xf32, #tpu.memory_space<hbm>>
            tpu.wait_dma2 semaphore(%run_scoped3A_40 : memref<!tpu.dma_semaphore, #tpu.memory_space<semaphore_mem>>) src(%arg8 : memref<200x128xf32, #tpu.memory_space<vmem>>) dst(%dma_wait3A_50 : memref<200x128xf32, #tpu.memory_space<hbm>>)
            tpu.yield
          }) : () -> ()
        } else {
        }
        %eq3A_35 = arith.constant 1 : i32
        %eq3A_36 = arith.cmpi eq, %arg0, %eq3A_35 : i32
        %convert_element_type3A_37 = arith.extui %eq3A_36 : i1 to i32
        %cond3A_38 = arith.constant 0 : i32
        %cond3A_39 = arith.cmpi ne, %convert_element_type3A_37, %cond3A_38 : i32
        scf.if %cond3A_39 {
          %run_scoped3A = arith.constant 1 : i32
          "tpu.region"() ({
            %run_scoped3A_40 = tpu.sem_alloc : memref<!tpu.dma_semaphore, #tpu.memory_space<semaphore_mem>>
            %dma_start3A = arith.constant 0 : i32
            %dma_start3A_41 = tpu.memref_slice %arg5[%run_scoped3A, %mul3A_30, %dma_start3A] : memref<2x10000x128xf32, #tpu.memory_space<hbm>> -> memref<1x200x128xf32, #tpu.memory_space<hbm>>
            %dma_start3A_42 = tpu.memref_squeeze %dma_start3A_41 : memref<1x200x128xf32, #tpu.memory_space<hbm>> -> memref<200x128xf32, #tpu.memory_space<hbm>>
            %dma_start3A_43 = arith.constant 0 : i32
            %dma_start3A_44 = tpu.memref_slice %arg5[%run_scoped3A, %mul3A_30, %dma_start3A_43] : memref<2x10000x128xf32, #tpu.memory_space<hbm>> -> memref<1x200x128xf32, #tpu.memory_space<hbm>>
            %dma_start3A_45 = tpu.memref_squeeze %dma_start3A_44 : memref<1x200x128xf32, #tpu.memory_space<hbm>> -> memref<200x128xf32, #tpu.memory_space<hbm>>
            tpu.enqueue_dma source(%arg8 : memref<200x128xf32, #tpu.memory_space<vmem>>) target(%dma_start3A_45 : memref<200x128xf32, #tpu.memory_space<hbm>>) target_semaphore(%run_scoped3A_40 : memref<!tpu.dma_semaphore, #tpu.memory_space<semaphore_mem>>)
            %dma_wait3A = arith.constant 0 : i32
            %dma_wait3A_46 = tpu.memref_slice %arg5[%run_scoped3A, %mul3A_30, %dma_wait3A] : memref<2x10000x128xf32, #tpu.memory_space<hbm>> -> memref<1x200x128xf32, #tpu.memory_space<hbm>>
            %dma_wait3A_47 = tpu.memref_squeeze %dma_wait3A_46 : memref<1x200x128xf32, #tpu.memory_space<hbm>> -> memref<200x128xf32, #tpu.memory_space<hbm>>
            %dma_wait3A_48 = arith.constant 0 : i32
            %dma_wait3A_49 = tpu.memref_slice %arg5[%run_scoped3A, %mul3A_30, %dma_wait3A_48] : memref<2x10000x128xf32, #tpu.memory_space<hbm>> -> memref<1x200x128xf32, #tpu.memory_space<hbm>>
            %dma_wait3A_50 = tpu.memref_squeeze %dma_wait3A_49 : memref<1x200x128xf32, #tpu.memory_space<hbm>> -> memref<200x128xf32, #tpu.memory_space<hbm>>
            tpu.wait_dma2 semaphore(%run_scoped3A_40 : memref<!tpu.dma_semaphore, #tpu.memory_space<semaphore_mem>>) src(%arg8 : memref<200x128xf32, #tpu.memory_space<vmem>>) dst(%dma_wait3A_50 : memref<200x128xf32, #tpu.memory_space<hbm>>)
            tpu.yield
          }) : () -> ()
        } else {
        }
      } else {
      }
    }
    %scan3A_24 = arith.constant 4 : i32
    return
  }
}

module attributes {stable_mosaic.version = 14 : i64} {
  func.func @_mlp3_body(%arg0: i32, %arg1: memref<2000x128xf32, #tpu.memory_space<vmem>>, %arg2: memref<128x256xf32, #tpu.memory_space<vmem>>, %arg3: memref<1x256xf32, #tpu.memory_space<vmem>>, %arg4: memref<256x128xf32, #tpu.memory_space<vmem>>, %arg5: memref<1x128xf32, #tpu.memory_space<vmem>>, %arg6: memref<128x128xf32, #tpu.memory_space<vmem>>, %arg7: memref<1x128xf32, #tpu.memory_space<vmem>>, %arg8: memref<2000x128xf32, #tpu.memory_space<vmem>>) attributes {dimension_semantics = [#tpu.dimension_semantics<arbitrary>], iteration_bounds = array<i64: 5>, scalar_prefetch = 0 : i64, scratch_operands = 0 : i64, tpu.core_type = #tpu.core_type<tc>, window_params = [{transform_indices = @transform_0, window_bounds = array<i64: 2000, 128>}, {pipeline_mode = #tpu.pipeline_mode<synchronous>, transform_indices = @transform_1, window_bounds = array<i64: 128, 256>}, {pipeline_mode = #tpu.pipeline_mode<synchronous>, transform_indices = @transform_2, window_bounds = array<i64: 1, 256>}, {pipeline_mode = #tpu.pipeline_mode<synchronous>, transform_indices = @transform_3, window_bounds = array<i64: 256, 128>}, {pipeline_mode = #tpu.pipeline_mode<synchronous>, transform_indices = @transform_4, window_bounds = array<i64: 1, 128>}, {pipeline_mode = #tpu.pipeline_mode<synchronous>, transform_indices = @transform_5, window_bounds = array<i64: 128, 128>}, {pipeline_mode = #tpu.pipeline_mode<synchronous>, transform_indices = @transform_6, window_bounds = array<i64: 1, 128>}, {transform_indices = @transform_7, window_bounds = array<i64: 2000, 128>}]} {
    %get3A = arith.constant 0 : index
    %get3A_0 = arith.constant 0 : index
    %get3A_1 = vector.load %arg1[%get3A, %get3A_0] : memref<2000x128xf32, #tpu.memory_space<vmem>>, vector<2000x128xf32>
    %get3A_2 = arith.constant 0 : index
    %get3A_3 = arith.constant 0 : index
    %get3A_4 = vector.load %arg2[%get3A_2, %get3A_3] : memref<128x256xf32, #tpu.memory_space<vmem>>, vector<128x256xf32>
    %convert_element_type3A = arith.truncf %get3A_1 : vector<2000x128xf32> to vector<2000x128xbf16>
    %convert_element_type3A_5 = arith.truncf %get3A_4 : vector<128x256xf32> to vector<128x256xbf16>
    %dot_general3A = arith.constant dense<0.000000e+00> : vector<2000x256xf32>
    %dot_general3A_6 = tpu.matmul %convert_element_type3A, %convert_element_type3A_5, %dot_general3A {dimension_numbers = #tpu.dot_dimension_numbers<[1], [0], [0], [1], [0, 0, 1, 1], [], []>, transpose_lhs_hint = false} : vector<2000x128xbf16>, vector<128x256xbf16>, vector<2000x256xf32> -> vector<2000x256xf32>
    %get3A_7 = arith.constant 0 : index
    %get3A_8 = arith.constant 0 : index
    %get3A_9 = vector.load %arg3[%get3A_7, %get3A_8] : memref<1x256xf32, #tpu.memory_space<vmem>>, vector<1x256xf32>
    %add3A = vector.broadcast %get3A_9 : vector<1x256xf32> to vector<2000x256xf32>
    %add3A_10 = arith.addf %dot_general3A_6, %add3A : vector<2000x256xf32>
    %max3A = arith.constant 0.000000e+00 : f32
    %max3A_11 = vector.broadcast %max3A : f32 to vector<2000x256xf32>
    %max3A_12 = arith.maximumf %add3A_10, %max3A_11 : vector<2000x256xf32>
    %get3A_13 = arith.constant 0 : index
    %get3A_14 = arith.constant 0 : index
    %get3A_15 = vector.load %arg4[%get3A_13, %get3A_14] : memref<256x128xf32, #tpu.memory_space<vmem>>, vector<256x128xf32>
    %convert_element_type3A_16 = arith.truncf %max3A_12 : vector<2000x256xf32> to vector<2000x256xbf16>
    %convert_element_type3A_17 = arith.truncf %get3A_15 : vector<256x128xf32> to vector<256x128xbf16>
    %dot_general3A_18 = arith.constant dense<0.000000e+00> : vector<2000x128xf32>
    %dot_general3A_19 = tpu.matmul %convert_element_type3A_16, %convert_element_type3A_17, %dot_general3A_18 {dimension_numbers = #tpu.dot_dimension_numbers<[1], [0], [0], [1], [0, 0, 1, 1], [], []>, transpose_lhs_hint = false} : vector<2000x256xbf16>, vector<256x128xbf16>, vector<2000x128xf32> -> vector<2000x128xf32>
    %get3A_20 = arith.constant 0 : index
    %get3A_21 = arith.constant 0 : index
    %get3A_22 = vector.load %arg5[%get3A_20, %get3A_21] : memref<1x128xf32, #tpu.memory_space<vmem>>, vector<1x128xf32>
    %add3A_23 = vector.broadcast %get3A_22 : vector<1x128xf32> to vector<2000x128xf32>
    %add3A_24 = arith.addf %dot_general3A_19, %add3A_23 : vector<2000x128xf32>
    %max3A_25 = arith.constant 0.000000e+00 : f32
    %max3A_26 = vector.broadcast %max3A_25 : f32 to vector<2000x128xf32>
    %max3A_27 = arith.maximumf %add3A_24, %max3A_26 : vector<2000x128xf32>
    %get3A_28 = arith.constant 0 : index
    %get3A_29 = arith.constant 0 : index
    %get3A_30 = vector.load %arg6[%get3A_28, %get3A_29] : memref<128x128xf32, #tpu.memory_space<vmem>>, vector<128x128xf32>
    %convert_element_type3A_31 = arith.truncf %max3A_27 : vector<2000x128xf32> to vector<2000x128xbf16>
    %convert_element_type3A_32 = arith.truncf %get3A_30 : vector<128x128xf32> to vector<128x128xbf16>
    %dot_general3A_33 = arith.constant dense<0.000000e+00> : vector<2000x128xf32>
    %dot_general3A_34 = tpu.matmul %convert_element_type3A_31, %convert_element_type3A_32, %dot_general3A_33 {dimension_numbers = #tpu.dot_dimension_numbers<[1], [0], [0], [1], [0, 0, 1, 1], [], []>, transpose_lhs_hint = false} : vector<2000x128xbf16>, vector<128x128xbf16>, vector<2000x128xf32> -> vector<2000x128xf32>
    %get3A_35 = arith.constant 0 : index
    %get3A_36 = arith.constant 0 : index
    %get3A_37 = vector.load %arg7[%get3A_35, %get3A_36] : memref<1x128xf32, #tpu.memory_space<vmem>>, vector<1x128xf32>
    %add3A_38 = vector.broadcast %get3A_37 : vector<1x128xf32> to vector<2000x128xf32>
    %add3A_39 = arith.addf %dot_general3A_34, %add3A_38 : vector<2000x128xf32>
    %swap3A = arith.constant 0 : index
    %swap3A_40 = arith.constant 0 : index
    %swap3A_41 = vector.load %arg8[%swap3A, %swap3A_40] : memref<2000x128xf32, #tpu.memory_space<vmem>>, vector<2000x128xf32>
    tpu.vector_store %arg8[%swap3A, %swap3A_40], %add3A_39 {strides = array<i32>} : memref<2000x128xf32, #tpu.memory_space<vmem>>, vector<2000x128xf32>,
    return
  }
  func.func @transform_0(%arg0: i32) -> (i32, i32) {
    %c0_i32 = arith.constant 0 : i32
    %c0_i32_0 = arith.constant 0 : i32
    return %arg0, %c0_i32 : i32, i32
  }
  func.func @transform_1(%arg0: i32) -> (i32, i32) {
    %c0_i32 = arith.constant 0 : i32
    %c0_i32_0 = arith.constant 0 : i32
    %c0_i32_1 = arith.constant 0 : i32
    return %c0_i32, %c0_i32_0 : i32, i32
  }
  func.func @transform_2(%arg0: i32) -> (i32, i32) {
    %c0_i32 = arith.constant 0 : i32
    %c0_i32_0 = arith.constant 0 : i32
    %c0_i32_1 = arith.constant 0 : i32
    return %c0_i32, %c0_i32_0 : i32, i32
  }
  func.func @transform_3(%arg0: i32) -> (i32, i32) {
    %c0_i32 = arith.constant 0 : i32
    %c0_i32_0 = arith.constant 0 : i32
    %c0_i32_1 = arith.constant 0 : i32
    return %c0_i32, %c0_i32_0 : i32, i32
  }
  func.func @transform_4(%arg0: i32) -> (i32, i32) {
    %c0_i32 = arith.constant 0 : i32
    %c0_i32_0 = arith.constant 0 : i32
    %c0_i32_1 = arith.constant 0 : i32
    return %c0_i32, %c0_i32_0 : i32, i32
  }
  func.func @transform_5(%arg0: i32) -> (i32, i32) {
    %c0_i32 = arith.constant 0 : i32
    %c0_i32_0 = arith.constant 0 : i32
    %c0_i32_1 = arith.constant 0 : i32
    return %c0_i32, %c0_i32_0 : i32, i32
  }
  func.func @transform_6(%arg0: i32) -> (i32, i32) {
    %c0_i32 = arith.constant 0 : i32
    %c0_i32_0 = arith.constant 0 : i32
    %c0_i32_1 = arith.constant 0 : i32
    return %c0_i32, %c0_i32_0 : i32, i32
  }
  func.func @transform_7(%arg0: i32) -> (i32, i32) {
    %c0_i32 = arith.constant 0 : i32
    %c0_i32_0 = arith.constant 0 : i32
    return %arg0, %c0_i32 : i32, i32
  }
}

module attributes {stable_mosaic.version = 14 : i64} {
  func.func @_tables_body(%arg0: i32, %arg1: i32, %arg2: memref<2000x128xf32, #tpu.memory_space<vmem>>, %arg3: memref<1x128x128xf32, #tpu.memory_space<vmem>>, %arg4: memref<1x128x128xf32, #tpu.memory_space<vmem>>, %arg5: memref<1x128x128xf32, #tpu.memory_space<vmem>>, %arg6: memref<1x128x128xf32, #tpu.memory_space<vmem>>, %arg7: memref<2000x128xi32, #tpu.memory_space<vmem>>, %arg8: memref<2000x128xi32, #tpu.memory_space<vmem>>) attributes {dimension_semantics = [#tpu.dimension_semantics<arbitrary>, #tpu.dimension_semantics<arbitrary>], iteration_bounds = array<i64: 2, 5>, scalar_prefetch = 0 : i64, scratch_operands = 0 : i64, tpu.core_type = #tpu.core_type<tc>, window_params = [{transform_indices = @transform_0, window_bounds = array<i64: 2000, 128>}, {transform_indices = @transform_1, window_bounds = array<i64: 1, 128, 128>}, {transform_indices = @transform_2, window_bounds = array<i64: 1, 128, 128>}, {transform_indices = @transform_3, window_bounds = array<i64: 1, 128, 128>}, {transform_indices = @transform_4, window_bounds = array<i64: 1, 128, 128>}, {transform_indices = @transform_5, window_bounds = array<i64: 2000, 128>}, {transform_indices = @transform_6, window_bounds = array<i64: 2000, 128>}]} {
    %get3A = arith.constant 0 : index
    %get3A_0 = arith.constant 0 : index
    %get3A_1 = vector.load %arg2[%get3A, %get3A_0] : memref<2000x128xf32, #tpu.memory_space<vmem>>, vector<2000x128xf32>
    %get3A_2 = arith.constant 0 : index
    %get3A_3 = arith.constant 0 : index
    %get3A_4 = arith.constant 0 : index
    %get3A_5 = vector.load %arg3[%get3A_2, %get3A_3, %get3A_4] : memref<1x128x128xf32, #tpu.memory_space<vmem>>, vector<1x128x128xf32>
    %get3A_6 = vector.shape_cast %get3A_5 : vector<1x128x128xf32> to vector<128x128xf32>
    %convert_element_type3A = arith.truncf %get3A_1 : vector<2000x128xf32> to vector<2000x128xbf16>
    %convert_element_type3A_7 = arith.truncf %get3A_6 : vector<128x128xf32> to vector<128x128xbf16>
    %dot_general3A = arith.constant dense<0.000000e+00> : vector<2000x128xf32>
    %dot_general3A_8 = tpu.matmul %convert_element_type3A, %convert_element_type3A_7, %dot_general3A {dimension_numbers = #tpu.dot_dimension_numbers<[1], [0], [0], [1], [0, 0, 1, 1], [], []>, transpose_lhs_hint = false} : vector<2000x128xbf16>, vector<128x128xbf16>, vector<2000x128xf32> -> vector<2000x128xf32>
    %get3A_9 = arith.constant 0 : index
    %get3A_10 = arith.constant 0 : index
    %get3A_11 = arith.constant 0 : index
    %get3A_12 = vector.load %arg4[%get3A_9, %get3A_10, %get3A_11] : memref<1x128x128xf32, #tpu.memory_space<vmem>>, vector<1x128x128xf32>
    %get3A_13 = vector.shape_cast %get3A_12 : vector<1x128x128xf32> to vector<128x128xf32>
    %convert_element_type3A_14 = arith.truncf %get3A_1 : vector<2000x128xf32> to vector<2000x128xbf16>
    %convert_element_type3A_15 = arith.truncf %get3A_13 : vector<128x128xf32> to vector<128x128xbf16>
    %dot_general3A_16 = arith.constant dense<0.000000e+00> : vector<2000x128xf32>
    %dot_general3A_17 = tpu.matmul %convert_element_type3A_14, %convert_element_type3A_15, %dot_general3A_16 {dimension_numbers = #tpu.dot_dimension_numbers<[1], [0], [0], [1], [0, 0, 1, 1], [], []>, transpose_lhs_hint = false} : vector<2000x128xbf16>, vector<128x128xbf16>, vector<2000x128xf32> -> vector<2000x128xf32>
    %convert_element_type3A_18 = arith.truncf %dot_general3A_8 : vector<2000x128xf32> to vector<2000x128xbf16>
    %convert_element_type3A_19 = arith.extf %convert_element_type3A_18 : vector<2000x128xbf16> to vector<2000x128xf32>
    %bitcast_convert_type3A = tpu.bitcast %convert_element_type3A_19 : vector<2000x128xf32> -> vector<2000x128xi32>
    %convert_element_type3A_20 = arith.truncf %dot_general3A_17 : vector<2000x128xf32> to vector<2000x128xbf16>
    %convert_element_type3A_21 = arith.extf %convert_element_type3A_20 : vector<2000x128xbf16> to vector<2000x128xf32>
    %bitcast_convert_type3A_22 = tpu.bitcast %convert_element_type3A_21 : vector<2000x128xf32> -> vector<2000x128xi32>
    %shift_right_logical3A = arith.constant 16 : i32
    %shift_right_logical3A_23 = vector.broadcast %shift_right_logical3A : i32 to vector<2000x128xi32>
    %shift_right_logical3A_24 = arith.shrui %bitcast_convert_type3A, %shift_right_logical3A_23 : vector<2000x128xi32>
    %or3A = arith.ori %shift_right_logical3A_24, %bitcast_convert_type3A_22 : vector<2000x128xi32>
    %swap3A = arith.constant 0 : index
    %swap3A_25 = arith.constant 0 : index
    %swap3A_26 = vector.load %arg7[%swap3A, %swap3A_25] : memref<2000x128xi32, #tpu.memory_space<vmem>>, vector<2000x128xi32>
    tpu.vector_store %arg7[%swap3A, %swap3A_25], %or3A {strides = array<i32>} : memref<2000x128xi32, #tpu.memory_space<vmem>>, vector<2000x128xi32>,
    %get3A_27 = arith.constant 0 : index
    %get3A_28 = arith.constant 0 : index
    %get3A_29 = arith.constant 0 : index
    %get3A_30 = vector.load %arg5[%get3A_27, %get3A_28, %get3A_29] : memref<1x128x128xf32, #tpu.memory_space<vmem>>, vector<1x128x128xf32>
    %get3A_31 = vector.shape_cast %get3A_30 : vector<1x128x128xf32> to vector<128x128xf32>
    %convert_element_type3A_32 = arith.truncf %get3A_1 : vector<2000x128xf32> to vector<2000x128xbf16>
    %convert_element_type3A_33 = arith.truncf %get3A_31 : vector<128x128xf32> to vector<128x128xbf16>
    %dot_general3A_34 = arith.constant dense<0.000000e+00> : vector<2000x128xf32>
    %dot_general3A_35 = tpu.matmul %convert_element_type3A_32, %convert_element_type3A_33, %dot_general3A_34 {dimension_numbers = #tpu.dot_dimension_numbers<[1], [0], [0], [1], [0, 0, 1, 1], [], []>, transpose_lhs_hint = false} : vector<2000x128xbf16>, vector<128x128xbf16>, vector<2000x128xf32> -> vector<2000x128xf32>
    %get3A_36 = arith.constant 0 : index
    %get3A_37 = arith.constant 0 : index
    %get3A_38 = arith.constant 0 : index
    %get3A_39 = vector.load %arg6[%get3A_36, %get3A_37, %get3A_38] : memref<1x128x128xf32, #tpu.memory_space<vmem>>, vector<1x128x128xf32>
    %get3A_40 = vector.shape_cast %get3A_39 : vector<1x128x128xf32> to vector<128x128xf32>
    %convert_element_type3A_41 = arith.truncf %get3A_1 : vector<2000x128xf32> to vector<2000x128xbf16>
    %convert_element_type3A_42 = arith.truncf %get3A_40 : vector<128x128xf32> to vector<128x128xbf16>
    %dot_general3A_43 = arith.constant dense<0.000000e+00> : vector<2000x128xf32>
    %dot_general3A_44 = tpu.matmul %convert_element_type3A_41, %convert_element_type3A_42, %dot_general3A_43 {dimension_numbers = #tpu.dot_dimension_numbers<[1], [0], [0], [1], [0, 0, 1, 1], [], []>, transpose_lhs_hint = false} : vector<2000x128xbf16>, vector<128x128xbf16>, vector<2000x128xf32> -> vector<2000x128xf32>
    %convert_element_type3A_45 = arith.truncf %dot_general3A_35 : vector<2000x128xf32> to vector<2000x128xbf16>
    %convert_element_type3A_46 = arith.extf %convert_element_type3A_45 : vector<2000x128xbf16> to vector<2000x128xf32>
    %bitcast_convert_type3A_47 = tpu.bitcast %convert_element_type3A_46 : vector<2000x128xf32> -> vector<2000x128xi32>
    %convert_element_type3A_48 = arith.truncf %dot_general3A_44 : vector<2000x128xf32> to vector<2000x128xbf16>
    %convert_element_type3A_49 = arith.extf %convert_element_type3A_48 : vector<2000x128xbf16> to vector<2000x128xf32>
    %bitcast_convert_type3A_50 = tpu.bitcast %convert_element_type3A_49 : vector<2000x128xf32> -> vector<2000x128xi32>
    %shift_right_logical3A_51 = arith.constant 16 : i32
    %shift_right_logical3A_52 = vector.broadcast %shift_right_logical3A_51 : i32 to vector<2000x128xi32>
    %shift_right_logical3A_53 = arith.shrui %bitcast_convert_type3A_47, %shift_right_logical3A_52 : vector<2000x128xi32>
    %or3A_54 = arith.ori %shift_right_logical3A_53, %bitcast_convert_type3A_50 : vector<2000x128xi32>
    %swap3A_55 = arith.constant 0 : index
    %swap3A_56 = arith.constant 0 : index
    %swap3A_57 = vector.load %arg8[%swap3A_55, %swap3A_56] : memref<2000x128xi32, #tpu.memory_space<vmem>>, vector<2000x128xi32>
    tpu.vector_store %arg8[%swap3A_55, %swap3A_56], %or3A_54 {strides = array<i32>} : memref<2000x128xi32, #tpu.memory_space<vmem>>, vector<2000x128xi32>,
    return
  }
  func.func @transform_0(%arg0: i32, %arg1: i32) -> (i32, i32) {
    %c0_i32 = arith.constant 0 : i32
    %c0_i32_0 = arith.constant 0 : i32
    return %arg1, %c0_i32 : i32, i32
  }
  func.func @transform_1(%arg0: i32, %arg1: i32) -> (i32, i32, i32) {
    %c0_i32 = arith.constant 0 : i32
    %c0_i32_0 = arith.constant 0 : i32
    %c0_i32_1 = arith.constant 0 : i32
    return %arg0, %c0_i32, %c0_i32_0 : i32, i32, i32
  }
  func.func @transform_2(%arg0: i32, %arg1: i32) -> (i32, i32, i32) {
    %c0_i32 = arith.constant 0 : i32
    %c0_i32_0 = arith.constant 0 : i32
    %c0_i32_1 = arith.constant 0 : i32
    return %arg0, %c0_i32, %c0_i32_0 : i32, i32, i32
  }
  func.func @transform_3(%arg0: i32, %arg1: i32) -> (i32, i32, i32) {
    %c0_i32 = arith.constant 0 : i32
    %c0_i32_0 = arith.constant 0 : i32
    %c0_i32_1 = arith.constant 0 : i32
    return %arg0, %c0_i32, %c0_i32_0 : i32, i32, i32
  }
  func.func @transform_4(%arg0: i32, %arg1: i32) -> (i32, i32, i32) {
    %c0_i32 = arith.constant 0 : i32
    %c0_i32_0 = arith.constant 0 : i32
    %c0_i32_1 = arith.constant 0 : i32
    return %arg0, %c0_i32, %c0_i32_0 : i32, i32, i32
  }
  func.func @transform_5(%arg0: i32, %arg1: i32) -> (i32, i32) {
    %mul3A = arith.constant 5 : i32
    %mul3A_0 = arith.muli %arg0, %mul3A : i32
    %add3A = arith.addi %mul3A_0, %arg1 : i32
    %c0_i32 = arith.constant 0 : i32
    %c0_i32_1 = arith.constant 0 : i32
    return %add3A, %c0_i32 : i32, i32
  }
  func.func @transform_6(%arg0: i32, %arg1: i32) -> (i32, i32) {
    %mul3A = arith.constant 5 : i32
    %mul3A_0 = arith.muli %arg0, %mul3A : i32
    %add3A = arith.addi %mul3A_0, %arg1 : i32
    %c0_i32 = arith.constant 0 : i32
    %c0_i32_1 = arith.constant 0 : i32
    return %add3A, %c0_i32 : i32, i32
  }
}

module attributes {stable_mosaic.version = 14 : i64} {
  func.func @_edge_embed_body(%arg0: i32, %arg1: memref<2000x1xf32, #tpu.memory_space<vmem>>, %arg2: memref<2000x1xbf16, #tpu.memory_space<vmem>>, %arg3: memref<1x256xf32, #tpu.memory_space<vmem>>, %arg4: memref<1x256xf32, #tpu.memory_space<vmem>>, %arg5: memref<256x128xf32, #tpu.memory_space<vmem>>, %arg6: memref<1x128xf32, #tpu.memory_space<vmem>>, %arg7: memref<128x128xf32, #tpu.memory_space<vmem>>, %arg8: memref<1x128xf32, #tpu.memory_space<vmem>>, %arg9: memref<128x128xf32, #tpu.memory_space<vmem>>, %arg10: memref<128x128xf32, #tpu.memory_space<vmem>>, %arg11: memref<1x128xf32, #tpu.memory_space<vmem>>, %arg12: memref<1x128xf32, #tpu.memory_space<vmem>>, %arg13: memref<128x128xf32, #tpu.memory_space<vmem>>, %arg14: memref<128x128xf32, #tpu.memory_space<vmem>>, %arg15: memref<1x128xf32, #tpu.memory_space<vmem>>, %arg16: memref<1x128xf32, #tpu.memory_space<vmem>>, %arg17: memref<2000x128xi32, #tpu.memory_space<vmem>>) attributes {dimension_semantics = [#tpu.dimension_semantics<arbitrary>], iteration_bounds = array<i64: 80>, scalar_prefetch = 0 : i64, scratch_operands = 0 : i64, tpu.core_type = #tpu.core_type<tc>, window_params = [{transform_indices = @transform_0, window_bounds = array<i64: 2000, 1>}, {transform_indices = @transform_1, window_bounds = array<i64: 2000, 1>}, {pipeline_mode = #tpu.pipeline_mode<synchronous>, transform_indices = @transform_2, window_bounds = array<i64: 1, 256>}, {pipeline_mode = #tpu.pipeline_mode<synchronous>, transform_indices = @transform_3, window_bounds = array<i64: 1, 256>}, {pipeline_mode = #tpu.pipeline_mode<synchronous>, transform_indices = @transform_4, window_bounds = array<i64: 256, 128>}, {pipeline_mode = #tpu.pipeline_mode<synchronous>, transform_indices = @transform_5, window_bounds = array<i64: 1, 128>}, {pipeline_mode = #tpu.pipeline_mode<synchronous>, transform_indices = @transform_6, window_bounds = array<i64: 128, 128>}, {pipeline_mode = #tpu.pipeline_mode<synchronous>, transform_indices = @transform_7, window_bounds = array<i64: 1, 128>}, {pipeline_mode = #tpu.pipeline_mode<synchronous>, transform_indices = @transform_8, window_bounds = array<i64: 128, 128>}, {pipeline_mode = #tpu.pipeline_mode<synchronous>, transform_indices = @transform_9, window_bounds = array<i64: 128, 128>}, {pipeline_mode = #tpu.pipeline_mode<synchronous>, transform_indices = @transform_10, window_bounds = array<i64: 1, 128>}, {pipeline_mode = #tpu.pipeline_mode<synchronous>, transform_indices = @transform_11, window_bounds = array<i64: 1, 128>}, {pipeline_mode = #tpu.pipeline_mode<synchronous>, transform_indices = @transform_12, window_bounds = array<i64: 128, 128>}, {pipeline_mode = #tpu.pipeline_mode<synchronous>, transform_indices = @transform_13, window_bounds = array<i64: 128, 128>}, {pipeline_mode = #tpu.pipeline_mode<synchronous>, transform_indices = @transform_14, window_bounds = array<i64: 1, 128>}, {pipeline_mode = #tpu.pipeline_mode<synchronous>, transform_indices = @transform_15, window_bounds = array<i64: 1, 128>}, {transform_indices = @transform_16, window_bounds = array<i64: 2000, 128>}]} {
    %get3A = arith.constant 0 : index
    %get3A_0 = arith.constant 0 : index
    %get3A_1 = vector.load %arg1[%get3A, %get3A_0] : memref<2000x1xf32, #tpu.memory_space<vmem>>, vector<2000x1xf32>
    %get3A_2 = arith.constant 0 : index
    %get3A_3 = arith.constant 0 : index
    %get3A_4 = vector.load %arg3[%get3A_2, %get3A_3] : memref<1x256xf32, #tpu.memory_space<vmem>>, vector<1x256xf32>
    %mul3A = vector.broadcast %get3A_1 : vector<2000x1xf32> to vector<2000x256xf32>
    %mul3A_5 = vector.broadcast %get3A_4 : vector<1x256xf32> to vector<2000x256xf32>
    %mul3A_6 = arith.mulf %mul3A, %mul3A_5 : vector<2000x256xf32>
    %get3A_7 = arith.constant 0 : index
    %get3A_8 = arith.constant 0 : index
    %get3A_9 = vector.load %arg4[%get3A_7, %get3A_8] : memref<1x256xf32, #tpu.memory_space<vmem>>, vector<1x256xf32>
    %add3A = vector.broadcast %get3A_9 : vector<1x256xf32> to vector<2000x256xf32>
    %add3A_10 = arith.addf %mul3A_6, %add3A : vector<2000x256xf32>
    %max3A = arith.constant 0.000000e+00 : f32
    %max3A_11 = vector.broadcast %max3A : f32 to vector<2000x256xf32>
    %max3A_12 = arith.maximumf %add3A_10, %max3A_11 : vector<2000x256xf32>
    %get3A_13 = arith.constant 0 : index
    %get3A_14 = arith.constant 0 : index
    %get3A_15 = vector.load %arg5[%get3A_13, %get3A_14] : memref<256x128xf32, #tpu.memory_space<vmem>>, vector<256x128xf32>
    %convert_element_type3A = arith.truncf %max3A_12 : vector<2000x256xf32> to vector<2000x256xbf16>
    %convert_element_type3A_16 = arith.truncf %get3A_15 : vector<256x128xf32> to vector<256x128xbf16>
    %dot_general3A = arith.constant dense<0.000000e+00> : vector<2000x128xf32>
    %dot_general3A_17 = tpu.matmul %convert_element_type3A, %convert_element_type3A_16, %dot_general3A {dimension_numbers = #tpu.dot_dimension_numbers<[1], [0], [0], [1], [0, 0, 1, 1], [], []>, transpose_lhs_hint = false} : vector<2000x256xbf16>, vector<256x128xbf16>, vector<2000x128xf32> -> vector<2000x128xf32>
    %get3A_18 = arith.constant 0 : index
    %get3A_19 = arith.constant 0 : index
    %get3A_20 = vector.load %arg6[%get3A_18, %get3A_19] : memref<1x128xf32, #tpu.memory_space<vmem>>, vector<1x128xf32>
    %add3A_21 = vector.broadcast %get3A_20 : vector<1x128xf32> to vector<2000x128xf32>
    %add3A_22 = arith.addf %dot_general3A_17, %add3A_21 : vector<2000x128xf32>
    %max3A_23 = arith.constant 0.000000e+00 : f32
    %max3A_24 = vector.broadcast %max3A_23 : f32 to vector<2000x128xf32>
    %max3A_25 = arith.maximumf %add3A_22, %max3A_24 : vector<2000x128xf32>
    %get3A_26 = arith.constant 0 : index
    %get3A_27 = arith.constant 0 : index
    %get3A_28 = vector.load %arg7[%get3A_26, %get3A_27] : memref<128x128xf32, #tpu.memory_space<vmem>>, vector<128x128xf32>
    %convert_element_type3A_29 = arith.truncf %max3A_25 : vector<2000x128xf32> to vector<2000x128xbf16>
    %convert_element_type3A_30 = arith.truncf %get3A_28 : vector<128x128xf32> to vector<128x128xbf16>
    %dot_general3A_31 = arith.constant dense<0.000000e+00> : vector<2000x128xf32>
    %dot_general3A_32 = tpu.matmul %convert_element_type3A_29, %convert_element_type3A_30, %dot_general3A_31 {dimension_numbers = #tpu.dot_dimension_numbers<[1], [0], [0], [1], [0, 0, 1, 1], [], []>, transpose_lhs_hint = false} : vector<2000x128xbf16>, vector<128x128xbf16>, vector<2000x128xf32> -> vector<2000x128xf32>
    %get3A_33 = arith.constant 0 : index
    %get3A_34 = arith.constant 0 : index
    %get3A_35 = vector.load %arg8[%get3A_33, %get3A_34] : memref<1x128xf32, #tpu.memory_space<vmem>>, vector<1x128xf32>
    %add3A_36 = vector.broadcast %get3A_35 : vector<1x128xf32> to vector<2000x128xf32>
    %add3A_37 = arith.addf %dot_general3A_32, %add3A_36 : vector<2000x128xf32>
    %get3A_38 = arith.constant 0 : index
    %get3A_39 = arith.constant 0 : index
    %get3A_40 = vector.load %arg2[%get3A_38, %get3A_39] : memref<2000x1xbf16, #tpu.memory_space<vmem>>, vector<2000x1xbf16>
    %convert_element_type3A_41 = arith.extf %get3A_40 : vector<2000x1xbf16> to vector<2000x1xf32>
    %get3A_42 = arith.constant 0 : index
    %get3A_43 = arith.constant 0 : index
    %get3A_44 = vector.load %arg9[%get3A_42, %get3A_43] : memref<128x128xf32, #tpu.memory_space<vmem>>, vector<128x128xf32>
    %convert_element_type3A_45 = arith.truncf %add3A_37 : vector<2000x128xf32> to vector<2000x128xbf16>
    %convert_element_type3A_46 = arith.truncf %get3A_44 : vector<128x128xf32> to vector<128x128xbf16>
    %dot_general3A_47 = arith.constant dense<0.000000e+00> : vector<2000x128xf32>
    %dot_general3A_48 = tpu.matmul %convert_element_type3A_45, %convert_element_type3A_46, %dot_general3A_47 {dimension_numbers = #tpu.dot_dimension_numbers<[1], [0], [0], [1], [0, 0, 1, 1], [], []>, transpose_lhs_hint = false} : vector<2000x128xbf16>, vector<128x128xbf16>, vector<2000x128xf32> -> vector<2000x128xf32>
    %get3A_49 = arith.constant 0 : index
    %get3A_50 = arith.constant 0 : index
    %get3A_51 = vector.load %arg11[%get3A_49, %get3A_50] : memref<1x128xf32, #tpu.memory_space<vmem>>, vector<1x128xf32>
    %add3A_52 = vector.broadcast %get3A_51 : vector<1x128xf32> to vector<2000x128xf32>
    %add3A_53 = arith.addf %dot_general3A_48, %add3A_52 : vector<2000x128xf32>
    %get3A_54 = arith.constant 0 : index
    %get3A_55 = arith.constant 0 : index
    %get3A_56 = vector.load %arg13[%get3A_54, %get3A_55] : memref<128x128xf32, #tpu.memory_space<vmem>>, vector<128x128xf32>
    %convert_element_type3A_57 = arith.truncf %add3A_37 : vector<2000x128xf32> to vector<2000x128xbf16>
    %convert_element_type3A_58 = arith.truncf %get3A_56 : vector<128x128xf32> to vector<128x128xbf16>
    %dot_general3A_59 = arith.constant dense<0.000000e+00> : vector<2000x128xf32>
    %dot_general3A_60 = tpu.matmul %convert_element_type3A_57, %convert_element_type3A_58, %dot_general3A_59 {dimension_numbers = #tpu.dot_dimension_numbers<[1], [0], [0], [1], [0, 0, 1, 1], [], []>, transpose_lhs_hint = false} : vector<2000x128xbf16>, vector<128x128xbf16>, vector<2000x128xf32> -> vector<2000x128xf32>
    %get3A_61 = arith.constant 0 : index
    %get3A_62 = arith.constant 0 : index
    %get3A_63 = vector.load %arg15[%get3A_61, %get3A_62] : memref<1x128xf32, #tpu.memory_space<vmem>>, vector<1x128xf32>
    %add3A_64 = vector.broadcast %get3A_63 : vector<1x128xf32> to vector<2000x128xf32>
    %add3A_65 = arith.addf %dot_general3A_60, %add3A_64 : vector<2000x128xf32>
    %get3A_66 = arith.constant 0 : index
    %get3A_67 = arith.constant 0 : index
    %get3A_68 = vector.load %arg10[%get3A_66, %get3A_67] : memref<128x128xf32, #tpu.memory_space<vmem>>, vector<128x128xf32>
    %convert_element_type3A_69 = arith.truncf %add3A_37 : vector<2000x128xf32> to vector<2000x128xbf16>
    %convert_element_type3A_70 = arith.truncf %get3A_68 : vector<128x128xf32> to vector<128x128xbf16>
    %dot_general3A_71 = arith.constant dense<0.000000e+00> : vector<2000x128xf32>
    %dot_general3A_72 = tpu.matmul %convert_element_type3A_69, %convert_element_type3A_70, %dot_general3A_71 {dimension_numbers = #tpu.dot_dimension_numbers<[1], [0], [0], [1], [0, 0, 1, 1], [], []>, transpose_lhs_hint = false} : vector<2000x128xbf16>, vector<128x128xbf16>, vector<2000x128xf32> -> vector<2000x128xf32>
    %get3A_73 = arith.constant 0 : index
    %get3A_74 = arith.constant 0 : index
    %get3A_75 = vector.load %arg12[%get3A_73, %get3A_74] : memref<1x128xf32, #tpu.memory_space<vmem>>, vector<1x128xf32>
    %add3A_76 = vector.broadcast %get3A_75 : vector<1x128xf32> to vector<2000x128xf32>
    %add3A_77 = arith.addf %dot_general3A_72, %add3A_76 : vector<2000x128xf32>
    %get3A_78 = arith.constant 0 : index
    %get3A_79 = arith.constant 0 : index
    %get3A_80 = vector.load %arg14[%get3A_78, %get3A_79] : memref<128x128xf32, #tpu.memory_space<vmem>>, vector<128x128xf32>
    %convert_element_type3A_81 = arith.truncf %add3A_37 : vector<2000x128xf32> to vector<2000x128xbf16>
    %convert_element_type3A_82 = arith.truncf %get3A_80 : vector<128x128xf32> to vector<128x128xbf16>
    %dot_general3A_83 = arith.constant dense<0.000000e+00> : vector<2000x128xf32>
    %dot_general3A_84 = tpu.matmul %convert_element_type3A_81, %convert_element_type3A_82, %dot_general3A_83 {dimension_numbers = #tpu.dot_dimension_numbers<[1], [0], [0], [1], [0, 0, 1, 1], [], []>, transpose_lhs_hint = false} : vector<2000x128xbf16>, vector<128x128xbf16>, vector<2000x128xf32> -> vector<2000x128xf32>
    %get3A_85 = arith.constant 0 : index
    %get3A_86 = arith.constant 0 : index
    %get3A_87 = vector.load %arg16[%get3A_85, %get3A_86] : memref<1x128xf32, #tpu.memory_space<vmem>>, vector<1x128xf32>
    %add3A_88 = vector.broadcast %get3A_87 : vector<1x128xf32> to vector<2000x128xf32>
    %add3A_89 = arith.addf %dot_general3A_84, %add3A_88 : vector<2000x128xf32>
    %sub3A = arith.subf %add3A_53, %add3A_65 : vector<2000x128xf32>
    %mul3A_90 = vector.broadcast %convert_element_type3A_41 : vector<2000x1xf32> to vector<2000x128xf32>
    %mul3A_91 = arith.mulf %mul3A_90, %sub3A : vector<2000x128xf32>
    %add3A_92 = arith.addf %add3A_65, %mul3A_91 : vector<2000x128xf32>
    %sub3A_93 = arith.subf %add3A_77, %add3A_89 : vector<2000x128xf32>
    %mul3A_94 = vector.broadcast %convert_element_type3A_41 : vector<2000x1xf32> to vector<2000x128xf32>
    %mul3A_95 = arith.mulf %mul3A_94, %sub3A_93 : vector<2000x128xf32>
    %add3A_96 = arith.addf %add3A_89, %mul3A_95 : vector<2000x128xf32>
    %convert_element_type3A_97 = arith.truncf %add3A_92 : vector<2000x128xf32> to vector<2000x128xbf16>
    %convert_element_type3A_98 = arith.extf %convert_element_type3A_97 : vector<2000x128xbf16> to vector<2000x128xf32>
    %bitcast_convert_type3A = tpu.bitcast %convert_element_type3A_98 : vector<2000x128xf32> -> vector<2000x128xi32>
    %convert_element_type3A_99 = arith.truncf %add3A_96 : vector<2000x128xf32> to vector<2000x128xbf16>
    %convert_element_type3A_100 = arith.extf %convert_element_type3A_99 : vector<2000x128xbf16> to vector<2000x128xf32>
    %bitcast_convert_type3A_101 = tpu.bitcast %convert_element_type3A_100 : vector<2000x128xf32> -> vector<2000x128xi32>
    %shift_right_logical3A = arith.constant 16 : i32
    %shift_right_logical3A_102 = vector.broadcast %shift_right_logical3A : i32 to vector<2000x128xi32>
    %shift_right_logical3A_103 = arith.shrui %bitcast_convert_type3A, %shift_right_logical3A_102 : vector<2000x128xi32>
    %or3A = arith.ori %shift_right_logical3A_103, %bitcast_convert_type3A_101 : vector<2000x128xi32>
    %swap3A = arith.constant 0 : index
    %swap3A_104 = arith.constant 0 : index
    %swap3A_105 = vector.load %arg17[%swap3A, %swap3A_104] : memref<2000x128xi32, #tpu.memory_space<vmem>>, vector<2000x128xi32>
    tpu.vector_store %arg17[%swap3A, %swap3A_104], %or3A {strides = array<i32>} : memref<2000x128xi32, #tpu.memory_space<vmem>>, vector<2000x128xi32>,
    return
  }
  func.func @transform_0(%arg0: i32) -> (i32, i32) {
    %c0_i32 = arith.constant 0 : i32
    %c0_i32_0 = arith.constant 0 : i32
    return %arg0, %c0_i32 : i32, i32
  }
  func.func @transform_1(%arg0: i32) -> (i32, i32) {
    %c0_i32 = arith.constant 0 : i32
    %c0_i32_0 = arith.constant 0 : i32
    return %arg0, %c0_i32 : i32, i32
  }
  func.func @transform_2(%arg0: i32) -> (i32, i32) {
    %c0_i32 = arith.constant 0 : i32
    %c0_i32_0 = arith.constant 0 : i32
    %c0_i32_1 = arith.constant 0 : i32
    return %c0_i32, %c0_i32_0 : i32, i32
  }
  func.func @transform_3(%arg0: i32) -> (i32, i32) {
    %c0_i32 = arith.constant 0 : i32
    %c0_i32_0 = arith.constant 0 : i32
    %c0_i32_1 = arith.constant 0 : i32
    return %c0_i32, %c0_i32_0 : i32, i32
  }
  func.func @transform_4(%arg0: i32) -> (i32, i32) {
    %c0_i32 = arith.constant 0 : i32
    %c0_i32_0 = arith.constant 0 : i32
    %c0_i32_1 = arith.constant 0 : i32
    return %c0_i32, %c0_i32_0 : i32, i32
  }
  func.func @transform_5(%arg0: i32) -> (i32, i32) {
    %c0_i32 = arith.constant 0 : i32
    %c0_i32_0 = arith.constant 0 : i32
    %c0_i32_1 = arith.constant 0 : i32
    return %c0_i32, %c0_i32_0 : i32, i32
  }
  func.func @transform_6(%arg0: i32) -> (i32, i32) {
    %c0_i32 = arith.constant 0 : i32
    %c0_i32_0 = arith.constant 0 : i32
    %c0_i32_1 = arith.constant 0 : i32
    return %c0_i32, %c0_i32_0 : i32, i32
  }
  func.func @transform_7(%arg0: i32) -> (i32, i32) {
    %c0_i32 = arith.constant 0 : i32
    %c0_i32_0 = arith.constant 0 : i32
    %c0_i32_1 = arith.constant 0 : i32
    return %c0_i32, %c0_i32_0 : i32, i32
  }
  func.func @transform_8(%arg0: i32) -> (i32, i32) {
    %c0_i32 = arith.constant 0 : i32
    %c0_i32_0 = arith.constant 0 : i32
    %c0_i32_1 = arith.constant 0 : i32
    return %c0_i32, %c0_i32_0 : i32, i32
  }
  func.func @transform_9(%arg0: i32) -> (i32, i32) {
    %c0_i32 = arith.constant 0 : i32
    %c0_i32_0 = arith.constant 0 : i32
    %c0_i32_1 = arith.constant 0 : i32
    return %c0_i32, %c0_i32_0 : i32, i32
  }
  func.func @transform_10(%arg0: i32) -> (i32, i32) {
    %c0_i32 = arith.constant 0 : i32
    %c0_i32_0 = arith.constant 0 : i32
    %c0_i32_1 = arith.constant 0 : i32
    return %c0_i32, %c0_i32_0 : i32, i32
  }
  func.func @transform_11(%arg0: i32) -> (i32, i32) {
    %c0_i32 = arith.constant 0 : i32
    %c0_i32_0 = arith.constant 0 : i32
    %c0_i32_1 = arith.constant 0 : i32
    return %c0_i32, %c0_i32_0 : i32, i32
  }
  func.func @transform_12(%arg0: i32) -> (i32, i32) {
    %c0_i32 = arith.constant 0 : i32
    %c0_i32_0 = arith.constant 0 : i32
    %c0_i32_1 = arith.constant 0 : i32
    return %c0_i32, %c0_i32_0 : i32, i32
  }
  func.func @transform_13(%arg0: i32) -> (i32, i32) {
    %c0_i32 = arith.constant 0 : i32
    %c0_i32_0 = arith.constant 0 : i32
    %c0_i32_1 = arith.constant 0 : i32
    return %c0_i32, %c0_i32_0 : i32, i32
  }
  func.func @transform_14(%arg0: i32) -> (i32, i32) {
    %c0_i32 = arith.constant 0 : i32
    %c0_i32_0 = arith.constant 0 : i32
    %c0_i32_1 = arith.constant 0 : i32
    return %c0_i32, %c0_i32_0 : i32, i32
  }
  func.func @transform_15(%arg0: i32) -> (i32, i32) {
    %c0_i32 = arith.constant 0 : i32
    %c0_i32_0 = arith.constant 0 : i32
    %c0_i32_1 = arith.constant 0 : i32
    return %c0_i32, %c0_i32_0 : i32, i32
  }
  func.func @transform_16(%arg0: i32) -> (i32, i32) {
    %c0_i32 = arith.constant 0 : i32
    %c0_i32_0 = arith.constant 0 : i32
    return %arg0, %c0_i32 : i32, i32
  }
}

module attributes {stable_mosaic.version = 14 : i64} {
  func.func @_edge_mlp_body(%arg0: i32, %arg1: memref<2000x128xi32, #tpu.memory_space<vmem>>, %arg2: memref<2000x128xi32, #tpu.memory_space<vmem>>, %arg3: memref<2000x128xi32, #tpu.memory_space<vmem>>, %arg4: memref<2000x1xbf16, #tpu.memory_space<vmem>>, %arg5: memref<128x128xf32, #tpu.memory_space<vmem>>, %arg6: memref<128x128xf32, #tpu.memory_space<vmem>>, %arg7: memref<1x128xf32, #tpu.memory_space<vmem>>, %arg8: memref<128x128xf32, #tpu.memory_space<vmem>>, %arg9: memref<1x128xf32, #tpu.memory_space<vmem>>, %arg10: memref<128x128xf32, #tpu.memory_space<vmem>>, %arg11: memref<128x128xf32, #tpu.memory_space<vmem>>, %arg12: memref<1x128xf32, #tpu.memory_space<vmem>>, %arg13: memref<128x128xf32, #tpu.memory_space<vmem>>, %arg14: memref<1x128xf32, #tpu.memory_space<vmem>>, %arg15: memref<2000x128xf32, #tpu.memory_space<vmem>>) attributes {dimension_semantics = [#tpu.dimension_semantics<arbitrary>], iteration_bounds = array<i64: 80>, scalar_prefetch = 0 : i64, scratch_operands = 0 : i64, tpu.core_type = #tpu.core_type<tc>, window_params = [{transform_indices = @transform_0, window_bounds = array<i64: 2000, 128>}, {transform_indices = @transform_1, window_bounds = array<i64: 2000, 128>}, {transform_indices = @transform_2, window_bounds = array<i64: 2000, 128>}, {transform_indices = @transform_3, window_bounds = array<i64: 2000, 1>}, {pipeline_mode = #tpu.pipeline_mode<synchronous>, transform_indices = @transform_4, window_bounds = array<i64: 128, 128>}, {pipeline_mode = #tpu.pipeline_mode<synchronous>, transform_indices = @transform_5, window_bounds = array<i64: 128, 128>}, {pipeline_mode = #tpu.pipeline_mode<synchronous>, transform_indices = @transform_6, window_bounds = array<i64: 1, 128>}, {pipeline_mode = #tpu.pipeline_mode<synchronous>, transform_indices = @transform_7, window_bounds = array<i64: 128, 128>}, {pipeline_mode = #tpu.pipeline_mode<synchronous>, transform_indices = @transform_8, window_bounds = array<i64: 1, 128>}, {pipeline_mode = #tpu.pipeline_mode<synchronous>, transform_indices = @transform_9, window_bounds = array<i64: 128, 128>}, {pipeline_mode = #tpu.pipeline_mode<synchronous>, transform_indices = @transform_10, window_bounds = array<i64: 128, 128>}, {pipeline_mode = #tpu.pipeline_mode<synchronous>, transform_indices = @transform_11, window_bounds = array<i64: 1, 128>}, {pipeline_mode = #tpu.pipeline_mode<synchronous>, transform_indices = @transform_12, window_bounds = array<i64: 128, 128>}, {pipeline_mode = #tpu.pipeline_mode<synchronous>, transform_indices = @transform_13, window_bounds = array<i64: 1, 128>}, {transform_indices = @transform_14, window_bounds = array<i64: 2000, 128>}]} {
    %get3A = arith.constant 0 : index
    %get3A_0 = arith.constant 0 : index
    %get3A_1 = vector.load %arg1[%get3A, %get3A_0] : memref<2000x128xi32, #tpu.memory_space<vmem>>, vector<2000x128xi32>
    %shift_left3A = arith.constant 16 : i32
    %shift_left3A_2 = vector.broadcast %shift_left3A : i32 to vector<2000x128xi32>
    %shift_left3A_3 = arith.shli %get3A_1, %shift_left3A_2 : vector<2000x128xi32>
    %bitcast_convert_type3A = tpu.bitcast %shift_left3A_3 : vector<2000x128xi32> -> vector<2000x128xf32>
    %and3A = arith.constant -65536 : i32
    %and3A_4 = vector.broadcast %and3A : i32 to vector<2000x128xi32>
    %and3A_5 = arith.andi %get3A_1, %and3A_4 : vector<2000x128xi32>
    %bitcast_convert_type3A_6 = tpu.bitcast %and3A_5 : vector<2000x128xi32> -> vector<2000x128xf32>
    %get3A_7 = arith.constant 0 : index
    %get3A_8 = arith.constant 0 : index
    %get3A_9 = vector.load %arg2[%get3A_7, %get3A_8] : memref<2000x128xi32, #tpu.memory_space<vmem>>, vector<2000x128xi32>
    %shift_left3A_10 = arith.constant 16 : i32
    %shift_left3A_11 = vector.broadcast %shift_left3A_10 : i32 to vector<2000x128xi32>
    %shift_left3A_12 = arith.shli %get3A_9, %shift_left3A_11 : vector<2000x128xi32>
    %bitcast_convert_type3A_13 = tpu.bitcast %shift_left3A_12 : vector<2000x128xi32> -> vector<2000x128xf32>
    %and3A_14 = arith.constant -65536 : i32
    %and3A_15 = vector.broadcast %and3A_14 : i32 to vector<2000x128xi32>
    %and3A_16 = arith.andi %get3A_9, %and3A_15 : vector<2000x128xi32>
    %bitcast_convert_type3A_17 = tpu.bitcast %and3A_16 : vector<2000x128xi32> -> vector<2000x128xf32>
    %get3A_18 = arith.constant 0 : index
    %get3A_19 = arith.constant 0 : index
    %get3A_20 = vector.load %arg3[%get3A_18, %get3A_19] : memref<2000x128xi32, #tpu.memory_space<vmem>>, vector<2000x128xi32>
    %shift_left3A_21 = arith.constant 16 : i32
    %shift_left3A_22 = vector.broadcast %shift_left3A_21 : i32 to vector<2000x128xi32>
    %shift_left3A_23 = arith.shli %get3A_20, %shift_left3A_22 : vector<2000x128xi32>
    %bitcast_convert_type3A_24 = tpu.bitcast %shift_left3A_23 : vector<2000x128xi32> -> vector<2000x128xf32>
    %and3A_25 = arith.constant -65536 : i32
    %and3A_26 = vector.broadcast %and3A_25 : i32 to vector<2000x128xi32>
    %and3A_27 = arith.andi %get3A_20, %and3A_26 : vector<2000x128xi32>
    %bitcast_convert_type3A_28 = tpu.bitcast %and3A_27 : vector<2000x128xi32> -> vector<2000x128xf32>
    %add3A = arith.addf %bitcast_convert_type3A, %bitcast_convert_type3A_13 : vector<2000x128xf32>
    %add3A_29 = arith.addf %add3A, %bitcast_convert_type3A_24 : vector<2000x128xf32>
    %max3A = arith.constant 0.000000e+00 : f32
    %max3A_30 = vector.broadcast %max3A : f32 to vector<2000x128xf32>
    %max3A_31 = arith.maximumf %add3A_29, %max3A_30 : vector<2000x128xf32>
    %add3A_32 = arith.addf %bitcast_convert_type3A_6, %bitcast_convert_type3A_17 : vector<2000x128xf32>
    %add3A_33 = arith.addf %add3A_32, %bitcast_convert_type3A_28 : vector<2000x128xf32>
    %max3A_34 = arith.constant 0.000000e+00 : f32
    %max3A_35 = vector.broadcast %max3A_34 : f32 to vector<2000x128xf32>
    %max3A_36 = arith.maximumf %add3A_33, %max3A_35 : vector<2000x128xf32>
    %get3A_37 = arith.constant 0 : index
    %get3A_38 = arith.constant 0 : index
    %get3A_39 = vector.load %arg5[%get3A_37, %get3A_38] : memref<128x128xf32, #tpu.memory_space<vmem>>, vector<128x128xf32>
    %convert_element_type3A = arith.truncf %max3A_31 : vector<2000x128xf32> to vector<2000x128xbf16>
    %convert_element_type3A_40 = arith.truncf %get3A_39 : vector<128x128xf32> to vector<128x128xbf16>
    %dot_general3A = arith.constant dense<0.000000e+00> : vector<2000x128xf32>
    %dot_general3A_41 = tpu.matmul %convert_element_type3A, %convert_element_type3A_40, %dot_general3A {dimension_numbers = #tpu.dot_dimension_numbers<[1], [0], [0], [1], [0, 0, 1, 1], [], []>, transpose_lhs_hint = false} : vector<2000x128xbf16>, vector<128x128xbf16>, vector<2000x128xf32> -> vector<2000x128xf32>
    %get3A_42 = arith.constant 0 : index
    %get3A_43 = arith.constant 0 : index
    %get3A_44 = vector.load %arg6[%get3A_42, %get3A_43] : memref<128x128xf32, #tpu.memory_space<vmem>>, vector<128x128xf32>
    %convert_element_type3A_45 = arith.truncf %max3A_36 : vector<2000x128xf32> to vector<2000x128xbf16>
    %convert_element_type3A_46 = arith.truncf %get3A_44 : vector<128x128xf32> to vector<128x128xbf16>
    %dot_general3A_47 = arith.constant dense<0.000000e+00> : vector<2000x128xf32>
    %dot_general3A_48 = tpu.matmul %convert_element_type3A_45, %convert_element_type3A_46, %dot_general3A_47 {dimension_numbers = #tpu.dot_dimension_numbers<[1], [0], [0], [1], [0, 0, 1, 1], [], []>, transpose_lhs_hint = false} : vector<2000x128xbf16>, vector<128x128xbf16>, vector<2000x128xf32> -> vector<2000x128xf32>
    %add3A_49 = arith.addf %dot_general3A_41, %dot_general3A_48 : vector<2000x128xf32>
    %get3A_50 = arith.constant 0 : index
    %get3A_51 = arith.constant 0 : index
    %get3A_52 = vector.load %arg7[%get3A_50, %get3A_51] : memref<1x128xf32, #tpu.memory_space<vmem>>, vector<1x128xf32>
    %add3A_53 = vector.broadcast %get3A_52 : vector<1x128xf32> to vector<2000x128xf32>
    %add3A_54 = arith.addf %add3A_49, %add3A_53 : vector<2000x128xf32>
    %max3A_55 = arith.constant 0.000000e+00 : f32
    %max3A_56 = vector.broadcast %max3A_55 : f32 to vector<2000x128xf32>
    %max3A_57 = arith.maximumf %add3A_54, %max3A_56 : vector<2000x128xf32>
    %get3A_58 = arith.constant 0 : index
    %get3A_59 = arith.constant 0 : index
    %get3A_60 = vector.load %arg8[%get3A_58, %get3A_59] : memref<128x128xf32, #tpu.memory_space<vmem>>, vector<128x128xf32>
    %convert_element_type3A_61 = arith.truncf %max3A_57 : vector<2000x128xf32> to vector<2000x128xbf16>
    %convert_element_type3A_62 = arith.truncf %get3A_60 : vector<128x128xf32> to vector<128x128xbf16>
    %dot_general3A_63 = arith.constant dense<0.000000e+00> : vector<2000x128xf32>
    %dot_general3A_64 = tpu.matmul %convert_element_type3A_61, %convert_element_type3A_62, %dot_general3A_63 {dimension_numbers = #tpu.dot_dimension_numbers<[1], [0], [0], [1], [0, 0, 1, 1], [], []>, transpose_lhs_hint = false} : vector<2000x128xbf16>, vector<128x128xbf16>, vector<2000x128xf32> -> vector<2000x128xf32>
    %get3A_65 = arith.constant 0 : index
    %get3A_66 = arith.constant 0 : index
    %get3A_67 = vector.load %arg9[%get3A_65, %get3A_66] : memref<1x128xf32, #tpu.memory_space<vmem>>, vector<1x128xf32>
    %add3A_68 = vector.broadcast %get3A_67 : vector<1x128xf32> to vector<2000x128xf32>
    %add3A_69 = arith.addf %dot_general3A_64, %add3A_68 : vector<2000x128xf32>
    %get3A_70 = arith.constant 0 : index
    %get3A_71 = arith.constant 0 : index
    %get3A_72 = vector.load %arg10[%get3A_70, %get3A_71] : memref<128x128xf32, #tpu.memory_space<vmem>>, vector<128x128xf32>
    %convert_element_type3A_73 = arith.truncf %max3A_31 : vector<2000x128xf32> to vector<2000x128xbf16>
    %convert_element_type3A_74 = arith.truncf %get3A_72 : vector<128x128xf32> to vector<128x128xbf16>
    %dot_general3A_75 = arith.constant dense<0.000000e+00> : vector<2000x128xf32>
    %dot_general3A_76 = tpu.matmul %convert_element_type3A_73, %convert_element_type3A_74, %dot_general3A_75 {dimension_numbers = #tpu.dot_dimension_numbers<[1], [0], [0], [1], [0, 0, 1, 1], [], []>, transpose_lhs_hint = false} : vector<2000x128xbf16>, vector<128x128xbf16>, vector<2000x128xf32> -> vector<2000x128xf32>
    %get3A_77 = arith.constant 0 : index
    %get3A_78 = arith.constant 0 : index
    %get3A_79 = vector.load %arg11[%get3A_77, %get3A_78] : memref<128x128xf32, #tpu.memory_space<vmem>>, vector<128x128xf32>
    %convert_element_type3A_80 = arith.truncf %max3A_36 : vector<2000x128xf32> to vector<2000x128xbf16>
    %convert_element_type3A_81 = arith.truncf %get3A_79 : vector<128x128xf32> to vector<128x128xbf16>
    %dot_general3A_82 = arith.constant dense<0.000000e+00> : vector<2000x128xf32>
    %dot_general3A_83 = tpu.matmul %convert_element_type3A_80, %convert_element_type3A_81, %dot_general3A_82 {dimension_numbers = #tpu.dot_dimension_numbers<[1], [0], [0], [1], [0, 0, 1, 1], [], []>, transpose_lhs_hint = false} : vector<2000x128xbf16>, vector<128x128xbf16>, vector<2000x128xf32> -> vector<2000x128xf32>
    %add3A_84 = arith.addf %dot_general3A_76, %dot_general3A_83 : vector<2000x128xf32>
    %get3A_85 = arith.constant 0 : index
    %get3A_86 = arith.constant 0 : index
    %get3A_87 = vector.load %arg12[%get3A_85, %get3A_86] : memref<1x128xf32, #tpu.memory_space<vmem>>, vector<1x128xf32>
    %add3A_88 = vector.broadcast %get3A_87 : vector<1x128xf32> to vector<2000x128xf32>
    %add3A_89 = arith.addf %add3A_84, %add3A_88 : vector<2000x128xf32>
    %max3A_90 = arith.constant 0.000000e+00 : f32
    %max3A_91 = vector.broadcast %max3A_90 : f32 to vector<2000x128xf32>
    %max3A_92 = arith.maximumf %add3A_89, %max3A_91 : vector<2000x128xf32>
    %get3A_93 = arith.constant 0 : index
    %get3A_94 = arith.constant 0 : index
    %get3A_95 = vector.load %arg13[%get3A_93, %get3A_94] : memref<128x128xf32, #tpu.memory_space<vmem>>, vector<128x128xf32>
    %convert_element_type3A_96 = arith.truncf %max3A_92 : vector<2000x128xf32> to vector<2000x128xbf16>
    %convert_element_type3A_97 = arith.truncf %get3A_95 : vector<128x128xf32> to vector<128x128xbf16>
    %dot_general3A_98 = arith.constant dense<0.000000e+00> : vector<2000x128xf32>
    %dot_general3A_99 = tpu.matmul %convert_element_type3A_96, %convert_element_type3A_97, %dot_general3A_98 {dimension_numbers = #tpu.dot_dimension_numbers<[1], [0], [0], [1], [0, 0, 1, 1], [], []>, transpose_lhs_hint = false} : vector<2000x128xbf16>, vector<128x128xbf16>, vector<2000x128xf32> -> vector<2000x128xf32>
    %get3A_100 = arith.constant 0 : index
    %get3A_101 = arith.constant 0 : index
    %get3A_102 = vector.load %arg14[%get3A_100, %get3A_101] : memref<1x128xf32, #tpu.memory_space<vmem>>, vector<1x128xf32>
    %add3A_103 = vector.broadcast %get3A_102 : vector<1x128xf32> to vector<2000x128xf32>
    %add3A_104 = arith.addf %dot_general3A_99, %add3A_103 : vector<2000x128xf32>
    %get3A_105 = arith.constant 0 : index
    %get3A_106 = arith.constant 0 : index
    %get3A_107 = vector.load %arg4[%get3A_105, %get3A_106] : memref<2000x1xbf16, #tpu.memory_space<vmem>>, vector<2000x1xbf16>
    %convert_element_type3A_108 = arith.extf %get3A_107 : vector<2000x1xbf16> to vector<2000x1xf32>
    %sub3A = arith.subf %add3A_69, %add3A_104 : vector<2000x128xf32>
    %mul3A = vector.broadcast %convert_element_type3A_108 : vector<2000x1xf32> to vector<2000x128xf32>
    %mul3A_109 = arith.mulf %mul3A, %sub3A : vector<2000x128xf32>
    %add3A_110 = arith.addf %add3A_104, %mul3A_109 : vector<2000x128xf32>
    %swap3A = arith.constant 0 : index
    %swap3A_111 = arith.constant 0 : index
    %swap3A_112 = vector.load %arg15[%swap3A, %swap3A_111] : memref<2000x128xf32, #tpu.memory_space<vmem>>, vector<2000x128xf32>
    tpu.vector_store %arg15[%swap3A, %swap3A_111], %add3A_110 {strides = array<i32>} : memref<2000x128xf32, #tpu.memory_space<vmem>>, vector<2000x128xf32>,
    return
  }
  func.func @transform_0(%arg0: i32) -> (i32, i32) {
    %c0_i32 = arith.constant 0 : i32
    %c0_i32_0 = arith.constant 0 : i32
    return %arg0, %c0_i32 : i32, i32
  }
  func.func @transform_1(%arg0: i32) -> (i32, i32) {
    %c0_i32 = arith.constant 0 : i32
    %c0_i32_0 = arith.constant 0 : i32
    return %arg0, %c0_i32 : i32, i32
  }
  func.func @transform_2(%arg0: i32) -> (i32, i32) {
    %c0_i32 = arith.constant 0 : i32
    %c0_i32_0 = arith.constant 0 : i32
    return %arg0, %c0_i32 : i32, i32
  }
  func.func @transform_3(%arg0: i32) -> (i32, i32) {
    %c0_i32 = arith.constant 0 : i32
    %c0_i32_0 = arith.constant 0 : i32
    return %arg0, %c0_i32 : i32, i32
  }
  func.func @transform_4(%arg0: i32) -> (i32, i32) {
    %c0_i32 = arith.constant 0 : i32
    %c0_i32_0 = arith.constant 0 : i32
    %c0_i32_1 = arith.constant 0 : i32
    return %c0_i32, %c0_i32_0 : i32, i32
  }
  func.func @transform_5(%arg0: i32) -> (i32, i32) {
    %c0_i32 = arith.constant 0 : i32
    %c0_i32_0 = arith.constant 0 : i32
    %c0_i32_1 = arith.constant 0 : i32
    return %c0_i32, %c0_i32_0 : i32, i32
  }
  func.func @transform_6(%arg0: i32) -> (i32, i32) {
    %c0_i32 = arith.constant 0 : i32
    %c0_i32_0 = arith.constant 0 : i32
    %c0_i32_1 = arith.constant 0 : i32
    return %c0_i32, %c0_i32_0 : i32, i32
  }
  func.func @transform_7(%arg0: i32) -> (i32, i32) {
    %c0_i32 = arith.constant 0 : i32
    %c0_i32_0 = arith.constant 0 : i32
    %c0_i32_1 = arith.constant 0 : i32
    return %c0_i32, %c0_i32_0 : i32, i32
  }
  func.func @transform_8(%arg0: i32) -> (i32, i32) {
    %c0_i32 = arith.constant 0 : i32
    %c0_i32_0 = arith.constant 0 : i32
    %c0_i32_1 = arith.constant 0 : i32
    return %c0_i32, %c0_i32_0 : i32, i32
  }
  func.func @transform_9(%arg0: i32) -> (i32, i32) {
    %c0_i32 = arith.constant 0 : i32
    %c0_i32_0 = arith.constant 0 : i32
    %c0_i32_1 = arith.constant 0 : i32
    return %c0_i32, %c0_i32_0 : i32, i32
  }
  func.func @transform_10(%arg0: i32) -> (i32, i32) {
    %c0_i32 = arith.constant 0 : i32
    %c0_i32_0 = arith.constant 0 : i32
    %c0_i32_1 = arith.constant 0 : i32
    return %c0_i32, %c0_i32_0 : i32, i32
  }
  func.func @transform_11(%arg0: i32) -> (i32, i32) {
    %c0_i32 = arith.constant 0 : i32
    %c0_i32_0 = arith.constant 0 : i32
    %c0_i32_1 = arith.constant 0 : i32
    return %c0_i32, %c0_i32_0 : i32, i32
  }
  func.func @transform_12(%arg0: i32) -> (i32, i32) {
    %c0_i32 = arith.constant 0 : i32
    %c0_i32_0 = arith.constant 0 : i32
    %c0_i32_1 = arith.constant 0 : i32
    return %c0_i32, %c0_i32_0 : i32, i32
  }
  func.func @transform_13(%arg0: i32) -> (i32, i32) {
    %c0_i32 = arith.constant 0 : i32
    %c0_i32_0 = arith.constant 0 : i32
    %c0_i32_1 = arith.constant 0 : i32
    return %c0_i32, %c0_i32_0 : i32, i32
  }
  func.func @transform_14(%arg0: i32) -> (i32, i32) {
    %c0_i32 = arith.constant 0 : i32
    %c0_i32_0 = arith.constant 0 : i32
    return %arg0, %c0_i32 : i32, i32
  }
}

module attributes {stable_mosaic.version = 14 : i64} {
  func.func @_aggr_body(%arg0: i32, %arg1: memref<2000x128xf32, #tpu.memory_space<vmem>>, %arg2: memref<1x2000x128xf32, #tpu.memory_space<vmem>>, %arg3: memref<1x2000x128xf32, #tpu.memory_space<vmem>>, %arg4: memref<1x2000x128xf32, #tpu.memory_space<vmem>>, %arg5: memref<1x2000x128xf32, #tpu.memory_space<vmem>>, %arg6: memref<128x256xf32, #tpu.memory_space<vmem>>, %arg7: memref<128x256xf32, #tpu.memory_space<vmem>>, %arg8: memref<128x256xf32, #tpu.memory_space<vmem>>, %arg9: memref<1x256xf32, #tpu.memory_space<vmem>>, %arg10: memref<256x128xf32, #tpu.memory_space<vmem>>, %arg11: memref<1x128xf32, #tpu.memory_space<vmem>>, %arg12: memref<128x128xf32, #tpu.memory_space<vmem>>, %arg13: memref<1x128xf32, #tpu.memory_space<vmem>>, %arg14: memref<2000x128xf32, #tpu.memory_space<vmem>>) attributes {dimension_semantics = [#tpu.dimension_semantics<arbitrary>], iteration_bounds = array<i64: 5>, scalar_prefetch = 0 : i64, scratch_operands = 0 : i64, tpu.core_type = #tpu.core_type<tc>, window_params = [{transform_indices = @transform_0, window_bounds = array<i64: 2000, 128>}, {transform_indices = @transform_1, window_bounds = array<i64: 1, 2000, 128>}, {transform_indices = @transform_2, window_bounds = array<i64: 1, 2000, 128>}, {transform_indices = @transform_3, window_bounds = array<i64: 1, 2000, 128>}, {transform_indices = @transform_4, window_bounds = array<i64: 1, 2000, 128>}, {pipeline_mode = #tpu.pipeline_mode<synchronous>, transform_indices = @transform_5, window_bounds = array<i64: 128, 256>}, {pipeline_mode = #tpu.pipeline_mode<synchronous>, transform_indices = @transform_6, window_bounds = array<i64: 128, 256>}, {pipeline_mode = #tpu.pipeline_mode<synchronous>, transform_indices = @transform_7, window_bounds = array<i64: 128, 256>}, {pipeline_mode = #tpu.pipeline_mode<synchronous>, transform_indices = @transform_8, window_bounds = array<i64: 1, 256>}, {pipeline_mode = #tpu.pipeline_mode<synchronous>, transform_indices = @transform_9, window_bounds = array<i64: 256, 128>}, {pipeline_mode = #tpu.pipeline_mode<synchronous>, transform_indices = @transform_10, window_bounds = array<i64: 1, 128>}, {pipeline_mode = #tpu.pipeline_mode<synchronous>, transform_indices = @transform_11, window_bounds = array<i64: 128, 128>}, {pipeline_mode = #tpu.pipeline_mode<synchronous>, transform_indices = @transform_12, window_bounds = array<i64: 1, 128>}, {transform_indices = @transform_13, window_bounds = array<i64: 2000, 128>}]} {
    %get3A = arith.constant 0 : index
    %get3A_0 = arith.constant 0 : index
    %get3A_1 = vector.load %arg1[%get3A, %get3A_0] : memref<2000x128xf32, #tpu.memory_space<vmem>>, vector<2000x128xf32>
    %get3A_2 = arith.constant 0 : index
    %get3A_3 = arith.constant 0 : index
    %get3A_4 = arith.constant 0 : index
    %get3A_5 = vector.load %arg4[%get3A_2, %get3A_3, %get3A_4] : memref<1x2000x128xf32, #tpu.memory_space<vmem>>, vector<1x2000x128xf32>
    %get3A_6 = vector.shape_cast %get3A_5 : vector<1x2000x128xf32> to vector<2000x128xf32>
    %slice3A = vector.extract_strided_slice %get3A_6 {offsets = [0, 0], sizes = [2000, 1], strides = [1, 1]} : vector<2000x128xf32> to vector<2000x1xf32>
    %max3A = arith.constant 1.000000e+00 : f32
    %max3A_7 = vector.broadcast %max3A : f32 to vector<2000x1xf32>
    %max3A_8 = arith.maximumf %slice3A, %max3A_7 : vector<2000x1xf32>
    %div3A = arith.constant 1.000000e+00 : f32
    %div3A_9 = vector.broadcast %div3A : f32 to vector<2000x1xf32>
    %div3A_10 = arith.divf %div3A_9, %max3A_8 : vector<2000x1xf32>
    %get3A_11 = arith.constant 0 : index
    %get3A_12 = arith.constant 0 : index
    %get3A_13 = arith.constant 0 : index
    %get3A_14 = vector.load %arg5[%get3A_11, %get3A_12, %get3A_13] : memref<1x2000x128xf32, #tpu.memory_space<vmem>>, vector<1x2000x128xf32>
    %get3A_15 = vector.shape_cast %get3A_14 : vector<1x2000x128xf32> to vector<2000x128xf32>
    %slice3A_16 = vector.extract_strided_slice %get3A_15 {offsets = [0, 0], sizes = [2000, 1], strides = [1, 1]} : vector<2000x128xf32> to vector<2000x1xf32>
    %max3A_17 = arith.constant 1.000000e+00 : f32
    %max3A_18 = vector.broadcast %max3A_17 : f32 to vector<2000x1xf32>
    %max3A_19 = arith.maximumf %slice3A_16, %max3A_18 : vector<2000x1xf32>
    %div3A_20 = arith.constant 1.000000e+00 : f32
    %div3A_21 = vector.broadcast %div3A_20 : f32 to vector<2000x1xf32>
    %div3A_22 = arith.divf %div3A_21, %max3A_19 : vector<2000x1xf32>
    %get3A_23 = arith.constant 0 : index
    %get3A_24 = arith.constant 0 : index
    %get3A_25 = vector.load %arg6[%get3A_23, %get3A_24] : memref<128x256xf32, #tpu.memory_space<vmem>>, vector<128x256xf32>
    %convert_element_type3A = arith.truncf %get3A_1 : vector<2000x128xf32> to vector<2000x128xbf16>
    %convert_element_type3A_26 = arith.truncf %get3A_25 : vector<128x256xf32> to vector<128x256xbf16>
    %dot_general3A = arith.constant dense<0.000000e+00> : vector<2000x256xf32>
    %dot_general3A_27 = tpu.matmul %convert_element_type3A, %convert_element_type3A_26, %dot_general3A {dimension_numbers = #tpu.dot_dimension_numbers<[1], [0], [0], [1], [0, 0, 1, 1], [], []>, transpose_lhs_hint = false} : vector<2000x128xbf16>, vector<128x256xbf16>, vector<2000x256xf32> -> vector<2000x256xf32>
    %get3A_28 = arith.constant 0 : index
    %get3A_29 = arith.constant 0 : index
    %get3A_30 = vector.load %arg9[%get3A_28, %get3A_29] : memref<1x256xf32, #tpu.memory_space<vmem>>, vector<1x256xf32>
    %add3A = vector.broadcast %get3A_30 : vector<1x256xf32> to vector<2000x256xf32>
    %add3A_31 = arith.addf %dot_general3A_27, %add3A : vector<2000x256xf32>
    %get3A_32 = arith.constant 0 : index
    %get3A_33 = arith.constant 0 : index
    %get3A_34 = arith.constant 0 : index
    %get3A_35 = vector.load %arg2[%get3A_32, %get3A_33, %get3A_34] : memref<1x2000x128xf32, #tpu.memory_space<vmem>>, vector<1x2000x128xf32>
    %get3A_36 = vector.shape_cast %get3A_35 : vector<1x2000x128xf32> to vector<2000x128xf32>
    %mul3A = vector.broadcast %div3A_10 : vector<2000x1xf32> to vector<2000x128xf32>
    %mul3A_37 = arith.mulf %get3A_36, %mul3A : vector<2000x128xf32>
    %get3A_38 = arith.constant 0 : index
    %get3A_39 = arith.constant 0 : index
    %get3A_40 = vector.load %arg7[%get3A_38, %get3A_39] : memref<128x256xf32, #tpu.memory_space<vmem>>, vector<128x256xf32>
    %convert_element_type3A_41 = arith.truncf %mul3A_37 : vector<2000x128xf32> to vector<2000x128xbf16>
    %convert_element_type3A_42 = arith.truncf %get3A_40 : vector<128x256xf32> to vector<128x256xbf16>
    %dot_general3A_43 = arith.constant dense<0.000000e+00> : vector<2000x256xf32>
    %dot_general3A_44 = tpu.matmul %convert_element_type3A_41, %convert_element_type3A_42, %dot_general3A_43 {dimension_numbers = #tpu.dot_dimension_numbers<[1], [0], [0], [1], [0, 0, 1, 1], [], []>, transpose_lhs_hint = false} : vector<2000x128xbf16>, vector<128x256xbf16>, vector<2000x256xf32> -> vector<2000x256xf32>
    %add3A_45 = arith.addf %add3A_31, %dot_general3A_44 : vector<2000x256xf32>
    %get3A_46 = arith.constant 0 : index
    %get3A_47 = arith.constant 0 : index
    %get3A_48 = arith.constant 0 : index
    %get3A_49 = vector.load %arg3[%get3A_46, %get3A_47, %get3A_48] : memref<1x2000x128xf32, #tpu.memory_space<vmem>>, vector<1x2000x128xf32>
    %get3A_50 = vector.shape_cast %get3A_49 : vector<1x2000x128xf32> to vector<2000x128xf32>
    %mul3A_51 = vector.broadcast %div3A_22 : vector<2000x1xf32> to vector<2000x128xf32>
    %mul3A_52 = arith.mulf %get3A_50, %mul3A_51 : vector<2000x128xf32>
    %get3A_53 = arith.constant 0 : index
    %get3A_54 = arith.constant 0 : index
    %get3A_55 = vector.load %arg8[%get3A_53, %get3A_54] : memref<128x256xf32, #tpu.memory_space<vmem>>, vector<128x256xf32>
    %convert_element_type3A_56 = arith.truncf %mul3A_52 : vector<2000x128xf32> to vector<2000x128xbf16>
    %convert_element_type3A_57 = arith.truncf %get3A_55 : vector<128x256xf32> to vector<128x256xbf16>
    %dot_general3A_58 = arith.constant dense<0.000000e+00> : vector<2000x256xf32>
    %dot_general3A_59 = tpu.matmul %convert_element_type3A_56, %convert_element_type3A_57, %dot_general3A_58 {dimension_numbers = #tpu.dot_dimension_numbers<[1], [0], [0], [1], [0, 0, 1, 1], [], []>, transpose_lhs_hint = false} : vector<2000x128xbf16>, vector<128x256xbf16>, vector<2000x256xf32> -> vector<2000x256xf32>
    %add3A_60 = arith.addf %add3A_45, %dot_general3A_59 : vector<2000x256xf32>
    %max3A_61 = arith.constant 0.000000e+00 : f32
    %max3A_62 = vector.broadcast %max3A_61 : f32 to vector<2000x256xf32>
    %max3A_63 = arith.maximumf %add3A_60, %max3A_62 : vector<2000x256xf32>
    %get3A_64 = arith.constant 0 : index
    %get3A_65 = arith.constant 0 : index
    %get3A_66 = vector.load %arg10[%get3A_64, %get3A_65] : memref<256x128xf32, #tpu.memory_space<vmem>>, vector<256x128xf32>
    %convert_element_type3A_67 = arith.truncf %max3A_63 : vector<2000x256xf32> to vector<2000x256xbf16>
    %convert_element_type3A_68 = arith.truncf %get3A_66 : vector<256x128xf32> to vector<256x128xbf16>
    %dot_general3A_69 = arith.constant dense<0.000000e+00> : vector<2000x128xf32>
    %dot_general3A_70 = tpu.matmul %convert_element_type3A_67, %convert_element_type3A_68, %dot_general3A_69 {dimension_numbers = #tpu.dot_dimension_numbers<[1], [0], [0], [1], [0, 0, 1, 1], [], []>, transpose_lhs_hint = false} : vector<2000x256xbf16>, vector<256x128xbf16>, vector<2000x128xf32> -> vector<2000x128xf32>
    %get3A_71 = arith.constant 0 : index
    %get3A_72 = arith.constant 0 : index
    %get3A_73 = vector.load %arg11[%get3A_71, %get3A_72] : memref<1x128xf32, #tpu.memory_space<vmem>>, vector<1x128xf32>
    %add3A_74 = vector.broadcast %get3A_73 : vector<1x128xf32> to vector<2000x128xf32>
    %add3A_75 = arith.addf %dot_general3A_70, %add3A_74 : vector<2000x128xf32>
    %max3A_76 = arith.constant 0.000000e+00 : f32
    %max3A_77 = vector.broadcast %max3A_76 : f32 to vector<2000x128xf32>
    %max3A_78 = arith.maximumf %add3A_75, %max3A_77 : vector<2000x128xf32>
    %get3A_79 = arith.constant 0 : index
    %get3A_80 = arith.constant 0 : index
    %get3A_81 = vector.load %arg12[%get3A_79, %get3A_80] : memref<128x128xf32, #tpu.memory_space<vmem>>, vector<128x128xf32>
    %convert_element_type3A_82 = arith.truncf %max3A_78 : vector<2000x128xf32> to vector<2000x128xbf16>
    %convert_element_type3A_83 = arith.truncf %get3A_81 : vector<128x128xf32> to vector<128x128xbf16>
    %dot_general3A_84 = arith.constant dense<0.000000e+00> : vector<2000x128xf32>
    %dot_general3A_85 = tpu.matmul %convert_element_type3A_82, %convert_element_type3A_83, %dot_general3A_84 {dimension_numbers = #tpu.dot_dimension_numbers<[1], [0], [0], [1], [0, 0, 1, 1], [], []>, transpose_lhs_hint = false} : vector<2000x128xbf16>, vector<128x128xbf16>, vector<2000x128xf32> -> vector<2000x128xf32>
    %get3A_86 = arith.constant 0 : index
    %get3A_87 = arith.constant 0 : index
    %get3A_88 = vector.load %arg13[%get3A_86, %get3A_87] : memref<1x128xf32, #tpu.memory_space<vmem>>, vector<1x128xf32>
    %add3A_89 = vector.broadcast %get3A_88 : vector<1x128xf32> to vector<2000x128xf32>
    %add3A_90 = arith.addf %dot_general3A_85, %add3A_89 : vector<2000x128xf32>
    %add3A_91 = arith.addf %add3A_90, %get3A_1 : vector<2000x128xf32>
    %swap3A = arith.constant 0 : index
    %swap3A_92 = arith.constant 0 : index
    %swap3A_93 = vector.load %arg14[%swap3A, %swap3A_92] : memref<2000x128xf32, #tpu.memory_space<vmem>>, vector<2000x128xf32>
    tpu.vector_store %arg14[%swap3A, %swap3A_92], %add3A_91 {strides = array<i32>} : memref<2000x128xf32, #tpu.memory_space<vmem>>, vector<2000x128xf32>,
    return
  }
  func.func @transform_0(%arg0: i32) -> (i32, i32) {
    %c0_i32 = arith.constant 0 : i32
    %c0_i32_0 = arith.constant 0 : i32
    return %arg0, %c0_i32 : i32, i32
  }
  func.func @transform_1(%arg0: i32) -> (i32, i32, i32) {
    %c0_i32 = arith.constant 0 : i32
    %c0_i32_0 = arith.constant 0 : i32
    %c0_i32_1 = arith.constant 0 : i32
    return %c0_i32, %arg0, %c0_i32_0 : i32, i32, i32
  }
  func.func @transform_2(%arg0: i32) -> (i32, i32, i32) {
    %c1_i32 = arith.constant 1 : i32
    %c0_i32 = arith.constant 0 : i32
    %c0_i32_0 = arith.constant 0 : i32
    return %c1_i32, %arg0, %c0_i32 : i32, i32, i32
  }
  func.func @transform_3(%arg0: i32) -> (i32, i32, i32) {
    %c0_i32 = arith.constant 0 : i32
    %c0_i32_0 = arith.constant 0 : i32
    %c0_i32_1 = arith.constant 0 : i32
    return %c0_i32, %arg0, %c0_i32_0 : i32, i32, i32
  }
  func.func @transform_4(%arg0: i32) -> (i32, i32, i32) {
    %c1_i32 = arith.constant 1 : i32
    %c0_i32 = arith.constant 0 : i32
    %c0_i32_0 = arith.constant 0 : i32
    return %c1_i32, %arg0, %c0_i32 : i32, i32, i32
  }
  func.func @transform_5(%arg0: i32) -> (i32, i32) {
    %c0_i32 = arith.constant 0 : i32
    %c0_i32_0 = arith.constant 0 : i32
    %c0_i32_1 = arith.constant 0 : i32
    return %c0_i32, %c0_i32_0 : i32, i32
  }
  func.func @transform_6(%arg0: i32) -> (i32, i32) {
    %c0_i32 = arith.constant 0 : i32
    %c0_i32_0 = arith.constant 0 : i32
    %c0_i32_1 = arith.constant 0 : i32
    return %c0_i32, %c0_i32_0 : i32, i32
  }
  func.func @transform_7(%arg0: i32) -> (i32, i32) {
    %c0_i32 = arith.constant 0 : i32
    %c0_i32_0 = arith.constant 0 : i32
    %c0_i32_1 = arith.constant 0 : i32
    return %c0_i32, %c0_i32_0 : i32, i32
  }
  func.func @transform_8(%arg0: i32) -> (i32, i32) {
    %c0_i32 = arith.constant 0 : i32
    %c0_i32_0 = arith.constant 0 : i32
    %c0_i32_1 = arith.constant 0 : i32
    return %c0_i32, %c0_i32_0 : i32, i32
  }
  func.func @transform_9(%arg0: i32) -> (i32, i32) {
    %c0_i32 = arith.constant 0 : i32
    %c0_i32_0 = arith.constant 0 : i32
    %c0_i32_1 = arith.constant 0 : i32
    return %c0_i32, %c0_i32_0 : i32, i32
  }
  func.func @transform_10(%arg0: i32) -> (i32, i32) {
    %c0_i32 = arith.constant 0 : i32
    %c0_i32_0 = arith.constant 0 : i32
    %c0_i32_1 = arith.constant 0 : i32
    return %c0_i32, %c0_i32_0 : i32, i32
  }
  func.func @transform_11(%arg0: i32) -> (i32, i32) {
    %c0_i32 = arith.constant 0 : i32
    %c0_i32_0 = arith.constant 0 : i32
    %c0_i32_1 = arith.constant 0 : i32
    return %c0_i32, %c0_i32_0 : i32, i32
  }
  func.func @transform_12(%arg0: i32) -> (i32, i32) {
    %c0_i32 = arith.constant 0 : i32
    %c0_i32_0 = arith.constant 0 : i32
    %c0_i32_1 = arith.constant 0 : i32
    return %c0_i32, %c0_i32_0 : i32, i32
  }
  func.func @transform_13(%arg0: i32) -> (i32, i32) {
    %c0_i32 = arith.constant 0 : i32
    %c0_i32_0 = arith.constant 0 : i32
    return %arg0, %c0_i32 : i32, i32
  }
}

module attributes {stable_mosaic.version = 14 : i64} {
  func.func @_support_body(%arg0: i32, %arg1: i32, %arg2: memref<2000x128xf32, #tpu.memory_space<vmem>>, %arg3: memref<1x128x128xf32, #tpu.memory_space<vmem>>, %arg4: memref<2000x128xf32, #tpu.memory_space<vmem>>) attributes {dimension_semantics = [#tpu.dimension_semantics<arbitrary>, #tpu.dimension_semantics<arbitrary>], iteration_bounds = array<i64: 2, 5>, scalar_prefetch = 0 : i64, scratch_operands = 0 : i64, tpu.core_type = #tpu.core_type<tc>, window_params = [{transform_indices = @transform_0, window_bounds = array<i64: 2000, 128>}, {transform_indices = @transform_1, window_bounds = array<i64: 1, 128, 128>}, {transform_indices = @transform_2, window_bounds = array<i64: 2000, 128>}]} {
    %get3A = arith.constant 0 : index
    %get3A_0 = arith.constant 0 : index
    %get3A_1 = vector.load %arg2[%get3A, %get3A_0] : memref<2000x128xf32, #tpu.memory_space<vmem>>, vector<2000x128xf32>
    %get3A_2 = arith.constant 0 : index
    %get3A_3 = arith.constant 0 : index
    %get3A_4 = arith.constant 0 : index
    %get3A_5 = vector.load %arg3[%get3A_2, %get3A_3, %get3A_4] : memref<1x128x128xf32, #tpu.memory_space<vmem>>, vector<1x128x128xf32>
    %get3A_6 = vector.shape_cast %get3A_5 : vector<1x128x128xf32> to vector<128x128xf32>
    %convert_element_type3A = arith.truncf %get3A_1 : vector<2000x128xf32> to vector<2000x128xbf16>
    %convert_element_type3A_7 = arith.truncf %get3A_6 : vector<128x128xf32> to vector<128x128xbf16>
    %dot_general3A = arith.constant dense<0.000000e+00> : vector<2000x128xf32>
    %dot_general3A_8 = tpu.matmul %convert_element_type3A, %convert_element_type3A_7, %dot_general3A {dimension_numbers = #tpu.dot_dimension_numbers<[1], [0], [0], [1], [0, 0, 1, 1], [], []>, transpose_lhs_hint = false} : vector<2000x128xbf16>, vector<128x128xbf16>, vector<2000x128xf32> -> vector<2000x128xf32>
    %swap3A = arith.constant 0 : index
    %swap3A_9 = arith.constant 0 : index
    %swap3A_10 = vector.load %arg4[%swap3A, %swap3A_9] : memref<2000x128xf32, #tpu.memory_space<vmem>>, vector<2000x128xf32>
    tpu.vector_store %arg4[%swap3A, %swap3A_9], %dot_general3A_8 {strides = array<i32>} : memref<2000x128xf32, #tpu.memory_space<vmem>>, vector<2000x128xf32>,
    return
  }
  func.func @transform_0(%arg0: i32, %arg1: i32) -> (i32, i32) {
    %c0_i32 = arith.constant 0 : i32
    %c0_i32_0 = arith.constant 0 : i32
    return %arg1, %c0_i32 : i32, i32
  }
  func.func @transform_1(%arg0: i32, %arg1: i32) -> (i32, i32, i32) {
    %c0_i32 = arith.constant 0 : i32
    %c0_i32_0 = arith.constant 0 : i32
    %c0_i32_1 = arith.constant 0 : i32
    return %arg0, %c0_i32, %c0_i32_0 : i32, i32, i32
  }
  func.func @transform_2(%arg0: i32, %arg1: i32) -> (i32, i32) {
    %mul3A = arith.constant 5 : i32
    %mul3A_0 = arith.muli %arg0, %mul3A : i32
    %add3A = arith.addi %mul3A_0, %arg1 : i32
    %c0_i32 = arith.constant 0 : i32
    %c0_i32_1 = arith.constant 0 : i32
    return %add3A, %c0_i32 : i32, i32
  }
}

module attributes {stable_mosaic.version = 14 : i64} {
  func.func @_colmax_body(%arg0: i32, %arg1: memref<1x2000x128xf32, #tpu.memory_space<vmem>>, %arg2: memref<1x2000x128xf32, #tpu.memory_space<vmem>>, %arg3: memref<1x128xf32, #tpu.memory_space<vmem>>, %arg4: memref<1x128xf32, #tpu.memory_space<vmem>>, %arg5: memref<1x128xf32, #tpu.memory_space<vmem>>, %arg6: memref<1x128xf32, #tpu.memory_space<vmem>>) attributes {dimension_semantics = [#tpu.dimension_semantics<arbitrary>], iteration_bounds = array<i64: 5>, scalar_prefetch = 0 : i64, scratch_operands = 0 : i64, tpu.core_type = #tpu.core_type<tc>, window_params = [{transform_indices = @transform_0, window_bounds = array<i64: 1, 2000, 128>}, {transform_indices = @transform_1, window_bounds = array<i64: 1, 2000, 128>}, {pipeline_mode = #tpu.pipeline_mode<synchronous>, transform_indices = @transform_2, window_bounds = array<i64: 1, 128>}, {pipeline_mode = #tpu.pipeline_mode<synchronous>, transform_indices = @transform_3, window_bounds = array<i64: 1, 128>}, {pipeline_mode = #tpu.pipeline_mode<synchronous>, transform_indices = @transform_4, window_bounds = array<i64: 1, 128>}, {pipeline_mode = #tpu.pipeline_mode<synchronous>, transform_indices = @transform_5, window_bounds = array<i64: 1, 128>}]} {
    %eq3A = arith.constant 0 : i32
    %eq3A_0 = arith.cmpi eq, %arg0, %eq3A : i32
    %convert_element_type3A = arith.extui %eq3A_0 : i1 to i32
    %cond3A = arith.constant 0 : i32
    %cond3A_1 = arith.cmpi ne, %convert_element_type3A, %cond3A : i32
    scf.if %cond3A_1 {
      %broadcast_in_dim3A_36 = arith.constant 0xFF800000 : f32
      %broadcast_in_dim3A_37 = vector.broadcast %broadcast_in_dim3A_36 : f32 to vector<1x128xf32>
      %swap3A_38 = arith.constant 0 : index
      %swap3A_39 = arith.constant 0 : index
      %swap3A_40 = vector.load %arg5[%swap3A_38, %swap3A_39] : memref<1x128xf32, #tpu.memory_space<vmem>>, vector<1x128xf32>
      tpu.vector_store %arg5[%swap3A_38, %swap3A_39], %broadcast_in_dim3A_37 {strides = array<i32>} : memref<1x128xf32, #tpu.memory_space<vmem>>, vector<1x128xf32>,
      %broadcast_in_dim3A_41 = arith.constant 0xFF800000 : f32
      %broadcast_in_dim3A_42 = vector.broadcast %broadcast_in_dim3A_41 : f32 to vector<1x128xf32>
      %swap3A_43 = arith.constant 0 : index
      %swap3A_44 = arith.constant 0 : index
      %swap3A_45 = vector.load %arg6[%swap3A_43, %swap3A_44] : memref<1x128xf32, #tpu.memory_space<vmem>>, vector<1x128xf32>
      tpu.vector_store %arg6[%swap3A_43, %swap3A_44], %broadcast_in_dim3A_42 {strides = array<i32>} : memref<1x128xf32, #tpu.memory_space<vmem>>, vector<1x128xf32>,
    } else {
    }
    %get3A = arith.constant 0 : index
    %get3A_2 = arith.constant 0 : index
    %get3A_3 = vector.load %arg5[%get3A, %get3A_2] : memref<1x128xf32, #tpu.memory_space<vmem>>, vector<1x128xf32>
    %get3A_4 = arith.constant 0 : index
    %get3A_5 = arith.constant 0 : index
    %get3A_6 = arith.constant 0 : index
    %get3A_7 = vector.load %arg1[%get3A_4, %get3A_5, %get3A_6] : memref<1x2000x128xf32, #tpu.memory_space<vmem>>, vector<1x2000x128xf32>
    %get3A_8 = vector.shape_cast %get3A_7 : vector<1x2000x128xf32> to vector<2000x128xf32>
    %get3A_9 = arith.constant 0 : index
    %get3A_10 = arith.constant 0 : index
    %get3A_11 = vector.load %arg3[%get3A_9, %get3A_10] : memref<1x128xf32, #tpu.memory_space<vmem>>, vector<1x128xf32>
    %add3A = vector.broadcast %get3A_11 : vector<1x128xf32> to vector<2000x128xf32>
    %add3A_12 = arith.addf %get3A_8, %add3A : vector<2000x128xf32>
    %reduce_max3A = arith.constant dense<0xFF800000> : vector<128xf32>
    %reduce_max3A_13 = vector.multi_reduction <maximumf>, %add3A_12, %reduce_max3A [0] : vector<2000x128xf32> to vector<128xf32>
    %broadcast_in_dim3A = vector.shape_cast %reduce_max3A_13 : vector<128xf32> to vector<1x128xf32>
    %max3A = arith.maximumf %get3A_3, %broadcast_in_dim3A : vector<1x128xf32>
    %swap3A = arith.constant 0 : index
    %swap3A_14 = arith.constant 0 : index
    %swap3A_15 = vector.load %arg5[%swap3A, %swap3A_14] : memref<1x128xf32, #tpu.memory_space<vmem>>, vector<1x128xf32>
    tpu.vector_store %arg5[%swap3A, %swap3A_14], %max3A {strides = array<i32>} : memref<1x128xf32, #tpu.memory_space<vmem>>, vector<1x128xf32>,
    %get3A_16 = arith.constant 0 : index
    %get3A_17 = arith.constant 0 : index
    %get3A_18 = vector.load %arg6[%get3A_16, %get3A_17] : memref<1x128xf32, #tpu.memory_space<vmem>>, vector<1x128xf32>
    %get3A_19 = arith.constant 0 : index
    %get3A_20 = arith.constant 0 : index
    %get3A_21 = arith.constant 0 : index
    %get3A_22 = vector.load %arg2[%get3A_19, %get3A_20, %get3A_21] : memref<1x2000x128xf32, #tpu.memory_space<vmem>>, vector<1x2000x128xf32>
    %get3A_23 = vector.shape_cast %get3A_22 : vector<1x2000x128xf32> to vector<2000x128xf32>
    %get3A_24 = arith.constant 0 : index
    %get3A_25 = arith.constant 0 : index
    %get3A_26 = vector.load %arg4[%get3A_24, %get3A_25] : memref<1x128xf32, #tpu.memory_space<vmem>>, vector<1x128xf32>
    %add3A_27 = vector.broadcast %get3A_26 : vector<1x128xf32> to vector<2000x128xf32>
    %add3A_28 = arith.addf %get3A_23, %add3A_27 : vector<2000x128xf32>
    %reduce_max3A_29 = arith.constant dense<0xFF800000> : vector<128xf32>
    %reduce_max3A_30 = vector.multi_reduction <maximumf>, %add3A_28, %reduce_max3A_29 [0] : vector<2000x128xf32> to vector<128xf32>
    %broadcast_in_dim3A_31 = vector.shape_cast %reduce_max3A_30 : vector<128xf32> to vector<1x128xf32>
    %max3A_32 = arith.maximumf %get3A_18, %broadcast_in_dim3A_31 : vector<1x128xf32>
    %swap3A_33 = arith.constant 0 : index
    %swap3A_34 = arith.constant 0 : index
    %swap3A_35 = vector.load %arg6[%swap3A_33, %swap3A_34] : memref<1x128xf32, #tpu.memory_space<vmem>>, vector<1x128xf32>
    tpu.vector_store %arg6[%swap3A_33, %swap3A_34], %max3A_32 {strides = array<i32>} : memref<1x128xf32, #tpu.memory_space<vmem>>, vector<1x128xf32>,
    return
  }
  func.func @transform_0(%arg0: i32) -> (i32, i32, i32) {
    %c0_i32 = arith.constant 0 : i32
    %c0_i32_0 = arith.constant 0 : i32
    %c0_i32_1 = arith.constant 0 : i32
    return %c0_i32, %arg0, %c0_i32_0 : i32, i32, i32
  }
  func.func @transform_1(%arg0: i32) -> (i32, i32, i32) {
    %c1_i32 = arith.constant 1 : i32
    %c0_i32 = arith.constant 0 : i32
    %c0_i32_0 = arith.constant 0 : i32
    return %c1_i32, %arg0, %c0_i32 : i32, i32, i32
  }
  func.func @transform_2(%arg0: i32) -> (i32, i32) {
    %c0_i32 = arith.constant 0 : i32
    %c0_i32_0 = arith.constant 0 : i32
    %c0_i32_1 = arith.constant 0 : i32
    return %c0_i32, %c0_i32_0 : i32, i32
  }
  func.func @transform_3(%arg0: i32) -> (i32, i32) {
    %c0_i32 = arith.constant 0 : i32
    %c0_i32_0 = arith.constant 0 : i32
    %c0_i32_1 = arith.constant 0 : i32
    return %c0_i32, %c0_i32_0 : i32, i32
  }
  func.func @transform_4(%arg0: i32) -> (i32, i32) {
    %c0_i32 = arith.constant 0 : i32
    %c0_i32_0 = arith.constant 0 : i32
    %c0_i32_1 = arith.constant 0 : i32
    return %c0_i32, %c0_i32_0 : i32, i32
  }
  func.func @transform_5(%arg0: i32) -> (i32, i32) {
    %c0_i32 = arith.constant 0 : i32
    %c0_i32_0 = arith.constant 0 : i32
    %c0_i32_1 = arith.constant 0 : i32
    return %c0_i32, %c0_i32_0 : i32, i32
  }
}

</mosaic_0001>

<sc_bundles>
// kernel: kernel.18.cloned.1.call-start
scs
__scs_entry_jumppad:
0x0: {  	(pc) =	sbr.rel $0x88, $3  }
0x1: {  	(tag) =	ssettag $0x0;
	lr =	simm.s32 $0x1  }
0x2: {  	[smem:$0x3F7D] =	sst lr;
	_ =	strace $0xD0000000  }
0x3: {  	_ = 	snop  }
0x4: {  	_ = 	snop  }
0x5: {  	_ = 	snop  }
0x6: {  	_ = 	snop  }
0x7: {  	_ = 	snop  }
__scs_overlays_trampoline_lowered:
0x8: {  	[smem:$0x3F8C] =	sst s0  }
0x9: {  	[smem:$0x3F8D] =	sst s1  }
0xa: {  	[smem:$0x3F8E] =	sst s2  }
0xb: {  	[smem:$0x3F8F] =	sst s3  }
0xc: {  	[smem:$0x3F90] =	sst s4  }
0xd: {  	[smem:$0x3F91] =	sst s5  }
0xe: {  	[smem:$0x3F92] =	sst s6  }
0xf: {  	[smem:$0x3F93] =	sst s7  }
0x10: {  	[smem:$0x3F94] =	sst s8  }
0x11: {  	[smem:$0x3F95] =	sst s9;
	s0 =	simm.s32 @!p0 $0x0  }
0x12: {  	s1 =	sld [smem:$0x3F7B];
	s0 =	simm.s32 @p0 $0x1  }
0x13: {  	[smem:$0x3F96] =	sst s0;
	s0 =	simm.s32 @!p1 $0x0  }
0x14: {  	s2 =	sld [smem:$0x3F7A];
	s0 =	simm.s32 @p1 $0x1  }
0x15: {  	[smem:$0x3F97] =	sst s0;
	s0 =	simm.s32 @!p2 $0x0  }
0x16: {  	s3 =	sld [smem:$0x3FDB];
	s0 =	simm.s32 @p2 $0x1  }
0x17: {  	s4 =	simm.s32 $0x1BF5;
	[smem:$0x3F99] =	sst s0  }
0x18: {  	s0 =	sld [smem:$0x3F7C];
	_ =	swait.ge [sflag:s4], $0x0  }
0x19: {  	s7 =	sld [smem:$0x3F7D]  }
0x1a: {  	s8 =	sadd.s32 $0xFFFFE003, lr  }
0x1b: {  	s9 =	sadd.s32 $0xFFFFFEF7, lr;
	s5 =	simm.s32 $0xFFFFFFFF;
	p2 =	slt.u32 s8, $0xFFFFF086  }
0x1c: {  	p1 =	slt.u32 s9, $0xF7A;
	s5 =	simm.s32 @!p2 $0x0  }
0x1d: {  	s5 =	simm.s32 @p1 $0x1;
	p0 =	seq.s32 s7, s2  }
0x1e: {  	s7 =	smul.u32 @!p0 $0xF7A, s2;
	p2 =	seq.s32 @!p0 s5, $0x0  }
0x1f: {  	s9 =	smul.u32 $0xF7A, s1;
	s8 =	simm.s32 @!p0 $0x1BF5;
	p2 =	por !p2, p0  }
0x20: {  	[sflag:s8] =	ssyncset.s32 @!p0 $0xFFFFF086;
	s6 =	sadd.s32 @!p0 s3, s7;
	s7 =	simm.s32 @!p0 $0x108  }
0x21: {  	s3 =	sadd.s32 s3, s9;
	s6 =	sadd.s32 @!p0 $0x88, s6;
	s7 =	simm.s32 @p2 $0x1082  }
0x22: {  	[simem:s7], [sflag:s8] =	dma.local @!p0 [hbm:s6], $0xF7A  }
0x23: {  	s9 =	sor.u32 $0xD0000000, s2;
	s6 =	simm.s32 $0x108;
	_ =	swait.ge @!p0 [sflag:s8], $0x0  }
0x24: {  	s3 =	sadd.s32 $0x88, s3;
	s6 =	simm.s32 @!p1 $0x1082;
	[sflag:s4] =	ssyncset.s32 $0xFFFFF086  }
0x25: {  	[simem:s6], [sflag:s4] =	dma.local [hbm:s3], $0xF7A  }
0x26: {  	[smem:$0x3F7D] =	sst s1;
	(tag) =	ssettag s2;
	_ =	strace s9  }
0x27: {  	s1 =	sld [smem:$0x3F8D]  }
0x28: {  	s2 =	sld [smem:$0x3F8E]  }
0x29: {  	s4 =	sld [smem:$0x3F90]  }
0x2a: {  	p0 =	seq.s32 s5, $0x0;
	s5 =	sld [smem:$0x3F91]  }
0x2b: {  	s6 =	sld [smem:$0x3F92]  }
0x2c: {  	s7 =	sld [smem:$0x3F93]  }
0x2d: {  	s3 =	simm.s32 $0x108;
	s8 =	sld [smem:$0x3F94]  }
0x2e: {  	s3 =	simm.s32 @!p0 $0x1082;
	s9 =	sld [smem:$0x3F95]  }
0x2f: {  	lr =	sadd.s32 s0, s3;
	s0 =	sld [smem:$0x3F8C]  }
0x30: {  	s3 =	sld [smem:$0x3F8F]  }
0x31: {  	[smem:$0x3F98] =	sst s10  }
0x32: {  	s10 =	sld [smem:$0x3F96];
	_ =	sdelay $0x3  }
0x33: {  	p0 =	seq.s32 s10, $0x1;
	s10 =	sld [smem:$0x3F98];
	_ =	sdelay $0x3  }
0x34: {  	[smem:$0x3F98] =	sst s10  }
0x35: {  	s10 =	sld [smem:$0x3F97];
	_ =	sdelay $0x3  }
0x36: {  	p1 =	seq.s32 s10, $0x1;
	s10 =	sld [smem:$0x3F98];
	_ =	sdelay $0x3  }
0x37: {  	[smem:$0x3F98] =	sst s10  }
0x38: {  	s10 =	sld [smem:$0x3F99]  }
0x39: {  	_ = 	snop;
	(pc) =	sbr.ind lr, $3  }
0x3a: {  	_ = 	snop  }
0x3b: {  	_ = 	snop  }
0x3c: {  	p2 =	seq.s32 s10, $0x1;
	s10 =	sld [smem:$0x3F98]  }
0x3d: {  	_ =	shalt  }
0x3e: {  	_ =	shalt  }
0x3f: {  	_ =	shalt  }
0x40: {  	_ =	shalt  }
0x41: {  	_ =	shalt  }
0x42: {  	_ =	shalt  }
0x43: {  	_ =	shalt  }
0x44: {  	_ =	shalt  }
0x45: {  	_ =	shalt  }
0x46: {  	_ =	shalt  }
0x47: {  	_ =	shalt  }
0x48: {  	_ =	shalt  }
0x49: {  	_ =	shalt  }
0x4a: {  	_ =	shalt  }
0x4b: {  	_ =	shalt  }
0x4c: {  	_ =	shalt  }
0x4d: {  	_ =	shalt  }
0x4e: {  	_ =	shalt  }
0x4f: {  	_ =	shalt  }
0x50: {  	_ =	shalt  }
0x51: {  	_ =	shalt  }
0x52: {  	_ =	shalt  }
0x53: {  	_ =	shalt  }
0x54: {  	_ =	shalt  }
0x55: {  	_ =	shalt  }
0x56: {  	_ =	shalt  }
0x57: {  	_ =	shalt  }
0x58: {  	_ =	shalt  }
0x59: {  	_ =	shalt  }
0x5a: {  	_ =	shalt  }
0x5b: {  	_ =	shalt  }
0x5c: {  	_ =	shalt  }
0x5d: {  	_ =	shalt  }
0x5e: {  	_ =	shalt  }
0x5f: {  	_ =	shalt  }
0x60: {  	_ =	shalt  }
0x61: {  	_ =	shalt  }
0x62: {  	_ =	shalt  }
0x63: {  	_ =	shalt  }
0x64: {  	_ =	shalt  }
0x65: {  	_ =	shalt  }
0x66: {  	_ =	shalt  }
0x67: {  	_ =	shalt  }
0x68: {  	_ =	shalt  }
0x69: {  	_ =	shalt  }
0x6a: {  	_ =	shalt  }
0x6b: {  	_ =	shalt  }
0x6c: {  	_ =	shalt  }
0x6d: {  	_ =	shalt  }
0x6e: {  	_ =	shalt  }
0x6f: {  	_ =	shalt  }
0x70: {  	_ =	shalt  }
0x71: {  	_ =	shalt  }
0x72: {  	_ =	shalt  }
0x73: {  	_ =	shalt  }
0x74: {  	_ =	shalt  }
0x75: {  	_ =	shalt  }
0x76: {  	_ =	shalt  }
0x77: {  	_ =	shalt  }
0x78: {  	_ =	shalt  }
0x79: {  	_ =	shalt  }
0x7a: {  	_ =	shalt  }
0x7b: {  	_ =	shalt  }
0x7c: {  	_ =	shalt  }
0x7d: {  	_ =	shalt  }
0x7e: {  	_ =	shalt  }
0x7f: {  	_ =	shalt  }
0x80: {  	_ =	shalt  }
0x81: {  	_ =	shalt  }
0x82: {  	_ =	shalt  }
0x83: {  	_ =	shalt  }
0x84: {  	_ =	shalt  }
0x85: {  	_ =	shalt  }
0x86: {  	_ =	shalt  }
0x87: {  	_ =	shalt  }
.Lfunc_end0:
.L_simem_size_0:
called_computation_lowered:
.L_overlay_start_0:
0x88: {  	s2 =	sld [smem:$0x3FD9]  }
0x89: {  	s3 =	sld [smem:$0x3FFE];
	_ =	sdelay $0x1  }
0x8a: {  	s1 =	srdreg.scid  }
0x8b: {  	s0 =	sand.u32 $0x1, s1  }
0x8c: {  	s17 =	sshll.u32 s0, $0xA;
	s2 =	sadd.s32 s3, s2  }
0x8d: {  	s2 =	sadd.s32 s2, s17  }
0x8e: {  	[smem:$0x3FA4] =	sst s2  }
0x8f: {  	_ = 	snop  }
0x90: {  	(tm) =	ssettm $0x1  }
0x91: {  	s18 =	sld [smem:$0x3FFB];
	_ =	sdelay $0x3  }
0x92: {  	_ =	strace s18  }
0x93: {  	s2 =	sld [smem:$0x3FFC];
	_ =	sdelay $0x3  }
0x94: {  	_ =	strace s2  }
0x95: {  	s2 =	sld [smem:$0x3FFD];
	_ =	sdelay $0x3  }
0x96: {  	_ =	strace s2  }
0x97: {  	_ =	strace $0x8FFFFFFF  }
0x98: {  	s19 =	sld [smem:$0x3FDB];
	_ =	sdelay $0x1  }
0x99: {  	s20 =	simm.s32 $_scs_section_size  }
0x9a: {  	s4 =	simm.s32 $_size__tile_overlayer_lowered;
	s5 =	simm.s32 $_tile_overlayer_lowered  }
0x9b: {  	s6 =	simm.s32 $0x1BFF;
	s21 =	sshll.u32 s5, $0x1;
	s3 =	sadd.s32 s20, s19  }
0x9c: {  	s22 =	simm.s32 $0x0;
	s4 =	sshll.u32 s4, $0x1;
	s5 =	sadd.s32 s21, s3  }
0x9d: {  	[timem:s22], [sflag:s6] =	dma.local [hbm:s5], s4  }
0x9e: {  	_ =	swait.ge [sflag:s6], s4  }
0x9f: {  	s4 =	ssub.s32 $0x0, s4;
	[sflag:s6] =	ssyncset.done $0x0  }
0xa0: {  	[sflag:s6] =	ssyncadd.s32 s4;
	_ =	sdelay $0x1  }
0xa1: {  	s23 =	simm.s32 $0x1B8B  }
0xa2: {  	_ =	swait.ge [sflag:s23], $0x1  }
0xa3: {  	[sflag:s23] =	ssyncset.done $0x0  }
0xa4: {  	[sflag:s23] =	ssyncadd.s32 $0xFFFFFFFF  }
0xa5: {  	s4 =	sld [smem:$0x0]  }
0xa6: {  	s5 =	sand.u32 $0xFFFFFFFE, s1  }
0xa7: {  	p0 =	sne.s32 s1, s5  }
0xa8: {  	s5 =	sshll.u32 @p0 s5, $0xE  }
0xa9: {  	s5 =	sadd.s32 @p0 $0x11B8D, s5;
	s6 =	sshll.u32 @p0 s4, $0x11  }
0xaa: {  	s5 =	sor.u32 @p0 s6, s5  }
0xab: {  	[sflag:s5] =	ssyncadd.remote.s32 @p0 $0x1;
	_ =	sdelay $0x1  }
0xac: {  	s5 =	simm.s32 @p0 $0x1B8D  }
0xad: {  	_ =	swait.eq @p0 [sflag:s5], $0x1  }
0xae: {  	[sflag:s5] =	ssyncadd.s32 @p0 $0xFFFFFFFF  }
0xaf: {  	s6 =	sshll.u32 @!p0 s1, $0xE  }
0xb0: {  	s6 =	sor.u32 @!p0 $0x4000, s6;
	s5 =	simm.s32 @!p0 $0x1B8D  }
0xb1: {  	s4 =	sshll.u32 @!p0 s4, $0x11;
	s6 =	sadd.s32 @!p0 $0x11B8D, s6;
	_ =	swait.eq @!p0 [sflag:s5], $0x1  }
0xb2: {  	s4 =	sor.u32 @!p0 s4, s6;
	[sflag:s5] =	ssyncadd.s32 @!p0 $0xFFFFFFFF  }
0xb3: {  	s25 =	simm.s32 $0x1B8E;
	s24 =	sld [smem:$0x3FFE];
	[sflag:s4] =	ssyncadd.remote.s32 @!p0 $0x1  }
0xb4: {  	s26 =	simm.s32 $execute0_lowered;
	[smem:$0x3FD2] =	sst s25  }
0xb5: {  	s5 =	sshll.u32 s26, $0x1;
	_ =	strace $0x80000049;
	[dreg:$0x1] =	wrdreg $0xFFFFFFFF  }
0xb6: {  	s28 =	simm.s32 $_size_execute0_lowered;
	s3 =	sadd.s32 s3, s5;
	[dreg:$0x0] =	wrdreg $0x0  }
0xb7: {  	s5 =	sshll.u32 s28, $0x1;
	[dreg:$0x2] =	wrdreg s3  }
0xb8: {  	[dreg:$0x3] =	wrdreg s5  }
0xb9: {  	[dreg:$0x4] =	wrdreg $0xC0  }
0xba: {  	_ =	task [dreg:s22], $0x5FFFF  }
0xbb: {  	[dreg:$0x1] =	wrdreg $0xFFFFFFFF  }
0xbc: {  	[dreg:$0x0] =	wrdreg $0x60  }
0xbd: {  	[dreg:$0x2] =	wrdreg s24  }
0xbe: {  	[dreg:$0x3] =	wrdreg $0x65000  }
0xbf: {  	[dreg:$0x4] =	wrdreg $0x9  }
0xc0: {  	_ =	task.clear_ibuf [dreg:s22], $0x5FFFF;
	_ =	strace $0x90000049  }
0xc1: {  	s29 =	simm.s32 $0x9;
	_ =	strace $0x8000004B  }
0xc2: {  	_ =	swait.ge [sflag:s29], $0x1  }
0xc3: {  	[sflag:s29] =	ssyncadd.s32 $0xFFFFFFFF  }
0xc4: {  	_ =	strace $0x9000004B  }
0xc5: {  	_ =	sfence  }
0xc6: {  	s30 =	sld [smem:$0x0];
	_ =	sdelay $0x2  }
0xc7: {  	s31 =	sshll.u32 s1, $0xD;
	s1 =	sshrl.u32 s1, $0x2  }
0xc8: {  	s4 =	sand.u32 $0x4000, s31;
	s1 =	sadd.s32 s1, s30  }
0xc9: {  	s0 =	sor.u32 s4, s0;
	s1 =	sshll.u32 s1, $0x11  }
0xca: {  	s0 =	sor.u32 s1, s0  }
0xcb: {  	s0 =	sadd.s32 $0x8F2B, s0  }
0xcc: {  	[sflag:s0] =	ssyncadd.remote.s32 $0x1  }
0xcd: {  	_ =	sfence.sel $0xFFFF  }
0xce: {  	[dreg:$0x0] =	wrdreg $0xFFFFFFFF;
	(pc) =	sbr.abs _section_cstart, $3  }
0xcf: {  	[dreg:$0x1] =	wrdreg $0xFFFFFFFF  }
0xd0: {  	_ =	task.clear_ibuf [dreg:s22], $0x2FFFF;
	_ =	strace $0x9FFFFFFF  }
0xd1: {  	(tm) =	ssettm $0x7FFFFFFF  }
tec
execute0_lowered:
.L_overlay_start_1:
0x0: {  	(tag) =	ssettag $0x1  }
0x1: {  	s0 =	srdreg.scid  }
0x2: {  	s5 =	sand.u32 $0x1, s0  }
0x3: {  	s0 =	stileid.u32;
	s6 =	smul.u32 $0x27100, s5  }
0x4: {  	s7 =	smul.u32 $0x2710, s0  }
0x5: {  	s23 =	smul.u32 $0x19000, s0  }
0x6: {  	s14 =	smul.u32 $0xC80, s0  }
0x7: {  	s9 =	sor.u32 $0x10, s0;
	s15 =	smul.u32 $0x6400, s0  }
0x8: {  	s10 =	sor.u32 $0x20, s0;
	s24 =	smul.u32 $0x19000, s9  }
0x9: {  	s4 =	rddreg [dreg:$0x0];
	s17 =	sor.u32 $0x30, s0;
	s8 =	smul.u32 $0x19000, s10  }
0xa: {  	s2 =	rddreg [dreg:$0x1];
	s11 =	smul.u32 $0x19000, s17  }
0xb: {  	s1 =	rddreg [dreg:$0x2];
	s3 =	simm.s32 $0x0;
	s29 =	smul.u32 $0x6400, s9  }
0xc: {  	[smem:$0x7FF] =	sst s3;
	s12 =	sadd.s32 $0x5D7600, s4;
	s16 =	smul.u32 $0x6400, s10  }
0xd: {  	_ =	strace $0x8000004A;
	s21 =	ssub.s32 $0x2, s5;
	s18 =	smul.u32 $0x6400, s17  }
0xe: {  	p0 =	seq.s32 s5, $0x1;
	s22 =	sshrl.u32 s21, $0x1;
	s19 =	smul.u32 $0xC80, s9  }
0xf: {  	p1 =	sgt.u32 s17, $0x35;
	p2 =	sgt.u32 s17, $0x31;
	s6 =	sadd.s32 s7, s6  }
0x10: {  	s25 =	sshrl.u32 s23, $0x2;
	s15 =	sshrl.u32 s15, $0x3;
	s6 =	sshrl.u32 s6, $0x3  }
0x11: {  	s5 =	sadd.s32 s25, s2;
	s26 =	sshrl.u32 s8, $0x2;
	s28 =	sshrl.u32 s11, $0x2  }
0x12: {  	s15 =	sadd.s32 $0x27100, s15;
	s30 =	sshrl.u32 s16, $0x3;
	s16 =	smul.u32 $0xC80, s10  }
0x13: {  	s11 =	sshrl.u32 s29, $0x3;
	s31 =	sshrl.u32 s18, $0x3;
	s18 =	smul.u32 $0xC80, s17  }
0x14: {  	s17 =	simm.s32 $0x2;
	s13 =	sadd.s32 s6, s4;
	s4 =	ssub.s32 s21, s22  }
0x15: {  	s6 =	sshrl.u32 s24, $0x2;
	s7 =	sadd.s32 s26, s2;
	s8 =	sadd.s32 s28, s2  }
0x16: {  	s11 =	sadd.s32 $0x27100, s11;
	s10 =	sadd.s32 $0x27100, s30;
	s20 =	sadd.s32 $0x27100, s31  }
0x17: {  	s14 =	smov.u32 @p0 s15;
	s15 =	simm.s32 $0x1;
	s4 =	smax.u32 s4, $0x1  }
0x18: {  	s6 =	sadd.s32 s6, s2;
	s9 =	sadd.s32 s12, s14;
	s19 =	smov.u32 @p0 s11  }
0x19: {  	s16 =	smov.u32 @p0 s10;
	s18 =	smov.u32 @p0 s20;
	s13 =	sadd.s32 $0x5CD800, s13  }
0x1a: {  	s14 =	simm.s32 $0x100;
	s10 =	sadd.s32 s12, s19;
	s11 =	sadd.s32 s12, s16  }
0x1b: {  	v0 =	vimm.f32 $0.0e+00;
	v1 =	vimm.f32 $1.000000000e+00;
	s12 =	sadd.s32 s12, s18;
	s16 =	simm.s32 $0xC8;
	s18 =	simm.s32 $0x0  }
.LBB2_1:
0x1c: {  	s19 =	sand.u32 $0x1FE00, s3  }
0x1d: {  	s20 =	sand.u32 $0x70, s3;
	s21 =	sshrl.u32 s19, $0x2  }
0x1e: {  	s19 =	simm.s32 $0x40;
	s21 =	sor.u32 s20, s21;
	s20 =	simm.s32 $0x0  }
.LBB2_2:
0x1f: {  	p3 =	sne.s32 s19, $0x18FC0  }
0x20: {  	[tilespmem:s21+$0x100] =	vst v0;
	s20 =	sadd.s32 $0x10, s20;
	s21 =	smov.u32 s19;
	s19 =	sadd.s32 $0x40, s19  }
.Ltmp0:
0x21: {  	(pc) =	sbr.rel @p3 .LBB2_2-.Ltmp0, $4  }
0x22: {  	_ = 	snop  }
0x23: {  	s21 =	sand.u32 $0x1FE00, s21  }
0x24: {  	s22 =	sand.u32 $0x70, s20;
	s21 =	sshrl.u32 s21, $0x2  }
0x25: {  	s21 =	sor.u32 s22, s21  }
0x26: {  	[tilespmem:s21+$0x100] =	vst v0  }
0x27: {  	[spmem:s5] =	stream.linear.scatter [tilespmem:s14], [sflag:$0x1], $0x6400, $0x38;
	[tilespmem:$0x1B680] =	vst v63  }
0x28: {  	_ =	swait.ge [sflag:s15], $0x6400  }
0x29: {  	[sflag:s15] =	ssyncset.done $0x0  }
0x2a: {  	[sflag:s15] =	ssyncadd.s32 $0xFFFF9C00  }
0x2b: {  	[spmem:s6] =	stream.linear.scatter [tilespmem:s14], [sflag:$0x1], $0x6400, $0x38;
	[tilespmem:$0x1B680] =	vst v63  }
0x2c: {  	_ =	swait.ge [sflag:s15], $0x6400  }
0x2d: {  	[sflag:s15] =	ssyncset.done $0x0  }
0x2e: {  	[sflag:s15] =	ssyncadd.s32 $0xFFFF9C00  }
0x2f: {  	[spmem:s7] =	stream.linear.scatter [tilespmem:s14], [sflag:$0x1], $0x6400, $0x38;
	[tilespmem:$0x1B680] =	vst v63  }
0x30: {  	_ =	swait.ge [sflag:s15], $0x6400  }
0x31: {  	[sflag:s15] =	ssyncset.done $0x0  }
0x32: {  	s19 =	simm.s32 @!p1 $0x100;
	s20 =	simm.s32 @!p1 $0x1;
	[sflag:s15] =	ssyncadd.s32 $0xFFFF9C00  }
0x33: {  	[spmem:s8] =	stream.linear.scatter @!p1 [tilespmem:s19], [sflag:$0x1], $0x6400, $0x38;
	[tilespmem:$0x1B680] =	vst v63  }
0x34: {  	s19 =	simm.s32 $0x0;
	_ =	swait.ge @!p1 [sflag:s20], $0x6400  }
0x35: {  	s31 =	sand.u32 $0x1FE00, s19;
	[sflag:s20] =	ssyncset.done @!p1 $0x0  }
0x36: {  	s22 =	sand.u32 $0x70, s19;
	s21 =	sshrl.u32 s31, $0x2;
	[sflag:s20] =	ssyncadd.s32 @!p1 $0xFFFF9C00  }
0x37: {  	s20 =	simm.s32 $0x40;
	s21 =	sor.u32 s22, s21;
	[bflag:$0x0] =	sbarrier.arrive $0xFFFF  }
.LBB2_4:
0x38: {  	p3 =	sne.s32 s20, $0x18FC0  }
0x39: {  	[tilespmem:s21+$0x100] =	vst v1;
	s19 =	sadd.s32 $0x10, s19;
	s21 =	smov.u32 s20;
	s20 =	sadd.s32 $0x40, s20  }
.Ltmp1:
0x3a: {  	(pc) =	sbr.rel @p3 .LBB2_4-.Ltmp1, $4  }
0x3b: {  	_ = 	snop  }
0x3c: {  	s21 =	sand.u32 $0x1FE00, s21  }
0x3d: {  	s22 =	sand.u32 $0x70, s19;
	s21 =	sshrl.u32 s21, $0x2  }
0x3e: {  	s21 =	sor.u32 s22, s21  }
0x3f: {  	[tilespmem:s21+$0x100] =	vst v1;
	s19 =	sadd.s32 $0x0, s13  }
0x40: {  	[tilespmem:s3], [sflag:$0x1] =	stream.linear.gather [hbm4b:s19+s3], $0xC8, $0x38;
	[tilespmem:$0x1B680] =	vst v63  }
0x41: {  	_ =	swait.ge [sflag:s15], $0xC8  }
0x42: {  	[sflag:s15] =	ssyncset.done $0x0  }
0x43: {  	[sflag:s15] =	ssyncadd.s32 $0xFFFFFF38  }
0x44: {  	[spmem:s2] =	stream.indirect.scatter.add.f32 [tilespmem:s14], [sflag:$0x1], $0x80, s3, s16, $0xb8;
	[tilespmem:$0x1B680] =	vst v63  }
0x45: {  	_ =	swait.ge [sflag:s15], $0x6400  }
0x46: {  	s20 =	simm.s32 $0x32;
	s19 =	simm.s32 $0x19;
	[sflag:s15] =	ssyncset.done $0x0  }
.LBB2_6:
0x47: {  	s21 =	sadd.s32 s19, s13  }
0x48: {  	[sflag:s15] =	ssyncadd.s32 $0xFFFF9C00;
	s19 =	smov.u32 s20;
	s22 =	sadd.s32 $0x19, s20  }
0x49: {  	[tilespmem:s3], [sflag:$0x1] =	stream.linear.gather [hbm4b:s21+s3], $0xC8, $0x38;
	[tilespmem:$0x1B680] =	vst v63  }
0x4a: {  	p3 =	sne.s32 s20, $0x4C9;
	_ =	swait.ge [sflag:s15], $0xC8  }
.Ltmp2:
0x4b: {  	[sflag:s15] =	ssyncset.done $0x0;
	(pc) =	sbr.rel @p3 .LBB2_6-.Ltmp2, $4  }
0x4c: {  	[sflag:s15] =	ssyncadd.s32 $0xFFFFFF38  }
0x4d: {  	[spmem:s2] =	stream.indirect.scatter.add.f32 [tilespmem:s14], [sflag:$0x1], $0x80, s3, s16, $0xb8;
	[tilespmem:$0x1B680] =	vst v63  }
0x4e: {  	_ =	swait.ge [sflag:s15], $0x6400  }
0x4f: {  	s20 =	smov.u32 s22;
	[sflag:s15] =	ssyncset.done $0x0  }
0x50: {  	s19 =	sadd.s32 s19, s13;
	[sflag:s15] =	ssyncadd.s32 $0xFFFF9C00  }
0x51: {  	[tilespmem:s3], [sflag:$0x1] =	stream.linear.gather [hbm4b:s19+s3], $0xC8, $0x38;
	[tilespmem:$0x1B680] =	vst v63  }
0x52: {  	_ =	swait.ge [sflag:s15], $0xC8  }
0x53: {  	[sflag:s15] =	ssyncset.done $0x0  }
0x54: {  	[sflag:s15] =	ssyncadd.s32 $0xFFFFFF38  }
0x55: {  	[spmem:s2] =	stream.indirect.scatter.add.f32 [tilespmem:s14], [sflag:$0x1], $0x80, s3, s16, $0xb8;
	[tilespmem:$0x1B680] =	vst v63  }
0x56: {  	_ =	swait.ge [sflag:s15], $0x6400  }
0x57: {  	[sflag:s15] =	ssyncset.done $0x0  }
0x58: {  	[sflag:s15] =	ssyncadd.s32 $0xFFFF9C00  }
0x59: {  	[bflag:$0x0] =	sbarrier.arrive $0xFFFF  }
0x5a: {  	[tilespmem:s14], [sflag:$0x2] =	stream.linear.gather [spmem:s5], $0x6400, $0x38;
	[tilespmem:$0x1B680] =	vst v63  }
0x5b: {  	_ =	swait.ge [sflag:s17], $0x6400  }
0x5c: {  	s19 =	simm.s32 $0x1;
	[sflag:s17] =	ssyncset.done $0x0  }
0x5d: {  	s19 =	simm.s32 @!p0 $0x2;
	[sflag:s17] =	ssyncadd.s32 $0xFFFF9C00  }
0x5e: {  	[hbm4b:s9+s3] =	stream.linear.scatter [tilespmem:s14], [sflag:s19], $0x6400, $0x38;
	[tilespmem:$0x1B680] =	vst v63  }
0x5f: {  	_ =	swait.ge [sflag:s19], $0x6400  }
0x60: {  	[sflag:s19] =	ssyncset.done $0x0  }
0x61: {  	[sflag:s19] =	ssyncadd.s32 $0xFFFF9C00  }
0x62: {  	[tilespmem:s14], [sflag:$0x2] =	stream.linear.gather [spmem:s6], $0x6400, $0x38;
	[tilespmem:$0x1B680] =	vst v63  }
0x63: {  	_ =	swait.ge [sflag:s17], $0x6400  }
0x64: {  	[sflag:s17] =	ssyncset.done $0x0  }
0x65: {  	[sflag:s17] =	ssyncadd.s32 $0xFFFF9C00  }
0x66: {  	[hbm4b:s10+s3] =	stream.linear.scatter [tilespmem:s14], [sflag:s19], $0x6400, $0x38;
	[tilespmem:$0x1B680] =	vst v63  }
0x67: {  	_ =	swait.ge [sflag:s19], $0x6400  }
0x68: {  	[sflag:s19] =	ssyncset.done $0x0  }
0x69: {  	[sflag:s19] =	ssyncadd.s32 $0xFFFF9C00  }
0x6a: {  	[tilespmem:s14], [sflag:$0x2] =	stream.linear.gather [spmem:s7], $0x6400, $0x38;
	[tilespmem:$0x1B680] =	vst v63  }
0x6b: {  	_ =	swait.ge [sflag:s17], $0x6400  }
0x6c: {  	[sflag:s17] =	ssyncset.done $0x0  }
0x6d: {  	[sflag:s17] =	ssyncadd.s32 $0xFFFF9C00  }
0x6e: {  	[hbm4b:s11+s3] =	stream.linear.scatter [tilespmem:s14], [sflag:s19], $0x6400, $0x38;
	[tilespmem:$0x1B680] =	vst v63  }
0x6f: {  	_ =	swait.ge [sflag:s19], $0x6400  }
0x70: {  	[sflag:s19] =	ssyncset.done $0x0  }
0x71: {  	s20 =	simm.s32 @!p2 $0x100;
	s21 =	simm.s32 @!p2 $0x2;
	[sflag:s19] =	ssyncadd.s32 $0xFFFF9C00  }
0x72: {  	[tilespmem:s20], [sflag:$0x2] =	stream.linear.gather @!p2 [spmem:s8], $0x6400, $0x38;
	[tilespmem:$0x1B680] =	vst v63  }
0x73: {  	s18 =	sadd.s32 $0x1, s18;
	_ =	swait.ge @!p2 [sflag:s21], $0x6400  }
0x74: {  	p3 =	sne.s32 s18, s4;
	[sflag:s21] =	ssyncset.done @!p2 $0x0  }
.Ltmp3:
0x75: {  	[sflag:s21] =	ssyncadd.s32 @!p2 $0xFFFF9C00;
	s21 =	simm.s32 @!p2 $0x0;
	(pc) =	sbr.rel @p3 .LBB2_1-.Ltmp3, $4  }
0x76: {  	[hbm4b:s12+s21] =	stream.linear.scatter @!p2 [tilespmem:s20], [sflag:s19], $0x6400, $0x38;
	[tilespmem:$0x1B680] =	vst v63  }
0x77: {  	_ =	swait.ge @!p2 [sflag:s19], $0x6400  }
0x78: {  	[sflag:s19] =	ssyncset.done @!p2 $0x0  }
0x79: {  	[sflag:s19] =	ssyncadd.s32 @!p2 $0xFFFF9C00  }
0x7a: {  	_ =	sfence.sel $0x180000  }
0x7b: {  	[bflag:$0x0] =	sbarrier.arrive $0xFFFF  }
0x7c: {  	p0 =	sne.s32 s0, $0x0;
	_ =	strace $0x9000004A  }
0x7d: {  	s0 =	sadd.s32 @!p0 $0x100000, s1;
	[bflag:$0x2] =	sbarrier.arrive $0xFFFF  }
0x7e: {  	[sflag:s0] =	ssyncadd.tile.s32 @!p0 $0x1;
	_ =	shalt  }
.Lfunc_end2:
_tile_overlayer_lowered:
.L_overlay_start_2:
0x7f: {  	(tag) =	ssettag $0x2  }
0x80: {  	s0 =	rddreg [dreg:$0x0];
	s2 =	stileid.u32  }
0x81: {  	s1 =	rddreg [dreg:$0x1];
	p0 =	sne.s32 s2, $0x0  }
0x82: {  	s3 =	rddreg [dreg:$0x2];
	[bflag:$0x3] =	sbarrier.arrive $0xFFFF;
	s2 =	simm.s32 @!p0 $0x1C01  }
0x83: {  	[timem:s3], [sflag:s2] =	dma.local @!p0 [hbm:s0], s1  }
0x84: {  	s0 =	simm.s32 @!p0 $0x1  }
0x85: {  	_ =	swait.ge @!p0 [sflag:s0], s1  }
0x86: {  	s1 =	ssub.s32 @!p0 $0x0, s1;
	[sflag:s0] =	ssyncset.done @!p0 $0x0  }
0x87: {  	[sflag:s0] =	ssyncadd.s32 @!p0 s1  }
0x88: {  	[bflag:$0x3] =	sbarrier.arrive $0xFFFF  }
0x89: {  	_ =	shalt  }

// kernel: kernel.21.cloned.1.call-start
scs
__scs_entry_jumppad:
0x0: {  	(pc) =	sbr.rel $0x88, $3  }
0x1: {  	(tag) =	ssettag $0x0;
	lr =	simm.s32 $0x1  }
0x2: {  	[smem:$0x3F7D] =	sst lr;
	_ =	strace $0xD0000000  }
0x3: {  	_ = 	snop  }
0x4: {  	_ = 	snop  }
0x5: {  	_ = 	snop  }
0x6: {  	_ = 	snop  }
0x7: {  	_ = 	snop  }
__scs_overlays_trampoline_lowered:
0x8: {  	[smem:$0x3F8C] =	sst s0  }
0x9: {  	[smem:$0x3F8D] =	sst s1  }
0xa: {  	[smem:$0x3F8E] =	sst s2  }
0xb: {  	[smem:$0x3F8F] =	sst s3  }
0xc: {  	[smem:$0x3F90] =	sst s4  }
0xd: {  	[smem:$0x3F91] =	sst s5  }
0xe: {  	[smem:$0x3F92] =	sst s6  }
0xf: {  	[smem:$0x3F93] =	sst s7  }
0x10: {  	[smem:$0x3F94] =	sst s8  }
0x11: {  	[smem:$0x3F95] =	sst s9;
	s0 =	simm.s32 @!p0 $0x0  }
0x12: {  	s1 =	sld [smem:$0x3F7B];
	s0 =	simm.s32 @p0 $0x1  }
0x13: {  	[smem:$0x3F96] =	sst s0;
	s0 =	simm.s32 @!p1 $0x0  }
0x14: {  	s2 =	sld [smem:$0x3F7A];
	s0 =	simm.s32 @p1 $0x1  }
0x15: {  	[smem:$0x3F97] =	sst s0;
	s0 =	simm.s32 @!p2 $0x0  }
0x16: {  	s3 =	sld [smem:$0x3FDB];
	s0 =	simm.s32 @p2 $0x1  }
0x17: {  	s4 =	simm.s32 $0x1BF5;
	[smem:$0x3F99] =	sst s0  }
0x18: {  	s0 =	sld [smem:$0x3F7C];
	_ =	swait.ge [sflag:s4], $0x0  }
0x19: {  	s7 =	sld [smem:$0x3F7D]  }
0x1a: {  	s8 =	sadd.s32 $0xFFFFE003, lr  }
0x1b: {  	s9 =	sadd.s32 $0xFFFFFEF7, lr;
	s5 =	simm.s32 $0xFFFFFFFF;
	p2 =	slt.u32 s8, $0xFFFFF086  }
0x1c: {  	p1 =	slt.u32 s9, $0xF7A;
	s5 =	simm.s32 @!p2 $0x0  }
0x1d: {  	s5 =	simm.s32 @p1 $0x1;
	p0 =	seq.s32 s7, s2  }
0x1e: {  	s7 =	smul.u32 @!p0 $0xF7A, s2;
	p2 =	seq.s32 @!p0 s5, $0x0  }
0x1f: {  	s9 =	smul.u32 $0xF7A, s1;
	s8 =	simm.s32 @!p0 $0x1BF5;
	p2 =	por !p2, p0  }
0x20: {  	[sflag:s8] =	ssyncset.s32 @!p0 $0xFFFFF086;
	s6 =	sadd.s32 @!p0 s3, s7;
	s7 =	simm.s32 @!p0 $0x108  }
0x21: {  	s3 =	sadd.s32 s3, s9;
	s6 =	sadd.s32 @!p0 $0x88, s6;
	s7 =	simm.s32 @p2 $0x1082  }
0x22: {  	[simem:s7], [sflag:s8] =	dma.local @!p0 [hbm:s6], $0xF7A  }
0x23: {  	s9 =	sor.u32 $0xD0000000, s2;
	s6 =	simm.s32 $0x108;
	_ =	swait.ge @!p0 [sflag:s8], $0x0  }
0x24: {  	s3 =	sadd.s32 $0x88, s3;
	s6 =	simm.s32 @!p1 $0x1082;
	[sflag:s4] =	ssyncset.s32 $0xFFFFF086  }
0x25: {  	[simem:s6], [sflag:s4] =	dma.local [hbm:s3], $0xF7A  }
0x26: {  	[smem:$0x3F7D] =	sst s1;
	(tag) =	ssettag s2;
	_ =	strace s9  }
0x27: {  	s1 =	sld [smem:$0x3F8D]  }
0x28: {  	s2 =	sld [smem:$0x3F8E]  }
0x29: {  	s4 =	sld [smem:$0x3F90]  }
0x2a: {  	p0 =	seq.s32 s5, $0x0;
	s5 =	sld [smem:$0x3F91]  }
0x2b: {  	s6 =	sld [smem:$0x3F92]  }
0x2c: {  	s7 =	sld [smem:$0x3F93]  }
0x2d: {  	s3 =	simm.s32 $0x108;
	s8 =	sld [smem:$0x3F94]  }
0x2e: {  	s3 =	simm.s32 @!p0 $0x1082;
	s9 =	sld [smem:$0x3F95]  }
0x2f: {  	lr =	sadd.s32 s0, s3;
	s0 =	sld [smem:$0x3F8C]  }
0x30: {  	s3 =	sld [smem:$0x3F8F]  }
0x31: {  	[smem:$0x3F98] =	sst s10  }
0x32: {  	s10 =	sld [smem:$0x3F96];
	_ =	sdelay $0x3  }
0x33: {  	p0 =	seq.s32 s10, $0x1;
	s10 =	sld [smem:$0x3F98];
	_ =	sdelay $0x3  }
0x34: {  	[smem:$0x3F98] =	sst s10  }
0x35: {  	s10 =	sld [smem:$0x3F97];
	_ =	sdelay $0x3  }
0x36: {  	p1 =	seq.s32 s10, $0x1;
	s10 =	sld [smem:$0x3F98];
	_ =	sdelay $0x3  }
0x37: {  	[smem:$0x3F98] =	sst s10  }
0x38: {  	s10 =	sld [smem:$0x3F99]  }
0x39: {  	_ = 	snop;
	(pc) =	sbr.ind lr, $3  }
0x3a: {  	_ = 	snop  }
0x3b: {  	_ = 	snop  }
0x3c: {  	p2 =	seq.s32 s10, $0x1;
	s10 =	sld [smem:$0x3F98]  }
0x3d: {  	_ =	shalt  }
0x3e: {  	_ =	shalt  }
0x3f: {  	_ =	shalt  }
0x40: {  	_ =	shalt  }
0x41: {  	_ =	shalt  }
0x42: {  	_ =	shalt  }
0x43: {  	_ =	shalt  }
0x44: {  	_ =	shalt  }
0x45: {  	_ =	shalt  }
0x46: {  	_ =	shalt  }
0x47: {  	_ =	shalt  }
0x48: {  	_ =	shalt  }
0x49: {  	_ =	shalt  }
0x4a: {  	_ =	shalt  }
0x4b: {  	_ =	shalt  }
0x4c: {  	_ =	shalt  }
0x4d: {  	_ =	shalt  }
0x4e: {  	_ =	shalt  }
0x4f: {  	_ =	shalt  }
0x50: {  	_ =	shalt  }
0x51: {  	_ =	shalt  }
0x52: {  	_ =	shalt  }
0x53: {  	_ =	shalt  }
0x54: {  	_ =	shalt  }
0x55: {  	_ =	shalt  }
0x56: {  	_ =	shalt  }
0x57: {  	_ =	shalt  }
0x58: {  	_ =	shalt  }
0x59: {  	_ =	shalt  }
0x5a: {  	_ =	shalt  }
0x5b: {  	_ =	shalt  }
0x5c: {  	_ =	shalt  }
0x5d: {  	_ =	shalt  }
0x5e: {  	_ =	shalt  }
0x5f: {  	_ =	shalt  }
0x60: {  	_ =	shalt  }
0x61: {  	_ =	shalt  }
0x62: {  	_ =	shalt  }
0x63: {  	_ =	shalt  }
0x64: {  	_ =	shalt  }
0x65: {  	_ =	shalt  }
0x66: {  	_ =	shalt  }
0x67: {  	_ =	shalt  }
0x68: {  	_ =	shalt  }
0x69: {  	_ =	shalt  }
0x6a: {  	_ =	shalt  }
0x6b: {  	_ =	shalt  }
0x6c: {  	_ =	shalt  }
0x6d: {  	_ =	shalt  }
0x6e: {  	_ =	shalt  }
0x6f: {  	_ =	shalt  }
0x70: {  	_ =	shalt  }
0x71: {  	_ =	shalt  }
0x72: {  	_ =	shalt  }
0x73: {  	_ =	shalt  }
0x74: {  	_ =	shalt  }
0x75: {  	_ =	shalt  }
0x76: {  	_ =	shalt  }
0x77: {  	_ =	shalt  }
0x78: {  	_ =	shalt  }
0x79: {  	_ =	shalt  }
0x7a: {  	_ =	shalt  }
0x7b: {  	_ =	shalt  }
0x7c: {  	_ =	shalt  }
0x7d: {  	_ =	shalt  }
0x7e: {  	_ =	shalt  }
0x7f: {  	_ =	shalt  }
0x80: {  	_ =	shalt  }
0x81: {  	_ =	shalt  }
0x82: {  	_ =	shalt  }
0x83: {  	_ =	shalt  }
0x84: {  	_ =	shalt  }
0x85: {  	_ =	shalt  }
0x86: {  	_ =	shalt  }
0x87: {  	_ =	shalt  }
.Lfunc_end0:
.L_simem_size_0:
called_computation.1_lowered:
.L_overlay_start_0:
0x88: {  	s2 =	sld [smem:$0x3FD9]  }
0x89: {  	s3 =	sld [smem:$0x3FFE];
	_ =	sdelay $0x1  }
0x8a: {  	s1 =	srdreg.scid  }
0x8b: {  	s0 =	sand.u32 $0x1, s1  }
0x8c: {  	s16 =	sshll.u32 s0, $0xA;
	s2 =	sadd.s32 s3, s2  }
0x8d: {  	s2 =	sadd.s32 s2, s16  }
0x8e: {  	[smem:$0x3FA4] =	sst s2  }
0x8f: {  	_ = 	snop  }
0x90: {  	(tm) =	ssettm $0x1  }
0x91: {  	s17 =	sld [smem:$0x3FFB];
	_ =	sdelay $0x3  }
0x92: {  	_ =	strace s17  }
0x93: {  	s2 =	sld [smem:$0x3FFC];
	_ =	sdelay $0x3  }
0x94: {  	_ =	strace s2  }
0x95: {  	s2 =	sld [smem:$0x3FFD];
	_ =	sdelay $0x3  }
0x96: {  	_ =	strace s2  }
0x97: {  	_ =	strace $0x8FFFFFFF  }
0x98: {  	s18 =	sld [smem:$0x3FDB];
	_ =	sdelay $0x1  }
0x99: {  	s19 =	simm.s32 $_scs_section_size  }
0x9a: {  	s4 =	simm.s32 $_size__tile_overlayer_lowered;
	s5 =	simm.s32 $_tile_overlayer_lowered  }
0x9b: {  	s22 =	simm.s32 $0x1BFF;
	s21 =	sshll.u32 s5, $0x1;
	s2 =	sadd.s32 s19, s18  }
0x9c: {  	s6 =	simm.s32 $0x0;
	s20 =	sshll.u32 s4, $0x1;
	s4 =	sadd.s32 s21, s2  }
0x9d: {  	[timem:s6], [sflag:s22] =	dma.local [hbm:s4], s20  }
0x9e: {  	_ =	swait.ge [sflag:s22], s20  }
0x9f: {  	s3 =	ssub.s32 $0x0, s20;
	[sflag:s22] =	ssyncset.done $0x0  }
0xa0: {  	[sflag:s22] =	ssyncadd.s32 s3;
	_ =	sdelay $0x1  }
0xa1: {  	s23 =	simm.s32 $0x1B8B  }
0xa2: {  	_ =	swait.ge [sflag:s23], $0x1  }
0xa3: {  	[sflag:s23] =	ssyncset.done $0x0  }
0xa4: {  	s25 =	simm.s32 $0x1B8E;
	s24 =	sld [smem:$0x3FFE];
	[sflag:s23] =	ssyncadd.s32 $0xFFFFFFFF  }
0xa5: {  	s26 =	simm.s32 $execute0_lowered;
	[smem:$0x3FD2] =	sst s25  }
0xa6: {  	s4 =	sshll.u32 s26, $0x1;
	_ =	strace $0x80000046;
	[dreg:$0x1] =	wrdreg $0xFFFFFFFF  }
0xa7: {  	s28 =	simm.s32 $_size_execute0_lowered;
	s2 =	sadd.s32 s2, s4;
	[dreg:$0x0] =	wrdreg $0x0  }
0xa8: {  	s4 =	sshll.u32 s28, $0x1;
	[dreg:$0x2] =	wrdreg s2  }
0xa9: {  	[dreg:$0x3] =	wrdreg s4  }
0xaa: {  	[dreg:$0x4] =	wrdreg $0xC0  }
0xab: {  	_ =	task [dreg:s6], $0x5FFFF  }
0xac: {  	[dreg:$0x1] =	wrdreg $0xFFFFFFFF  }
0xad: {  	[dreg:$0x0] =	wrdreg $0x60  }
0xae: {  	[dreg:$0x2] =	wrdreg s24  }
0xaf: {  	[dreg:$0x3] =	wrdreg $0xA  }
0xb0: {  	_ =	task.clear_ibuf [dreg:s6], $0x4FFFF;
	_ =	strace $0x90000046  }
0xb1: {  	s29 =	simm.s32 $0xA;
	_ =	strace $0x80000048  }
0xb2: {  	_ =	swait.ge [sflag:s29], $0x1  }
0xb3: {  	[sflag:s29] =	ssyncadd.s32 $0xFFFFFFFF  }
0xb4: {  	_ =	strace $0x90000048  }
0xb5: {  	_ =	sfence  }
0xb6: {  	s30 =	sld [smem:$0x0];
	_ =	sdelay $0x2  }
0xb7: {  	s31 =	sshll.u32 s1, $0xD;
	s1 =	sshrl.u32 s1, $0x2  }
0xb8: {  	s3 =	sand.u32 $0x4000, s31;
	s1 =	sadd.s32 s1, s30  }
0xb9: {  	s0 =	sor.u32 s3, s0;
	s1 =	sshll.u32 s1, $0x11  }
0xba: {  	s0 =	sor.u32 s1, s0  }
0xbb: {  	s0 =	sadd.s32 $0x8F2B, s0  }
0xbc: {  	[sflag:s0] =	ssyncadd.remote.s32 $0x1  }
0xbd: {  	_ =	sfence.sel $0xFFFF  }
0xbe: {  	[dreg:$0x0] =	wrdreg $0xFFFFFFFF;
	(pc) =	sbr.abs _section_cstart, $3  }
0xbf: {  	[dreg:$0x1] =	wrdreg $0xFFFFFFFF  }
0xc0: {  	_ =	task.clear_ibuf [dreg:s6], $0x2FFFF;
	_ =	strace $0x9FFFFFFF  }
0xc1: {  	(tm) =	ssettm $0x7FFFFFFF  }
tec
execute0_lowered:
.L_overlay_start_1:
0x0: {  	(tag) =	ssettag $0x1  }
0x1: {  	s0 =	srdreg.scid  }
0x2: {  	s10 =	stileid.u32;
	s1 =	rddreg [dreg:$0x0];
	s2 =	simm.s32 $0x0  }
0x3: {  	s14 =	simm.s32 $0xC8;
	s15 =	simm.s32 $0x2800;
	s16 =	simm.s32 $0x8C00  }
0x4: {  	s17 =	simm.s32 $0xF000;
	s18 =	simm.s32 $0x15400;
	s19 =	simm.s32 $0x1  }
0x5: {  	s20 =	simm.s32 $0x2;
	s21 =	simm.s32 $0x3;
	s22 =	simm.s32 $0x4  }
0x6: {  	s23 =	simm.s32 $0x5;
	s28 =	simm.s32 $0x12C0;
	s29 =	simm.s32 $0x26C0  }
0x7: {  	s30 =	simm.s32 $0x0;
	s0 =	sand.u32 $0x1, s0;
	s3 =	sshll.u32 s10, $0x1  }
0x8: {  	[smem:$0x7FF] =	sst s2;
	s4 =	sadd.s32 $0x4F400, s1;
	s10 =	smul.u32 $0x27100, s10  }
0x9: {  	s5 =	sor.u32 s0, s3;
	s7 =	ssub.s32 $0x2, s0;
	s0 =	smul.u32 $0x13880, s0  }
0xa: {  	s9 =	sadd.s32 $0xEB800, s1;
	_ =	strace $0x80000047;
	s6 =	smul.u32 $0x1388, s5  }
0xb: {  	s3 =	sadd.s32 $0x9D600, s1;
	s8 =	sshrl.u32 s7, $0x1;
	s24 =	smul.u32 $0x13880, s5  }
0xc: {  	s12 =	sadd.s32 s10, s9;
	s7 =	ssub.s32 s7, s8;
	s6 =	sshrl.u32 s6, $0x3  }
0xd: {  	s31 =	smax.u32 s7, $0x1;
	s11 =	sadd.s32 $0x12C00, s24;
	s24 =	simm.s32 $0x6  }
0xe: {  	s6 =	sadd.s32 s6, s1;
	s1 =	sadd.s32 $0x35C800, s1;
	[dreg:$0x4] =	wrdreg s31  }
0xf: {  	s8 =	sadd.s32 s9, s11;
	s25 =	sadd.s32 $0x15200, s6;
	s26 =	sadd.s32 $0x1A200, s6  }
0x10: {  	s13 =	sadd.s32 s10, s1;
	s9 =	sadd.s32 s1, s11;
	[dreg:$0x2] =	wrdreg s25  }
0x11: {  	s10 =	sadd.s32 s0, s12;
	s12 =	simm.s32 $0x9;
	[dreg:$0x3] =	wrdreg s26  }
0x12: {  	s11 =	sadd.s32 s0, s13;
	s25 =	simm.s32 $0x7;
	s26 =	simm.s32 $0x8  }
.LBB2_1:
0x13: {  	s0 =	rddreg [dreg:$0x2]  }
0x14: {  	[tilespmem:s2], [sflag:$0x9] =	stream.linear.gather [hbm4b:s0+s2], $0x1388, $0x38;
	[tilespmem:$0x1B800] =	vst v63  }
0x15: {  	_ =	swait.ge [sflag:s12], $0x1388  }
0x16: {  	[sflag:s12] =	ssyncset.done $0x0  }
0x17: {  	s1 =	simm.s32 $0x1400;
	s13 =	rddreg [dreg:$0x3];
	[sflag:s12] =	ssyncadd.s32 $0xFFFFEC78  }
0x18: {  	[tilespmem:s1], [sflag:$0x9] =	stream.linear.gather [hbm4b:s13+s2], $0x1388, $0x38;
	[tilespmem:$0x1B800] =	vst v63  }
0x19: {  	_ =	swait.ge [sflag:s12], $0x1388  }
0x1a: {  	[sflag:s12] =	ssyncset.done $0x0  }
0x1b: {  	s1 =	simm.s32 $0x0;
	[sflag:s12] =	ssyncadd.s32 $0xFFFFEC78  }
0x1c: {  	[tilespmem:s15], [sflag:$0x1] =	stream.indirect.gather [hbm4b:s3+s14], $0x80, s1, s14, $0xb8;
	[tilespmem:$0x1B800] =	vst v63  }
0x1d: {  	s5 =	simm.s32 $0x1400  }
0x1e: {  	[tilespmem:s16], [sflag:$0x2] =	stream.indirect.gather [hbm4b:s4+s14], $0x80, s5, s14, $0xb8;
	[tilespmem:$0x1B800] =	vst v63  }
0x1f: {  	_ = 	snop  }
0x20: {  	[tilespmem:s17], [sflag:$0x3] =	stream.indirect.gather [hbm4b:s3+s14], $0x80, s14, s14, $0xb8;
	[tilespmem:$0x1B800] =	vst v63  }
0x21: {  	s31 =	simm.s32 $0x14C8  }
0x22: {  	[tilespmem:s18], [sflag:$0x4] =	stream.indirect.gather [hbm4b:s4+s14], $0x80, s31, s14, $0xb8;
	[tilespmem:$0x1B800] =	vst v63  }
0x23: {  	_ =	swait.ge [sflag:s19], $0x6400  }
0x24: {  	[sflag:s19] =	ssyncset.done $0x0  }
0x25: {  	[sflag:s19] =	ssyncadd.s32 $0xFFFF9C00  }
0x26: {  	_ =	swait.ge [sflag:s20], $0x6400  }
0x27: {  	[sflag:s20] =	ssyncset.done $0x0  }
0x28: {  	s6 =	sadd.s32 $0x0, s10;
	[sflag:s20] =	ssyncadd.s32 $0xFFFF9C00  }
0x29: {  	[hbm4b:s6+s2] =	stream.linear.scatter [tilespmem:s15], [sflag:$0x5], $0x6400, $0x38;
	[tilespmem:$0x1B800] =	vst v63  }
0x2a: {  	s7 =	sadd.s32 $0x0, s11  }
0x2b: {  	[hbm4b:s7+s2] =	stream.linear.scatter [tilespmem:s16], [sflag:$0x6], $0x6400, $0x38;
	[tilespmem:$0x1B800] =	vst v63  }
0x2c: {  	_ =	swait.ge [sflag:s21], $0x6400  }
0x2d: {  	[sflag:s21] =	ssyncset.done $0x0  }
0x2e: {  	[sflag:s21] =	ssyncadd.s32 $0xFFFF9C00  }
0x2f: {  	_ =	swait.ge [sflag:s22], $0x6400  }
0x30: {  	[sflag:s22] =	ssyncset.done $0x0  }
0x31: {  	s0 =	sadd.s32 $0xC80, s6;
	[sflag:s22] =	ssyncadd.s32 $0xFFFF9C00  }
0x32: {  	[hbm4b:s0+s2] =	stream.linear.scatter [tilespmem:s17], [sflag:$0x7], $0x6400, $0x38;
	[tilespmem:$0x1B800] =	vst v63  }
0x33: {  	s13 =	sadd.s32 $0xC80, s7  }
0x34: {  	[hbm4b:s13+s2] =	stream.linear.scatter [tilespmem:s18], [sflag:$0x8], $0x6400, $0x38;
	[tilespmem:$0x1B800] =	vst v63  }
0x35: {  	_ =	swait.ge [sflag:s23], $0x6400  }
0x36: {  	[sflag:s23] =	ssyncset.done $0x0  }
0x37: {  	[sflag:s23] =	ssyncadd.s32 $0xFFFF9C00  }
0x38: {  	_ =	swait.ge [sflag:s24], $0x6400  }
0x39: {  	[sflag:s24] =	ssyncset.done $0x0  }
0x3a: {  	[sflag:s24] =	ssyncadd.s32 $0xFFFF9C00  }
0x3b: {  	_ =	swait.ge [sflag:s25], $0x6400  }
0x3c: {  	[sflag:s25] =	ssyncset.done $0x0  }
0x3d: {  	[sflag:s25] =	ssyncadd.s32 $0xFFFF9C00  }
0x3e: {  	s1 =	simm.s32 $0x1900;
	_ =	swait.ge [sflag:s26], $0x6400  }
0x3f: {  	s0 =	simm.s32 $0x258;
	s13 =	simm.s32 $0x3200;
	[sflag:s26] =	ssyncset.done $0x0  }
.LBB2_2:
0x40: {  	s5 =	sadd.s32 $0xFFFFFF38, s0  }
0x41: {  	[sflag:s26] =	ssyncadd.s32 $0xFFFF9C00;
	s31 =	sadd.s32 $0x190, s31;
	s6 =	smov.u32 s13  }
0x42: {  	[tilespmem:s15], [sflag:$0x1] =	stream.indirect.gather [hbm4b:s3+s14], $0x80, s5, s14, $0xb8;
	[tilespmem:$0x1B800] =	vst v63  }
0x43: {  	p0 =	sne.s32 s13, $0x11300;
	s13 =	sadd.s32 $0x1900, s13;
	s5 =	sadd.s32 $0xFFFFFF38, s31  }
0x44: {  	[tilespmem:s16], [sflag:$0x2] =	stream.indirect.gather [hbm4b:s4+s14], $0x80, s5, s14, $0xb8;
	[tilespmem:$0x1B800] =	vst v63  }
0x45: {  	_ = 	snop  }
0x46: {  	[tilespmem:s17], [sflag:$0x3] =	stream.indirect.gather [hbm4b:s3+s14], $0x80, s0, s14, $0xb8;
	[tilespmem:$0x1B800] =	vst v63  }
0x47: {  	_ = 	snop  }
0x48: {  	[tilespmem:s18], [sflag:$0x4] =	stream.indirect.gather [hbm4b:s4+s14], $0x80, s31, s14, $0xb8;
	[tilespmem:$0x1B800] =	vst v63  }
0x49: {  	_ =	swait.ge [sflag:s19], $0x6400  }
0x4a: {  	[sflag:s19] =	ssyncset.done $0x0  }
0x4b: {  	[sflag:s19] =	ssyncadd.s32 $0xFFFF9C00  }
0x4c: {  	_ =	swait.ge [sflag:s20], $0x6400  }
0x4d: {  	[sflag:s20] =	ssyncset.done $0x0  }
0x4e: {  	s5 =	sadd.s32 s1, s10;
	[sflag:s20] =	ssyncadd.s32 $0xFFFF9C00  }
0x4f: {  	[hbm4b:s5+s2] =	stream.linear.scatter [tilespmem:s15], [sflag:$0x5], $0x6400, $0x38;
	[tilespmem:$0x1B800] =	vst v63  }
0x50: {  	s7 =	sadd.s32 s1, s11;
	s1 =	smov.u32 s6  }
0x51: {  	[hbm4b:s7+s2] =	stream.linear.scatter [tilespmem:s16], [sflag:$0x6], $0x6400, $0x38;
	[tilespmem:$0x1B800] =	vst v63  }
0x52: {  	_ =	swait.ge [sflag:s21], $0x6400  }
0x53: {  	[sflag:s21] =	ssyncset.done $0x0  }
0x54: {  	[sflag:s21] =	ssyncadd.s32 $0xFFFF9C00  }
0x55: {  	_ =	swait.ge [sflag:s22], $0x6400  }
0x56: {  	[sflag:s22] =	ssyncset.done $0x0  }
0x57: {  	s5 =	sadd.s32 $0xC80, s5;
	[sflag:s22] =	ssyncadd.s32 $0xFFFF9C00  }
0x58: {  	[hbm4b:s5+s2] =	stream.linear.scatter [tilespmem:s17], [sflag:$0x7], $0x6400, $0x38;
	[tilespmem:$0x1B800] =	vst v63  }
0x59: {  	s5 =	sadd.s32 $0xC80, s7  }
0x5a: {  	[hbm4b:s5+s2] =	stream.linear.scatter [tilespmem:s18], [sflag:$0x8], $0x6400, $0x38;
	[tilespmem:$0x1B800] =	vst v63  }
0x5b: {  	_ =	swait.ge [sflag:s23], $0x6400  }
0x5c: {  	[sflag:s23] =	ssyncset.done $0x0  }
0x5d: {  	[sflag:s23] =	ssyncadd.s32 $0xFFFF9C00  }
0x5e: {  	_ =	swait.ge [sflag:s24], $0x6400  }
0x5f: {  	[sflag:s24] =	ssyncset.done $0x0  }
0x60: {  	[sflag:s24] =	ssyncadd.s32 $0xFFFF9C00  }
.Ltmp0:
0x61: {  	_ =	swait.ge [sflag:s25], $0x6400;
	(pc) =	sbr.rel @p0 .LBB2_2-.Ltmp0, $4  }
0x62: {  	[sflag:s25] =	ssyncset.done $0x0  }
0x63: {  	[sflag:s25] =	ssyncadd.s32 $0xFFFF9C00  }
0x64: {  	_ =	swait.ge [sflag:s26], $0x6400  }
0x65: {  	s0 =	sadd.s32 $0x190, s0;
	[sflag:s26] =	ssyncset.done $0x0  }
0x66: {  	s5 =	sadd.s32 $0xFFFFFF38, s0;
	[sflag:s26] =	ssyncadd.s32 $0xFFFF9C00;
	s6 =	sadd.s32 $0x190, s31  }
0x67: {  	[tilespmem:s15], [sflag:$0x1] =	stream.indirect.gather [hbm4b:s3+s14], $0x80, s5, s14, $0xb8;
	[tilespmem:$0x1B800] =	vst v63  }
0x68: {  	s31 =	sadd.s32 $0xFFFFFF38, s6  }
0x69: {  	[tilespmem:s16], [sflag:$0x2] =	stream.indirect.gather [hbm4b:s4+s14], $0x80, s31, s14, $0xb8;
	[tilespmem:$0x1B800] =	vst v63  }
0x6a: {  	_ = 	snop  }
0x6b: {  	[tilespmem:s17], [sflag:$0x3] =	stream.indirect.gather [hbm4b:s3+s14], $0x80, s0, s14, $0xb8;
	[tilespmem:$0x1B800] =	vst v63  }
0x6c: {  	_ = 	snop  }
0x6d: {  	[tilespmem:s18], [sflag:$0x4] =	stream.indirect.gather [hbm4b:s4+s14], $0x80, s6, s14, $0xb8;
	[tilespmem:$0x1B800] =	vst v63  }
0x6e: {  	_ =	swait.ge [sflag:s19], $0x6400  }
0x6f: {  	[sflag:s19] =	ssyncset.done $0x0  }
0x70: {  	[sflag:s19] =	ssyncadd.s32 $0xFFFF9C00  }
0x71: {  	_ =	swait.ge [sflag:s20], $0x6400  }
0x72: {  	[sflag:s20] =	ssyncset.done $0x0  }
0x73: {  	s6 =	sadd.s32 s1, s10;
	[sflag:s20] =	ssyncadd.s32 $0xFFFF9C00  }
0x74: {  	[hbm4b:s6+s2] =	stream.linear.scatter [tilespmem:s15], [sflag:$0x5], $0x6400, $0x38;
	[tilespmem:$0x1B800] =	vst v63  }
0x75: {  	s7 =	sadd.s32 s1, s11  }
0x76: {  	[hbm4b:s7+s2] =	stream.linear.scatter [tilespmem:s16], [sflag:$0x6], $0x6400, $0x38;
	[tilespmem:$0x1B800] =	vst v63  }
0x77: {  	_ =	swait.ge [sflag:s21], $0x6400  }
0x78: {  	[sflag:s21] =	ssyncset.done $0x0  }
0x79: {  	[sflag:s21] =	ssyncadd.s32 $0xFFFF9C00  }
0x7a: {  	_ =	swait.ge [sflag:s22], $0x6400  }
0x7b: {  	[sflag:s22] =	ssyncset.done $0x0  }
0x7c: {  	s0 =	sadd.s32 $0xC80, s6;
	[sflag:s22] =	ssyncadd.s32 $0xFFFF9C00  }
0x7d: {  	[hbm4b:s0+s2] =	stream.linear.scatter [tilespmem:s17], [sflag:$0x7], $0x6400, $0x38;
	[tilespmem:$0x1B800] =	vst v63  }
0x7e: {  	s13 =	sadd.s32 $0xC80, s7  }
0x7f: {  	[hbm4b:s13+s2] =	stream.linear.scatter [tilespmem:s18], [sflag:$0x8], $0x6400, $0x38;
	[tilespmem:$0x1B800] =	vst v63  }
0x80: {  	_ =	swait.ge [sflag:s23], $0x6400  }
0x81: {  	[sflag:s23] =	ssyncset.done $0x0  }
0x82: {  	[sflag:s23] =	ssyncadd.s32 $0xFFFF9C00  }
0x83: {  	_ =	swait.ge [sflag:s24], $0x6400  }
0x84: {  	[sflag:s24] =	ssyncset.done $0x0  }
0x85: {  	[sflag:s24] =	ssyncadd.s32 $0xFFFF9C00  }
0x86: {  	_ =	swait.ge [sflag:s25], $0x6400  }
0x87: {  	[sflag:s25] =	ssyncset.done $0x0  }
0x88: {  	[sflag:s25] =	ssyncadd.s32 $0xFFFF9C00  }
0x89: {  	_ =	swait.ge [sflag:s26], $0x6400  }
0x8a: {  	[sflag:s26] =	ssyncset.done $0x0  }
0x8b: {  	[sflag:s26] =	ssyncadd.s32 $0xFFFF9C00  }
0x8c: {  	[tilespmem:s15], [sflag:$0x1] =	stream.indirect.gather [hbm4b:s3+s14], $0x80, s28, s14, $0xb8;
	[tilespmem:$0x1B800] =	vst v63  }
0x8d: {  	_ = 	snop  }
0x8e: {  	[tilespmem:s16], [sflag:$0x2] =	stream.indirect.gather [hbm4b:s4+s14], $0x80, s29, s14, $0xb8;
	[tilespmem:$0x1B800] =	vst v63  }
0x8f: {  	_ = 	snop  }
0x90: {  	[tilespmem:s17], [sflag:$0x3] =	stream.indirect.gather [hbm4b:s3+s14], $0x80, s28, s14, $0xb8;
	[tilespmem:$0x1B800] =	vst v63  }
0x91: {  	_ = 	snop  }
0x92: {  	[tilespmem:s18], [sflag:$0x4] =	stream.indirect.gather [hbm4b:s4+s14], $0x80, s29, s14, $0xb8;
	[tilespmem:$0x1B800] =	vst v63  }
0x93: {  	_ =	swait.ge [sflag:s19], $0x6400  }
0x94: {  	[sflag:s19] =	ssyncset.done $0x0  }
0x95: {  	[sflag:s19] =	ssyncadd.s32 $0xFFFF9C00  }
0x96: {  	_ =	swait.ge [sflag:s20], $0x6400  }
0x97: {  	[sflag:s20] =	ssyncset.done $0x0  }
0x98: {  	[sflag:s20] =	ssyncadd.s32 $0xFFFF9C00  }
0x99: {  	[hbm4b:s8+s2] =	stream.linear.scatter [tilespmem:s15], [sflag:$0x5], $0x6400, $0x38;
	[tilespmem:$0x1B800] =	vst v63  }
0x9a: {  	_ = 	snop  }
0x9b: {  	[hbm4b:s9+s2] =	stream.linear.scatter [tilespmem:s16], [sflag:$0x6], $0x6400, $0x38;
	[tilespmem:$0x1B800] =	vst v63  }
0x9c: {  	_ =	swait.ge [sflag:s21], $0x6400  }
0x9d: {  	[sflag:s21] =	ssyncset.done $0x0  }
0x9e: {  	[sflag:s21] =	ssyncadd.s32 $0xFFFF9C00  }
0x9f: {  	_ =	swait.ge [sflag:s22], $0x6400  }
0xa0: {  	[sflag:s22] =	ssyncset.done $0x0  }
0xa1: {  	[sflag:s22] =	ssyncadd.s32 $0xFFFF9C00  }
0xa2: {  	[hbm4b:s8+s2] =	stream.linear.scatter [tilespmem:s17], [sflag:$0x7], $0x6400, $0x38;
	[tilespmem:$0x1B800] =	vst v63  }
0xa3: {  	_ = 	snop  }
0xa4: {  	[hbm4b:s9+s2] =	stream.linear.scatter [tilespmem:s18], [sflag:$0x8], $0x6400, $0x38;
	[tilespmem:$0x1B800] =	vst v63  }
0xa5: {  	_ =	swait.ge [sflag:s23], $0x6400  }
0xa6: {  	[sflag:s23] =	ssyncset.done $0x0  }
0xa7: {  	[sflag:s23] =	ssyncadd.s32 $0xFFFF9C00  }
0xa8: {  	_ =	swait.ge [sflag:s24], $0x6400  }
0xa9: {  	[sflag:s24] =	ssyncset.done $0x0  }
0xaa: {  	[sflag:s24] =	ssyncadd.s32 $0xFFFF9C00  }
0xab: {  	_ =	swait.ge [sflag:s25], $0x6400  }
0xac: {  	[sflag:s25] =	ssyncset.done $0x0  }
0xad: {  	[sflag:s25] =	ssyncadd.s32 $0xFFFF9C00  }
0xae: {  	_ =	swait.ge [sflag:s26], $0x6400  }
0xaf: {  	s30 =	sadd.s32 $0x1, s30;
	s31 =	rddreg [dreg:$0x4]  }
0xb0: {  	p0 =	sne.s32 s30, s31  }
.Ltmp1:
0xb1: {  	_ = 	snop;
	(pc) =	sbr.rel @p0 .LBB2_1-.Ltmp1, $3  }
0xb2: {  	_ =	sdelay $0x1  }
0xb3: {  	[sflag:s26] =	ssyncset.done $0x0  }
0xb4: {  	[sflag:s26] =	ssyncadd.s32 $0xFFFF9C00  }
0xb5: {  	_ =	sfence.sel $0x180000  }
0xb6: {  	[bflag:$0x0] =	sbarrier.arrive $0xFFFF  }
0xb7: {  	_ =	strace $0x90000047  }
0xb8: {  	s0 =	stileid.u32;
	[bflag:$0x2] =	sbarrier.arrive $0xFFFF  }
0xb9: {  	p0 =	sne.s32 s0, $0x0;
	s0 =	rddreg [dreg:$0x1]  }
0xba: {  	s0 =	sadd.s32 @!p0 $0x100000, s0  }
0xbb: {  	[sflag:s0] =	ssyncadd.tile.s32 @!p0 $0x1;
	_ =	shalt  }
.Lfunc_end2:
_tile_overlayer_lowered:
.L_overlay_start_2:
0xbc: {  	(tag) =	ssettag $0x2  }
0xbd: {  	s0 =	rddreg [dreg:$0x0];
	s2 =	stileid.u32  }
0xbe: {  	s1 =	rddreg [dreg:$0x1];
	p0 =	sne.s32 s2, $0x0  }
0xbf: {  	s3 =	rddreg [dreg:$0x2];
	[bflag:$0x3] =	sbarrier.arrive $0xFFFF;
	s2 =	simm.s32 @!p0 $0x1C09  }
0xc0: {  	[timem:s3], [sflag:s2] =	dma.local @!p0 [hbm:s0], s1  }
0xc1: {  	s0 =	simm.s32 @!p0 $0x9  }
0xc2: {  	_ =	swait.ge @!p0 [sflag:s0], s1  }
0xc3: {  	s1 =	ssub.s32 @!p0 $0x0, s1;
	[sflag:s0] =	ssyncset.done @!p0 $0x0  }
0xc4: {  	[sflag:s0] =	ssyncadd.s32 @!p0 s1  }
0xc5: {  	[bflag:$0x3] =	sbarrier.arrive $0xFFFF  }
0xc6: {  	_ =	shalt  }

// kernel: kernel.24.cloned.1.call-start
scs
__scs_entry_jumppad:
0x0: {  	(pc) =	sbr.rel $0x88, $3  }
0x1: {  	(tag) =	ssettag $0x0;
	lr =	simm.s32 $0x1  }
0x2: {  	[smem:$0x3F7D] =	sst lr;
	_ =	strace $0xD0000000  }
0x3: {  	_ = 	snop  }
0x4: {  	_ = 	snop  }
0x5: {  	_ = 	snop  }
0x6: {  	_ = 	snop  }
0x7: {  	_ = 	snop  }
__scs_overlays_trampoline_lowered:
0x8: {  	[smem:$0x3F8C] =	sst s0  }
0x9: {  	[smem:$0x3F8D] =	sst s1  }
0xa: {  	[smem:$0x3F8E] =	sst s2  }
0xb: {  	[smem:$0x3F8F] =	sst s3  }
0xc: {  	[smem:$0x3F90] =	sst s4  }
0xd: {  	[smem:$0x3F91] =	sst s5  }
0xe: {  	[smem:$0x3F92] =	sst s6  }
0xf: {  	[smem:$0x3F93] =	sst s7  }
0x10: {  	[smem:$0x3F94] =	sst s8  }
0x11: {  	[smem:$0x3F95] =	sst s9;
	s0 =	simm.s32 @!p0 $0x0  }
0x12: {  	s1 =	sld [smem:$0x3F7B];
	s0 =	simm.s32 @p0 $0x1  }
0x13: {  	[smem:$0x3F96] =	sst s0;
	s0 =	simm.s32 @!p1 $0x0  }
0x14: {  	s2 =	sld [smem:$0x3F7A];
	s0 =	simm.s32 @p1 $0x1  }
0x15: {  	[smem:$0x3F97] =	sst s0;
	s0 =	simm.s32 @!p2 $0x0  }
0x16: {  	s3 =	sld [smem:$0x3FDB];
	s0 =	simm.s32 @p2 $0x1  }
0x17: {  	s4 =	simm.s32 $0x1BF5;
	[smem:$0x3F99] =	sst s0  }
0x18: {  	s0 =	sld [smem:$0x3F7C];
	_ =	swait.ge [sflag:s4], $0x0  }
0x19: {  	s7 =	sld [smem:$0x3F7D]  }
0x1a: {  	s8 =	sadd.s32 $0xFFFFE003, lr  }
0x1b: {  	s9 =	sadd.s32 $0xFFFFFEF7, lr;
	s5 =	simm.s32 $0xFFFFFFFF;
	p2 =	slt.u32 s8, $0xFFFFF086  }
0x1c: {  	p1 =	slt.u32 s9, $0xF7A;
	s5 =	simm.s32 @!p2 $0x0  }
0x1d: {  	s5 =	simm.s32 @p1 $0x1;
	p0 =	seq.s32 s7, s2  }
0x1e: {  	s7 =	smul.u32 @!p0 $0xF7A, s2;
	p2 =	seq.s32 @!p0 s5, $0x0  }
0x1f: {  	s9 =	smul.u32 $0xF7A, s1;
	s8 =	simm.s32 @!p0 $0x1BF5;
	p2 =	por !p2, p0  }
0x20: {  	[sflag:s8] =	ssyncset.s32 @!p0 $0xFFFFF086;
	s6 =	sadd.s32 @!p0 s3, s7;
	s7 =	simm.s32 @!p0 $0x108  }
0x21: {  	s3 =	sadd.s32 s3, s9;
	s6 =	sadd.s32 @!p0 $0x88, s6;
	s7 =	simm.s32 @p2 $0x1082  }
0x22: {  	[simem:s7], [sflag:s8] =	dma.local @!p0 [hbm:s6], $0xF7A  }
0x23: {  	s9 =	sor.u32 $0xD0000000, s2;
	s6 =	simm.s32 $0x108;
	_ =	swait.ge @!p0 [sflag:s8], $0x0  }
0x24: {  	s3 =	sadd.s32 $0x88, s3;
	s6 =	simm.s32 @!p1 $0x1082;
	[sflag:s4] =	ssyncset.s32 $0xFFFFF086  }
0x25: {  	[simem:s6], [sflag:s4] =	dma.local [hbm:s3], $0xF7A  }
0x26: {  	[smem:$0x3F7D] =	sst s1;
	(tag) =	ssettag s2;
	_ =	strace s9  }
0x27: {  	s1 =	sld [smem:$0x3F8D]  }
0x28: {  	s2 =	sld [smem:$0x3F8E]  }
0x29: {  	s4 =	sld [smem:$0x3F90]  }
0x2a: {  	p0 =	seq.s32 s5, $0x0;
	s5 =	sld [smem:$0x3F91]  }
0x2b: {  	s6 =	sld [smem:$0x3F92]  }
0x2c: {  	s7 =	sld [smem:$0x3F93]  }
0x2d: {  	s3 =	simm.s32 $0x108;
	s8 =	sld [smem:$0x3F94]  }
0x2e: {  	s3 =	simm.s32 @!p0 $0x1082;
	s9 =	sld [smem:$0x3F95]  }
0x2f: {  	lr =	sadd.s32 s0, s3;
	s0 =	sld [smem:$0x3F8C]  }
0x30: {  	s3 =	sld [smem:$0x3F8F]  }
0x31: {  	[smem:$0x3F98] =	sst s10  }
0x32: {  	s10 =	sld [smem:$0x3F96];
	_ =	sdelay $0x3  }
0x33: {  	p0 =	seq.s32 s10, $0x1;
	s10 =	sld [smem:$0x3F98];
	_ =	sdelay $0x3  }
0x34: {  	[smem:$0x3F98] =	sst s10  }
0x35: {  	s10 =	sld [smem:$0x3F97];
	_ =	sdelay $0x3  }
0x36: {  	p1 =	seq.s32 s10, $0x1;
	s10 =	sld [smem:$0x3F98];
	_ =	sdelay $0x3  }
0x37: {  	[smem:$0x3F98] =	sst s10  }
0x38: {  	s10 =	sld [smem:$0x3F99]  }
0x39: {  	_ = 	snop;
	(pc) =	sbr.ind lr, $3  }
0x3a: {  	_ = 	snop  }
0x3b: {  	_ = 	snop  }
0x3c: {  	p2 =	seq.s32 s10, $0x1;
	s10 =	sld [smem:$0x3F98]  }
0x3d: {  	_ =	shalt  }
0x3e: {  	_ =	shalt  }
0x3f: {  	_ =	shalt  }
0x40: {  	_ =	shalt  }
0x41: {  	_ =	shalt  }
0x42: {  	_ =	shalt  }
0x43: {  	_ =	shalt  }
0x44: {  	_ =	shalt  }
0x45: {  	_ =	shalt  }
0x46: {  	_ =	shalt  }
0x47: {  	_ =	shalt  }
0x48: {  	_ =	shalt  }
0x49: {  	_ =	shalt  }
0x4a: {  	_ =	shalt  }
0x4b: {  	_ =	shalt  }
0x4c: {  	_ =	shalt  }
0x4d: {  	_ =	shalt  }
0x4e: {  	_ =	shalt  }
0x4f: {  	_ =	shalt  }
0x50: {  	_ =	shalt  }
0x51: {  	_ =	shalt  }
0x52: {  	_ =	shalt  }
0x53: {  	_ =	shalt  }
0x54: {  	_ =	shalt  }
0x55: {  	_ =	shalt  }
0x56: {  	_ =	shalt  }
0x57: {  	_ =	shalt  }
0x58: {  	_ =	shalt  }
0x59: {  	_ =	shalt  }
0x5a: {  	_ =	shalt  }
0x5b: {  	_ =	shalt  }
0x5c: {  	_ =	shalt  }
0x5d: {  	_ =	shalt  }
0x5e: {  	_ =	shalt  }
0x5f: {  	_ =	shalt  }
0x60: {  	_ =	shalt  }
0x61: {  	_ =	shalt  }
0x62: {  	_ =	shalt  }
0x63: {  	_ =	shalt  }
0x64: {  	_ =	shalt  }
0x65: {  	_ =	shalt  }
0x66: {  	_ =	shalt  }
0x67: {  	_ =	shalt  }
0x68: {  	_ =	shalt  }
0x69: {  	_ =	shalt  }
0x6a: {  	_ =	shalt  }
0x6b: {  	_ =	shalt  }
0x6c: {  	_ =	shalt  }
0x6d: {  	_ =	shalt  }
0x6e: {  	_ =	shalt  }
0x6f: {  	_ =	shalt  }
0x70: {  	_ =	shalt  }
0x71: {  	_ =	shalt  }
0x72: {  	_ =	shalt  }
0x73: {  	_ =	shalt  }
0x74: {  	_ =	shalt  }
0x75: {  	_ =	shalt  }
0x76: {  	_ =	shalt  }
0x77: {  	_ =	shalt  }
0x78: {  	_ =	shalt  }
0x79: {  	_ =	shalt  }
0x7a: {  	_ =	shalt  }
0x7b: {  	_ =	shalt  }
0x7c: {  	_ =	shalt  }
0x7d: {  	_ =	shalt  }
0x7e: {  	_ =	shalt  }
0x7f: {  	_ =	shalt  }
0x80: {  	_ =	shalt  }
0x81: {  	_ =	shalt  }
0x82: {  	_ =	shalt  }
0x83: {  	_ =	shalt  }
0x84: {  	_ =	shalt  }
0x85: {  	_ =	shalt  }
0x86: {  	_ =	shalt  }
0x87: {  	_ =	shalt  }
.Lfunc_end0:
.L_simem_size_0:
called_computation.2_lowered:
.L_overlay_start_0:
0x88: {  	s2 =	sld [smem:$0x3FD9]  }
0x89: {  	s3 =	sld [smem:$0x3FFE];
	_ =	sdelay $0x1  }
0x8a: {  	s1 =	srdreg.scid  }
0x8b: {  	s0 =	sand.u32 $0x1, s1  }
0x8c: {  	s17 =	sshll.u32 s0, $0xA;
	s2 =	sadd.s32 s3, s2  }
0x8d: {  	s2 =	sadd.s32 s2, s17  }
0x8e: {  	[smem:$0x3FA4] =	sst s2  }
0x8f: {  	_ = 	snop  }
0x90: {  	(tm) =	ssettm $0x1  }
0x91: {  	s18 =	sld [smem:$0x3FFB];
	_ =	sdelay $0x3  }
0x92: {  	_ =	strace s18  }
0x93: {  	s2 =	sld [smem:$0x3FFC];
	_ =	sdelay $0x3  }
0x94: {  	_ =	strace s2  }
0x95: {  	s2 =	sld [smem:$0x3FFD];
	_ =	sdelay $0x3  }
0x96: {  	_ =	strace s2  }
0x97: {  	_ =	strace $0x8FFFFFFF  }
0x98: {  	s19 =	sld [smem:$0x3FDB];
	_ =	sdelay $0x1  }
0x99: {  	s20 =	simm.s32 $_scs_section_size  }
0x9a: {  	s4 =	simm.s32 $_size__tile_overlayer_lowered;
	s5 =	simm.s32 $_tile_overlayer_lowered  }
0x9b: {  	s6 =	simm.s32 $0x1BFF;
	s21 =	sshll.u32 s5, $0x1;
	s3 =	sadd.s32 s20, s19  }
0x9c: {  	s22 =	simm.s32 $0x0;
	s4 =	sshll.u32 s4, $0x1;
	s5 =	sadd.s32 s21, s3  }
0x9d: {  	[timem:s22], [sflag:s6] =	dma.local [hbm:s5], s4  }
0x9e: {  	_ =	swait.ge [sflag:s6], s4  }
0x9f: {  	s4 =	ssub.s32 $0x0, s4;
	[sflag:s6] =	ssyncset.done $0x0  }
0xa0: {  	[sflag:s6] =	ssyncadd.s32 s4;
	_ =	sdelay $0x1  }
0xa1: {  	s23 =	simm.s32 $0x1B8B  }
0xa2: {  	_ =	swait.ge [sflag:s23], $0x1  }
0xa3: {  	[sflag:s23] =	ssyncset.done $0x0  }
0xa4: {  	[sflag:s23] =	ssyncadd.s32 $0xFFFFFFFF  }
0xa5: {  	s4 =	sld [smem:$0x0]  }
0xa6: {  	s5 =	sand.u32 $0xFFFFFFFE, s1  }
0xa7: {  	p0 =	sne.s32 s1, s5  }
0xa8: {  	s5 =	sshll.u32 @p0 s5, $0xE  }
0xa9: {  	s5 =	sadd.s32 @p0 $0x11B8D, s5;
	s6 =	sshll.u32 @p0 s4, $0x11  }
0xaa: {  	s5 =	sor.u32 @p0 s6, s5  }
0xab: {  	[sflag:s5] =	ssyncadd.remote.s32 @p0 $0x1;
	_ =	sdelay $0x1  }
0xac: {  	s5 =	simm.s32 @p0 $0x1B8D  }
0xad: {  	_ =	swait.eq @p0 [sflag:s5], $0x1  }
0xae: {  	[sflag:s5] =	ssyncadd.s32 @p0 $0xFFFFFFFF  }
0xaf: {  	s6 =	sshll.u32 @!p0 s1, $0xE  }
0xb0: {  	s6 =	sor.u32 @!p0 $0x4000, s6;
	s5 =	simm.s32 @!p0 $0x1B8D  }
0xb1: {  	s4 =	sshll.u32 @!p0 s4, $0x11;
	s6 =	sadd.s32 @!p0 $0x11B8D, s6;
	_ =	swait.eq @!p0 [sflag:s5], $0x1  }
0xb2: {  	s4 =	sor.u32 @!p0 s4, s6;
	[sflag:s5] =	ssyncadd.s32 @!p0 $0xFFFFFFFF  }
0xb3: {  	s25 =	simm.s32 $0x1B8E;
	s24 =	sld [smem:$0x3FFE];
	[sflag:s4] =	ssyncadd.remote.s32 @!p0 $0x1  }
0xb4: {  	s26 =	simm.s32 $execute0_lowered;
	[smem:$0x3FD2] =	sst s25  }
0xb5: {  	s5 =	sshll.u32 s26, $0x1;
	_ =	strace $0x8000004C;
	[dreg:$0x1] =	wrdreg $0xFFFFFFFF  }
0xb6: {  	s28 =	simm.s32 $_size_execute0_lowered;
	s3 =	sadd.s32 s3, s5;
	[dreg:$0x0] =	wrdreg $0x0  }
0xb7: {  	s5 =	sshll.u32 s28, $0x1;
	[dreg:$0x2] =	wrdreg s3  }
0xb8: {  	[dreg:$0x3] =	wrdreg s5  }
0xb9: {  	[dreg:$0x4] =	wrdreg $0xC0  }
0xba: {  	_ =	task [dreg:s22], $0x5FFFF  }
0xbb: {  	[dreg:$0x1] =	wrdreg $0xFFFFFFFF  }
0xbc: {  	[dreg:$0x0] =	wrdreg $0x60  }
0xbd: {  	[dreg:$0x2] =	wrdreg s24  }
0xbe: {  	[dreg:$0x3] =	wrdreg $0x65000  }
0xbf: {  	[dreg:$0x4] =	wrdreg $0xA  }
0xc0: {  	_ =	task.clear_ibuf [dreg:s22], $0x5FFFF;
	_ =	strace $0x9000004C  }
0xc1: {  	s29 =	simm.s32 $0xA;
	_ =	strace $0x8000004E  }
0xc2: {  	_ =	swait.ge [sflag:s29], $0x1  }
0xc3: {  	[sflag:s29] =	ssyncadd.s32 $0xFFFFFFFF  }
0xc4: {  	_ =	strace $0x9000004E  }
0xc5: {  	_ =	sfence  }
0xc6: {  	s30 =	sld [smem:$0x0];
	_ =	sdelay $0x2  }
0xc7: {  	s31 =	sshll.u32 s1, $0xD;
	s1 =	sshrl.u32 s1, $0x2  }
0xc8: {  	s4 =	sand.u32 $0x4000, s31;
	s1 =	sadd.s32 s1, s30  }
0xc9: {  	s0 =	sor.u32 s4, s0;
	s1 =	sshll.u32 s1, $0x11  }
0xca: {  	s0 =	sor.u32 s1, s0  }
0xcb: {  	s0 =	sadd.s32 $0x8F2B, s0  }
0xcc: {  	[sflag:s0] =	ssyncadd.remote.s32 $0x1  }
0xcd: {  	_ =	sfence.sel $0xFFFF  }
0xce: {  	[dreg:$0x0] =	wrdreg $0xFFFFFFFF;
	(pc) =	sbr.abs _section_cstart, $3  }
0xcf: {  	[dreg:$0x1] =	wrdreg $0xFFFFFFFF  }
0xd0: {  	_ =	task.clear_ibuf [dreg:s22], $0x2FFFF;
	_ =	strace $0x9FFFFFFF  }
0xd1: {  	(tm) =	ssettm $0x7FFFFFFF  }
tec
execute0_lowered:
.L_overlay_start_1:
0x0: {  	(tag) =	ssettag $0x1  }
0x1: {  	s0 =	stileid.u32  }
0x2: {  	s6 =	smul.u32 $0x2710, s0  }
0x3: {  	s8 =	smul.u32 $0x27100, s0  }
0x4: {  	s1 =	srdreg.scid;
	s19 =	smul.u32 $0x19000, s0  }
0x5: {  	s4 =	rddreg [dreg:$0x0];
	s15 =	smul.u32 $0xC80, s0  }
0x6: {  	s2 =	rddreg [dreg:$0x1];
	s5 =	sand.u32 $0x1, s1;
	s16 =	smul.u32 $0x6400, s0  }
0x7: {  	s3 =	simm.s32 $0x0;
	s20 =	sor.u32 $0x10, s0;
	s7 =	smul.u32 $0x27100, s5  }
0x8: {  	s1 =	rddreg [dreg:$0x2];
	s9 =	sor.u32 $0x20, s0;
	s22 =	smul.u32 $0x19000, s20  }
0x9: {  	[smem:$0x7FF] =	sst s3;
	s18 =	sor.u32 $0x30, s0;
	s11 =	smul.u32 $0x19000, s9  }
0xa: {  	s12 =	sadd.s32 $0x4F400, s4;
	_ =	strace $0x8000004D;
	s23 =	smul.u32 $0x19000, s18  }
0xb: {  	s21 =	ssub.s32 $0x2, s5;
	p0 =	seq.s32 s5, $0x1;
	s17 =	smul.u32 $0x6400, s20  }
0xc: {  	s29 =	smul.u32 $0x6400, s9;
	p1 =	sgt.u32 s18, $0x35;
	p2 =	sgt.u32 s18, $0x31  }
0xd: {  	s13 =	sadd.s32 s8, s4;
	s10 =	sshrl.u32 s21, $0x1;
	s24 =	sshrl.u32 s19, $0x2  }
0xe: {  	s28 =	sshrl.u32 s16, $0x3;
	s19 =	smul.u32 $0x6400, s18;
	s6 =	sadd.s32 s6, s7  }
0xf: {  	s5 =	sadd.s32 s24, s2;
	s26 =	sshrl.u32 s11, $0x2;
	s11 =	smul.u32 $0xC80, s20  }
0x10: {  	s25 =	sshrl.u32 s22, $0x2;
	s17 =	sshrl.u32 s17, $0x3;
	s20 =	smul.u32 $0xC80, s9  }
0x11: {  	s30 =	sshrl.u32 s29, $0x3;
	s13 =	sadd.s32 $0x75E000, s13;
	s6 =	sshrl.u32 s6, $0x3  }
0x12: {  	s7 =	sadd.s32 s26, s2;
	s17 =	sadd.s32 $0x27100, s17;
	s16 =	sadd.s32 $0x27100, s30  }
0x13: {  	s31 =	sshrl.u32 s19, $0x3;
	s14 =	sadd.s32 s6, s4;
	s4 =	ssub.s32 s21, s10  }
0x14: {  	s6 =	sadd.s32 s25, s2;
	s10 =	sshrl.u32 s23, $0x2;
	s21 =	smul.u32 $0xC80, s18  }
0x15: {  	s19 =	sadd.s32 $0x27100, s31;
	s11 =	smov.u32 @p0 s17;
	s20 =	smov.u32 @p0 s16  }
0x16: {  	s16 =	simm.s32 $0x1;
	s17 =	simm.s32 $0xC8;
	s18 =	simm.s32 $0x2  }
0x17: {  	s4 =	smax.u32 s4, $0x1;
	s8 =	sadd.s32 s10, s2;
	s10 =	sadd.s32 $0x27100, s28  }
0x18: {  	s14 =	sadd.s32 $0x5CD800, s14;
	s15 =	smov.u32 @p0 s10;
	s21 =	smov.u32 @p0 s19  }
0x19: {  	s10 =	sadd.s32 s12, s11;
	s11 =	sadd.s32 s12, s20;
	s19 =	simm.s32 $0x0  }
0x1a: {  	v0 =	vimm.f32 $0.0e+00;
	s9 =	sadd.s32 s12, s15;
	s12 =	sadd.s32 s12, s21;
	s15 =	simm.s32 $0x100  }
.LBB2_1:
0x1b: {  	s20 =	sand.u32 $0x1FE00, s3  }
0x1c: {  	s21 =	sand.u32 $0x70, s3;
	s22 =	sshrl.u32 s20, $0x2  }
0x1d: {  	s20 =	simm.s32 $0x40;
	s22 =	sor.u32 s21, s22;
	s21 =	simm.s32 $0x0  }
.LBB2_2:
0x1e: {  	p3 =	sne.s32 s20, $0x18FC0  }
0x1f: {  	[tilespmem:s22+$0x100] =	vst v0;
	s21 =	sadd.s32 $0x10, s21;
	s22 =	smov.u32 s20;
	s20 =	sadd.s32 $0x40, s20  }
.Ltmp0:
0x20: {  	(pc) =	sbr.rel @p3 .LBB2_2-.Ltmp0, $4  }
0x21: {  	_ = 	snop  }
0x22: {  	s22 =	sand.u32 $0x1FE00, s22  }
0x23: {  	s23 =	sand.u32 $0x70, s21;
	s22 =	sshrl.u32 s22, $0x2  }
0x24: {  	s22 =	sor.u32 s23, s22  }
0x25: {  	[tilespmem:s22+$0x100] =	vst v0  }
0x26: {  	[spmem:s5] =	stream.linear.scatter [tilespmem:s15], [sflag:$0x1], $0x6400, $0x38;
	[tilespmem:$0x1B680] =	vst v63  }
0x27: {  	_ =	swait.ge [sflag:s16], $0x6400  }
0x28: {  	[sflag:s16] =	ssyncset.done $0x0  }
0x29: {  	[sflag:s16] =	ssyncadd.s32 $0xFFFF9C00  }
0x2a: {  	[spmem:s6] =	stream.linear.scatter [tilespmem:s15], [sflag:$0x1], $0x6400, $0x38;
	[tilespmem:$0x1B680] =	vst v63  }
0x2b: {  	_ =	swait.ge [sflag:s16], $0x6400  }
0x2c: {  	[sflag:s16] =	ssyncset.done $0x0  }
0x2d: {  	[sflag:s16] =	ssyncadd.s32 $0xFFFF9C00  }
0x2e: {  	[spmem:s7] =	stream.linear.scatter [tilespmem:s15], [sflag:$0x1], $0x6400, $0x38;
	[tilespmem:$0x1B680] =	vst v63  }
0x2f: {  	_ =	swait.ge [sflag:s16], $0x6400  }
0x30: {  	[sflag:s16] =	ssyncset.done $0x0  }
0x31: {  	s20 =	simm.s32 @!p1 $0x100;
	[sflag:s16] =	ssyncadd.s32 $0xFFFF9C00  }
0x32: {  	[spmem:s8] =	stream.linear.scatter @!p1 [tilespmem:s20], [sflag:$0x1], $0x6400, $0x38;
	[tilespmem:$0x1B680] =	vst v63  }
0x33: {  	s20 =	simm.s32 @!p1 $0x1  }
0x34: {  	_ =	swait.ge @!p1 [sflag:s20], $0x6400  }
0x35: {  	[sflag:s20] =	ssyncset.done @!p1 $0x0  }
0x36: {  	[sflag:s20] =	ssyncadd.s32 @!p1 $0xFFFF9C00  }
0x37: {  	s31 =	sadd.s32 $0x0, s14;
	[bflag:$0x0] =	sbarrier.arrive $0xFFFF  }
0x38: {  	[tilespmem:s3], [sflag:$0x1] =	stream.linear.gather [hbm4b:s31+s3], $0xC8, $0x38;
	[tilespmem:$0x1B680] =	vst v63  }
0x39: {  	_ =	swait.ge [sflag:s16], $0xC8  }
0x3a: {  	[sflag:s16] =	ssyncset.done $0x0  }
0x3b: {  	[sflag:s16] =	ssyncadd.s32 $0xFFFFFF38  }
0x3c: {  	[tilespmem:s15], [sflag:$0x1] =	stream.linear.gather [hbm4b:s13+s3], $0x6400, $0x38;
	[tilespmem:$0x1B680] =	vst v63  }
0x3d: {  	_ =	swait.ge [sflag:s16], $0x6400  }
0x3e: {  	[sflag:s16] =	ssyncset.done $0x0  }
0x3f: {  	[sflag:s16] =	ssyncadd.s32 $0xFFFF9C00  }
0x40: {  	[spmem:s2] =	stream.indirect.scatter.add.f32 [tilespmem:s15], [sflag:$0x1], $0x80, s3, s17, $0xb8;
	[tilespmem:$0x1B680] =	vst v63  }
0x41: {  	s21 =	simm.s32 $0x19;
	_ =	swait.ge [sflag:s16], $0x6400  }
0x42: {  	s22 =	simm.s32 $0x32;
	s20 =	sadd.s32 $0xC80, s13;
	[sflag:s16] =	ssyncset.done $0x0  }
.LBB2_4:
0x43: {  	s23 =	sadd.s32 s21, s14  }
0x44: {  	[sflag:s16] =	ssyncadd.s32 $0xFFFF9C00;
	s21 =	smov.u32 s22;
	s24 =	sadd.s32 $0x19, s22  }
0x45: {  	[tilespmem:s3], [sflag:$0x1] =	stream.linear.gather [hbm4b:s23+s3], $0xC8, $0x38;
	[tilespmem:$0x1B680] =	vst v63  }
0x46: {  	p3 =	sne.s32 s22, $0x4C9;
	_ =	swait.ge [sflag:s16], $0xC8  }
0x47: {  	[sflag:s16] =	ssyncset.done $0x0  }
0x48: {  	[sflag:s16] =	ssyncadd.s32 $0xFFFFFF38  }
0x49: {  	[tilespmem:s15], [sflag:$0x1] =	stream.linear.gather [hbm4b:s20+s3], $0x6400, $0x38;
	[tilespmem:$0x1B680] =	vst v63  }
0x4a: {  	_ =	swait.ge [sflag:s16], $0x6400  }
.Ltmp1:
0x4b: {  	[sflag:s16] =	ssyncset.done $0x0;
	(pc) =	sbr.rel @p3 .LBB2_4-.Ltmp1, $4  }
0x4c: {  	[sflag:s16] =	ssyncadd.s32 $0xFFFF9C00  }
0x4d: {  	[spmem:s2] =	stream.indirect.scatter.add.f32 [tilespmem:s15], [sflag:$0x1], $0x80, s3, s17, $0xb8;
	[tilespmem:$0x1B680] =	vst v63  }
0x4e: {  	_ =	swait.ge [sflag:s16], $0x6400  }
0x4f: {  	s22 =	smov.u32 s24;
	s20 =	sadd.s32 $0xC80, s20;
	[sflag:s16] =	ssyncset.done $0x0  }
0x50: {  	s21 =	sadd.s32 s21, s14;
	[sflag:s16] =	ssyncadd.s32 $0xFFFF9C00  }
0x51: {  	[tilespmem:s3], [sflag:$0x1] =	stream.linear.gather [hbm4b:s21+s3], $0xC8, $0x38;
	[tilespmem:$0x1B680] =	vst v63  }
0x52: {  	_ =	swait.ge [sflag:s16], $0xC8  }
0x53: {  	[sflag:s16] =	ssyncset.done $0x0  }
0x54: {  	[sflag:s16] =	ssyncadd.s32 $0xFFFFFF38  }
0x55: {  	[tilespmem:s15], [sflag:$0x1] =	stream.linear.gather [hbm4b:s20+s3], $0x6400, $0x38;
	[tilespmem:$0x1B680] =	vst v63  }
0x56: {  	_ =	swait.ge [sflag:s16], $0x6400  }
0x57: {  	[sflag:s16] =	ssyncset.done $0x0  }
0x58: {  	[sflag:s16] =	ssyncadd.s32 $0xFFFF9C00  }
0x59: {  	[spmem:s2] =	stream.indirect.scatter.add.f32 [tilespmem:s15], [sflag:$0x1], $0x80, s3, s17, $0xb8;
	[tilespmem:$0x1B680] =	vst v63  }
0x5a: {  	_ =	swait.ge [sflag:s16], $0x6400  }
0x5b: {  	[sflag:s16] =	ssyncset.done $0x0  }
0x5c: {  	[sflag:s16] =	ssyncadd.s32 $0xFFFF9C00  }
0x5d: {  	[bflag:$0x0] =	sbarrier.arrive $0xFFFF  }
0x5e: {  	[tilespmem:s15], [sflag:$0x2] =	stream.linear.gather [spmem:s5], $0x6400, $0x38;
	[tilespmem:$0x1B680] =	vst v63  }
0x5f: {  	_ =	swait.ge [sflag:s18], $0x6400  }
0x60: {  	s20 =	simm.s32 $0x1;
	[sflag:s18] =	ssyncset.done $0x0  }
0x61: {  	s20 =	simm.s32 @!p0 $0x2;
	[sflag:s18] =	ssyncadd.s32 $0xFFFF9C00  }
0x62: {  	[hbm4b:s9+s3] =	stream.linear.scatter [tilespmem:s15], [sflag:s20], $0x6400, $0x38;
	[tilespmem:$0x1B680] =	vst v63  }
0x63: {  	_ =	swait.ge [sflag:s20], $0x6400  }
0x64: {  	[sflag:s20] =	ssyncset.done $0x0  }
0x65: {  	[sflag:s20] =	ssyncadd.s32 $0xFFFF9C00  }
0x66: {  	[tilespmem:s15], [sflag:$0x2] =	stream.linear.gather [spmem:s6], $0x6400, $0x38;
	[tilespmem:$0x1B680] =	vst v63  }
0x67: {  	_ =	swait.ge [sflag:s18], $0x6400  }
0x68: {  	[sflag:s18] =	ssyncset.done $0x0  }
0x69: {  	[sflag:s18] =	ssyncadd.s32 $0xFFFF9C00  }
0x6a: {  	[hbm4b:s10+s3] =	stream.linear.scatter [tilespmem:s15], [sflag:s20], $0x6400, $0x38;
	[tilespmem:$0x1B680] =	vst v63  }
0x6b: {  	_ =	swait.ge [sflag:s20], $0x6400  }
0x6c: {  	[sflag:s20] =	ssyncset.done $0x0  }
0x6d: {  	[sflag:s20] =	ssyncadd.s32 $0xFFFF9C00  }
0x6e: {  	[tilespmem:s15], [sflag:$0x2] =	stream.linear.gather [spmem:s7], $0x6400, $0x38;
	[tilespmem:$0x1B680] =	vst v63  }
0x6f: {  	_ =	swait.ge [sflag:s18], $0x6400  }
0x70: {  	[sflag:s18] =	ssyncset.done $0x0  }
0x71: {  	[sflag:s18] =	ssyncadd.s32 $0xFFFF9C00  }
0x72: {  	[hbm4b:s11+s3] =	stream.linear.scatter [tilespmem:s15], [sflag:s20], $0x6400, $0x38;
	[tilespmem:$0x1B680] =	vst v63  }
0x73: {  	_ =	swait.ge [sflag:s20], $0x6400  }
0x74: {  	[sflag:s20] =	ssyncset.done $0x0  }
0x75: {  	s22 =	simm.s32 @!p2 $0x2;
	s21 =	simm.s32 @!p2 $0x100;
	[sflag:s20] =	ssyncadd.s32 $0xFFFF9C00  }
0x76: {  	[tilespmem:s21], [sflag:$0x2] =	stream.linear.gather @!p2 [spmem:s8], $0x6400, $0x38;
	[tilespmem:$0x1B680] =	vst v63  }
0x77: {  	s19 =	sadd.s32 $0x1, s19;
	_ =	swait.ge @!p2 [sflag:s22], $0x6400  }
0x78: {  	p3 =	sne.s32 s19, s4;
	[sflag:s22] =	ssyncset.done @!p2 $0x0  }
.Ltmp2:
0x79: {  	[sflag:s22] =	ssyncadd.s32 @!p2 $0xFFFF9C00;
	s22 =	simm.s32 @!p2 $0x0;
	(pc) =	sbr.rel @p3 .LBB2_1-.Ltmp2, $4  }
0x7a: {  	[hbm4b:s12+s22] =	stream.linear.scatter @!p2 [tilespmem:s21], [sflag:s20], $0x6400, $0x38;
	[tilespmem:$0x1B680] =	vst v63  }
0x7b: {  	_ =	swait.ge @!p2 [sflag:s20], $0x6400  }
0x7c: {  	[sflag:s20] =	ssyncset.done @!p2 $0x0  }
0x7d: {  	[sflag:s20] =	ssyncadd.s32 @!p2 $0xFFFF9C00  }
0x7e: {  	_ =	sfence.sel $0x180000  }
0x7f: {  	[bflag:$0x0] =	sbarrier.arrive $0xFFFF  }
0x80: {  	p0 =	sne.s32 s0, $0x0;
	_ =	strace $0x9000004D  }
0x81: {  	s0 =	sadd.s32 @!p0 $0x100000, s1;
	[bflag:$0x2] =	sbarrier.arrive $0xFFFF  }
0x82: {  	[sflag:s0] =	ssyncadd.tile.s32 @!p0 $0x1;
	_ =	shalt  }
.Lfunc_end2:
_tile_overlayer_lowered:
.L_overlay_start_2:
0x83: {  	(tag) =	ssettag $0x2  }
0x84: {  	s0 =	rddreg [dreg:$0x0];
	s2 =	stileid.u32  }
0x85: {  	s1 =	rddreg [dreg:$0x1];
	p0 =	sne.s32 s2, $0x0  }
0x86: {  	s3 =	rddreg [dreg:$0x2];
	[bflag:$0x3] =	sbarrier.arrive $0xFFFF;
	s2 =	simm.s32 @!p0 $0x1C01  }
0x87: {  	[timem:s3], [sflag:s2] =	dma.local @!p0 [hbm:s0], s1  }
0x88: {  	s0 =	simm.s32 @!p0 $0x1  }
0x89: {  	_ =	swait.ge @!p0 [sflag:s0], s1  }
0x8a: {  	s1 =	ssub.s32 @!p0 $0x0, s1;
	[sflag:s0] =	ssyncset.done @!p0 $0x0  }
0x8b: {  	[sflag:s0] =	ssyncadd.s32 @!p0 s1  }
0x8c: {  	[bflag:$0x3] =	sbarrier.arrive $0xFFFF  }
0x8d: {  	_ =	shalt  }

// kernel: kernel.27.cloned.1.call-start
scs
__scs_entry_jumppad:
0x0: {  	(pc) =	sbr.rel $0x88, $3  }
0x1: {  	(tag) =	ssettag $0x0;
	lr =	simm.s32 $0x1  }
0x2: {  	[smem:$0x3F7D] =	sst lr;
	_ =	strace $0xD0000000  }
0x3: {  	_ = 	snop  }
0x4: {  	_ = 	snop  }
0x5: {  	_ = 	snop  }
0x6: {  	_ = 	snop  }
0x7: {  	_ = 	snop  }
__scs_overlays_trampoline_lowered:
0x8: {  	[smem:$0x3F8C] =	sst s0  }
0x9: {  	[smem:$0x3F8D] =	sst s1  }
0xa: {  	[smem:$0x3F8E] =	sst s2  }
0xb: {  	[smem:$0x3F8F] =	sst s3  }
0xc: {  	[smem:$0x3F90] =	sst s4  }
0xd: {  	[smem:$0x3F91] =	sst s5  }
0xe: {  	[smem:$0x3F92] =	sst s6  }
0xf: {  	[smem:$0x3F93] =	sst s7  }
0x10: {  	[smem:$0x3F94] =	sst s8  }
0x11: {  	[smem:$0x3F95] =	sst s9;
	s0 =	simm.s32 @!p0 $0x0  }
0x12: {  	s1 =	sld [smem:$0x3F7B];
	s0 =	simm.s32 @p0 $0x1  }
0x13: {  	[smem:$0x3F96] =	sst s0;
	s0 =	simm.s32 @!p1 $0x0  }
0x14: {  	s2 =	sld [smem:$0x3F7A];
	s0 =	simm.s32 @p1 $0x1  }
0x15: {  	[smem:$0x3F97] =	sst s0;
	s0 =	simm.s32 @!p2 $0x0  }
0x16: {  	s3 =	sld [smem:$0x3FDB];
	s0 =	simm.s32 @p2 $0x1  }
0x17: {  	s4 =	simm.s32 $0x1BF5;
	[smem:$0x3F99] =	sst s0  }
0x18: {  	s0 =	sld [smem:$0x3F7C];
	_ =	swait.ge [sflag:s4], $0x0  }
0x19: {  	s7 =	sld [smem:$0x3F7D]  }
0x1a: {  	s8 =	sadd.s32 $0xFFFFE003, lr  }
0x1b: {  	s9 =	sadd.s32 $0xFFFFFEF7, lr;
	s5 =	simm.s32 $0xFFFFFFFF;
	p2 =	slt.u32 s8, $0xFFFFF086  }
0x1c: {  	p1 =	slt.u32 s9, $0xF7A;
	s5 =	simm.s32 @!p2 $0x0  }
0x1d: {  	s5 =	simm.s32 @p1 $0x1;
	p0 =	seq.s32 s7, s2  }
0x1e: {  	s7 =	smul.u32 @!p0 $0xF7A, s2;
	p2 =	seq.s32 @!p0 s5, $0x0  }
0x1f: {  	s9 =	smul.u32 $0xF7A, s1;
	s8 =	simm.s32 @!p0 $0x1BF5;
	p2 =	por !p2, p0  }
0x20: {  	[sflag:s8] =	ssyncset.s32 @!p0 $0xFFFFF086;
	s6 =	sadd.s32 @!p0 s3, s7;
	s7 =	simm.s32 @!p0 $0x108  }
0x21: {  	s3 =	sadd.s32 s3, s9;
	s6 =	sadd.s32 @!p0 $0x88, s6;
	s7 =	simm.s32 @p2 $0x1082  }
0x22: {  	[simem:s7], [sflag:s8] =	dma.local @!p0 [hbm:s6], $0xF7A  }
0x23: {  	s9 =	sor.u32 $0xD0000000, s2;
	s6 =	simm.s32 $0x108;
	_ =	swait.ge @!p0 [sflag:s8], $0x0  }
0x24: {  	s3 =	sadd.s32 $0x88, s3;
	s6 =	simm.s32 @!p1 $0x1082;
	[sflag:s4] =	ssyncset.s32 $0xFFFFF086  }
0x25: {  	[simem:s6], [sflag:s4] =	dma.local [hbm:s3], $0xF7A  }
0x26: {  	[smem:$0x3F7D] =	sst s1;
	(tag) =	ssettag s2;
	_ =	strace s9  }
0x27: {  	s1 =	sld [smem:$0x3F8D]  }
0x28: {  	s2 =	sld [smem:$0x3F8E]  }
0x29: {  	s4 =	sld [smem:$0x3F90]  }
0x2a: {  	p0 =	seq.s32 s5, $0x0;
	s5 =	sld [smem:$0x3F91]  }
0x2b: {  	s6 =	sld [smem:$0x3F92]  }
0x2c: {  	s7 =	sld [smem:$0x3F93]  }
0x2d: {  	s3 =	simm.s32 $0x108;
	s8 =	sld [smem:$0x3F94]  }
0x2e: {  	s3 =	simm.s32 @!p0 $0x1082;
	s9 =	sld [smem:$0x3F95]  }
0x2f: {  	lr =	sadd.s32 s0, s3;
	s0 =	sld [smem:$0x3F8C]  }
0x30: {  	s3 =	sld [smem:$0x3F8F]  }
0x31: {  	[smem:$0x3F98] =	sst s10  }
0x32: {  	s10 =	sld [smem:$0x3F96];
	_ =	sdelay $0x3  }
0x33: {  	p0 =	seq.s32 s10, $0x1;
	s10 =	sld [smem:$0x3F98];
	_ =	sdelay $0x3  }
0x34: {  	[smem:$0x3F98] =	sst s10  }
0x35: {  	s10 =	sld [smem:$0x3F97];
	_ =	sdelay $0x3  }
0x36: {  	p1 =	seq.s32 s10, $0x1;
	s10 =	sld [smem:$0x3F98];
	_ =	sdelay $0x3  }
0x37: {  	[smem:$0x3F98] =	sst s10  }
0x38: {  	s10 =	sld [smem:$0x3F99]  }
0x39: {  	_ = 	snop;
	(pc) =	sbr.ind lr, $3  }
0x3a: {  	_ = 	snop  }
0x3b: {  	_ = 	snop  }
0x3c: {  	p2 =	seq.s32 s10, $0x1;
	s10 =	sld [smem:$0x3F98]  }
0x3d: {  	_ =	shalt  }
0x3e: {  	_ =	shalt  }
0x3f: {  	_ =	shalt  }
0x40: {  	_ =	shalt  }
0x41: {  	_ =	shalt  }
0x42: {  	_ =	shalt  }
0x43: {  	_ =	shalt  }
0x44: {  	_ =	shalt  }
0x45: {  	_ =	shalt  }
0x46: {  	_ =	shalt  }
0x47: {  	_ =	shalt  }
0x48: {  	_ =	shalt  }
0x49: {  	_ =	shalt  }
0x4a: {  	_ =	shalt  }
0x4b: {  	_ =	shalt  }
0x4c: {  	_ =	shalt  }
0x4d: {  	_ =	shalt  }
0x4e: {  	_ =	shalt  }
0x4f: {  	_ =	shalt  }
0x50: {  	_ =	shalt  }
0x51: {  	_ =	shalt  }
0x52: {  	_ =	shalt  }
0x53: {  	_ =	shalt  }
0x54: {  	_ =	shalt  }
0x55: {  	_ =	shalt  }
0x56: {  	_ =	shalt  }
0x57: {  	_ =	shalt  }
0x58: {  	_ =	shalt  }
0x59: {  	_ =	shalt  }
0x5a: {  	_ =	shalt  }
0x5b: {  	_ =	shalt  }
0x5c: {  	_ =	shalt  }
0x5d: {  	_ =	shalt  }
0x5e: {  	_ =	shalt  }
0x5f: {  	_ =	shalt  }
0x60: {  	_ =	shalt  }
0x61: {  	_ =	shalt  }
0x62: {  	_ =	shalt  }
0x63: {  	_ =	shalt  }
0x64: {  	_ =	shalt  }
0x65: {  	_ =	shalt  }
0x66: {  	_ =	shalt  }
0x67: {  	_ =	shalt  }
0x68: {  	_ =	shalt  }
0x69: {  	_ =	shalt  }
0x6a: {  	_ =	shalt  }
0x6b: {  	_ =	shalt  }
0x6c: {  	_ =	shalt  }
0x6d: {  	_ =	shalt  }
0x6e: {  	_ =	shalt  }
0x6f: {  	_ =	shalt  }
0x70: {  	_ =	shalt  }
0x71: {  	_ =	shalt  }
0x72: {  	_ =	shalt  }
0x73: {  	_ =	shalt  }
0x74: {  	_ =	shalt  }
0x75: {  	_ =	shalt  }
0x76: {  	_ =	shalt  }
0x77: {  	_ =	shalt  }
0x78: {  	_ =	shalt  }
0x79: {  	_ =	shalt  }
0x7a: {  	_ =	shalt  }
0x7b: {  	_ =	shalt  }
0x7c: {  	_ =	shalt  }
0x7d: {  	_ =	shalt  }
0x7e: {  	_ =	shalt  }
0x7f: {  	_ =	shalt  }
0x80: {  	_ =	shalt  }
0x81: {  	_ =	shalt  }
0x82: {  	_ =	shalt  }
0x83: {  	_ =	shalt  }
0x84: {  	_ =	shalt  }
0x85: {  	_ =	shalt  }
0x86: {  	_ =	shalt  }
0x87: {  	_ =	shalt  }
.Lfunc_end0:
.L_simem_size_0:
called_computation.3_lowered:
.L_overlay_start_0:
0x88: {  	s2 =	sld [smem:$0x3FD9]  }
0x89: {  	s3 =	sld [smem:$0x3FFE];
	_ =	sdelay $0x1  }
0x8a: {  	s1 =	srdreg.scid  }
0x8b: {  	s0 =	sand.u32 $0x1, s1  }
0x8c: {  	s16 =	sshll.u32 s0, $0xA;
	s2 =	sadd.s32 s3, s2  }
0x8d: {  	s2 =	sadd.s32 s2, s16  }
0x8e: {  	[smem:$0x3FA4] =	sst s2  }
0x8f: {  	_ = 	snop  }
0x90: {  	(tm) =	ssettm $0x1  }
0x91: {  	s17 =	sld [smem:$0x3FFB];
	_ =	sdelay $0x3  }
0x92: {  	_ =	strace s17  }
0x93: {  	s2 =	sld [smem:$0x3FFC];
	_ =	sdelay $0x3  }
0x94: {  	_ =	strace s2  }
0x95: {  	s2 =	sld [smem:$0x3FFD];
	_ =	sdelay $0x3  }
0x96: {  	_ =	strace s2  }
0x97: {  	_ =	strace $0x8FFFFFFF  }
0x98: {  	s18 =	sld [smem:$0x3FDB];
	_ =	sdelay $0x1  }
0x99: {  	s19 =	simm.s32 $_scs_section_size  }
0x9a: {  	s4 =	simm.s32 $_size__tile_overlayer_lowered;
	s5 =	simm.s32 $_tile_overlayer_lowered  }
0x9b: {  	s22 =	simm.s32 $0x1BFF;
	s21 =	sshll.u32 s5, $0x1;
	s2 =	sadd.s32 s19, s18  }
0x9c: {  	s6 =	simm.s32 $0x0;
	s20 =	sshll.u32 s4, $0x1;
	s4 =	sadd.s32 s21, s2  }
0x9d: {  	[timem:s6], [sflag:s22] =	dma.local [hbm:s4], s20  }
0x9e: {  	_ =	swait.ge [sflag:s22], s20  }
0x9f: {  	s3 =	ssub.s32 $0x0, s20;
	[sflag:s22] =	ssyncset.done $0x0  }
0xa0: {  	[sflag:s22] =	ssyncadd.s32 s3;
	_ =	sdelay $0x1  }
0xa1: {  	s23 =	simm.s32 $0x1B8B  }
0xa2: {  	_ =	swait.ge [sflag:s23], $0x1  }
0xa3: {  	[sflag:s23] =	ssyncset.done $0x0  }
0xa4: {  	s25 =	simm.s32 $0x1B8E;
	s24 =	sld [smem:$0x3FFE];
	[sflag:s23] =	ssyncadd.s32 $0xFFFFFFFF  }
0xa5: {  	s26 =	simm.s32 $execute0_lowered;
	[smem:$0x3FD2] =	sst s25  }
0xa6: {  	s4 =	sshll.u32 s26, $0x1;
	_ =	strace $0x8000004F;
	[dreg:$0x1] =	wrdreg $0xFFFFFFFF  }
0xa7: {  	s28 =	simm.s32 $_size_execute0_lowered;
	s2 =	sadd.s32 s2, s4;
	[dreg:$0x0] =	wrdreg $0x0  }
0xa8: {  	s4 =	sshll.u32 s28, $0x1;
	[dreg:$0x2] =	wrdreg s2  }
0xa9: {  	[dreg:$0x3] =	wrdreg s4  }
0xaa: {  	[dreg:$0x4] =	wrdreg $0xC0  }
0xab: {  	_ =	task [dreg:s6], $0x5FFFF  }
0xac: {  	[dreg:$0x1] =	wrdreg $0xFFFFFFFF  }
0xad: {  	[dreg:$0x0] =	wrdreg $0x60  }
0xae: {  	[dreg:$0x2] =	wrdreg s24  }
0xaf: {  	[dreg:$0x3] =	wrdreg $0x9  }
0xb0: {  	_ =	task.clear_ibuf [dreg:s6], $0x4FFFF;
	_ =	strace $0x9000004F  }
0xb1: {  	s29 =	simm.s32 $0x9;
	_ =	strace $0x80000051  }
0xb2: {  	_ =	swait.ge [sflag:s29], $0x1  }
0xb3: {  	[sflag:s29] =	ssyncadd.s32 $0xFFFFFFFF  }
0xb4: {  	_ =	strace $0x90000051  }
0xb5: {  	_ =	sfence  }
0xb6: {  	s30 =	sld [smem:$0x0];
	_ =	sdelay $0x2  }
0xb7: {  	s31 =	sshll.u32 s1, $0xD;
	s1 =	sshrl.u32 s1, $0x2  }
0xb8: {  	s3 =	sand.u32 $0x4000, s31;
	s1 =	sadd.s32 s1, s30  }
0xb9: {  	s0 =	sor.u32 s3, s0;
	s1 =	sshll.u32 s1, $0x11  }
0xba: {  	s0 =	sor.u32 s1, s0  }
0xbb: {  	s0 =	sadd.s32 $0x8F2B, s0  }
0xbc: {  	[sflag:s0] =	ssyncadd.remote.s32 $0x1  }
0xbd: {  	_ =	sfence.sel $0xFFFF  }
0xbe: {  	[dreg:$0x0] =	wrdreg $0xFFFFFFFF;
	(pc) =	sbr.abs _section_cstart, $3  }
0xbf: {  	[dreg:$0x1] =	wrdreg $0xFFFFFFFF  }
0xc0: {  	_ =	task.clear_ibuf [dreg:s6], $0x2FFFF;
	_ =	strace $0x9FFFFFFF  }
0xc1: {  	(tm) =	ssettm $0x7FFFFFFF  }
tec
execute0_lowered:
.L_overlay_start_1:
0x0: {  	(tag) =	ssettag $0x1  }
0x1: {  	s0 =	srdreg.scid  }
0x2: {  	s10 =	stileid.u32;
	s1 =	rddreg [dreg:$0x0];
	s2 =	simm.s32 $0x0  }
0x3: {  	s14 =	simm.s32 $0xC8;
	s15 =	simm.s32 $0x2800;
	s16 =	simm.s32 $0x8C00  }
0x4: {  	s17 =	simm.s32 $0xF000;
	s18 =	simm.s32 $0x15400;
	s19 =	simm.s32 $0x1  }
0x5: {  	s20 =	simm.s32 $0x2;
	s21 =	simm.s32 $0x3;
	s22 =	simm.s32 $0x4  }
0x6: {  	s23 =	simm.s32 $0x5;
	s28 =	simm.s32 $0x12C0;
	s29 =	simm.s32 $0x26C0  }
0x7: {  	s30 =	simm.s32 $0x0;
	s0 =	sand.u32 $0x1, s0;
	s3 =	sshll.u32 s10, $0x1  }
0x8: {  	[smem:$0x7FF] =	sst s2;
	s4 =	sadd.s32 $0x4B400, s1;
	s10 =	smul.u32 $0x27100, s10  }
0x9: {  	s5 =	sor.u32 s0, s3;
	s7 =	ssub.s32 $0x2, s0;
	s0 =	smul.u32 $0x13880, s0  }
0xa: {  	s9 =	sadd.s32 $0xA0600, s1;
	_ =	strace $0x80000050;
	s6 =	smul.u32 $0x1388, s5  }
0xb: {  	s3 =	sadd.s32 $0x75E000, s1;
	s8 =	sshrl.u32 s7, $0x1;
	s24 =	smul.u32 $0x13880, s5  }
0xc: {  	s12 =	sadd.s32 s10, s9;
	s7 =	ssub.s32 s7, s8;
	s6 =	sshrl.u32 s6, $0x3  }
0xd: {  	s31 =	smax.u32 s7, $0x1;
	s11 =	sadd.s32 $0x12C00, s24;
	s24 =	simm.s32 $0x6  }
0xe: {  	s6 =	sadd.s32 s6, s1;
	s1 =	sadd.s32 $0x311600, s1;
	[dreg:$0x4] =	wrdreg s31  }
0xf: {  	s8 =	sadd.s32 s9, s11;
	s25 =	sadd.s32 $0x15200, s6;
	s26 =	sadd.s32 $0x1A200, s6  }
0x10: {  	s13 =	sadd.s32 s10, s1;
	s9 =	sadd.s32 s1, s11;
	[dreg:$0x2] =	wrdreg s25  }
0x11: {  	s10 =	sadd.s32 s0, s12;
	s12 =	simm.s32 $0x9;
	[dreg:$0x3] =	wrdreg s26  }
0x12: {  	s11 =	sadd.s32 s0, s13;
	s25 =	simm.s32 $0x7;
	s26 =	simm.s32 $0x8  }
.LBB2_1:
0x13: {  	s0 =	rddreg [dreg:$0x2]  }
0x14: {  	[tilespmem:s2], [sflag:$0x9] =	stream.linear.gather [hbm4b:s0+s2], $0x1388, $0x38;
	[tilespmem:$0x1B800] =	vst v63  }
0x15: {  	_ =	swait.ge [sflag:s12], $0x1388  }
0x16: {  	[sflag:s12] =	ssyncset.done $0x0  }
0x17: {  	s1 =	simm.s32 $0x1400;
	s13 =	rddreg [dreg:$0x3];
	[sflag:s12] =	ssyncadd.s32 $0xFFFFEC78  }
0x18: {  	[tilespmem:s1], [sflag:$0x9] =	stream.linear.gather [hbm4b:s13+s2], $0x1388, $0x38;
	[tilespmem:$0x1B800] =	vst v63  }
0x19: {  	_ =	swait.ge [sflag:s12], $0x1388  }
0x1a: {  	[sflag:s12] =	ssyncset.done $0x0  }
0x1b: {  	s1 =	simm.s32 $0x0;
	[sflag:s12] =	ssyncadd.s32 $0xFFFFEC78  }
0x1c: {  	[tilespmem:s15], [sflag:$0x1] =	stream.indirect.gather [hbm4b:s3+s14], $0x80, s1, s14, $0xb8;
	[tilespmem:$0x1B800] =	vst v63  }
0x1d: {  	s5 =	simm.s32 $0x1400  }
0x1e: {  	[tilespmem:s16], [sflag:$0x2] =	stream.indirect.gather [hbm4b:s4+s14], $0x80, s5, s14, $0xb8;
	[tilespmem:$0x1B800] =	vst v63  }
0x1f: {  	_ = 	snop  }
0x20: {  	[tilespmem:s17], [sflag:$0x3] =	stream.indirect.gather [hbm4b:s3+s14], $0x80, s14, s14, $0xb8;
	[tilespmem:$0x1B800] =	vst v63  }
0x21: {  	s31 =	simm.s32 $0x14C8  }
0x22: {  	[tilespmem:s18], [sflag:$0x4] =	stream.indirect.gather [hbm4b:s4+s14], $0x80, s31, s14, $0xb8;
	[tilespmem:$0x1B800] =	vst v63  }
0x23: {  	_ =	swait.ge [sflag:s19], $0x6400  }
0x24: {  	[sflag:s19] =	ssyncset.done $0x0  }
0x25: {  	[sflag:s19] =	ssyncadd.s32 $0xFFFF9C00  }
0x26: {  	_ =	swait.ge [sflag:s20], $0x6400  }
0x27: {  	[sflag:s20] =	ssyncset.done $0x0  }
0x28: {  	s6 =	sadd.s32 $0x0, s10;
	[sflag:s20] =	ssyncadd.s32 $0xFFFF9C00  }
0x29: {  	[hbm4b:s6+s2] =	stream.linear.scatter [tilespmem:s15], [sflag:$0x5], $0x6400, $0x38;
	[tilespmem:$0x1B800] =	vst v63  }
0x2a: {  	s7 =	sadd.s32 $0x0, s11  }
0x2b: {  	[hbm4b:s7+s2] =	stream.linear.scatter [tilespmem:s16], [sflag:$0x6], $0x6400, $0x38;
	[tilespmem:$0x1B800] =	vst v63  }
0x2c: {  	_ =	swait.ge [sflag:s21], $0x6400  }
0x2d: {  	[sflag:s21] =	ssyncset.done $0x0  }
0x2e: {  	[sflag:s21] =	ssyncadd.s32 $0xFFFF9C00  }
0x2f: {  	_ =	swait.ge [sflag:s22], $0x6400  }
0x30: {  	[sflag:s22] =	ssyncset.done $0x0  }
0x31: {  	s0 =	sadd.s32 $0xC80, s6;
	[sflag:s22] =	ssyncadd.s32 $0xFFFF9C00  }
0x32: {  	[hbm4b:s0+s2] =	stream.linear.scatter [tilespmem:s17], [sflag:$0x7], $0x6400, $0x38;
	[tilespmem:$0x1B800] =	vst v63  }
0x33: {  	s13 =	sadd.s32 $0xC80, s7  }
0x34: {  	[hbm4b:s13+s2] =	stream.linear.scatter [tilespmem:s18], [sflag:$0x8], $0x6400, $0x38;
	[tilespmem:$0x1B800] =	vst v63  }
0x35: {  	_ =	swait.ge [sflag:s23], $0x6400  }
0x36: {  	[sflag:s23] =	ssyncset.done $0x0  }
0x37: {  	[sflag:s23] =	ssyncadd.s32 $0xFFFF9C00  }
0x38: {  	_ =	swait.ge [sflag:s24], $0x6400  }
0x39: {  	[sflag:s24] =	ssyncset.done $0x0  }
0x3a: {  	[sflag:s24] =	ssyncadd.s32 $0xFFFF9C00  }
0x3b: {  	_ =	swait.ge [sflag:s25], $0x6400  }
0x3c: {  	[sflag:s25] =	ssyncset.done $0x0  }
0x3d: {  	[sflag:s25] =	ssyncadd.s32 $0xFFFF9C00  }
0x3e: {  	s1 =	simm.s32 $0x1900;
	_ =	swait.ge [sflag:s26], $0x6400  }
0x3f: {  	s0 =	simm.s32 $0x258;
	s13 =	simm.s32 $0x3200;
	[sflag:s26] =	ssyncset.done $0x0  }
.LBB2_2:
0x40: {  	s5 =	sadd.s32 $0xFFFFFF38, s0  }
0x41: {  	[sflag:s26] =	ssyncadd.s32 $0xFFFF9C00;
	s31 =	sadd.s32 $0x190, s31;
	s6 =	smov.u32 s13  }
0x42: {  	[tilespmem:s15], [sflag:$0x1] =	stream.indirect.gather [hbm4b:s3+s14], $0x80, s5, s14, $0xb8;
	[tilespmem:$0x1B800] =	vst v63  }
0x43: {  	p0 =	sne.s32 s13, $0x11300;
	s13 =	sadd.s32 $0x1900, s13;
	s5 =	sadd.s32 $0xFFFFFF38, s31  }
0x44: {  	[tilespmem:s16], [sflag:$0x2] =	stream.indirect.gather [hbm4b:s4+s14], $0x80, s5, s14, $0xb8;
	[tilespmem:$0x1B800] =	vst v63  }
0x45: {  	_ = 	snop  }
0x46: {  	[tilespmem:s17], [sflag:$0x3] =	stream.indirect.gather [hbm4b:s3+s14], $0x80, s0, s14, $0xb8;
	[tilespmem:$0x1B800] =	vst v63  }
0x47: {  	_ = 	snop  }
0x48: {  	[tilespmem:s18], [sflag:$0x4] =	stream.indirect.gather [hbm4b:s4+s14], $0x80, s31, s14, $0xb8;
	[tilespmem:$0x1B800] =	vst v63  }
0x49: {  	_ =	swait.ge [sflag:s19], $0x6400  }
0x4a: {  	[sflag:s19] =	ssyncset.done $0x0  }
0x4b: {  	[sflag:s19] =	ssyncadd.s32 $0xFFFF9C00  }
0x4c: {  	_ =	swait.ge [sflag:s20], $0x6400  }
0x4d: {  	[sflag:s20] =	ssyncset.done $0x0  }
0x4e: {  	s5 =	sadd.s32 s1, s10;
	[sflag:s20] =	ssyncadd.s32 $0xFFFF9C00  }
0x4f: {  	[hbm4b:s5+s2] =	stream.linear.scatter [tilespmem:s15], [sflag:$0x5], $0x6400, $0x38;
	[tilespmem:$0x1B800] =	vst v63  }
0x50: {  	s7 =	sadd.s32 s1, s11;
	s1 =	smov.u32 s6  }
0x51: {  	[hbm4b:s7+s2] =	stream.linear.scatter [tilespmem:s16], [sflag:$0x6], $0x6400, $0x38;
	[tilespmem:$0x1B800] =	vst v63  }
0x52: {  	_ =	swait.ge [sflag:s21], $0x6400  }
0x53: {  	[sflag:s21] =	ssyncset.done $0x0  }
0x54: {  	[sflag:s21] =	ssyncadd.s32 $0xFFFF9C00  }
0x55: {  	_ =	swait.ge [sflag:s22], $0x6400  }
0x56: {  	[sflag:s22] =	ssyncset.done $0x0  }
0x57: {  	s5 =	sadd.s32 $0xC80, s5;
	[sflag:s22] =	ssyncadd.s32 $0xFFFF9C00  }
0x58: {  	[hbm4b:s5+s2] =	stream.linear.scatter [tilespmem:s17], [sflag:$0x7], $0x6400, $0x38;
	[tilespmem:$0x1B800] =	vst v63  }
0x59: {  	s5 =	sadd.s32 $0xC80, s7  }
0x5a: {  	[hbm4b:s5+s2] =	stream.linear.scatter [tilespmem:s18], [sflag:$0x8], $0x6400, $0x38;
	[tilespmem:$0x1B800] =	vst v63  }
0x5b: {  	_ =	swait.ge [sflag:s23], $0x6400  }
0x5c: {  	[sflag:s23] =	ssyncset.done $0x0  }
0x5d: {  	[sflag:s23] =	ssyncadd.s32 $0xFFFF9C00  }
0x5e: {  	_ =	swait.ge [sflag:s24], $0x6400  }
0x5f: {  	[sflag:s24] =	ssyncset.done $0x0  }
0x60: {  	[sflag:s24] =	ssyncadd.s32 $0xFFFF9C00  }
.Ltmp0:
0x61: {  	_ =	swait.ge [sflag:s25], $0x6400;
	(pc) =	sbr.rel @p0 .LBB2_2-.Ltmp0, $4  }
0x62: {  	[sflag:s25] =	ssyncset.done $0x0  }
0x63: {  	[sflag:s25] =	ssyncadd.s32 $0xFFFF9C00  }
0x64: {  	_ =	swait.ge [sflag:s26], $0x6400  }
0x65: {  	s0 =	sadd.s32 $0x190, s0;
	[sflag:s26] =	ssyncset.done $0x0  }
0x66: {  	s5 =	sadd.s32 $0xFFFFFF38, s0;
	[sflag:s26] =	ssyncadd.s32 $0xFFFF9C00;
	s6 =	sadd.s32 $0x190, s31  }
0x67: {  	[tilespmem:s15], [sflag:$0x1] =	stream.indirect.gather [hbm4b:s3+s14], $0x80, s5, s14, $0xb8;
	[tilespmem:$0x1B800] =	vst v63  }
0x68: {  	s31 =	sadd.s32 $0xFFFFFF38, s6  }
0x69: {  	[tilespmem:s16], [sflag:$0x2] =	stream.indirect.gather [hbm4b:s4+s14], $0x80, s31, s14, $0xb8;
	[tilespmem:$0x1B800] =	vst v63  }
0x6a: {  	_ = 	snop  }
0x6b: {  	[tilespmem:s17], [sflag:$0x3] =	stream.indirect.gather [hbm4b:s3+s14], $0x80, s0, s14, $0xb8;
	[tilespmem:$0x1B800] =	vst v63  }
0x6c: {  	_ = 	snop  }
0x6d: {  	[tilespmem:s18], [sflag:$0x4] =	stream.indirect.gather [hbm4b:s4+s14], $0x80, s6, s14, $0xb8;
	[tilespmem:$0x1B800] =	vst v63  }
0x6e: {  	_ =	swait.ge [sflag:s19], $0x6400  }
0x6f: {  	[sflag:s19] =	ssyncset.done $0x0  }
0x70: {  	[sflag:s19] =	ssyncadd.s32 $0xFFFF9C00  }
0x71: {  	_ =	swait.ge [sflag:s20], $0x6400  }
0x72: {  	[sflag:s20] =	ssyncset.done $0x0  }
0x73: {  	s6 =	sadd.s32 s1, s10;
	[sflag:s20] =	ssyncadd.s32 $0xFFFF9C00  }
0x74: {  	[hbm4b:s6+s2] =	stream.linear.scatter [tilespmem:s15], [sflag:$0x5], $0x6400, $0x38;
	[tilespmem:$0x1B800] =	vst v63  }
0x75: {  	s7 =	sadd.s32 s1, s11  }
0x76: {  	[hbm4b:s7+s2] =	stream.linear.scatter [tilespmem:s16], [sflag:$0x6], $0x6400, $0x38;
	[tilespmem:$0x1B800] =	vst v63  }
0x77: {  	_ =	swait.ge [sflag:s21], $0x6400  }
0x78: {  	[sflag:s21] =	ssyncset.done $0x0  }
0x79: {  	[sflag:s21] =	ssyncadd.s32 $0xFFFF9C00  }
0x7a: {  	_ =	swait.ge [sflag:s22], $0x6400  }
0x7b: {  	[sflag:s22] =	ssyncset.done $0x0  }
0x7c: {  	s0 =	sadd.s32 $0xC80, s6;
	[sflag:s22] =	ssyncadd.s32 $0xFFFF9C00  }
0x7d: {  	[hbm4b:s0+s2] =	stream.linear.scatter [tilespmem:s17], [sflag:$0x7], $0x6400, $0x38;
	[tilespmem:$0x1B800] =	vst v63  }
0x7e: {  	s13 =	sadd.s32 $0xC80, s7  }
0x7f: {  	[hbm4b:s13+s2] =	stream.linear.scatter [tilespmem:s18], [sflag:$0x8], $0x6400, $0x38;
	[tilespmem:$0x1B800] =	vst v63  }
0x80: {  	_ =	swait.ge [sflag:s23], $0x6400  }
0x81: {  	[sflag:s23] =	ssyncset.done $0x0  }
0x82: {  	[sflag:s23] =	ssyncadd.s32 $0xFFFF9C00  }
0x83: {  	_ =	swait.ge [sflag:s24], $0x6400  }
0x84: {  	[sflag:s24] =	ssyncset.done $0x0  }
0x85: {  	[sflag:s24] =	ssyncadd.s32 $0xFFFF9C00  }
0x86: {  	_ =	swait.ge [sflag:s25], $0x6400  }
0x87: {  	[sflag:s25] =	ssyncset.done $0x0  }
0x88: {  	[sflag:s25] =	ssyncadd.s32 $0xFFFF9C00  }
0x89: {  	_ =	swait.ge [sflag:s26], $0x6400  }
0x8a: {  	[sflag:s26] =	ssyncset.done $0x0  }
0x8b: {  	[sflag:s26] =	ssyncadd.s32 $0xFFFF9C00  }
0x8c: {  	[tilespmem:s15], [sflag:$0x1] =	stream.indirect.gather [hbm4b:s3+s14], $0x80, s28, s14, $0xb8;
	[tilespmem:$0x1B800] =	vst v63  }
0x8d: {  	_ = 	snop  }
0x8e: {  	[tilespmem:s16], [sflag:$0x2] =	stream.indirect.gather [hbm4b:s4+s14], $0x80, s29, s14, $0xb8;
	[tilespmem:$0x1B800] =	vst v63  }
0x8f: {  	_ = 	snop  }
0x90: {  	[tilespmem:s17], [sflag:$0x3] =	stream.indirect.gather [hbm4b:s3+s14], $0x80, s28, s14, $0xb8;
	[tilespmem:$0x1B800] =	vst v63  }
0x91: {  	_ = 	snop  }
0x92: {  	[tilespmem:s18], [sflag:$0x4] =	stream.indirect.gather [hbm4b:s4+s14], $0x80, s29, s14, $0xb8;
	[tilespmem:$0x1B800] =	vst v63  }
0x93: {  	_ =	swait.ge [sflag:s19], $0x6400  }
0x94: {  	[sflag:s19] =	ssyncset.done $0x0  }
0x95: {  	[sflag:s19] =	ssyncadd.s32 $0xFFFF9C00  }
0x96: {  	_ =	swait.ge [sflag:s20], $0x6400  }
0x97: {  	[sflag:s20] =	ssyncset.done $0x0  }
0x98: {  	[sflag:s20] =	ssyncadd.s32 $0xFFFF9C00  }
0x99: {  	[hbm4b:s8+s2] =	stream.linear.scatter [tilespmem:s15], [sflag:$0x5], $0x6400, $0x38;
	[tilespmem:$0x1B800] =	vst v63  }
0x9a: {  	_ = 	snop  }
0x9b: {  	[hbm4b:s9+s2] =	stream.linear.scatter [tilespmem:s16], [sflag:$0x6], $0x6400, $0x38;
	[tilespmem:$0x1B800] =	vst v63  }
0x9c: {  	_ =	swait.ge [sflag:s21], $0x6400  }
0x9d: {  	[sflag:s21] =	ssyncset.done $0x0  }
0x9e: {  	[sflag:s21] =	ssyncadd.s32 $0xFFFF9C00  }
0x9f: {  	_ =	swait.ge [sflag:s22], $0x6400  }
0xa0: {  	[sflag:s22] =	ssyncset.done $0x0  }
0xa1: {  	[sflag:s22] =	ssyncadd.s32 $0xFFFF9C00  }
0xa2: {  	[hbm4b:s8+s2] =	stream.linear.scatter [tilespmem:s17], [sflag:$0x7], $0x6400, $0x38;
	[tilespmem:$0x1B800] =	vst v63  }
0xa3: {  	_ = 	snop  }
0xa4: {  	[hbm4b:s9+s2] =	stream.linear.scatter [tilespmem:s18], [sflag:$0x8], $0x6400, $0x38;
	[tilespmem:$0x1B800] =	vst v63  }
0xa5: {  	_ =	swait.ge [sflag:s23], $0x6400  }
0xa6: {  	[sflag:s23] =	ssyncset.done $0x0  }
0xa7: {  	[sflag:s23] =	ssyncadd.s32 $0xFFFF9C00  }
0xa8: {  	_ =	swait.ge [sflag:s24], $0x6400  }
0xa9: {  	[sflag:s24] =	ssyncset.done $0x0  }
0xaa: {  	[sflag:s24] =	ssyncadd.s32 $0xFFFF9C00  }
0xab: {  	_ =	swait.ge [sflag:s25], $0x6400  }
0xac: {  	[sflag:s25] =	ssyncset.done $0x0  }
0xad: {  	[sflag:s25] =	ssyncadd.s32 $0xFFFF9C00  }
0xae: {  	_ =	swait.ge [sflag:s26], $0x6400  }
0xaf: {  	s30 =	sadd.s32 $0x1, s30;
	s31 =	rddreg [dreg:$0x4]  }
0xb0: {  	p0 =	sne.s32 s30, s31  }
.Ltmp1:
0xb1: {  	_ = 	snop;
	(pc) =	sbr.rel @p0 .LBB2_1-.Ltmp1, $3  }
0xb2: {  	_ =	sdelay $0x1  }
0xb3: {  	[sflag:s26] =	ssyncset.done $0x0  }
0xb4: {  	[sflag:s26] =	ssyncadd.s32 $0xFFFF9C00  }
0xb5: {  	_ =	sfence.sel $0x180000  }
0xb6: {  	[bflag:$0x0] =	sbarrier.arrive $0xFFFF  }
0xb7: {  	_ =	strace $0x90000050  }
0xb8: {  	s0 =	stileid.u32;
	[bflag:$0x2] =	sbarrier.arrive $0xFFFF  }
0xb9: {  	p0 =	sne.s32 s0, $0x0;
	s0 =	rddreg [dreg:$0x1]  }
0xba: {  	s0 =	sadd.s32 @!p0 $0x100000, s0  }
0xbb: {  	[sflag:s0] =	ssyncadd.tile.s32 @!p0 $0x1;
	_ =	shalt  }
.Lfunc_end2:
_tile_overlayer_lowered:
.L_overlay_start_2:
0xbc: {  	(tag) =	ssettag $0x2  }
0xbd: {  	s0 =	rddreg [dreg:$0x0];
	s2 =	stileid.u32  }
0xbe: {  	s1 =	rddreg [dreg:$0x1];
	p0 =	sne.s32 s2, $0x0  }
0xbf: {  	s3 =	rddreg [dreg:$0x2];
	[bflag:$0x3] =	sbarrier.arrive $0xFFFF;
	s2 =	simm.s32 @!p0 $0x1C09  }
0xc0: {  	[timem:s3], [sflag:s2] =	dma.local @!p0 [hbm:s0], s1  }
0xc1: {  	s0 =	simm.s32 @!p0 $0x9  }
0xc2: {  	_ =	swait.ge @!p0 [sflag:s0], s1  }
0xc3: {  	s1 =	ssub.s32 @!p0 $0x0, s1;
	[sflag:s0] =	ssyncset.done @!p0 $0x0  }
0xc4: {  	[sflag:s0] =	ssyncadd.s32 @!p0 s1  }
0xc5: {  	[bflag:$0x3] =	sbarrier.arrive $0xFFFF  }
0xc6: {  	_ =	shalt  }

// kernel: kernel.30.cloned.1.call-start
scs
__scs_entry_jumppad:
0x0: {  	(pc) =	sbr.rel $0x88, $3  }
0x1: {  	(tag) =	ssettag $0x0;
	lr =	simm.s32 $0x1  }
0x2: {  	[smem:$0x3F7D] =	sst lr;
	_ =	strace $0xD0000000  }
0x3: {  	_ = 	snop  }
0x4: {  	_ = 	snop  }
0x5: {  	_ = 	snop  }
0x6: {  	_ = 	snop  }
0x7: {  	_ = 	snop  }
__scs_overlays_trampoline_lowered:
0x8: {  	[smem:$0x3F8C] =	sst s0  }
0x9: {  	[smem:$0x3F8D] =	sst s1  }
0xa: {  	[smem:$0x3F8E] =	sst s2  }
0xb: {  	[smem:$0x3F8F] =	sst s3  }
0xc: {  	[smem:$0x3F90] =	sst s4  }
0xd: {  	[smem:$0x3F91] =	sst s5  }
0xe: {  	[smem:$0x3F92] =	sst s6  }
0xf: {  	[smem:$0x3F93] =	sst s7  }
0x10: {  	[smem:$0x3F94] =	sst s8  }
0x11: {  	[smem:$0x3F95] =	sst s9;
	s0 =	simm.s32 @!p0 $0x0  }
0x12: {  	s1 =	sld [smem:$0x3F7B];
	s0 =	simm.s32 @p0 $0x1  }
0x13: {  	[smem:$0x3F96] =	sst s0;
	s0 =	simm.s32 @!p1 $0x0  }
0x14: {  	s2 =	sld [smem:$0x3F7A];
	s0 =	simm.s32 @p1 $0x1  }
0x15: {  	[smem:$0x3F97] =	sst s0;
	s0 =	simm.s32 @!p2 $0x0  }
0x16: {  	s3 =	sld [smem:$0x3FDB];
	s0 =	simm.s32 @p2 $0x1  }
0x17: {  	s4 =	simm.s32 $0x1BF5;
	[smem:$0x3F99] =	sst s0  }
0x18: {  	s0 =	sld [smem:$0x3F7C];
	_ =	swait.ge [sflag:s4], $0x0  }
0x19: {  	s7 =	sld [smem:$0x3F7D]  }
0x1a: {  	s8 =	sadd.s32 $0xFFFFE003, lr  }
0x1b: {  	s9 =	sadd.s32 $0xFFFFFEF7, lr;
	s5 =	simm.s32 $0xFFFFFFFF;
	p2 =	slt.u32 s8, $0xFFFFF086  }
0x1c: {  	p1 =	slt.u32 s9, $0xF7A;
	s5 =	simm.s32 @!p2 $0x0  }
0x1d: {  	s5 =	simm.s32 @p1 $0x1;
	p0 =	seq.s32 s7, s2  }
0x1e: {  	s7 =	smul.u32 @!p0 $0xF7A, s2;
	p2 =	seq.s32 @!p0 s5, $0x0  }
0x1f: {  	s9 =	smul.u32 $0xF7A, s1;
	s8 =	simm.s32 @!p0 $0x1BF5;
	p2 =	por !p2, p0  }
0x20: {  	[sflag:s8] =	ssyncset.s32 @!p0 $0xFFFFF086;
	s6 =	sadd.s32 @!p0 s3, s7;
	s7 =	simm.s32 @!p0 $0x108  }
0x21: {  	s3 =	sadd.s32 s3, s9;
	s6 =	sadd.s32 @!p0 $0x88, s6;
	s7 =	simm.s32 @p2 $0x1082  }
0x22: {  	[simem:s7], [sflag:s8] =	dma.local @!p0 [hbm:s6], $0xF7A  }
0x23: {  	s9 =	sor.u32 $0xD0000000, s2;
	s6 =	simm.s32 $0x108;
	_ =	swait.ge @!p0 [sflag:s8], $0x0  }
0x24: {  	s3 =	sadd.s32 $0x88, s3;
	s6 =	simm.s32 @!p1 $0x1082;
	[sflag:s4] =	ssyncset.s32 $0xFFFFF086  }
0x25: {  	[simem:s6], [sflag:s4] =	dma.local [hbm:s3], $0xF7A  }
0x26: {  	[smem:$0x3F7D] =	sst s1;
	(tag) =	ssettag s2;
	_ =	strace s9  }
0x27: {  	s1 =	sld [smem:$0x3F8D]  }
0x28: {  	s2 =	sld [smem:$0x3F8E]  }
0x29: {  	s4 =	sld [smem:$0x3F90]  }
0x2a: {  	p0 =	seq.s32 s5, $0x0;
	s5 =	sld [smem:$0x3F91]  }
0x2b: {  	s6 =	sld [smem:$0x3F92]  }
0x2c: {  	s7 =	sld [smem:$0x3F93]  }
0x2d: {  	s3 =	simm.s32 $0x108;
	s8 =	sld [smem:$0x3F94]  }
0x2e: {  	s3 =	simm.s32 @!p0 $0x1082;
	s9 =	sld [smem:$0x3F95]  }
0x2f: {  	lr =	sadd.s32 s0, s3;
	s0 =	sld [smem:$0x3F8C]  }
0x30: {  	s3 =	sld [smem:$0x3F8F]  }
0x31: {  	[smem:$0x3F98] =	sst s10  }
0x32: {  	s10 =	sld [smem:$0x3F96];
	_ =	sdelay $0x3  }
0x33: {  	p0 =	seq.s32 s10, $0x1;
	s10 =	sld [smem:$0x3F98];
	_ =	sdelay $0x3  }
0x34: {  	[smem:$0x3F98] =	sst s10  }
0x35: {  	s10 =	sld [smem:$0x3F97];
	_ =	sdelay $0x3  }
0x36: {  	p1 =	seq.s32 s10, $0x1;
	s10 =	sld [smem:$0x3F98];
	_ =	sdelay $0x3  }
0x37: {  	[smem:$0x3F98] =	sst s10  }
0x38: {  	s10 =	sld [smem:$0x3F99]  }
0x39: {  	_ = 	snop;
	(pc) =	sbr.ind lr, $3  }
0x3a: {  	_ = 	snop  }
0x3b: {  	_ = 	snop  }
0x3c: {  	p2 =	seq.s32 s10, $0x1;
	s10 =	sld [smem:$0x3F98]  }
0x3d: {  	_ =	shalt  }
0x3e: {  	_ =	shalt  }
0x3f: {  	_ =	shalt  }
0x40: {  	_ =	shalt  }
0x41: {  	_ =	shalt  }
0x42: {  	_ =	shalt  }
0x43: {  	_ =	shalt  }
0x44: {  	_ =	shalt  }
0x45: {  	_ =	shalt  }
0x46: {  	_ =	shalt  }
0x47: {  	_ =	shalt  }
0x48: {  	_ =	shalt  }
0x49: {  	_ =	shalt  }
0x4a: {  	_ =	shalt  }
0x4b: {  	_ =	shalt  }
0x4c: {  	_ =	shalt  }
0x4d: {  	_ =	shalt  }
0x4e: {  	_ =	shalt  }
0x4f: {  	_ =	shalt  }
0x50: {  	_ =	shalt  }
0x51: {  	_ =	shalt  }
0x52: {  	_ =	shalt  }
0x53: {  	_ =	shalt  }
0x54: {  	_ =	shalt  }
0x55: {  	_ =	shalt  }
0x56: {  	_ =	shalt  }
0x57: {  	_ =	shalt  }
0x58: {  	_ =	shalt  }
0x59: {  	_ =	shalt  }
0x5a: {  	_ =	shalt  }
0x5b: {  	_ =	shalt  }
0x5c: {  	_ =	shalt  }
0x5d: {  	_ =	shalt  }
0x5e: {  	_ =	shalt  }
0x5f: {  	_ =	shalt  }
0x60: {  	_ =	shalt  }
0x61: {  	_ =	shalt  }
0x62: {  	_ =	shalt  }
0x63: {  	_ =	shalt  }
0x64: {  	_ =	shalt  }
0x65: {  	_ =	shalt  }
0x66: {  	_ =	shalt  }
0x67: {  	_ =	shalt  }
0x68: {  	_ =	shalt  }
0x69: {  	_ =	shalt  }
0x6a: {  	_ =	shalt  }
0x6b: {  	_ =	shalt  }
0x6c: {  	_ =	shalt  }
0x6d: {  	_ =	shalt  }
0x6e: {  	_ =	shalt  }
0x6f: {  	_ =	shalt  }
0x70: {  	_ =	shalt  }
0x71: {  	_ =	shalt  }
0x72: {  	_ =	shalt  }
0x73: {  	_ =	shalt  }
0x74: {  	_ =	shalt  }
0x75: {  	_ =	shalt  }
0x76: {  	_ =	shalt  }
0x77: {  	_ =	shalt  }
0x78: {  	_ =	shalt  }
0x79: {  	_ =	shalt  }
0x7a: {  	_ =	shalt  }
0x7b: {  	_ =	shalt  }
0x7c: {  	_ =	shalt  }
0x7d: {  	_ =	shalt  }
0x7e: {  	_ =	shalt  }
0x7f: {  	_ =	shalt  }
0x80: {  	_ =	shalt  }
0x81: {  	_ =	shalt  }
0x82: {  	_ =	shalt  }
0x83: {  	_ =	shalt  }
0x84: {  	_ =	shalt  }
0x85: {  	_ =	shalt  }
0x86: {  	_ =	shalt  }
0x87: {  	_ =	shalt  }
.Lfunc_end0:
.L_simem_size_0:
called_computation.4_lowered:
.L_overlay_start_0:
0x88: {  	s2 =	sld [smem:$0x3FD9]  }
0x89: {  	s3 =	sld [smem:$0x3FFE];
	_ =	sdelay $0x1  }
0x8a: {  	s1 =	srdreg.scid  }
0x8b: {  	s0 =	sand.u32 $0x1, s1  }
0x8c: {  	s16 =	sshll.u32 s0, $0xA;
	s2 =	sadd.s32 s3, s2  }
0x8d: {  	s2 =	sadd.s32 s2, s16  }
0x8e: {  	[smem:$0x3FA4] =	sst s2  }
0x8f: {  	_ = 	snop  }
0x90: {  	(tm) =	ssettm $0x1  }
0x91: {  	s17 =	sld [smem:$0x3FFB];
	_ =	sdelay $0x3  }
0x92: {  	_ =	strace s17  }
0x93: {  	s2 =	sld [smem:$0x3FFC];
	_ =	sdelay $0x3  }
0x94: {  	_ =	strace s2  }
0x95: {  	s2 =	sld [smem:$0x3FFD];
	_ =	sdelay $0x3  }
0x96: {  	_ =	strace s2  }
0x97: {  	_ =	strace $0x8FFFFFFF  }
0x98: {  	s18 =	sld [smem:$0x3FDB];
	_ =	sdelay $0x1  }
0x99: {  	s19 =	simm.s32 $_scs_section_size  }
0x9a: {  	s4 =	simm.s32 $_size__tile_overlayer_lowered;
	s5 =	simm.s32 $_tile_overlayer_lowered  }
0x9b: {  	s22 =	simm.s32 $0x1BFF;
	s21 =	sshll.u32 s5, $0x1;
	s2 =	sadd.s32 s19, s18  }
0x9c: {  	s6 =	simm.s32 $0x0;
	s20 =	sshll.u32 s4, $0x1;
	s4 =	sadd.s32 s21, s2  }
0x9d: {  	[timem:s6], [sflag:s22] =	dma.local [hbm:s4], s20  }
0x9e: {  	_ =	swait.ge [sflag:s22], s20  }
0x9f: {  	s3 =	ssub.s32 $0x0, s20;
	[sflag:s22] =	ssyncset.done $0x0  }
0xa0: {  	[sflag:s22] =	ssyncadd.s32 s3;
	_ =	sdelay $0x1  }
0xa1: {  	s23 =	simm.s32 $0x1B8B  }
0xa2: {  	_ =	swait.ge [sflag:s23], $0x1  }
0xa3: {  	[sflag:s23] =	ssyncset.done $0x0  }
0xa4: {  	s25 =	simm.s32 $0x1B8E;
	s24 =	sld [smem:$0x3FFE];
	[sflag:s23] =	ssyncadd.s32 $0xFFFFFFFF  }
0xa5: {  	s26 =	simm.s32 $execute0_lowered;
	[smem:$0x3FD2] =	sst s25  }
0xa6: {  	s4 =	sshll.u32 s26, $0x1;
	_ =	strace $0x80000052;
	[dreg:$0x1] =	wrdreg $0xFFFFFFFF  }
0xa7: {  	s28 =	simm.s32 $_size_execute0_lowered;
	s2 =	sadd.s32 s2, s4;
	[dreg:$0x0] =	wrdreg $0x0  }
0xa8: {  	s4 =	sshll.u32 s28, $0x1;
	[dreg:$0x2] =	wrdreg s2  }
0xa9: {  	[dreg:$0x3] =	wrdreg s4  }
0xaa: {  	[dreg:$0x4] =	wrdreg $0xC0  }
0xab: {  	_ =	task [dreg:s6], $0x5FFFF  }
0xac: {  	[dreg:$0x1] =	wrdreg $0xFFFFFFFF  }
0xad: {  	[dreg:$0x0] =	wrdreg $0x60  }
0xae: {  	[dreg:$0x2] =	wrdreg s24  }
0xaf: {  	[dreg:$0x3] =	wrdreg $0x65000  }
0xb0: {  	[dreg:$0x4] =	wrdreg $0x9  }
0xb1: {  	_ =	task.clear_ibuf [dreg:s6], $0x5FFFF;
	_ =	strace $0x90000052  }
0xb2: {  	s29 =	simm.s32 $0x9;
	_ =	strace $0x80000054  }
0xb3: {  	_ =	swait.ge [sflag:s29], $0x1  }
0xb4: {  	[sflag:s29] =	ssyncadd.s32 $0xFFFFFFFF  }
0xb5: {  	_ =	strace $0x90000054  }
0xb6: {  	_ =	sfence  }
0xb7: {  	s30 =	sld [smem:$0x0];
	_ =	sdelay $0x2  }
0xb8: {  	s31 =	sshll.u32 s1, $0xD;
	s1 =	sshrl.u32 s1, $0x2  }
0xb9: {  	s3 =	sand.u32 $0x4000, s31;
	s1 =	sadd.s32 s1, s30  }
0xba: {  	s0 =	sor.u32 s3, s0;
	s1 =	sshll.u32 s1, $0x11  }
0xbb: {  	s0 =	sor.u32 s1, s0  }
0xbc: {  	s0 =	sadd.s32 $0x8F2B, s0  }
0xbd: {  	[sflag:s0] =	ssyncadd.remote.s32 $0x1  }
0xbe: {  	_ =	sfence.sel $0xFFFF  }
0xbf: {  	[dreg:$0x0] =	wrdreg $0xFFFFFFFF;
	(pc) =	sbr.abs _section_cstart, $3  }
0xc0: {  	[dreg:$0x1] =	wrdreg $0xFFFFFFFF  }
0xc1: {  	_ =	task.clear_ibuf [dreg:s6], $0x2FFFF;
	_ =	strace $0x9FFFFFFF  }
0xc2: {  	(tm) =	ssettm $0x7FFFFFFF  }
0xc3: {  	_ =	shalt  }
tec
execute0_lowered:
.L_overlay_start_1:
0x0: {  	(tag) =	ssettag $0x1  }
0x1: {  	s0 =	stileid.u32  }
0x2: {  	s6 =	smul.u32 $0x2710, s0  }
0x3: {  	s8 =	smul.u32 $0x27100, s0  }
0x4: {  	s1 =	srdreg.scid;
	s19 =	smul.u32 $0x19000, s0  }
0x5: {  	s4 =	rddreg [dreg:$0x0];
	s15 =	smul.u32 $0xC80, s0  }
0x6: {  	s2 =	rddreg [dreg:$0x1];
	s5 =	sand.u32 $0x1, s1;
	s16 =	smul.u32 $0x6400, s0  }
0x7: {  	s3 =	simm.s32 $0x0;
	s20 =	sor.u32 $0x10, s0;
	s7 =	smul.u32 $0x27100, s5  }
0x8: {  	s1 =	rddreg [dreg:$0x2];
	s9 =	sor.u32 $0x20, s0;
	s22 =	smul.u32 $0x19000, s20  }
0x9: {  	[smem:$0x7FF] =	sst s3;
	s18 =	sor.u32 $0x30, s0;
	s11 =	smul.u32 $0x19000, s9  }
0xa: {  	s12 =	sadd.s32 $0x4B400, s4;
	_ =	strace $0x80000053;
	s23 =	smul.u32 $0x19000, s18  }
0xb: {  	s21 =	ssub.s32 $0x2, s5;
	p0 =	seq.s32 s5, $0x1;
	s17 =	smul.u32 $0x6400, s20  }
0xc: {  	s29 =	smul.u32 $0x6400, s9;
	p1 =	sgt.u32 s18, $0x35;
	p2 =	sgt.u32 s18, $0x31  }
0xd: {  	s13 =	sadd.s32 s8, s4;
	s10 =	sshrl.u32 s21, $0x1;
	s24 =	sshrl.u32 s19, $0x2  }
0xe: {  	s28 =	sshrl.u32 s16, $0x3;
	s19 =	smul.u32 $0x6400, s18;
	s6 =	sadd.s32 s6, s7  }
0xf: {  	s5 =	sadd.s32 s24, s2;
	s26 =	sshrl.u32 s11, $0x2;
	s11 =	smul.u32 $0xC80, s20  }
0x10: {  	s25 =	sshrl.u32 s22, $0x2;
	s17 =	sshrl.u32 s17, $0x3;
	s20 =	smul.u32 $0xC80, s9  }
0x11: {  	s30 =	sshrl.u32 s29, $0x3;
	s13 =	sadd.s32 $0x75E000, s13;
	s6 =	sshrl.u32 s6, $0x3  }
0x12: {  	s7 =	sadd.s32 s26, s2;
	s17 =	sadd.s32 $0x27100, s17;
	s16 =	sadd.s32 $0x27100, s30  }
0x13: {  	s31 =	sshrl.u32 s19, $0x3;
	s14 =	sadd.s32 s6, s4;
	s4 =	ssub.s32 s21, s10  }
0x14: {  	s6 =	sadd.s32 s25, s2;
	s10 =	sshrl.u32 s23, $0x2;
	s21 =	smul.u32 $0xC80, s18  }
0x15: {  	s19 =	sadd.s32 $0x27100, s31;
	s11 =	smov.u32 @p0 s17;
	s20 =	smov.u32 @p0 s16  }
0x16: {  	s16 =	simm.s32 $0x1;
	s17 =	simm.s32 $0xC8;
	s18 =	simm.s32 $0x2  }
0x17: {  	s4 =	smax.u32 s4, $0x1;
	s8 =	sadd.s32 s10, s2;
	s10 =	sadd.s32 $0x27100, s28  }
0x18: {  	s14 =	sadd.s32 $0x5CD800, s14;
	s15 =	smov.u32 @p0 s10;
	s21 =	smov.u32 @p0 s19  }
0x19: {  	s10 =	sadd.s32 s12, s11;
	s11 =	sadd.s32 s12, s20;
	s19 =	simm.s32 $0x0  }
0x1a: {  	v0 =	vimm.f32 $0.0e+00;
	s9 =	sadd.s32 s12, s15;
	s12 =	sadd.s32 s12, s21;
	s15 =	simm.s32 $0x100  }
.LBB2_1:
0x1b: {  	s20 =	sand.u32 $0x1FE00, s3  }
0x1c: {  	s21 =	sand.u32 $0x70, s3;
	s22 =	sshrl.u32 s20, $0x2  }
0x1d: {  	s20 =	simm.s32 $0x40;
	s22 =	sor.u32 s21, s22;
	s21 =	simm.s32 $0x0  }
.LBB2_2:
0x1e: {  	p3 =	sne.s32 s20, $0x18FC0  }
0x1f: {  	[tilespmem:s22+$0x100] =	vst v0;
	s21 =	sadd.s32 $0x10, s21;
	s22 =	smov.u32 s20;
	s20 =	sadd.s32 $0x40, s20  }
.Ltmp0:
0x20: {  	(pc) =	sbr.rel @p3 .LBB2_2-.Ltmp0, $4  }
0x21: {  	_ = 	snop  }
0x22: {  	s22 =	sand.u32 $0x1FE00, s22  }
0x23: {  	s23 =	sand.u32 $0x70, s21;
	s22 =	sshrl.u32 s22, $0x2  }
0x24: {  	s22 =	sor.u32 s23, s22  }
0x25: {  	[tilespmem:s22+$0x100] =	vst v0  }
0x26: {  	[spmem:s5] =	stream.linear.scatter [tilespmem:s15], [sflag:$0x1], $0x6400, $0x38;
	[tilespmem:$0x1B680] =	vst v63  }
0x27: {  	_ =	swait.ge [sflag:s16], $0x6400  }
0x28: {  	[sflag:s16] =	ssyncset.done $0x0  }
0x29: {  	[sflag:s16] =	ssyncadd.s32 $0xFFFF9C00  }
0x2a: {  	[spmem:s6] =	stream.linear.scatter [tilespmem:s15], [sflag:$0x1], $0x6400, $0x38;
	[tilespmem:$0x1B680] =	vst v63  }
0x2b: {  	_ =	swait.ge [sflag:s16], $0x6400  }
0x2c: {  	[sflag:s16] =	ssyncset.done $0x0  }
0x2d: {  	[sflag:s16] =	ssyncadd.s32 $0xFFFF9C00  }
0x2e: {  	[spmem:s7] =	stream.linear.scatter [tilespmem:s15], [sflag:$0x1], $0x6400, $0x38;
	[tilespmem:$0x1B680] =	vst v63  }
0x2f: {  	_ =	swait.ge [sflag:s16], $0x6400  }
0x30: {  	[sflag:s16] =	ssyncset.done $0x0  }
0x31: {  	s20 =	simm.s32 @!p1 $0x100;
	[sflag:s16] =	ssyncadd.s32 $0xFFFF9C00  }
0x32: {  	[spmem:s8] =	stream.linear.scatter @!p1 [tilespmem:s20], [sflag:$0x1], $0x6400, $0x38;
	[tilespmem:$0x1B680] =	vst v63  }
0x33: {  	s20 =	simm.s32 @!p1 $0x1  }
0x34: {  	_ =	swait.ge @!p1 [sflag:s20], $0x6400  }
0x35: {  	[sflag:s20] =	ssyncset.done @!p1 $0x0  }
0x36: {  	[sflag:s20] =	ssyncadd.s32 @!p1 $0xFFFF9C00  }
0x37: {  	s31 =	sadd.s32 $0x0, s14;
	[bflag:$0x0] =	sbarrier.arrive $0xFFFF  }
0x38: {  	[tilespmem:s3], [sflag:$0x1] =	stream.linear.gather [hbm4b:s31+s3], $0xC8, $0x38;
	[tilespmem:$0x1B680] =	vst v63  }
0x39: {  	_ =	swait.ge [sflag:s16], $0xC8  }
0x3a: {  	[sflag:s16] =	ssyncset.done $0x0  }
0x3b: {  	[sflag:s16] =	ssyncadd.s32 $0xFFFFFF38  }
0x3c: {  	[tilespmem:s15], [sflag:$0x1] =	stream.linear.gather [hbm4b:s13+s3], $0x6400, $0x38;
	[tilespmem:$0x1B680] =	vst v63  }
0x3d: {  	_ =	swait.ge [sflag:s16], $0x6400  }
0x3e: {  	[sflag:s16] =	ssyncset.done $0x0  }
0x3f: {  	[sflag:s16] =	ssyncadd.s32 $0xFFFF9C00  }
0x40: {  	[spmem:s2] =	stream.indirect.scatter.add.f32 [tilespmem:s15], [sflag:$0x1], $0x80, s3, s17, $0xb8;
	[tilespmem:$0x1B680] =	vst v63  }
0x41: {  	s21 =	simm.s32 $0x19;
	_ =	swait.ge [sflag:s16], $0x6400  }
0x42: {  	s22 =	simm.s32 $0x32;
	s20 =	sadd.s32 $0xC80, s13;
	[sflag:s16] =	ssyncset.done $0x0  }
.LBB2_4:
0x43: {  	s23 =	sadd.s32 s21, s14  }
0x44: {  	[sflag:s16] =	ssyncadd.s32 $0xFFFF9C00;
	s21 =	smov.u32 s22;
	s24 =	sadd.s32 $0x19, s22  }
0x45: {  	[tilespmem:s3], [sflag:$0x1] =	stream.linear.gather [hbm4b:s23+s3], $0xC8, $0x38;
	[tilespmem:$0x1B680] =	vst v63  }
0x46: {  	p3 =	sne.s32 s22, $0x4C9;
	_ =	swait.ge [sflag:s16], $0xC8  }
0x47: {  	[sflag:s16] =	ssyncset.done $0x0  }
0x48: {  	[sflag:s16] =	ssyncadd.s32 $0xFFFFFF38  }
0x49: {  	[tilespmem:s15], [sflag:$0x1] =	stream.linear.gather [hbm4b:s20+s3], $0x6400, $0x38;
	[tilespmem:$0x1B680] =	vst v63  }
0x4a: {  	_ =	swait.ge [sflag:s16], $0x6400  }
.Ltmp1:
0x4b: {  	[sflag:s16] =	ssyncset.done $0x0;
	(pc) =	sbr.rel @p3 .LBB2_4-.Ltmp1, $4  }
0x4c: {  	[sflag:s16] =	ssyncadd.s32 $0xFFFF9C00  }
0x4d: {  	[spmem:s2] =	stream.indirect.scatter.add.f32 [tilespmem:s15], [sflag:$0x1], $0x80, s3, s17, $0xb8;
	[tilespmem:$0x1B680] =	vst v63  }
0x4e: {  	_ =	swait.ge [sflag:s16], $0x6400  }
0x4f: {  	s22 =	smov.u32 s24;
	s20 =	sadd.s32 $0xC80, s20;
	[sflag:s16] =	ssyncset.done $0x0  }
0x50: {  	s21 =	sadd.s32 s21, s14;
	[sflag:s16] =	ssyncadd.s32 $0xFFFF9C00  }
0x51: {  	[tilespmem:s3], [sflag:$0x1] =	stream.linear.gather [hbm4b:s21+s3], $0xC8, $0x38;
	[tilespmem:$0x1B680] =	vst v63  }
0x52: {  	_ =	swait.ge [sflag:s16], $0xC8  }
0x53: {  	[sflag:s16] =	ssyncset.done $0x0  }
0x54: {  	[sflag:s16] =	ssyncadd.s32 $0xFFFFFF38  }
0x55: {  	[tilespmem:s15], [sflag:$0x1] =	stream.linear.gather [hbm4b:s20+s3], $0x6400, $0x38;
	[tilespmem:$0x1B680] =	vst v63  }
0x56: {  	_ =	swait.ge [sflag:s16], $0x6400  }
0x57: {  	[sflag:s16] =	ssyncset.done $0x0  }
0x58: {  	[sflag:s16] =	ssyncadd.s32 $0xFFFF9C00  }
0x59: {  	[spmem:s2] =	stream.indirect.scatter.add.f32 [tilespmem:s15], [sflag:$0x1], $0x80, s3, s17, $0xb8;
	[tilespmem:$0x1B680] =	vst v63  }
0x5a: {  	_ =	swait.ge [sflag:s16], $0x6400  }
0x5b: {  	[sflag:s16] =	ssyncset.done $0x0  }
0x5c: {  	[sflag:s16] =	ssyncadd.s32 $0xFFFF9C00  }
0x5d: {  	[bflag:$0x0] =	sbarrier.arrive $0xFFFF  }
0x5e: {  	[tilespmem:s15], [sflag:$0x2] =	stream.linear.gather [spmem:s5], $0x6400, $0x38;
	[tilespmem:$0x1B680] =	vst v63  }
0x5f: {  	_ =	swait.ge [sflag:s18], $0x6400  }
0x60: {  	s20 =	simm.s32 $0x1;
	[sflag:s18] =	ssyncset.done $0x0  }
0x61: {  	s20 =	simm.s32 @!p0 $0x2;
	[sflag:s18] =	ssyncadd.s32 $0xFFFF9C00  }
0x62: {  	[hbm4b:s9+s3] =	stream.linear.scatter [tilespmem:s15], [sflag:s20], $0x6400, $0x38;
	[tilespmem:$0x1B680] =	vst v63  }
0x63: {  	_ =	swait.ge [sflag:s20], $0x6400  }
0x64: {  	[sflag:s20] =	ssyncset.done $0x0  }
0x65: {  	[sflag:s20] =	ssyncadd.s32 $0xFFFF9C00  }
0x66: {  	[tilespmem:s15], [sflag:$0x2] =	stream.linear.gather [spmem:s6], $0x6400, $0x38;
	[tilespmem:$0x1B680] =	vst v63  }
0x67: {  	_ =	swait.ge [sflag:s18], $0x6400  }
0x68: {  	[sflag:s18] =	ssyncset.done $0x0  }
0x69: {  	[sflag:s18] =	ssyncadd.s32 $0xFFFF9C00  }
0x6a: {  	[hbm4b:s10+s3] =	stream.linear.scatter [tilespmem:s15], [sflag:s20], $0x6400, $0x38;
	[tilespmem:$0x1B680] =	vst v63  }
0x6b: {  	_ =	swait.ge [sflag:s20], $0x6400  }
0x6c: {  	[sflag:s20] =	ssyncset.done $0x0  }
0x6d: {  	[sflag:s20] =	ssyncadd.s32 $0xFFFF9C00  }
0x6e: {  	[tilespmem:s15], [sflag:$0x2] =	stream.linear.gather [spmem:s7], $0x6400, $0x38;
	[tilespmem:$0x1B680] =	vst v63  }
0x6f: {  	_ =	swait.ge [sflag:s18], $0x6400  }
0x70: {  	[sflag:s18] =	ssyncset.done $0x0  }
0x71: {  	[sflag:s18] =	ssyncadd.s32 $0xFFFF9C00  }
0x72: {  	[hbm4b:s11+s3] =	stream.linear.scatter [tilespmem:s15], [sflag:s20], $0x6400, $0x38;
	[tilespmem:$0x1B680] =	vst v63  }
0x73: {  	_ =	swait.ge [sflag:s20], $0x6400  }
0x74: {  	[sflag:s20] =	ssyncset.done $0x0  }
0x75: {  	s22 =	simm.s32 @!p2 $0x2;
	s21 =	simm.s32 @!p2 $0x100;
	[sflag:s20] =	ssyncadd.s32 $0xFFFF9C00  }
0x76: {  	[tilespmem:s21], [sflag:$0x2] =	stream.linear.gather @!p2 [spmem:s8], $0x6400, $0x38;
	[tilespmem:$0x1B680] =	vst v63  }
0x77: {  	s19 =	sadd.s32 $0x1, s19;
	_ =	swait.ge @!p2 [sflag:s22], $0x6400  }
0x78: {  	p3 =	sne.s32 s19, s4;
	[sflag:s22] =	ssyncset.done @!p2 $0x0  }
.Ltmp2:
0x79: {  	[sflag:s22] =	ssyncadd.s32 @!p2 $0xFFFF9C00;
	s22 =	simm.s32 @!p2 $0x0;
	(pc) =	sbr.rel @p3 .LBB2_1-.Ltmp2, $4  }
0x7a: {  	[hbm4b:s12+s22] =	stream.linear.scatter @!p2 [tilespmem:s21], [sflag:s20], $0x6400, $0x38;
	[tilespmem:$0x1B680] =	vst v63  }
0x7b: {  	_ =	swait.ge @!p2 [sflag:s20], $0x6400  }
0x7c: {  	[sflag:s20] =	ssyncset.done @!p2 $0x0  }
0x7d: {  	[sflag:s20] =	ssyncadd.s32 @!p2 $0xFFFF9C00  }
0x7e: {  	_ =	sfence.sel $0x180000  }
0x7f: {  	[bflag:$0x0] =	sbarrier.arrive $0xFFFF  }
0x80: {  	p0 =	sne.s32 s0, $0x0;
	_ =	strace $0x90000053  }
0x81: {  	s0 =	sadd.s32 @!p0 $0x100000, s1;
	[bflag:$0x2] =	sbarrier.arrive $0xFFFF  }
0x82: {  	[sflag:s0] =	ssyncadd.tile.s32 @!p0 $0x1;
	_ =	shalt  }
.Lfunc_end2:
_tile_overlayer_lowered:
.L_overlay_start_2:
0x83: {  	(tag) =	ssettag $0x2  }
0x84: {  	s0 =	rddreg [dreg:$0x0];
	s2 =	stileid.u32  }
0x85: {  	s1 =	rddreg [dreg:$0x1];
	p0 =	sne.s32 s2, $0x0  }
0x86: {  	s3 =	rddreg [dreg:$0x2];
	[bflag:$0x3] =	sbarrier.arrive $0xFFFF;
	s2 =	simm.s32 @!p0 $0x1C01  }
0x87: {  	[timem:s3], [sflag:s2] =	dma.local @!p0 [hbm:s0], s1  }
0x88: {  	s0 =	simm.s32 @!p0 $0x1  }
0x89: {  	_ =	swait.ge @!p0 [sflag:s0], s1  }
0x8a: {  	s1 =	ssub.s32 @!p0 $0x0, s1;
	[sflag:s0] =	ssyncset.done @!p0 $0x0  }
0x8b: {  	[sflag:s0] =	ssyncadd.s32 @!p0 s1  }
0x8c: {  	[bflag:$0x3] =	sbarrier.arrive $0xFFFF  }
0x8d: {  	_ =	shalt  }

// kernel: kernel.33.cloned.1.call-start
scs
__scs_entry_jumppad:
0x0: {  	(pc) =	sbr.rel $0x88, $3  }
0x1: {  	(tag) =	ssettag $0x0;
	lr =	simm.s32 $0x1  }
0x2: {  	[smem:$0x3F7D] =	sst lr;
	_ =	strace $0xD0000000  }
0x3: {  	_ = 	snop  }
0x4: {  	_ = 	snop  }
0x5: {  	_ = 	snop  }
0x6: {  	_ = 	snop  }
0x7: {  	_ = 	snop  }
__scs_overlays_trampoline_lowered:
0x8: {  	[smem:$0x3F8C] =	sst s0  }
0x9: {  	[smem:$0x3F8D] =	sst s1  }
0xa: {  	[smem:$0x3F8E] =	sst s2  }
0xb: {  	[smem:$0x3F8F] =	sst s3  }
0xc: {  	[smem:$0x3F90] =	sst s4  }
0xd: {  	[smem:$0x3F91] =	sst s5  }
0xe: {  	[smem:$0x3F92] =	sst s6  }
0xf: {  	[smem:$0x3F93] =	sst s7  }
0x10: {  	[smem:$0x3F94] =	sst s8  }
0x11: {  	[smem:$0x3F95] =	sst s9;
	s0 =	simm.s32 @!p0 $0x0  }
0x12: {  	s1 =	sld [smem:$0x3F7B];
	s0 =	simm.s32 @p0 $0x1  }
0x13: {  	[smem:$0x3F96] =	sst s0;
	s0 =	simm.s32 @!p1 $0x0  }
0x14: {  	s2 =	sld [smem:$0x3F7A];
	s0 =	simm.s32 @p1 $0x1  }
0x15: {  	[smem:$0x3F97] =	sst s0;
	s0 =	simm.s32 @!p2 $0x0  }
0x16: {  	s3 =	sld [smem:$0x3FDB];
	s0 =	simm.s32 @p2 $0x1  }
0x17: {  	s4 =	simm.s32 $0x1BF5;
	[smem:$0x3F99] =	sst s0  }
0x18: {  	s0 =	sld [smem:$0x3F7C];
	_ =	swait.ge [sflag:s4], $0x0  }
0x19: {  	s7 =	sld [smem:$0x3F7D]  }
0x1a: {  	s8 =	sadd.s32 $0xFFFFE003, lr  }
0x1b: {  	s9 =	sadd.s32 $0xFFFFFEF7, lr;
	s5 =	simm.s32 $0xFFFFFFFF;
	p2 =	slt.u32 s8, $0xFFFFF086  }
0x1c: {  	p1 =	slt.u32 s9, $0xF7A;
	s5 =	simm.s32 @!p2 $0x0  }
0x1d: {  	s5 =	simm.s32 @p1 $0x1;
	p0 =	seq.s32 s7, s2  }
0x1e: {  	s7 =	smul.u32 @!p0 $0xF7A, s2;
	p2 =	seq.s32 @!p0 s5, $0x0  }
0x1f: {  	s9 =	smul.u32 $0xF7A, s1;
	s8 =	simm.s32 @!p0 $0x1BF5;
	p2 =	por !p2, p0  }
0x20: {  	[sflag:s8] =	ssyncset.s32 @!p0 $0xFFFFF086;
	s6 =	sadd.s32 @!p0 s3, s7;
	s7 =	simm.s32 @!p0 $0x108  }
0x21: {  	s3 =	sadd.s32 s3, s9;
	s6 =	sadd.s32 @!p0 $0x88, s6;
	s7 =	simm.s32 @p2 $0x1082  }
0x22: {  	[simem:s7], [sflag:s8] =	dma.local @!p0 [hbm:s6], $0xF7A  }
0x23: {  	s9 =	sor.u32 $0xD0000000, s2;
	s6 =	simm.s32 $0x108;
	_ =	swait.ge @!p0 [sflag:s8], $0x0  }
0x24: {  	s3 =	sadd.s32 $0x88, s3;
	s6 =	simm.s32 @!p1 $0x1082;
	[sflag:s4] =	ssyncset.s32 $0xFFFFF086  }
0x25: {  	[simem:s6], [sflag:s4] =	dma.local [hbm:s3], $0xF7A  }
0x26: {  	[smem:$0x3F7D] =	sst s1;
	(tag) =	ssettag s2;
	_ =	strace s9  }
0x27: {  	s1 =	sld [smem:$0x3F8D]  }
0x28: {  	s2 =	sld [smem:$0x3F8E]  }
0x29: {  	s4 =	sld [smem:$0x3F90]  }
0x2a: {  	p0 =	seq.s32 s5, $0x0;
	s5 =	sld [smem:$0x3F91]  }
0x2b: {  	s6 =	sld [smem:$0x3F92]  }
0x2c: {  	s7 =	sld [smem:$0x3F93]  }
0x2d: {  	s3 =	simm.s32 $0x108;
	s8 =	sld [smem:$0x3F94]  }
0x2e: {  	s3 =	simm.s32 @!p0 $0x1082;
	s9 =	sld [smem:$0x3F95]  }
0x2f: {  	lr =	sadd.s32 s0, s3;
	s0 =	sld [smem:$0x3F8C]  }
0x30: {  	s3 =	sld [smem:$0x3F8F]  }
0x31: {  	[smem:$0x3F98] =	sst s10  }
0x32: {  	s10 =	sld [smem:$0x3F96];
	_ =	sdelay $0x3  }
0x33: {  	p0 =	seq.s32 s10, $0x1;
	s10 =	sld [smem:$0x3F98];
	_ =	sdelay $0x3  }
0x34: {  	[smem:$0x3F98] =	sst s10  }
0x35: {  	s10 =	sld [smem:$0x3F97];
	_ =	sdelay $0x3  }
0x36: {  	p1 =	seq.s32 s10, $0x1;
	s10 =	sld [smem:$0x3F98];
	_ =	sdelay $0x3  }
0x37: {  	[smem:$0x3F98] =	sst s10  }
0x38: {  	s10 =	sld [smem:$0x3F99]  }
0x39: {  	_ = 	snop;
	(pc) =	sbr.ind lr, $3  }
0x3a: {  	_ = 	snop  }
0x3b: {  	_ = 	snop  }
0x3c: {  	p2 =	seq.s32 s10, $0x1;
	s10 =	sld [smem:$0x3F98]  }
0x3d: {  	_ =	shalt  }
0x3e: {  	_ =	shalt  }
0x3f: {  	_ =	shalt  }
0x40: {  	_ =	shalt  }
0x41: {  	_ =	shalt  }
0x42: {  	_ =	shalt  }
0x43: {  	_ =	shalt  }
0x44: {  	_ =	shalt  }
0x45: {  	_ =	shalt  }
0x46: {  	_ =	shalt  }
0x47: {  	_ =	shalt  }
0x48: {  	_ =	shalt  }
0x49: {  	_ =	shalt  }
0x4a: {  	_ =	shalt  }
0x4b: {  	_ =	shalt  }
0x4c: {  	_ =	shalt  }
0x4d: {  	_ =	shalt  }
0x4e: {  	_ =	shalt  }
0x4f: {  	_ =	shalt  }
0x50: {  	_ =	shalt  }
0x51: {  	_ =	shalt  }
0x52: {  	_ =	shalt  }
0x53: {  	_ =	shalt  }
0x54: {  	_ =	shalt  }
0x55: {  	_ =	shalt  }
0x56: {  	_ =	shalt  }
0x57: {  	_ =	shalt  }
0x58: {  	_ =	shalt  }
0x59: {  	_ =	shalt  }
0x5a: {  	_ =	shalt  }
0x5b: {  	_ =	shalt  }
0x5c: {  	_ =	shalt  }
0x5d: {  	_ =	shalt  }
0x5e: {  	_ =	shalt  }
0x5f: {  	_ =	shalt  }
0x60: {  	_ =	shalt  }
0x61: {  	_ =	shalt  }
0x62: {  	_ =	shalt  }
0x63: {  	_ =	shalt  }
0x64: {  	_ =	shalt  }
0x65: {  	_ =	shalt  }
0x66: {  	_ =	shalt  }
0x67: {  	_ =	shalt  }
0x68: {  	_ =	shalt  }
0x69: {  	_ =	shalt  }
0x6a: {  	_ =	shalt  }
0x6b: {  	_ =	shalt  }
0x6c: {  	_ =	shalt  }
0x6d: {  	_ =	shalt  }
0x6e: {  	_ =	shalt  }
0x6f: {  	_ =	shalt  }
0x70: {  	_ =	shalt  }
0x71: {  	_ =	shalt  }
0x72: {  	_ =	shalt  }
0x73: {  	_ =	shalt  }
0x74: {  	_ =	shalt  }
0x75: {  	_ =	shalt  }
0x76: {  	_ =	shalt  }
0x77: {  	_ =	shalt  }
0x78: {  	_ =	shalt  }
0x79: {  	_ =	shalt  }
0x7a: {  	_ =	shalt  }
0x7b: {  	_ =	shalt  }
0x7c: {  	_ =	shalt  }
0x7d: {  	_ =	shalt  }
0x7e: {  	_ =	shalt  }
0x7f: {  	_ =	shalt  }
0x80: {  	_ =	shalt  }
0x81: {  	_ =	shalt  }
0x82: {  	_ =	shalt  }
0x83: {  	_ =	shalt  }
0x84: {  	_ =	shalt  }
0x85: {  	_ =	shalt  }
0x86: {  	_ =	shalt  }
0x87: {  	_ =	shalt  }
.Lfunc_end0:
.L_simem_size_0:
called_computation.5_lowered:
.L_overlay_start_0:
0x88: {  	s2 =	sld [smem:$0x3FD9]  }
0x89: {  	s3 =	sld [smem:$0x3FFE];
	_ =	sdelay $0x1  }
0x8a: {  	s1 =	srdreg.scid  }
0x8b: {  	s0 =	sand.u32 $0x1, s1  }
0x8c: {  	s16 =	sshll.u32 s0, $0xA;
	s2 =	sadd.s32 s3, s2  }
0x8d: {  	s2 =	sadd.s32 s2, s16  }
0x8e: {  	[smem:$0x3FA4] =	sst s2  }
0x8f: {  	_ = 	snop  }
0x90: {  	(tm) =	ssettm $0x1  }
0x91: {  	s17 =	sld [smem:$0x3FFB];
	_ =	sdelay $0x3  }
0x92: {  	_ =	strace s17  }
0x93: {  	s2 =	sld [smem:$0x3FFC];
	_ =	sdelay $0x3  }
0x94: {  	_ =	strace s2  }
0x95: {  	s2 =	sld [smem:$0x3FFD];
	_ =	sdelay $0x3  }
0x96: {  	_ =	strace s2  }
0x97: {  	_ =	strace $0x8FFFFFFF  }
0x98: {  	s18 =	sld [smem:$0x3FDB];
	_ =	sdelay $0x1  }
0x99: {  	s19 =	simm.s32 $_scs_section_size  }
0x9a: {  	s4 =	simm.s32 $_size__tile_overlayer_lowered;
	s5 =	simm.s32 $_tile_overlayer_lowered  }
0x9b: {  	s22 =	simm.s32 $0x1BFF;
	s21 =	sshll.u32 s5, $0x1;
	s2 =	sadd.s32 s19, s18  }
0x9c: {  	s6 =	simm.s32 $0x0;
	s20 =	sshll.u32 s4, $0x1;
	s4 =	sadd.s32 s21, s2  }
0x9d: {  	[timem:s6], [sflag:s22] =	dma.local [hbm:s4], s20  }
0x9e: {  	_ =	swait.ge [sflag:s22], s20  }
0x9f: {  	s3 =	ssub.s32 $0x0, s20;
	[sflag:s22] =	ssyncset.done $0x0  }
0xa0: {  	[sflag:s22] =	ssyncadd.s32 s3;
	_ =	sdelay $0x1  }
0xa1: {  	s23 =	simm.s32 $0x1B8B  }
0xa2: {  	_ =	swait.ge [sflag:s23], $0x1  }
0xa3: {  	[sflag:s23] =	ssyncset.done $0x0  }
0xa4: {  	s25 =	simm.s32 $0x1B8E;
	s24 =	sld [smem:$0x3FFE];
	[sflag:s23] =	ssyncadd.s32 $0xFFFFFFFF  }
0xa5: {  	s26 =	simm.s32 $execute0_lowered;
	[smem:$0x3FD2] =	sst s25  }
0xa6: {  	s4 =	sshll.u32 s26, $0x1;
	_ =	strace $0x80000055;
	[dreg:$0x1] =	wrdreg $0xFFFFFFFF  }
0xa7: {  	s28 =	simm.s32 $_size_execute0_lowered;
	s2 =	sadd.s32 s2, s4;
	[dreg:$0x0] =	wrdreg $0x0  }
0xa8: {  	s4 =	sshll.u32 s28, $0x1;
	[dreg:$0x2] =	wrdreg s2  }
0xa9: {  	[dreg:$0x3] =	wrdreg s4  }
0xaa: {  	[dreg:$0x4] =	wrdreg $0xC0  }
0xab: {  	_ =	task [dreg:s6], $0x5FFFF  }
0xac: {  	[dreg:$0x1] =	wrdreg $0xFFFFFFFF  }
0xad: {  	[dreg:$0x0] =	wrdreg $0x60  }
0xae: {  	[dreg:$0x2] =	wrdreg s24  }
0xaf: {  	[dreg:$0x3] =	wrdreg $0x66000  }
0xb0: {  	[dreg:$0x4] =	wrdreg $0x9  }
0xb1: {  	_ =	task.clear_ibuf [dreg:s6], $0x5FFFF;
	_ =	strace $0x90000055  }
0xb2: {  	s29 =	simm.s32 $0x9;
	_ =	strace $0x80000057  }
0xb3: {  	_ =	swait.ge [sflag:s29], $0x1  }
0xb4: {  	[sflag:s29] =	ssyncadd.s32 $0xFFFFFFFF  }
0xb5: {  	_ =	strace $0x90000057  }
0xb6: {  	_ =	sfence  }
0xb7: {  	s30 =	sld [smem:$0x0];
	_ =	sdelay $0x2  }
0xb8: {  	s31 =	sshll.u32 s1, $0xD;
	s1 =	sshrl.u32 s1, $0x2  }
0xb9: {  	s3 =	sand.u32 $0x4000, s31;
	s1 =	sadd.s32 s1, s30  }
0xba: {  	s0 =	sor.u32 s3, s0;
	s1 =	sshll.u32 s1, $0x11  }
0xbb: {  	s0 =	sor.u32 s1, s0  }
0xbc: {  	s0 =	sadd.s32 $0x8F2B, s0  }
0xbd: {  	[sflag:s0] =	ssyncadd.remote.s32 $0x1  }
0xbe: {  	_ =	sfence.sel $0xFFFF  }
0xbf: {  	[dreg:$0x0] =	wrdreg $0xFFFFFFFF;
	(pc) =	sbr.abs _section_cstart, $3  }
0xc0: {  	[dreg:$0x1] =	wrdreg $0xFFFFFFFF  }
0xc1: {  	_ =	task.clear_ibuf [dreg:s6], $0x2FFFF;
	_ =	strace $0x9FFFFFFF  }
0xc2: {  	(tm) =	ssettm $0x7FFFFFFF  }
0xc3: {  	_ =	shalt  }
tec
execute0_lowered:
.L_overlay_start_1:
0x0: {  	(tag) =	ssettag $0x1  }
0x1: {  	s0 =	stileid.u32  }
0x2: {  	s4 =	smul.u32 $0x2710, s0  }
0x3: {  	s8 =	smul.u32 $0x4E2, s0  }
0x4: {  	s21 =	smul.u32 $0x19000, s0  }
0x5: {  	s1 =	srdreg.scid;
	s17 =	smul.u32 $0xC80, s0  }
0x6: {  	s5 =	rddreg [dreg:$0x0];
	s6 =	sand.u32 $0x1, s1;
	s26 =	smul.u32 $0x6400, s0  }
0x7: {  	s2 =	rddreg [dreg:$0x1];
	s10 =	sor.u32 $0x10, s0;
	s7 =	smul.u32 $0x27100, s6  }
0x8: {  	s3 =	simm.s32 $0x0;
	s11 =	sor.u32 $0x20, s0;
	s9 =	smul.u32 $0x19000, s10  }
0x9: {  	s1 =	rddreg [dreg:$0x2];
	s16 =	sor.u32 $0x30, s0;
	s23 =	smul.u32 $0x19000, s11  }
0xa: {  	[smem:$0x7FF] =	sst s3;
	s13 =	sadd.s32 $0x68200, s5;
	s12 =	smul.u32 $0x19000, s16  }
0xb: {  	_ =	strace $0x80000056;
	s20 =	ssub.s32 $0x2, s6;
	s18 =	smul.u32 $0x6400, s10  }
0xc: {  	p0 =	seq.s32 s6, $0x1;
	s30 =	smul.u32 $0x6400, s16;
	p1 =	sgt.u32 s16, $0x31  }
0xd: {  	s14 =	sadd.s32 s8, s5;
	s22 =	sshrl.u32 s20, $0x1;
	s24 =	sshrl.u32 s21, $0x2  }
0xe: {  	s19 =	sshrl.u32 s26, $0x3;
	s7 =	sadd.s32 s4, s7;
	s4 =	sadd.s32 $0x1A000, s5  }
0xf: {  	s6 =	sadd.s32 s24, s2;
	s25 =	sshrl.u32 s9, $0x2;
	s8 =	sshrl.u32 s23, $0x2  }
0x10: {  	s12 =	sshrl.u32 s12, $0x2;
	s28 =	sshrl.u32 s18, $0x3;
	s23 =	smul.u32 $0xC80, s16  }
0x11: {  	s31 =	sshrl.u32 s30, $0x3;
	s14 =	sadd.s32 $0xB200, s14;
	s16 =	simm.s32 $0x200  }
0x12: {  	s7 =	sshrl.u32 s7, $0x3;
	s8 =	sadd.s32 s8, s2;
	s9 =	sadd.s32 s12, s2  }
0x13: {  	s12 =	sadd.s32 $0x27100, s19;
	s19 =	smul.u32 $0xC80, s10;
	s21 =	sadd.s32 $0x27100, s28  }
0x14: {  	s15 =	sadd.s32 s7, s5;
	s5 =	ssub.s32 s20, s22;
	s20 =	smul.u32 $0x6400, s11  }
0x15: {  	s7 =	sadd.s32 s25, s2;
	s22 =	smul.u32 $0xC80, s11;
	s17 =	smov.u32 @p0 s12  }
0x16: {  	s12 =	sadd.s32 $0x27100, s31;
	s5 =	smax.u32 s5, $0x1;
	s10 =	sadd.s32 s13, s17  }
0x17: {  	s19 =	smov.u32 @p0 s21;
	s23 =	smov.u32 @p0 s12;
	s15 =	sadd.s32 $0x10200, s15  }
0x18: {  	s17 =	simm.s32 $0x2;
	s21 =	simm.s32 $0x3;
	s29 =	sshrl.u32 s20, $0x3  }
0x19: {  	s11 =	sadd.s32 s13, s19;
	s19 =	simm.s32 $0xC8;
	s18 =	sadd.s32 $0x27100, s29  }
0x1a: {  	s20 =	simm.s32 $0x1;
	s22 =	smov.u32 @p0 s18;
	s18 =	simm.s32 $0x100  }
0x1b: {  	v0 =	vimm.f32 $0.0e+00;
	s12 =	sadd.s32 s13, s22;
	s13 =	sadd.s32 s13, s23;
	s22 =	simm.s32 $0x0  }
.LBB2_1:
0x1c: {  	s23 =	sand.u32 $0x1FE00, s3  }
0x1d: {  	s24 =	sand.u32 $0x70, s3;
	s25 =	sshrl.u32 s23, $0x2  }
0x1e: {  	s23 =	simm.s32 $0x40;
	s25 =	sor.u32 s24, s25;
	s24 =	simm.s32 $0x0  }
.LBB2_2:
0x1f: {  	p2 =	sne.s32 s23, $0x18FC0  }
0x20: {  	[tilespmem:s25+$0x200] =	vst v0;
	s24 =	sadd.s32 $0x10, s24;
	s25 =	smov.u32 s23;
	s23 =	sadd.s32 $0x40, s23  }
.Ltmp0:
0x21: {  	(pc) =	sbr.rel @p2 .LBB2_2-.Ltmp0, $4  }
0x22: {  	_ = 	snop  }
0x23: {  	s25 =	sand.u32 $0x1FE00, s25  }
0x24: {  	s26 =	sand.u32 $0x70, s24;
	s25 =	sshrl.u32 s25, $0x2  }
0x25: {  	s25 =	sor.u32 s26, s25  }
0x26: {  	[tilespmem:s25+$0x200] =	vst v0  }
0x27: {  	[spmem:s6] =	stream.linear.scatter [tilespmem:s16], [sflag:$0x2], $0x6400, $0x38;
	[tilespmem:$0x19E80] =	vst v63  }
0x28: {  	_ =	swait.ge [sflag:s17], $0x6400  }
0x29: {  	[sflag:s17] =	ssyncset.done $0x0  }
0x2a: {  	[sflag:s17] =	ssyncadd.s32 $0xFFFF9C00  }
0x2b: {  	[spmem:s7] =	stream.linear.scatter [tilespmem:s16], [sflag:$0x2], $0x6400, $0x38;
	[tilespmem:$0x19E80] =	vst v63  }
0x2c: {  	_ =	swait.ge [sflag:s17], $0x6400  }
0x2d: {  	[sflag:s17] =	ssyncset.done $0x0  }
0x2e: {  	[sflag:s17] =	ssyncadd.s32 $0xFFFF9C00  }
0x2f: {  	[spmem:s8] =	stream.linear.scatter [tilespmem:s16], [sflag:$0x2], $0x6400, $0x38;
	[tilespmem:$0x19E80] =	vst v63  }
0x30: {  	_ =	swait.ge [sflag:s17], $0x6400  }
0x31: {  	[sflag:s17] =	ssyncset.done $0x0  }
0x32: {  	s23 =	simm.s32 @!p1 $0x200;
	[sflag:s17] =	ssyncadd.s32 $0xFFFF9C00  }
0x33: {  	[spmem:s9] =	stream.linear.scatter @!p1 [tilespmem:s23], [sflag:$0x2], $0x6400, $0x38;
	[tilespmem:$0x19E80] =	vst v63  }
0x34: {  	s23 =	simm.s32 @!p1 $0x2  }
0x35: {  	_ =	swait.ge @!p1 [sflag:s23], $0x6400  }
0x36: {  	[sflag:s23] =	ssyncset.done @!p1 $0x0  }
0x37: {  	[sflag:s23] =	ssyncadd.s32 @!p1 $0xFFFF9C00  }
0x38: {  	s30 =	sadd.s32 $0x0, s15;
	[bflag:$0x0] =	sbarrier.arrive $0xFFFF  }
0x39: {  	[tilespmem:s3], [sflag:$0x2] =	stream.linear.gather [hbm4b:s30+s3], $0xC8, $0x38;
	[tilespmem:$0x19E80] =	vst v63  }
0x3a: {  	_ =	swait.ge [sflag:s17], $0xC8  }
0x3b: {  	[sflag:s17] =	ssyncset.done $0x0  }
0x3c: {  	s31 =	sadd.s32 $0x0, s14;
	[sflag:s17] =	ssyncadd.s32 $0xFFFFFF38  }
0x3d: {  	[tilespmem:s18], [sflag:$0x2] =	stream.linear.gather [hbm4b:s31+s3], $0xC8, $0x38;
	[tilespmem:$0x19E80] =	vst v63  }
0x3e: {  	_ =	swait.ge [sflag:s17], $0xC8  }
0x3f: {  	[sflag:s17] =	ssyncset.done $0x0  }
0x40: {  	[sflag:s17] =	ssyncadd.s32 $0xFFFFFF38  }
0x41: {  	[tilespmem:s16], [sflag:$0x1] =	stream.indirect.gather [hbm4b:s4+s19], $0x80, s3, s19, $0xb8;
	[tilespmem:$0x19E80] =	vst v63  }
0x42: {  	_ =	swait.ge [sflag:s20], $0x6400  }
0x43: {  	[sflag:s20] =	ssyncset.done $0x0  }
0x44: {  	[sflag:s20] =	ssyncadd.s32 $0xFFFF9C00  }
0x45: {  	[spmem:s2] =	stream.indirect.scatter.add.f32 [tilespmem:s16], [sflag:$0x2], $0x80, s18, s19, $0xb8;
	[tilespmem:$0x19E80] =	vst v63  }
0x46: {  	_ =	swait.ge [sflag:s17], $0x6400  }
0x47: {  	s24 =	simm.s32 $0x32;
	s23 =	simm.s32 $0x19;
	[sflag:s17] =	ssyncset.done $0x0  }
.LBB2_4:
0x48: {  	s25 =	sadd.s32 s23, s15  }
0x49: {  	[sflag:s17] =	ssyncadd.s32 $0xFFFF9C00;
	s26 =	smov.u32 s24;
	s28 =	sadd.s32 $0x19, s24  }
0x4a: {  	[tilespmem:s3], [sflag:$0x2] =	stream.linear.gather [hbm4b:s25+s3], $0xC8, $0x38;
	[tilespmem:$0x19E80] =	vst v63  }
0x4b: {  	p2 =	sne.s32 s24, $0x4C9;
	_ =	swait.ge [sflag:s17], $0xC8  }
0x4c: {  	[sflag:s17] =	ssyncset.done $0x0  }
0x4d: {  	s24 =	sadd.s32 s23, s14;
	s23 =	smov.u32 s26;
	[sflag:s17] =	ssyncadd.s32 $0xFFFFFF38  }
0x4e: {  	[tilespmem:s18], [sflag:$0x2] =	stream.linear.gather [hbm4b:s24+s3], $0xC8, $0x38;
	[tilespmem:$0x19E80] =	vst v63  }
0x4f: {  	_ =	swait.ge [sflag:s17], $0xC8  }
0x50: {  	[sflag:s17] =	ssyncset.done $0x0  }
0x51: {  	[sflag:s17] =	ssyncadd.s32 $0xFFFFFF38  }
0x52: {  	[tilespmem:s16], [sflag:$0x1] =	stream.indirect.gather [hbm4b:s4+s19], $0x80, s3, s19, $0xb8;
	[tilespmem:$0x19E80] =	vst v63  }
0x53: {  	_ =	swait.ge [sflag:s20], $0x6400  }
.Ltmp1:
0x54: {  	[sflag:s20] =	ssyncset.done $0x0;
	(pc) =	sbr.rel @p2 .LBB2_4-.Ltmp1, $4  }
0x55: {  	[sflag:s20] =	ssyncadd.s32 $0xFFFF9C00  }
0x56: {  	[spmem:s2] =	stream.indirect.scatter.add.f32 [tilespmem:s16], [sflag:$0x2], $0x80, s18, s19, $0xb8;
	[tilespmem:$0x19E80] =	vst v63  }
0x57: {  	_ =	swait.ge [sflag:s17], $0x6400  }
0x58: {  	s24 =	smov.u32 s28;
	[sflag:s17] =	ssyncset.done $0x0  }
0x59: {  	s24 =	sadd.s32 s23, s15;
	[sflag:s17] =	ssyncadd.s32 $0xFFFF9C00  }
0x5a: {  	[tilespmem:s3], [sflag:$0x2] =	stream.linear.gather [hbm4b:s24+s3], $0xC8, $0x38;
	[tilespmem:$0x19E80] =	vst v63  }
0x5b: {  	_ =	swait.ge [sflag:s17], $0xC8  }
0x5c: {  	[sflag:s17] =	ssyncset.done $0x0  }
0x5d: {  	s31 =	sadd.s32 s23, s14;
	[sflag:s17] =	ssyncadd.s32 $0xFFFFFF38  }
0x5e: {  	[tilespmem:s18], [sflag:$0x2] =	stream.linear.gather [hbm4b:s31+s3], $0xC8, $0x38;
	[tilespmem:$0x19E80] =	vst v63  }
0x5f: {  	_ =	swait.ge [sflag:s17], $0xC8  }
0x60: {  	[sflag:s17] =	ssyncset.done $0x0  }
0x61: {  	[sflag:s17] =	ssyncadd.s32 $0xFFFFFF38  }
0x62: {  	[tilespmem:s16], [sflag:$0x1] =	stream.indirect.gather [hbm4b:s4+s19], $0x80, s3, s19, $0xb8;
	[tilespmem:$0x19E80] =	vst v63  }
0x63: {  	_ =	swait.ge [sflag:s20], $0x6400  }
0x64: {  	[sflag:s20] =	ssyncset.done $0x0  }
0x65: {  	[sflag:s20] =	ssyncadd.s32 $0xFFFF9C00  }
0x66: {  	[spmem:s2] =	stream.indirect.scatter.add.f32 [tilespmem:s16], [sflag:$0x2], $0x80, s18, s19, $0xb8;
	[tilespmem:$0x19E80] =	vst v63  }
0x67: {  	_ =	swait.ge [sflag:s17], $0x6400  }
0x68: {  	[sflag:s17] =	ssyncset.done $0x0  }
0x69: {  	[sflag:s17] =	ssyncadd.s32 $0xFFFF9C00  }
0x6a: {  	[bflag:$0x0] =	sbarrier.arrive $0xFFFF  }
0x6b: {  	[tilespmem:s16], [sflag:$0x3] =	stream.linear.gather [spmem:s6], $0x6400, $0x38;
	[tilespmem:$0x19E80] =	vst v63  }
0x6c: {  	_ =	swait.ge [sflag:s21], $0x6400  }
0x6d: {  	s23 =	simm.s32 $0x2;
	[sflag:s21] =	ssyncset.done $0x0  }
0x6e: {  	s23 =	simm.s32 @!p0 $0x3;
	[sflag:s21] =	ssyncadd.s32 $0xFFFF9C00  }
0x6f: {  	[hbm4b:s10+s3] =	stream.linear.scatter [tilespmem:s16], [sflag:s23], $0x6400, $0x38;
	[tilespmem:$0x19E80] =	vst v63  }
0x70: {  	_ =	swait.ge [sflag:s23], $0x6400  }
0x71: {  	[sflag:s23] =	ssyncset.done $0x0  }
0x72: {  	[sflag:s23] =	ssyncadd.s32 $0xFFFF9C00  }
0x73: {  	[tilespmem:s16], [sflag:$0x3] =	stream.linear.gather [spmem:s7], $0x6400, $0x38;
	[tilespmem:$0x19E80] =	vst v63  }
0x74: {  	_ =	swait.ge [sflag:s21], $0x6400  }
0x75: {  	[sflag:s21] =	ssyncset.done $0x0  }
0x76: {  	[sflag:s21] =	ssyncadd.s32 $0xFFFF9C00  }
0x77: {  	[hbm4b:s11+s3] =	stream.linear.scatter [tilespmem:s16], [sflag:s23], $0x6400, $0x38;
	[tilespmem:$0x19E80] =	vst v63  }
0x78: {  	_ =	swait.ge [sflag:s23], $0x6400  }
0x79: {  	[sflag:s23] =	ssyncset.done $0x0  }
0x7a: {  	[sflag:s23] =	ssyncadd.s32 $0xFFFF9C00  }
0x7b: {  	[tilespmem:s16], [sflag:$0x3] =	stream.linear.gather [spmem:s8], $0x6400, $0x38;
	[tilespmem:$0x19E80] =	vst v63  }
0x7c: {  	_ =	swait.ge [sflag:s21], $0x6400  }
0x7d: {  	[sflag:s21] =	ssyncset.done $0x0  }
0x7e: {  	[sflag:s21] =	ssyncadd.s32 $0xFFFF9C00  }
0x7f: {  	[hbm4b:s12+s3] =	stream.linear.scatter [tilespmem:s16], [sflag:s23], $0x6400, $0x38;
	[tilespmem:$0x19E80] =	vst v63  }
0x80: {  	_ =	swait.ge [sflag:s23], $0x6400  }
0x81: {  	[sflag:s23] =	ssyncset.done $0x0  }
0x82: {  	s25 =	simm.s32 @!p1 $0x3;
	s24 =	simm.s32 @!p1 $0x200;
	[sflag:s23] =	ssyncadd.s32 $0xFFFF9C00  }
0x83: {  	[tilespmem:s24], [sflag:$0x3] =	stream.linear.gather @!p1 [spmem:s9], $0x6400, $0x38;
	[tilespmem:$0x19E80] =	vst v63  }
0x84: {  	s22 =	sadd.s32 $0x1, s22;
	_ =	swait.ge @!p1 [sflag:s25], $0x6400  }
0x85: {  	p2 =	sne.s32 s22, s5;
	[sflag:s25] =	ssyncset.done @!p1 $0x0  }
.Ltmp2:
0x86: {  	[sflag:s25] =	ssyncadd.s32 @!p1 $0xFFFF9C00;
	s25 =	simm.s32 @!p1 $0x0;
	(pc) =	sbr.rel @p2 .LBB2_1-.Ltmp2, $4  }
0x87: {  	[hbm4b:s13+s25] =	stream.linear.scatter @!p1 [tilespmem:s24], [sflag:s23], $0x6400, $0x38;
	[tilespmem:$0x19E80] =	vst v63  }
0x88: {  	_ =	swait.ge @!p1 [sflag:s23], $0x6400  }
0x89: {  	[sflag:s23] =	ssyncset.done @!p1 $0x0  }
0x8a: {  	[sflag:s23] =	ssyncadd.s32 @!p1 $0xFFFF9C00  }
0x8b: {  	_ =	sfence.sel $0x180000  }
0x8c: {  	[bflag:$0x0] =	sbarrier.arrive $0xFFFF  }
0x8d: {  	p0 =	sne.s32 s0, $0x0;
	_ =	strace $0x90000056  }
0x8e: {  	s0 =	sadd.s32 @!p0 $0x100000, s1;
	[bflag:$0x2] =	sbarrier.arrive $0xFFFF  }
0x8f: {  	[sflag:s0] =	ssyncadd.tile.s32 @!p0 $0x1;
	_ =	shalt  }
.Lfunc_end2:
_tile_overlayer_lowered:
.L_overlay_start_2:
0x90: {  	(tag) =	ssettag $0x2  }
0x91: {  	s0 =	rddreg [dreg:$0x0];
	s2 =	stileid.u32  }
0x92: {  	s1 =	rddreg [dreg:$0x1];
	p0 =	sne.s32 s2, $0x0  }
0x93: {  	s3 =	rddreg [dreg:$0x2];
	[bflag:$0x3] =	sbarrier.arrive $0xFFFF;
	s2 =	simm.s32 @!p0 $0x1C02  }
0x94: {  	[timem:s3], [sflag:s2] =	dma.local @!p0 [hbm:s0], s1  }
0x95: {  	s0 =	simm.s32 @!p0 $0x2  }
0x96: {  	_ =	swait.ge @!p0 [sflag:s0], s1  }
0x97: {  	s1 =	ssub.s32 @!p0 $0x0, s1;
	[sflag:s0] =	ssyncset.done @!p0 $0x0  }
0x98: {  	[sflag:s0] =	ssyncadd.s32 @!p0 s1  }
0x99: {  	[bflag:$0x3] =	sbarrier.arrive $0xFFFF  }
0x9a: {  	_ =	shalt  }

</sc_bundles>
